<compile_context>
chip_gen: v7x
topology: tpu7x:2x2x1
jax: 0.10.2.dev20260603
libtpu: 0.0.44.dev20260713+nightly
codegen_flags: <defaults>
</compile_context>

<pallas_src>
import functools

import jax
import jax.numpy as jnp
from jax import lax
from jax.experimental import pallas as pl
from jax.experimental.pallas import tpu as pltpu
from jax.experimental.pallas import tpu_sc as plsc

N_NODES = 10000
N_PAD = 10240
D = 128
NC = 2
NS = 16
NW = NC * NS
CHUNK = 128
ROWS_PER_TILE = N_PAD // NS


def _sc_message_passing(nf, src, dst, w, zeros):
    n_chunks = src.shape[1]
    mesh = plsc.VectorSubcoreMesh(core_axis_name="c", subcore_axis_name="s")

    @functools.partial(
        pl.kernel,
        mesh=mesh,
        out_type=jax.ShapeDtypeStruct((NC, N_PAD, D), jnp.float32),
        scratch_types=[
            pltpu.VMEM((n_chunks, CHUNK), jnp.int32),
            pltpu.VMEM((n_chunks, CHUNK), jnp.int32),
            pltpu.VMEM((n_chunks, CHUNK), jnp.float32),
            pltpu.VMEM((CHUNK, D), jnp.float32),
            pltpu.VMEM_SHARED((N_PAD, D), jnp.float32),
            pltpu.SemaphoreType.DMA,
        ],
    )
    def k(nf_hbm, src_hbm, dst_hbm, w_hbm, z_hbm, out_hbm,
          src_v, dst_v, w_v, rows_v, h_sh, sem_g):
        c = lax.axis_index("c")
        s = lax.axis_index("s")
        wid = c * NS + s

        pltpu.sync_copy(z_hbm, h_sh.at[pl.ds(s * ROWS_PER_TILE, ROWS_PER_TILE)])
        pltpu.sync_copy(src_hbm.at[wid], src_v)
        pltpu.sync_copy(dst_hbm.at[wid], dst_v)
        pltpu.sync_copy(w_hbm.at[wid], w_v)
        plsc.subcore_barrier()

        def chunk_body(j, carry):
            pltpu.async_copy(nf_hbm.at[src_v.at[j]], rows_v, sem_g).wait()

            def group_body(g2, carry2):
                for g in (g2, g2 + CHUNK // 32):
                    wg = w_v[j, pl.ds(g * 16, 16)]
                    for r16 in range(16):
                        wv = jnp.full((16,), wg[r16], dtype=jnp.float32)
                        r = g * 16 + r16
                        for u in range(D // 16):
                            sl = pl.ds(u * 16, 16)
                            rows_v[r, sl] = rows_v[r, sl] * wv
                return carry2

            lax.fori_loop(0, CHUNK // 32, group_body, 0)
            pltpu.sync_copy(rows_v, h_sh.at[dst_v.at[j]], add=True)
            return carry

        lax.fori_loop(0, n_chunks, chunk_body, 0)
        plsc.subcore_barrier()
        pltpu.sync_copy(h_sh.at[pl.ds(s * ROWS_PER_TILE, ROWS_PER_TILE)],
                        out_hbm.at[c, pl.ds(s * ROWS_PER_TILE, ROWS_PER_TILE)])

    return k(nf, src, dst, w, zeros)


def _tc_linear(hparts, W, b):
    blk = 1000
    grid = N_NODES // blk

    def body(h_ref, w_ref, b_ref, o_ref):
        h = h_ref[0] + h_ref[1]
        o_ref[...] = lax.dot_general(
            h, w_ref[...], (((1,), (1,)), ((), ())),
            preferred_element_type=jnp.float32) + b_ref[...]

    return pl.pallas_call(
        body,
        grid=(grid,),
        in_specs=[
            pl.BlockSpec((NC, blk, D), lambda i: (0, i, 0)),
            pl.BlockSpec((D, D), lambda i: (0, 0)),
            pl.BlockSpec((1, D), lambda i: (0, 0)),
        ],
        out_specs=pl.BlockSpec((blk, D), lambda i: (i, 0)),
        out_shape=jax.ShapeDtypeStruct((N_NODES, D), jnp.float32),
    )(hparts, W, b.reshape(1, D))


def kernel(node_features, edge_index, edge_weights, W, b):
    e = edge_index.shape[1]
    src = edge_index[0].astype(jnp.int32)
    dst = edge_index[1].astype(jnp.int32)
    w = edge_weights.astype(jnp.float32)
    per_w = -(-e // (NW * CHUNK)) * CHUNK
    pad = NW * per_w - e
    src = jnp.concatenate([src, jnp.zeros((pad,), jnp.int32)])
    dst = jnp.concatenate([dst, jnp.zeros((pad,), jnp.int32)])
    w = jnp.concatenate([w, jnp.zeros((pad,), jnp.float32)])
    src = src.reshape(NW, per_w // CHUNK, CHUNK)
    dst = dst.reshape(NW, per_w // CHUNK, CHUNK)
    w = w.reshape(NW, per_w // CHUNK, CHUNK)
    zeros = jnp.zeros((ROWS_PER_TILE, D), jnp.float32)
    hparts = _sc_message_passing(node_features, src, dst, w, zeros)
    return _tc_linear(hparts, W, b)

# --- scband reference (transcript-rebuilt; emitter-appended) ---
"""Pipeline reference for scband-weighted-graph-conv-40441412059453 (READ-ONLY COPY).

The authoritative reference and input builder live on the scoring server;
editing this copy changes nothing except your own understanding.
"""

import jax, jax.numpy as jnp
import numpy as np

N_NODES = 10000
N_EDGES = 320000
D_IN = 128
D_OUT = 128

def setup_inputs(seed: int = 0) -> dict:
    key = jax.random.key(seed)
    k1, k2, k3, k4, k5 = jax.random.split(key, 5)
    node_features = jax.random.normal(k1, (N_NODES, D_IN), dtype=jnp.float32)
    edge_index = jax.random.randint(k2, (2, N_EDGES), 0, N_NODES, dtype=jnp.int64)
    edge_weights = jax.random.uniform(k3, (N_EDGES,), dtype=jnp.float32)
    # Linear layer params (torch convention: W is [out_features, in_features])
    bound = 1.0 / np.sqrt(D_IN)
    W = jax.random.uniform(k4, (D_OUT, D_IN), dtype=jnp.float32, minval=-bound, maxval=bound)
    b = jax.random.uniform(k5, (D_OUT,), dtype=jnp.float32, minval=-bound, maxval=bound)
    return {"node_features": node_features, "edge_index": edge_index, "edge_weights": edge_weights, "W": W, "b": b}

def reference(node_features, edge_index, edge_weights, W, b):
    # DGL update_all(fn.u_mul_e('n','e','msg'), fn.sum('msg','h')):
    # msg_e = n[src_e] * e_e ; h_v = sum_{e: dst(e)=v} msg_e
    src = edge_index[0]
    dst = edge_index[1]
    # edge_weights.t().unsqueeze(-1) on a 1-D tensor -> [E, 1]
    e = edge_weights[:, None]
    msg = jnp.take(node_features, src, axis=0) * e
    h = jax.ops.segment_sum(msg, dst, num_segments=node_features.shape[0])
    # self.linear(h)
    out = h @ W.T + b
    return out

if __name__ == "__main__":
    import jax
    _d = setup_inputs()
    print(jax.jit(kernel)(*tuple(_d.values())))

</pallas_src>

<mosaic_0001>
#map = affine_map<(d0, d1) -> (0, 0)>
#map1 = affine_map<(d0, d1) -> (0, 0, 0)>
module attributes {stable_mosaic.version = 14 : i64} {
  func.func @k(%arg0: i32, %arg1: i32, %arg2: memref<10000x128xf32, #tpu.memory_space<hbm>>, %arg3: memref<32x79x128xi32, #tpu.memory_space<hbm>>, %arg4: memref<32x79x128xi32, #tpu.memory_space<hbm>>, %arg5: memref<32x79x128xf32, #tpu.memory_space<hbm>>, %arg6: memref<640x128xf32, #tpu.memory_space<hbm>>, %arg7: memref<2x10240x128xf32, #tpu.memory_space<hbm>>, %arg8: memref<79x128xi32, #tpu.memory_space<vmem>>, %arg9: memref<79x128xi32, #tpu.memory_space<vmem>>, %arg10: memref<79x128xf32, #tpu.memory_space<vmem>>, %arg11: memref<128x128xf32, #tpu.memory_space<vmem>>, %arg12: memref<10240x128xf32, #tpu.memory_space<vmem_shared>>, %arg13: memref<!tpu.dma_semaphore, #tpu.memory_space<semaphore_mem>>) attributes {dimension_semantics = [#tpu.dimension_semantics<core_parallel>, #tpu.dimension_semantics<subcore_parallel>], iteration_bounds = array<i64: 2, 16>, scalar_prefetch = 0 : i64, scratch_operands = 6 : i64, tpu.core_type = #tpu.core_type<sc_vector_subcore>, window_params = [{transform_indices = #map}, {transform_indices = #map1}, {transform_indices = #map1}, {transform_indices = #map1}, {transform_indices = #map}, {transform_indices = #map1}]} {
    %mul3A = arith.constant 16 : i32
    %mul3A_0 = arith.muli %arg0, %mul3A : i32
    %add3A = arith.addi %mul3A_0, %arg1 : i32
    %mul3A_1 = arith.constant 640 : i32
    %mul3A_2 = arith.muli %arg1, %mul3A_1 : i32
    "tpu.region"() ({
      %run_scoped3A = tpu.sem_alloc : memref<!tpu.dma_semaphore, #tpu.memory_space<semaphore_mem>>
      %dma_start3A = arith.constant 0 : i32
      %dma_start3A_13 = tpu.memref_slice %arg12[%mul3A_2, %dma_start3A] : memref<10240x128xf32, #tpu.memory_space<vmem_shared>> -> memref<640x128xf32, #tpu.memory_space<vmem_shared>>
      tpu.enqueue_dma source(%arg6 : memref<640x128xf32, #tpu.memory_space<hbm>>) target(%dma_start3A_13 : memref<640x128xf32, #tpu.memory_space<vmem_shared>>) target_semaphore(%run_scoped3A : memref<!tpu.dma_semaphore, #tpu.memory_space<semaphore_mem>>)
      %dma_wait3A = arith.constant 0 : i32
      %dma_wait3A_14 = tpu.memref_slice %arg12[%mul3A_2, %dma_wait3A] : memref<10240x128xf32, #tpu.memory_space<vmem_shared>> -> memref<640x128xf32, #tpu.memory_space<vmem_shared>>
      tpu.wait_dma2 semaphore(%run_scoped3A : memref<!tpu.dma_semaphore, #tpu.memory_space<semaphore_mem>>) src(%arg6 : memref<640x128xf32, #tpu.memory_space<hbm>>) dst(%dma_wait3A_14 : memref<640x128xf32, #tpu.memory_space<vmem_shared>>)
      tpu.yield
    }) : () -> ()
    "tpu.region"() ({
      %run_scoped3A = tpu.sem_alloc : memref<!tpu.dma_semaphore, #tpu.memory_space<semaphore_mem>>
      %dma_start3A = arith.constant 0 : i32
      %dma_start3A_13 = arith.constant 0 : i32
      %dma_start3A_14 = tpu.memref_slice %arg3[%add3A, %dma_start3A, %dma_start3A_13] : memref<32x79x128xi32, #tpu.memory_space<hbm>> -> memref<1x79x128xi32, #tpu.memory_space<hbm>>
      %dma_start3A_15 = tpu.memref_squeeze %dma_start3A_14 : memref<1x79x128xi32, #tpu.memory_space<hbm>> -> memref<79x128xi32, #tpu.memory_space<hbm>>
      %dma_start3A_16 = arith.constant 0 : i32
      %dma_start3A_17 = arith.constant 0 : i32
      %dma_start3A_18 = tpu.memref_slice %arg3[%add3A, %dma_start3A_16, %dma_start3A_17] : memref<32x79x128xi32, #tpu.memory_space<hbm>> -> memref<1x79x128xi32, #tpu.memory_space<hbm>>
      %dma_start3A_19 = tpu.memref_squeeze %dma_start3A_18 : memref<1x79x128xi32, #tpu.memory_space<hbm>> -> memref<79x128xi32, #tpu.memory_space<hbm>>
      tpu.enqueue_dma source(%dma_start3A_19 : memref<79x128xi32, #tpu.memory_space<hbm>>) target(%arg8 : memref<79x128xi32, #tpu.memory_space<vmem>>) target_semaphore(%run_scoped3A : memref<!tpu.dma_semaphore, #tpu.memory_space<semaphore_mem>>)
      %dma_wait3A = arith.constant 0 : i32
      %dma_wait3A_20 = arith.constant 0 : i32
      %dma_wait3A_21 = tpu.memref_slice %arg3[%add3A, %dma_wait3A, %dma_wait3A_20] : memref<32x79x128xi32, #tpu.memory_space<hbm>> -> memref<1x79x128xi32, #tpu.memory_space<hbm>>
      %dma_wait3A_22 = tpu.memref_squeeze %dma_wait3A_21 : memref<1x79x128xi32, #tpu.memory_space<hbm>> -> memref<79x128xi32, #tpu.memory_space<hbm>>
      %dma_wait3A_23 = arith.constant 0 : i32
      %dma_wait3A_24 = arith.constant 0 : i32
      %dma_wait3A_25 = tpu.memref_slice %arg3[%add3A, %dma_wait3A_23, %dma_wait3A_24] : memref<32x79x128xi32, #tpu.memory_space<hbm>> -> memref<1x79x128xi32, #tpu.memory_space<hbm>>
      %dma_wait3A_26 = tpu.memref_squeeze %dma_wait3A_25 : memref<1x79x128xi32, #tpu.memory_space<hbm>> -> memref<79x128xi32, #tpu.memory_space<hbm>>
      tpu.wait_dma2 semaphore(%run_scoped3A : memref<!tpu.dma_semaphore, #tpu.memory_space<semaphore_mem>>) src(%dma_wait3A_26 : memref<79x128xi32, #tpu.memory_space<hbm>>) dst(%arg8 : memref<79x128xi32, #tpu.memory_space<vmem>>)
      tpu.yield
    }) : () -> ()
    "tpu.region"() ({
      %run_scoped3A = tpu.sem_alloc : memref<!tpu.dma_semaphore, #tpu.memory_space<semaphore_mem>>
      %dma_start3A = arith.constant 0 : i32
      %dma_start3A_13 = arith.constant 0 : i32
      %dma_start3A_14 = tpu.memref_slice %arg4[%add3A, %dma_start3A, %dma_start3A_13] : memref<32x79x128xi32, #tpu.memory_space<hbm>> -> memref<1x79x128xi32, #tpu.memory_space<hbm>>
      %dma_start3A_15 = tpu.memref_squeeze %dma_start3A_14 : memref<1x79x128xi32, #tpu.memory_space<hbm>> -> memref<79x128xi32, #tpu.memory_space<hbm>>
      %dma_start3A_16 = arith.constant 0 : i32
      %dma_start3A_17 = arith.constant 0 : i32
      %dma_start3A_18 = tpu.memref_slice %arg4[%add3A, %dma_start3A_16, %dma_start3A_17] : memref<32x79x128xi32, #tpu.memory_space<hbm>> -> memref<1x79x128xi32, #tpu.memory_space<hbm>>
      %dma_start3A_19 = tpu.memref_squeeze %dma_start3A_18 : memref<1x79x128xi32, #tpu.memory_space<hbm>> -> memref<79x128xi32, #tpu.memory_space<hbm>>
      tpu.enqueue_dma source(%dma_start3A_19 : memref<79x128xi32, #tpu.memory_space<hbm>>) target(%arg9 : memref<79x128xi32, #tpu.memory_space<vmem>>) target_semaphore(%run_scoped3A : memref<!tpu.dma_semaphore, #tpu.memory_space<semaphore_mem>>)
      %dma_wait3A = arith.constant 0 : i32
      %dma_wait3A_20 = arith.constant 0 : i32
      %dma_wait3A_21 = tpu.memref_slice %arg4[%add3A, %dma_wait3A, %dma_wait3A_20] : memref<32x79x128xi32, #tpu.memory_space<hbm>> -> memref<1x79x128xi32, #tpu.memory_space<hbm>>
      %dma_wait3A_22 = tpu.memref_squeeze %dma_wait3A_21 : memref<1x79x128xi32, #tpu.memory_space<hbm>> -> memref<79x128xi32, #tpu.memory_space<hbm>>
      %dma_wait3A_23 = arith.constant 0 : i32
      %dma_wait3A_24 = arith.constant 0 : i32
      %dma_wait3A_25 = tpu.memref_slice %arg4[%add3A, %dma_wait3A_23, %dma_wait3A_24] : memref<32x79x128xi32, #tpu.memory_space<hbm>> -> memref<1x79x128xi32, #tpu.memory_space<hbm>>
      %dma_wait3A_26 = tpu.memref_squeeze %dma_wait3A_25 : memref<1x79x128xi32, #tpu.memory_space<hbm>> -> memref<79x128xi32, #tpu.memory_space<hbm>>
      tpu.wait_dma2 semaphore(%run_scoped3A : memref<!tpu.dma_semaphore, #tpu.memory_space<semaphore_mem>>) src(%dma_wait3A_26 : memref<79x128xi32, #tpu.memory_space<hbm>>) dst(%arg9 : memref<79x128xi32, #tpu.memory_space<vmem>>)
      tpu.yield
    }) : () -> ()
    "tpu.region"() ({
      %run_scoped3A = tpu.sem_alloc : memref<!tpu.dma_semaphore, #tpu.memory_space<semaphore_mem>>
      %dma_start3A = arith.constant 0 : i32
      %dma_start3A_13 = arith.constant 0 : i32
      %dma_start3A_14 = tpu.memref_slice %arg5[%add3A, %dma_start3A, %dma_start3A_13] : memref<32x79x128xf32, #tpu.memory_space<hbm>> -> memref<1x79x128xf32, #tpu.memory_space<hbm>>
      %dma_start3A_15 = tpu.memref_squeeze %dma_start3A_14 : memref<1x79x128xf32, #tpu.memory_space<hbm>> -> memref<79x128xf32, #tpu.memory_space<hbm>>
      %dma_start3A_16 = arith.constant 0 : i32
      %dma_start3A_17 = arith.constant 0 : i32
      %dma_start3A_18 = tpu.memref_slice %arg5[%add3A, %dma_start3A_16, %dma_start3A_17] : memref<32x79x128xf32, #tpu.memory_space<hbm>> -> memref<1x79x128xf32, #tpu.memory_space<hbm>>
      %dma_start3A_19 = tpu.memref_squeeze %dma_start3A_18 : memref<1x79x128xf32, #tpu.memory_space<hbm>> -> memref<79x128xf32, #tpu.memory_space<hbm>>
      tpu.enqueue_dma source(%dma_start3A_19 : memref<79x128xf32, #tpu.memory_space<hbm>>) target(%arg10 : memref<79x128xf32, #tpu.memory_space<vmem>>) target_semaphore(%run_scoped3A : memref<!tpu.dma_semaphore, #tpu.memory_space<semaphore_mem>>)
      %dma_wait3A = arith.constant 0 : i32
      %dma_wait3A_20 = arith.constant 0 : i32
      %dma_wait3A_21 = tpu.memref_slice %arg5[%add3A, %dma_wait3A, %dma_wait3A_20] : memref<32x79x128xf32, #tpu.memory_space<hbm>> -> memref<1x79x128xf32, #tpu.memory_space<hbm>>
      %dma_wait3A_22 = tpu.memref_squeeze %dma_wait3A_21 : memref<1x79x128xf32, #tpu.memory_space<hbm>> -> memref<79x128xf32, #tpu.memory_space<hbm>>
      %dma_wait3A_23 = arith.constant 0 : i32
      %dma_wait3A_24 = arith.constant 0 : i32
      %dma_wait3A_25 = tpu.memref_slice %arg5[%add3A, %dma_wait3A_23, %dma_wait3A_24] : memref<32x79x128xf32, #tpu.memory_space<hbm>> -> memref<1x79x128xf32, #tpu.memory_space<hbm>>
      %dma_wait3A_26 = tpu.memref_squeeze %dma_wait3A_25 : memref<1x79x128xf32, #tpu.memory_space<hbm>> -> memref<79x128xf32, #tpu.memory_space<hbm>>
      tpu.wait_dma2 semaphore(%run_scoped3A : memref<!tpu.dma_semaphore, #tpu.memory_space<semaphore_mem>>) src(%dma_wait3A_26 : memref<79x128xf32, #tpu.memory_space<hbm>>) dst(%arg10 : memref<79x128xf32, #tpu.memory_space<vmem>>)
      tpu.yield
    }) : () -> ()
    %barrier3A = arith.constant 0 : index
    tpu.barrier barrier_id(%barrier3A)
    %scan3A = arith.constant 0 : i32
    %scan3A_3 = arith.constant 0 : i32
    %scan3A_4 = arith.constant 79 : i32
    %scan3A_5 = arith.addi %scan3A_3, %scan3A_4 : i32
    %scan3A_6 = arith.constant 1 : i32
    scf.for %scan3A_13 = %scan3A_3 to %scan3A_5 step %scan3A_6  : i32 {
      %dma_start3A = arith.constant 0 : i32
      %dma_start3A_14 = tpu.memref_slice %arg8[%scan3A_13, %dma_start3A] : memref<79x128xi32, #tpu.memory_space<vmem>> -> memref<1x128xi32, #tpu.memory_space<vmem>>
      %dma_start3A_15 = tpu.memref_squeeze %dma_start3A_14 : memref<1x128xi32, #tpu.memory_space<vmem>> -> memref<128xi32, #tpu.memory_space<vmem>>
      %dma_start3A_16 = arith.constant 0 : i32
      %dma_start3A_17 = arith.constant 0 : i32
      %dma_start3A_18 = tpu.memref_slice %arg2[%dma_start3A_16, %dma_start3A_17] : memref<10000x128xf32, #tpu.memory_space<hbm>> -> memref<10000x128xf32, #tpu.memory_space<hbm>>
      tpu.enqueue_indirect_dma source(%dma_start3A_18 : memref<10000x128xf32, #tpu.memory_space<hbm>>) target(%arg11 : memref<128x128xf32, #tpu.memory_space<vmem>>) offsets(%dma_start3A_15 : memref<128xi32, #tpu.memory_space<vmem>>) semaphore(%arg13 : memref<!tpu.dma_semaphore, #tpu.memory_space<semaphore_mem>>)
      %dma_wait3A = arith.constant 0 : i32
      %dma_wait3A_19 = tpu.memref_slice %arg8[%scan3A_13, %dma_wait3A] : memref<79x128xi32, #tpu.memory_space<vmem>> -> memref<1x128xi32, #tpu.memory_space<vmem>>
      %dma_wait3A_20 = tpu.memref_squeeze %dma_wait3A_19 : memref<1x128xi32, #tpu.memory_space<vmem>> -> memref<128xi32, #tpu.memory_space<vmem>>
      %dma_wait3A_21 = arith.constant 0 : i32
      %dma_wait3A_22 = arith.constant 0 : i32
      %dma_wait3A_23 = tpu.memref_slice %arg2[%dma_wait3A_21, %dma_wait3A_22] : memref<10000x128xf32, #tpu.memory_space<hbm>> -> memref<10000x128xf32, #tpu.memory_space<hbm>>
      tpu.wait_indirect_dma semaphore(%arg13 : memref<!tpu.dma_semaphore, #tpu.memory_space<semaphore_mem>>) src(%dma_wait3A_23 : memref<10000x128xf32, #tpu.memory_space<hbm>>) dst(%arg11 : memref<128x128xf32, #tpu.memory_space<vmem>>)
      %scan3A_24 = arith.constant 0 : i32
      %scan3A_25 = arith.constant 0 : i32
      %scan3A_26 = arith.constant 4 : i32
      %scan3A_27 = arith.addi %scan3A_25, %scan3A_26 : i32
      %scan3A_28 = arith.constant 1 : i32
      scf.for %scan3A_30 = %scan3A_25 to %scan3A_27 step %scan3A_28  : i32 {
        %add3A_31 = arith.constant 4 : i32
        %add3A_32 = arith.addi %scan3A_30, %add3A_31 : i32
        %mul3A_33 = arith.constant 16 : i32
        %mul3A_34 = arith.muli %scan3A_30, %mul3A_33 : i32
        %get3A = arith.index_cast %scan3A_13 : i32 to index
        %get3A_35 = arith.index_cast %mul3A_34 : i32 to index
        %get3A_36 = tpu.vector_load %arg10[%get3A, %get3A_35] {strides = array<i32>} : memref<79x128xf32, #tpu.memory_space<vmem>>, vector<1x16xf32>,
        %get3A_37 = vector.shape_cast %get3A_36 : vector<1x16xf32> to vector<16xf32>
        %slice3A = vector.extract_strided_slice %get3A_37 {offsets = [0], sizes = [1], strides = [1]} : vector<16xf32> to vector<1xf32>
        %squeeze3A = vector.extract %slice3A[0] : f32 from vector<1xf32>
        %broadcast_in_dim3A = vector.broadcast %squeeze3A : f32 to vector<16xf32>
        %mul3A_38 = arith.constant 16 : i32
        %mul3A_39 = arith.muli %scan3A_30, %mul3A_38 : i32
        %add3A_40 = arith.constant 0 : i32
        %add3A_41 = arith.addi %mul3A_39, %add3A_40 : i32
        %get3A_42 = arith.index_cast %add3A_41 : i32 to index
        %get3A_43 = arith.constant 0 : index
        %get3A_44 = tpu.vector_load %arg11[%get3A_42, %get3A_43] {strides = array<i32>} : memref<128x128xf32, #tpu.memory_space<vmem>>, vector<1x16xf32>,
        %get3A_45 = vector.shape_cast %get3A_44 : vector<1x16xf32> to vector<16xf32>
        %mul3A_46 = arith.mulf %get3A_45, %broadcast_in_dim3A : vector<16xf32>
        %swap3A = arith.index_cast %add3A_41 : i32 to index
        %swap3A_47 = arith.constant 0 : index
        %swap3A_48 = tpu.vector_load %arg11[%swap3A, %swap3A_47] {strides = array<i32>} : memref<128x128xf32, #tpu.memory_space<vmem>>, vector<1x16xf32>,
        %swap3A_49 = vector.shape_cast %swap3A_48 : vector<1x16xf32> to vector<16xf32>
        %swap3A_50 = vector.shape_cast %mul3A_46 : vector<16xf32> to vector<1x16xf32>
        tpu.vector_store %arg11[%swap3A, %swap3A_47], %swap3A_50 {strides = array<i32>} : memref<128x128xf32, #tpu.memory_space<vmem>>, vector<1x16xf32>,
        %get3A_51 = arith.index_cast %add3A_41 : i32 to index
        %get3A_52 = arith.constant 16 : index
        %get3A_53 = tpu.vector_load %arg11[%get3A_51, %get3A_52] {strides = array<i32>} : memref<128x128xf32, #tpu.memory_space<vmem>>, vector<1x16xf32>,
        %get3A_54 = vector.shape_cast %get3A_53 : vector<1x16xf32> to vector<16xf32>
        %mul3A_55 = arith.mulf %get3A_54, %broadcast_in_dim3A : vector<16xf32>
        %swap3A_56 = arith.index_cast %add3A_41 : i32 to index
        %swap3A_57 = arith.constant 16 : index
        %swap3A_58 = tpu.vector_load %arg11[%swap3A_56, %swap3A_57] {strides = array<i32>} : memref<128x128xf32, #tpu.memory_space<vmem>>, vector<1x16xf32>,
        %swap3A_59 = vector.shape_cast %swap3A_58 : vector<1x16xf32> to vector<16xf32>
        %swap3A_60 = vector.shape_cast %mul3A_55 : vector<16xf32> to vector<1x16xf32>
        tpu.vector_store %arg11[%swap3A_56, %swap3A_57], %swap3A_60 {strides = array<i32>} : memref<128x128xf32, #tpu.memory_space<vmem>>, vector<1x16xf32>,
        %get3A_61 = arith.index_cast %add3A_41 : i32 to index
        %get3A_62 = arith.constant 32 : index
        %get3A_63 = tpu.vector_load %arg11[%get3A_61, %get3A_62] {strides = array<i32>} : memref<128x128xf32, #tpu.memory_space<vmem>>, vector<1x16xf32>,
        %get3A_64 = vector.shape_cast %get3A_63 : vector<1x16xf32> to vector<16xf32>
        %mul3A_65 = arith.mulf %get3A_64, %broadcast_in_dim3A : vector<16xf32>
        %swap3A_66 = arith.index_cast %add3A_41 : i32 to index
        %swap3A_67 = arith.constant 32 : index
        %swap3A_68 = tpu.vector_load %arg11[%swap3A_66, %swap3A_67] {strides = array<i32>} : memref<128x128xf32, #tpu.memory_space<vmem>>, vector<1x16xf32>,
        %swap3A_69 = vector.shape_cast %swap3A_68 : vector<1x16xf32> to vector<16xf32>
        %swap3A_70 = vector.shape_cast %mul3A_65 : vector<16xf32> to vector<1x16xf32>
        tpu.vector_store %arg11[%swap3A_66, %swap3A_67], %swap3A_70 {strides = array<i32>} : memref<128x128xf32, #tpu.memory_space<vmem>>, vector<1x16xf32>,
        %get3A_71 = arith.index_cast %add3A_41 : i32 to index
        %get3A_72 = arith.constant 48 : index
        %get3A_73 = tpu.vector_load %arg11[%get3A_71, %get3A_72] {strides = array<i32>} : memref<128x128xf32, #tpu.memory_space<vmem>>, vector<1x16xf32>,
        %get3A_74 = vector.shape_cast %get3A_73 : vector<1x16xf32> to vector<16xf32>
        %mul3A_75 = arith.mulf %get3A_74, %broadcast_in_dim3A : vector<16xf32>
        %swap3A_76 = arith.index_cast %add3A_41 : i32 to index
        %swap3A_77 = arith.constant 48 : index
        %swap3A_78 = tpu.vector_load %arg11[%swap3A_76, %swap3A_77] {strides = array<i32>} : memref<128x128xf32, #tpu.memory_space<vmem>>, vector<1x16xf32>,
        %swap3A_79 = vector.shape_cast %swap3A_78 : vector<1x16xf32> to vector<16xf32>
        %swap3A_80 = vector.shape_cast %mul3A_75 : vector<16xf32> to vector<1x16xf32>
        tpu.vector_store %arg11[%swap3A_76, %swap3A_77], %swap3A_80 {strides = array<i32>} : memref<128x128xf32, #tpu.memory_space<vmem>>, vector<1x16xf32>,
        %get3A_81 = arith.index_cast %add3A_41 : i32 to index
        %get3A_82 = arith.constant 64 : index
        %get3A_83 = tpu.vector_load %arg11[%get3A_81, %get3A_82] {strides = array<i32>} : memref<128x128xf32, #tpu.memory_space<vmem>>, vector<1x16xf32>,
        %get3A_84 = vector.shape_cast %get3A_83 : vector<1x16xf32> to vector<16xf32>
        %mul3A_85 = arith.mulf %get3A_84, %broadcast_in_dim3A : vector<16xf32>
        %swap3A_86 = arith.index_cast %add3A_41 : i32 to index
        %swap3A_87 = arith.constant 64 : index
        %swap3A_88 = tpu.vector_load %arg11[%swap3A_86, %swap3A_87] {strides = array<i32>} : memref<128x128xf32, #tpu.memory_space<vmem>>, vector<1x16xf32>,
        %swap3A_89 = vector.shape_cast %swap3A_88 : vector<1x16xf32> to vector<16xf32>
        %swap3A_90 = vector.shape_cast %mul3A_85 : vector<16xf32> to vector<1x16xf32>
        tpu.vector_store %arg11[%swap3A_86, %swap3A_87], %swap3A_90 {strides = array<i32>} : memref<128x128xf32, #tpu.memory_space<vmem>>, vector<1x16xf32>,
        %get3A_91 = arith.index_cast %add3A_41 : i32 to index
        %get3A_92 = arith.constant 80 : index
        %get3A_93 = tpu.vector_load %arg11[%get3A_91, %get3A_92] {strides = array<i32>} : memref<128x128xf32, #tpu.memory_space<vmem>>, vector<1x16xf32>,
        %get3A_94 = vector.shape_cast %get3A_93 : vector<1x16xf32> to vector<16xf32>
        %mul3A_95 = arith.mulf %get3A_94, %broadcast_in_dim3A : vector<16xf32>
        %swap3A_96 = arith.index_cast %add3A_41 : i32 to index
        %swap3A_97 = arith.constant 80 : index
        %swap3A_98 = tpu.vector_load %arg11[%swap3A_96, %swap3A_97] {strides = array<i32>} : memref<128x128xf32, #tpu.memory_space<vmem>>, vector<1x16xf32>,
        %swap3A_99 = vector.shape_cast %swap3A_98 : vector<1x16xf32> to vector<16xf32>
        %swap3A_100 = vector.shape_cast %mul3A_95 : vector<16xf32> to vector<1x16xf32>
        tpu.vector_store %arg11[%swap3A_96, %swap3A_97], %swap3A_100 {strides = array<i32>} : memref<128x128xf32, #tpu.memory_space<vmem>>, vector<1x16xf32>,
        %get3A_101 = arith.index_cast %add3A_41 : i32 to index
        %get3A_102 = arith.constant 96 : index
        %get3A_103 = tpu.vector_load %arg11[%get3A_101, %get3A_102] {strides = array<i32>} : memref<128x128xf32, #tpu.memory_space<vmem>>, vector<1x16xf32>,
        %get3A_104 = vector.shape_cast %get3A_103 : vector<1x16xf32> to vector<16xf32>
        %mul3A_105 = arith.mulf %get3A_104, %broadcast_in_dim3A : vector<16xf32>
        %swap3A_106 = arith.index_cast %add3A_41 : i32 to index
        %swap3A_107 = arith.constant 96 : index
        %swap3A_108 = tpu.vector_load %arg11[%swap3A_106, %swap3A_107] {strides = array<i32>} : memref<128x128xf32, #tpu.memory_space<vmem>>, vector<1x16xf32>,
        %swap3A_109 = vector.shape_cast %swap3A_108 : vector<1x16xf32> to vector<16xf32>
        %swap3A_110 = vector.shape_cast %mul3A_105 : vector<16xf32> to vector<1x16xf32>
        tpu.vector_store %arg11[%swap3A_106, %swap3A_107], %swap3A_110 {strides = array<i32>} : memref<128x128xf32, #tpu.memory_space<vmem>>, vector<1x16xf32>,
        %get3A_111 = arith.index_cast %add3A_41 : i32 to index
        %get3A_112 = arith.constant 112 : index
        %get3A_113 = tpu.vector_load %arg11[%get3A_111, %get3A_112] {strides = array<i32>} : memref<128x128xf32, #tpu.memory_space<vmem>>, vector<1x16xf32>,
        %get3A_114 = vector.shape_cast %get3A_113 : vector<1x16xf32> to vector<16xf32>
        %mul3A_115 = arith.mulf %get3A_114, %broadcast_in_dim3A : vector<16xf32>
        %swap3A_116 = arith.index_cast %add3A_41 : i32 to index
        %swap3A_117 = arith.constant 112 : index
        %swap3A_118 = tpu.vector_load %arg11[%swap3A_116, %swap3A_117] {strides = array<i32>} : memref<128x128xf32, #tpu.memory_space<vmem>>, vector<1x16xf32>,
        %swap3A_119 = vector.shape_cast %swap3A_118 : vector<1x16xf32> to vector<16xf32>
        %swap3A_120 = vector.shape_cast %mul3A_115 : vector<16xf32> to vector<1x16xf32>
        tpu.vector_store %arg11[%swap3A_116, %swap3A_117], %swap3A_120 {strides = array<i32>} : memref<128x128xf32, #tpu.memory_space<vmem>>, vector<1x16xf32>,
        %slice3A_121 = vector.extract_strided_slice %get3A_37 {offsets = [1], sizes = [1], strides = [1]} : vector<16xf32> to vector<1xf32>
        %squeeze3A_122 = vector.extract %slice3A_121[0] : f32 from vector<1xf32>
        %broadcast_in_dim3A_123 = vector.broadcast %squeeze3A_122 : f32 to vector<16xf32>
        %mul3A_124 = arith.constant 16 : i32
        %mul3A_125 = arith.muli %scan3A_30, %mul3A_124 : i32
        %add3A_126 = arith.constant 1 : i32
        %add3A_127 = arith.addi %mul3A_125, %add3A_126 : i32
        %get3A_128 = arith.index_cast %add3A_127 : i32 to index
        %get3A_129 = arith.constant 0 : index
        %get3A_130 = tpu.vector_load %arg11[%get3A_128, %get3A_129] {strides = array<i32>} : memref<128x128xf32, #tpu.memory_space<vmem>>, vector<1x16xf32>,
        %get3A_131 = vector.shape_cast %get3A_130 : vector<1x16xf32> to vector<16xf32>
        %mul3A_132 = arith.mulf %get3A_131, %broadcast_in_dim3A_123 : vector<16xf32>
        %swap3A_133 = arith.index_cast %add3A_127 : i32 to index
        %swap3A_134 = arith.constant 0 : index
        %swap3A_135 = tpu.vector_load %arg11[%swap3A_133, %swap3A_134] {strides = array<i32>} : memref<128x128xf32, #tpu.memory_space<vmem>>, vector<1x16xf32>,
        %swap3A_136 = vector.shape_cast %swap3A_135 : vector<1x16xf32> to vector<16xf32>
        %swap3A_137 = vector.shape_cast %mul3A_132 : vector<16xf32> to vector<1x16xf32>
        tpu.vector_store %arg11[%swap3A_133, %swap3A_134], %swap3A_137 {strides = array<i32>} : memref<128x128xf32, #tpu.memory_space<vmem>>, vector<1x16xf32>,
        %get3A_138 = arith.index_cast %add3A_127 : i32 to index
        %get3A_139 = arith.constant 16 : index
        %get3A_140 = tpu.vector_load %arg11[%get3A_138, %get3A_139] {strides = array<i32>} : memref<128x128xf32, #tpu.memory_space<vmem>>, vector<1x16xf32>,
        %get3A_141 = vector.shape_cast %get3A_140 : vector<1x16xf32> to vector<16xf32>
        %mul3A_142 = arith.mulf %get3A_141, %broadcast_in_dim3A_123 : vector<16xf32>
        %swap3A_143 = arith.index_cast %add3A_127 : i32 to index
        %swap3A_144 = arith.constant 16 : index
        %swap3A_145 = tpu.vector_load %arg11[%swap3A_143, %swap3A_144] {strides = array<i32>} : memref<128x128xf32, #tpu.memory_space<vmem>>, vector<1x16xf32>,
        %swap3A_146 = vector.shape_cast %swap3A_145 : vector<1x16xf32> to vector<16xf32>
        %swap3A_147 = vector.shape_cast %mul3A_142 : vector<16xf32> to vector<1x16xf32>
        tpu.vector_store %arg11[%swap3A_143, %swap3A_144], %swap3A_147 {strides = array<i32>} : memref<128x128xf32, #tpu.memory_space<vmem>>, vector<1x16xf32>,
        %get3A_148 = arith.index_cast %add3A_127 : i32 to index
        %get3A_149 = arith.constant 32 : index
        %get3A_150 = tpu.vector_load %arg11[%get3A_148, %get3A_149] {strides = array<i32>} : memref<128x128xf32, #tpu.memory_space<vmem>>, vector<1x16xf32>,
        %get3A_151 = vector.shape_cast %get3A_150 : vector<1x16xf32> to vector<16xf32>
        %mul3A_152 = arith.mulf %get3A_151, %broadcast_in_dim3A_123 : vector<16xf32>
        %swap3A_153 = arith.index_cast %add3A_127 : i32 to index
        %swap3A_154 = arith.constant 32 : index
        %swap3A_155 = tpu.vector_load %arg11[%swap3A_153, %swap3A_154] {strides = array<i32>} : memref<128x128xf32, #tpu.memory_space<vmem>>, vector<1x16xf32>,
        %swap3A_156 = vector.shape_cast %swap3A_155 : vector<1x16xf32> to vector<16xf32>
        %swap3A_157 = vector.shape_cast %mul3A_152 : vector<16xf32> to vector<1x16xf32>
        tpu.vector_store %arg11[%swap3A_153, %swap3A_154], %swap3A_157 {strides = array<i32>} : memref<128x128xf32, #tpu.memory_space<vmem>>, vector<1x16xf32>,
        %get3A_158 = arith.index_cast %add3A_127 : i32 to index
        %get3A_159 = arith.constant 48 : index
        %get3A_160 = tpu.vector_load %arg11[%get3A_158, %get3A_159] {strides = array<i32>} : memref<128x128xf32, #tpu.memory_space<vmem>>, vector<1x16xf32>,
        %get3A_161 = vector.shape_cast %get3A_160 : vector<1x16xf32> to vector<16xf32>
        %mul3A_162 = arith.mulf %get3A_161, %broadcast_in_dim3A_123 : vector<16xf32>
        %swap3A_163 = arith.index_cast %add3A_127 : i32 to index
        %swap3A_164 = arith.constant 48 : index
        %swap3A_165 = tpu.vector_load %arg11[%swap3A_163, %swap3A_164] {strides = array<i32>} : memref<128x128xf32, #tpu.memory_space<vmem>>, vector<1x16xf32>,
        %swap3A_166 = vector.shape_cast %swap3A_165 : vector<1x16xf32> to vector<16xf32>
        %swap3A_167 = vector.shape_cast %mul3A_162 : vector<16xf32> to vector<1x16xf32>
        tpu.vector_store %arg11[%swap3A_163, %swap3A_164], %swap3A_167 {strides = array<i32>} : memref<128x128xf32, #tpu.memory_space<vmem>>, vector<1x16xf32>,
        %get3A_168 = arith.index_cast %add3A_127 : i32 to index
        %get3A_169 = arith.constant 64 : index
        %get3A_170 = tpu.vector_load %arg11[%get3A_168, %get3A_169] {strides = array<i32>} : memref<128x128xf32, #tpu.memory_space<vmem>>, vector<1x16xf32>,
        %get3A_171 = vector.shape_cast %get3A_170 : vector<1x16xf32> to vector<16xf32>
        %mul3A_172 = arith.mulf %get3A_171, %broadcast_in_dim3A_123 : vector<16xf32>
        %swap3A_173 = arith.index_cast %add3A_127 : i32 to index
        %swap3A_174 = arith.constant 64 : index
        %swap3A_175 = tpu.vector_load %arg11[%swap3A_173, %swap3A_174] {strides = array<i32>} : memref<128x128xf32, #tpu.memory_space<vmem>>, vector<1x16xf32>,
        %swap3A_176 = vector.shape_cast %swap3A_175 : vector<1x16xf32> to vector<16xf32>
        %swap3A_177 = vector.shape_cast %mul3A_172 : vector<16xf32> to vector<1x16xf32>
        tpu.vector_store %arg11[%swap3A_173, %swap3A_174], %swap3A_177 {strides = array<i32>} : memref<128x128xf32, #tpu.memory_space<vmem>>, vector<1x16xf32>,
        %get3A_178 = arith.index_cast %add3A_127 : i32 to index
        %get3A_179 = arith.constant 80 : index
        %get3A_180 = tpu.vector_load %arg11[%get3A_178, %get3A_179] {strides = array<i32>} : memref<128x128xf32, #tpu.memory_space<vmem>>, vector<1x16xf32>,
        %get3A_181 = vector.shape_cast %get3A_180 : vector<1x16xf32> to vector<16xf32>
        %mul3A_182 = arith.mulf %get3A_181, %broadcast_in_dim3A_123 : vector<16xf32>
        %swap3A_183 = arith.index_cast %add3A_127 : i32 to index
        %swap3A_184 = arith.constant 80 : index
        %swap3A_185 = tpu.vector_load %arg11[%swap3A_183, %swap3A_184] {strides = array<i32>} : memref<128x128xf32, #tpu.memory_space<vmem>>, vector<1x16xf32>,
        %swap3A_186 = vector.shape_cast %swap3A_185 : vector<1x16xf32> to vector<16xf32>
        %swap3A_187 = vector.shape_cast %mul3A_182 : vector<16xf32> to vector<1x16xf32>
        tpu.vector_store %arg11[%swap3A_183, %swap3A_184], %swap3A_187 {strides = array<i32>} : memref<128x128xf32, #tpu.memory_space<vmem>>, vector<1x16xf32>,
        %get3A_188 = arith.index_cast %add3A_127 : i32 to index
        %get3A_189 = arith.constant 96 : index
        %get3A_190 = tpu.vector_load %arg11[%get3A_188, %get3A_189] {strides = array<i32>} : memref<128x128xf32, #tpu.memory_space<vmem>>, vector<1x16xf32>,
        %get3A_191 = vector.shape_cast %get3A_190 : vector<1x16xf32> to vector<16xf32>
        %mul3A_192 = arith.mulf %get3A_191, %broadcast_in_dim3A_123 : vector<16xf32>
        %swap3A_193 = arith.index_cast %add3A_127 : i32 to index
        %swap3A_194 = arith.constant 96 : index
        %swap3A_195 = tpu.vector_load %arg11[%swap3A_193, %swap3A_194] {strides = array<i32>} : memref<128x128xf32, #tpu.memory_space<vmem>>, vector<1x16xf32>,
        %swap3A_196 = vector.shape_cast %swap3A_195 : vector<1x16xf32> to vector<16xf32>
        %swap3A_197 = vector.shape_cast %mul3A_192 : vector<16xf32> to vector<1x16xf32>
        tpu.vector_store %arg11[%swap3A_193, %swap3A_194], %swap3A_197 {strides = array<i32>} : memref<128x128xf32, #tpu.memory_space<vmem>>, vector<1x16xf32>,
        %get3A_198 = arith.index_cast %add3A_127 : i32 to index
        %get3A_199 = arith.constant 112 : index
        %get3A_200 = tpu.vector_load %arg11[%get3A_198, %get3A_199] {strides = array<i32>} : memref<128x128xf32, #tpu.memory_space<vmem>>, vector<1x16xf32>,
        %get3A_201 = vector.shape_cast %get3A_200 : vector<1x16xf32> to vector<16xf32>
        %mul3A_202 = arith.mulf %get3A_201, %broadcast_in_dim3A_123 : vector<16xf32>
        %swap3A_203 = arith.index_cast %add3A_127 : i32 to index
        %swap3A_204 = arith.constant 112 : index
        %swap3A_205 = tpu.vector_load %arg11[%swap3A_203, %swap3A_204] {strides = array<i32>} : memref<128x128xf32, #tpu.memory_space<vmem>>, vector<1x16xf32>,
        %swap3A_206 = vector.shape_cast %swap3A_205 : vector<1x16xf32> to vector<16xf32>
        %swap3A_207 = vector.shape_cast %mul3A_202 : vector<16xf32> to vector<1x16xf32>
        tpu.vector_store %arg11[%swap3A_203, %swap3A_204], %swap3A_207 {strides = array<i32>} : memref<128x128xf32, #tpu.memory_space<vmem>>, vector<1x16xf32>,
        %slice3A_208 = vector.extract_strided_slice %get3A_37 {offsets = [2], sizes = [1], strides = [1]} : vector<16xf32> to vector<1xf32>
        %squeeze3A_209 = vector.extract %slice3A_208[0] : f32 from vector<1xf32>
        %broadcast_in_dim3A_210 = vector.broadcast %squeeze3A_209 : f32 to vector<16xf32>
        %mul3A_211 = arith.constant 16 : i32
        %mul3A_212 = arith.muli %scan3A_30, %mul3A_211 : i32
        %add3A_213 = arith.constant 2 : i32
        %add3A_214 = arith.addi %mul3A_212, %add3A_213 : i32
        %get3A_215 = arith.index_cast %add3A_214 : i32 to index
        %get3A_216 = arith.constant 0 : index
        %get3A_217 = tpu.vector_load %arg11[%get3A_215, %get3A_216] {strides = array<i32>} : memref<128x128xf32, #tpu.memory_space<vmem>>, vector<1x16xf32>,
        %get3A_218 = vector.shape_cast %get3A_217 : vector<1x16xf32> to vector<16xf32>
        %mul3A_219 = arith.mulf %get3A_218, %broadcast_in_dim3A_210 : vector<16xf32>
        %swap3A_220 = arith.index_cast %add3A_214 : i32 to index
        %swap3A_221 = arith.constant 0 : index
        %swap3A_222 = tpu.vector_load %arg11[%swap3A_220, %swap3A_221] {strides = array<i32>} : memref<128x128xf32, #tpu.memory_space<vmem>>, vector<1x16xf32>,
        %swap3A_223 = vector.shape_cast %swap3A_222 : vector<1x16xf32> to vector<16xf32>
        %swap3A_224 = vector.shape_cast %mul3A_219 : vector<16xf32> to vector<1x16xf32>
        tpu.vector_store %arg11[%swap3A_220, %swap3A_221], %swap3A_224 {strides = array<i32>} : memref<128x128xf32, #tpu.memory_space<vmem>>, vector<1x16xf32>,
        %get3A_225 = arith.index_cast %add3A_214 : i32 to index
        %get3A_226 = arith.constant 16 : index
        %get3A_227 = tpu.vector_load %arg11[%get3A_225, %get3A_226] {strides = array<i32>} : memref<128x128xf32, #tpu.memory_space<vmem>>, vector<1x16xf32>,
        %get3A_228 = vector.shape_cast %get3A_227 : vector<1x16xf32> to vector<16xf32>
        %mul3A_229 = arith.mulf %get3A_228, %broadcast_in_dim3A_210 : vector<16xf32>
        %swap3A_230 = arith.index_cast %add3A_214 : i32 to index
        %swap3A_231 = arith.constant 16 : index
        %swap3A_232 = tpu.vector_load %arg11[%swap3A_230, %swap3A_231] {strides = array<i32>} : memref<128x128xf32, #tpu.memory_space<vmem>>, vector<1x16xf32>,
        %swap3A_233 = vector.shape_cast %swap3A_232 : vector<1x16xf32> to vector<16xf32>
        %swap3A_234 = vector.shape_cast %mul3A_229 : vector<16xf32> to vector<1x16xf32>
        tpu.vector_store %arg11[%swap3A_230, %swap3A_231], %swap3A_234 {strides = array<i32>} : memref<128x128xf32, #tpu.memory_space<vmem>>, vector<1x16xf32>,
        %get3A_235 = arith.index_cast %add3A_214 : i32 to index
        %get3A_236 = arith.constant 32 : index
        %get3A_237 = tpu.vector_load %arg11[%get3A_235, %get3A_236] {strides = array<i32>} : memref<128x128xf32, #tpu.memory_space<vmem>>, vector<1x16xf32>,
        %get3A_238 = vector.shape_cast %get3A_237 : vector<1x16xf32> to vector<16xf32>
        %mul3A_239 = arith.mulf %get3A_238, %broadcast_in_dim3A_210 : vector<16xf32>
        %swap3A_240 = arith.index_cast %add3A_214 : i32 to index
        %swap3A_241 = arith.constant 32 : index
        %swap3A_242 = tpu.vector_load %arg11[%swap3A_240, %swap3A_241] {strides = array<i32>} : memref<128x128xf32, #tpu.memory_space<vmem>>, vector<1x16xf32>,
        %swap3A_243 = vector.shape_cast %swap3A_242 : vector<1x16xf32> to vector<16xf32>
        %swap3A_244 = vector.shape_cast %mul3A_239 : vector<16xf32> to vector<1x16xf32>
        tpu.vector_store %arg11[%swap3A_240, %swap3A_241], %swap3A_244 {strides = array<i32>} : memref<128x128xf32, #tpu.memory_space<vmem>>, vector<1x16xf32>,
        %get3A_245 = arith.index_cast %add3A_214 : i32 to index
        %get3A_246 = arith.constant 48 : index
        %get3A_247 = tpu.vector_load %arg11[%get3A_245, %get3A_246] {strides = array<i32>} : memref<128x128xf32, #tpu.memory_space<vmem>>, vector<1x16xf32>,
        %get3A_248 = vector.shape_cast %get3A_247 : vector<1x16xf32> to vector<16xf32>
        %mul3A_249 = arith.mulf %get3A_248, %broadcast_in_dim3A_210 : vector<16xf32>
        %swap3A_250 = arith.index_cast %add3A_214 : i32 to index
        %swap3A_251 = arith.constant 48 : index
        %swap3A_252 = tpu.vector_load %arg11[%swap3A_250, %swap3A_251] {strides = array<i32>} : memref<128x128xf32, #tpu.memory_space<vmem>>, vector<1x16xf32>,
        %swap3A_253 = vector.shape_cast %swap3A_252 : vector<1x16xf32> to vector<16xf32>
        %swap3A_254 = vector.shape_cast %mul3A_249 : vector<16xf32> to vector<1x16xf32>
        tpu.vector_store %arg11[%swap3A_250, %swap3A_251], %swap3A_254 {strides = array<i32>} : memref<128x128xf32, #tpu.memory_space<vmem>>, vector<1x16xf32>,
        %get3A_255 = arith.index_cast %add3A_214 : i32 to index
        %get3A_256 = arith.constant 64 : index
        %get3A_257 = tpu.vector_load %arg11[%get3A_255, %get3A_256] {strides = array<i32>} : memref<128x128xf32, #tpu.memory_space<vmem>>, vector<1x16xf32>,
        %get3A_258 = vector.shape_cast %get3A_257 : vector<1x16xf32> to vector<16xf32>
        %mul3A_259 = arith.mulf %get3A_258, %broadcast_in_dim3A_210 : vector<16xf32>
        %swap3A_260 = arith.index_cast %add3A_214 : i32 to index
        %swap3A_261 = arith.constant 64 : index
        %swap3A_262 = tpu.vector_load %arg11[%swap3A_260, %swap3A_261] {strides = array<i32>} : memref<128x128xf32, #tpu.memory_space<vmem>>, vector<1x16xf32>,
        %swap3A_263 = vector.shape_cast %swap3A_262 : vector<1x16xf32> to vector<16xf32>
        %swap3A_264 = vector.shape_cast %mul3A_259 : vector<16xf32> to vector<1x16xf32>
        tpu.vector_store %arg11[%swap3A_260, %swap3A_261], %swap3A_264 {strides = array<i32>} : memref<128x128xf32, #tpu.memory_space<vmem>>, vector<1x16xf32>,
        %get3A_265 = arith.index_cast %add3A_214 : i32 to index
        %get3A_266 = arith.constant 80 : index
        %get3A_267 = tpu.vector_load %arg11[%get3A_265, %get3A_266] {strides = array<i32>} : memref<128x128xf32, #tpu.memory_space<vmem>>, vector<1x16xf32>,
        %get3A_268 = vector.shape_cast %get3A_267 : vector<1x16xf32> to vector<16xf32>
        %mul3A_269 = arith.mulf %get3A_268, %broadcast_in_dim3A_210 : vector<16xf32>
        %swap3A_270 = arith.index_cast %add3A_214 : i32 to index
        %swap3A_271 = arith.constant 80 : index
        %swap3A_272 = tpu.vector_load %arg11[%swap3A_270, %swap3A_271] {strides = array<i32>} : memref<128x128xf32, #tpu.memory_space<vmem>>, vector<1x16xf32>,
        %swap3A_273 = vector.shape_cast %swap3A_272 : vector<1x16xf32> to vector<16xf32>
        %swap3A_274 = vector.shape_cast %mul3A_269 : vector<16xf32> to vector<1x16xf32>
        tpu.vector_store %arg11[%swap3A_270, %swap3A_271], %swap3A_274 {strides = array<i32>} : memref<128x128xf32, #tpu.memory_space<vmem>>, vector<1x16xf32>,
        %get3A_275 = arith.index_cast %add3A_214 : i32 to index
        %get3A_276 = arith.constant 96 : index
        %get3A_277 = tpu.vector_load %arg11[%get3A_275, %get3A_276] {strides = array<i32>} : memref<128x128xf32, #tpu.memory_space<vmem>>, vector<1x16xf32>,
        %get3A_278 = vector.shape_cast %get3A_277 : vector<1x16xf32> to vector<16xf32>
        %mul3A_279 = arith.mulf %get3A_278, %broadcast_in_dim3A_210 : vector<16xf32>
        %swap3A_280 = arith.index_cast %add3A_214 : i32 to index
        %swap3A_281 = arith.constant 96 : index
        %swap3A_282 = tpu.vector_load %arg11[%swap3A_280, %swap3A_281] {strides = array<i32>} : memref<128x128xf32, #tpu.memory_space<vmem>>, vector<1x16xf32>,
        %swap3A_283 = vector.shape_cast %swap3A_282 : vector<1x16xf32> to vector<16xf32>
        %swap3A_284 = vector.shape_cast %mul3A_279 : vector<16xf32> to vector<1x16xf32>
        tpu.vector_store %arg11[%swap3A_280, %swap3A_281], %swap3A_284 {strides = array<i32>} : memref<128x128xf32, #tpu.memory_space<vmem>>, vector<1x16xf32>,
        %get3A_285 = arith.index_cast %add3A_214 : i32 to index
        %get3A_286 = arith.constant 112 : index
        %get3A_287 = tpu.vector_load %arg11[%get3A_285, %get3A_286] {strides = array<i32>} : memref<128x128xf32, #tpu.memory_space<vmem>>, vector<1x16xf32>,
        %get3A_288 = vector.shape_cast %get3A_287 : vector<1x16xf32> to vector<16xf32>
        %mul3A_289 = arith.mulf %get3A_288, %broadcast_in_dim3A_210 : vector<16xf32>
        %swap3A_290 = arith.index_cast %add3A_214 : i32 to index
        %swap3A_291 = arith.constant 112 : index
        %swap3A_292 = tpu.vector_load %arg11[%swap3A_290, %swap3A_291] {strides = array<i32>} : memref<128x128xf32, #tpu.memory_space<vmem>>, vector<1x16xf32>,
        %swap3A_293 = vector.shape_cast %swap3A_292 : vector<1x16xf32> to vector<16xf32>
        %swap3A_294 = vector.shape_cast %mul3A_289 : vector<16xf32> to vector<1x16xf32>
        tpu.vector_store %arg11[%swap3A_290, %swap3A_291], %swap3A_294 {strides = array<i32>} : memref<128x128xf32, #tpu.memory_space<vmem>>, vector<1x16xf32>,
        %slice3A_295 = vector.extract_strided_slice %get3A_37 {offsets = [3], sizes = [1], strides = [1]} : vector<16xf32> to vector<1xf32>
        %squeeze3A_296 = vector.extract %slice3A_295[0] : f32 from vector<1xf32>
        %broadcast_in_dim3A_297 = vector.broadcast %squeeze3A_296 : f32 to vector<16xf32>
        %mul3A_298 = arith.constant 16 : i32
        %mul3A_299 = arith.muli %scan3A_30, %mul3A_298 : i32
        %add3A_300 = arith.constant 3 : i32
        %add3A_301 = arith.addi %mul3A_299, %add3A_300 : i32
        %get3A_302 = arith.index_cast %add3A_301 : i32 to index
        %get3A_303 = arith.constant 0 : index
        %get3A_304 = tpu.vector_load %arg11[%get3A_302, %get3A_303] {strides = array<i32>} : memref<128x128xf32, #tpu.memory_space<vmem>>, vector<1x16xf32>,
        %get3A_305 = vector.shape_cast %get3A_304 : vector<1x16xf32> to vector<16xf32>
        %mul3A_306 = arith.mulf %get3A_305, %broadcast_in_dim3A_297 : vector<16xf32>
        %swap3A_307 = arith.index_cast %add3A_301 : i32 to index
        %swap3A_308 = arith.constant 0 : index
        %swap3A_309 = tpu.vector_load %arg11[%swap3A_307, %swap3A_308] {strides = array<i32>} : memref<128x128xf32, #tpu.memory_space<vmem>>, vector<1x16xf32>,
        %swap3A_310 = vector.shape_cast %swap3A_309 : vector<1x16xf32> to vector<16xf32>
        %swap3A_311 = vector.shape_cast %mul3A_306 : vector<16xf32> to vector<1x16xf32>
        tpu.vector_store %arg11[%swap3A_307, %swap3A_308], %swap3A_311 {strides = array<i32>} : memref<128x128xf32, #tpu.memory_space<vmem>>, vector<1x16xf32>,
        %get3A_312 = arith.index_cast %add3A_301 : i32 to index
        %get3A_313 = arith.constant 16 : index
        %get3A_314 = tpu.vector_load %arg11[%get3A_312, %get3A_313] {strides = array<i32>} : memref<128x128xf32, #tpu.memory_space<vmem>>, vector<1x16xf32>,
        %get3A_315 = vector.shape_cast %get3A_314 : vector<1x16xf32> to vector<16xf32>
        %mul3A_316 = arith.mulf %get3A_315, %broadcast_in_dim3A_297 : vector<16xf32>
        %swap3A_317 = arith.index_cast %add3A_301 : i32 to index
        %swap3A_318 = arith.constant 16 : index
        %swap3A_319 = tpu.vector_load %arg11[%swap3A_317, %swap3A_318] {strides = array<i32>} : memref<128x128xf32, #tpu.memory_space<vmem>>, vector<1x16xf32>,
        %swap3A_320 = vector.shape_cast %swap3A_319 : vector<1x16xf32> to vector<16xf32>
        %swap3A_321 = vector.shape_cast %mul3A_316 : vector<16xf32> to vector<1x16xf32>
        tpu.vector_store %arg11[%swap3A_317, %swap3A_318], %swap3A_321 {strides = array<i32>} : memref<128x128xf32, #tpu.memory_space<vmem>>, vector<1x16xf32>,
        %get3A_322 = arith.index_cast %add3A_301 : i32 to index
        %get3A_323 = arith.constant 32 : index
        %get3A_324 = tpu.vector_load %arg11[%get3A_322, %get3A_323] {strides = array<i32>} : memref<128x128xf32, #tpu.memory_space<vmem>>, vector<1x16xf32>,
        %get3A_325 = vector.shape_cast %get3A_324 : vector<1x16xf32> to vector<16xf32>
        %mul3A_326 = arith.mulf %get3A_325, %broadcast_in_dim3A_297 : vector<16xf32>
        %swap3A_327 = arith.index_cast %add3A_301 : i32 to index
        %swap3A_328 = arith.constant 32 : index
        %swap3A_329 = tpu.vector_load %arg11[%swap3A_327, %swap3A_328] {strides = array<i32>} : memref<128x128xf32, #tpu.memory_space<vmem>>, vector<1x16xf32>,
        %swap3A_330 = vector.shape_cast %swap3A_329 : vector<1x16xf32> to vector<16xf32>
        %swap3A_331 = vector.shape_cast %mul3A_326 : vector<16xf32> to vector<1x16xf32>
        tpu.vector_store %arg11[%swap3A_327, %swap3A_328], %swap3A_331 {strides = array<i32>} : memref<128x128xf32, #tpu.memory_space<vmem>>, vector<1x16xf32>,
        %get3A_332 = arith.index_cast %add3A_301 : i32 to index
        %get3A_333 = arith.constant 48 : index
        %get3A_334 = tpu.vector_load %arg11[%get3A_332, %get3A_333] {strides = array<i32>} : memref<128x128xf32, #tpu.memory_space<vmem>>, vector<1x16xf32>,
        %get3A_335 = vector.shape_cast %get3A_334 : vector<1x16xf32> to vector<16xf32>
        %mul3A_336 = arith.mulf %get3A_335, %broadcast_in_dim3A_297 : vector<16xf32>
        %swap3A_337 = arith.index_cast %add3A_301 : i32 to index
        %swap3A_338 = arith.constant 48 : index
        %swap3A_339 = tpu.vector_load %arg11[%swap3A_337, %swap3A_338] {strides = array<i32>} : memref<128x128xf32, #tpu.memory_space<vmem>>, vector<1x16xf32>,
        %swap3A_340 = vector.shape_cast %swap3A_339 : vector<1x16xf32> to vector<16xf32>
        %swap3A_341 = vector.shape_cast %mul3A_336 : vector<16xf32> to vector<1x16xf32>
        tpu.vector_store %arg11[%swap3A_337, %swap3A_338], %swap3A_341 {strides = array<i32>} : memref<128x128xf32, #tpu.memory_space<vmem>>, vector<1x16xf32>,
        %get3A_342 = arith.index_cast %add3A_301 : i32 to index
        %get3A_343 = arith.constant 64 : index
        %get3A_344 = tpu.vector_load %arg11[%get3A_342, %get3A_343] {strides = array<i32>} : memref<128x128xf32, #tpu.memory_space<vmem>>, vector<1x16xf32>,
        %get3A_345 = vector.shape_cast %get3A_344 : vector<1x16xf32> to vector<16xf32>
        %mul3A_346 = arith.mulf %get3A_345, %broadcast_in_dim3A_297 : vector<16xf32>
        %swap3A_347 = arith.index_cast %add3A_301 : i32 to index
        %swap3A_348 = arith.constant 64 : index
        %swap3A_349 = tpu.vector_load %arg11[%swap3A_347, %swap3A_348] {strides = array<i32>} : memref<128x128xf32, #tpu.memory_space<vmem>>, vector<1x16xf32>,
        %swap3A_350 = vector.shape_cast %swap3A_349 : vector<1x16xf32> to vector<16xf32>
        %swap3A_351 = vector.shape_cast %mul3A_346 : vector<16xf32> to vector<1x16xf32>
        tpu.vector_store %arg11[%swap3A_347, %swap3A_348], %swap3A_351 {strides = array<i32>} : memref<128x128xf32, #tpu.memory_space<vmem>>, vector<1x16xf32>,
        %get3A_352 = arith.index_cast %add3A_301 : i32 to index
        %get3A_353 = arith.constant 80 : index
        %get3A_354 = tpu.vector_load %arg11[%get3A_352, %get3A_353] {strides = array<i32>} : memref<128x128xf32, #tpu.memory_space<vmem>>, vector<1x16xf32>,
        %get3A_355 = vector.shape_cast %get3A_354 : vector<1x16xf32> to vector<16xf32>
        %mul3A_356 = arith.mulf %get3A_355, %broadcast_in_dim3A_297 : vector<16xf32>
        %swap3A_357 = arith.index_cast %add3A_301 : i32 to index
        %swap3A_358 = arith.constant 80 : index
        %swap3A_359 = tpu.vector_load %arg11[%swap3A_357, %swap3A_358] {strides = array<i32>} : memref<128x128xf32, #tpu.memory_space<vmem>>, vector<1x16xf32>,
        %swap3A_360 = vector.shape_cast %swap3A_359 : vector<1x16xf32> to vector<16xf32>
        %swap3A_361 = vector.shape_cast %mul3A_356 : vector<16xf32> to vector<1x16xf32>
        tpu.vector_store %arg11[%swap3A_357, %swap3A_358], %swap3A_361 {strides = array<i32>} : memref<128x128xf32, #tpu.memory_space<vmem>>, vector<1x16xf32>,
        %get3A_362 = arith.index_cast %add3A_301 : i32 to index
        %get3A_363 = arith.constant 96 : index
        %get3A_364 = tpu.vector_load %arg11[%get3A_362, %get3A_363] {strides = array<i32>} : memref<128x128xf32, #tpu.memory_space<vmem>>, vector<1x16xf32>,
        %get3A_365 = vector.shape_cast %get3A_364 : vector<1x16xf32> to vector<16xf32>
        %mul3A_366 = arith.mulf %get3A_365, %broadcast_in_dim3A_297 : vector<16xf32>
        %swap3A_367 = arith.index_cast %add3A_301 : i32 to index
        %swap3A_368 = arith.constant 96 : index
        %swap3A_369 = tpu.vector_load %arg11[%swap3A_367, %swap3A_368] {strides = array<i32>} : memref<128x128xf32, #tpu.memory_space<vmem>>, vector<1x16xf32>,
        %swap3A_370 = vector.shape_cast %swap3A_369 : vector<1x16xf32> to vector<16xf32>
        %swap3A_371 = vector.shape_cast %mul3A_366 : vector<16xf32> to vector<1x16xf32>
        tpu.vector_store %arg11[%swap3A_367, %swap3A_368], %swap3A_371 {strides = array<i32>} : memref<128x128xf32, #tpu.memory_space<vmem>>, vector<1x16xf32>,
        %get3A_372 = arith.index_cast %add3A_301 : i32 to index
        %get3A_373 = arith.constant 112 : index
        %get3A_374 = tpu.vector_load %arg11[%get3A_372, %get3A_373] {strides = array<i32>} : memref<128x128xf32, #tpu.memory_space<vmem>>, vector<1x16xf32>,
        %get3A_375 = vector.shape_cast %get3A_374 : vector<1x16xf32> to vector<16xf32>
        %mul3A_376 = arith.mulf %get3A_375, %broadcast_in_dim3A_297 : vector<16xf32>
        %swap3A_377 = arith.index_cast %add3A_301 : i32 to index
        %swap3A_378 = arith.constant 112 : index
        %swap3A_379 = tpu.vector_load %arg11[%swap3A_377, %swap3A_378] {strides = array<i32>} : memref<128x128xf32, #tpu.memory_space<vmem>>, vector<1x16xf32>,
        %swap3A_380 = vector.shape_cast %swap3A_379 : vector<1x16xf32> to vector<16xf32>
        %swap3A_381 = vector.shape_cast %mul3A_376 : vector<16xf32> to vector<1x16xf32>
        tpu.vector_store %arg11[%swap3A_377, %swap3A_378], %swap3A_381 {strides = array<i32>} : memref<128x128xf32, #tpu.memory_space<vmem>>, vector<1x16xf32>,
        %slice3A_382 = vector.extract_strided_slice %get3A_37 {offsets = [4], sizes = [1], strides = [1]} : vector<16xf32> to vector<1xf32>
        %squeeze3A_383 = vector.extract %slice3A_382[0] : f32 from vector<1xf32>
        %broadcast_in_dim3A_384 = vector.broadcast %squeeze3A_383 : f32 to vector<16xf32>
        %mul3A_385 = arith.constant 16 : i32
        %mul3A_386 = arith.muli %scan3A_30, %mul3A_385 : i32
        %add3A_387 = arith.constant 4 : i32
        %add3A_388 = arith.addi %mul3A_386, %add3A_387 : i32
        %get3A_389 = arith.index_cast %add3A_388 : i32 to index
        %get3A_390 = arith.constant 0 : index
        %get3A_391 = tpu.vector_load %arg11[%get3A_389, %get3A_390] {strides = array<i32>} : memref<128x128xf32, #tpu.memory_space<vmem>>, vector<1x16xf32>,
        %get3A_392 = vector.shape_cast %get3A_391 : vector<1x16xf32> to vector<16xf32>
        %mul3A_393 = arith.mulf %get3A_392, %broadcast_in_dim3A_384 : vector<16xf32>
        %swap3A_394 = arith.index_cast %add3A_388 : i32 to index
        %swap3A_395 = arith.constant 0 : index
        %swap3A_396 = tpu.vector_load %arg11[%swap3A_394, %swap3A_395] {strides = array<i32>} : memref<128x128xf32, #tpu.memory_space<vmem>>, vector<1x16xf32>,
        %swap3A_397 = vector.shape_cast %swap3A_396 : vector<1x16xf32> to vector<16xf32>
        %swap3A_398 = vector.shape_cast %mul3A_393 : vector<16xf32> to vector<1x16xf32>
        tpu.vector_store %arg11[%swap3A_394, %swap3A_395], %swap3A_398 {strides = array<i32>} : memref<128x128xf32, #tpu.memory_space<vmem>>, vector<1x16xf32>,
        %get3A_399 = arith.index_cast %add3A_388 : i32 to index
        %get3A_400 = arith.constant 16 : index
        %get3A_401 = tpu.vector_load %arg11[%get3A_399, %get3A_400] {strides = array<i32>} : memref<128x128xf32, #tpu.memory_space<vmem>>, vector<1x16xf32>,
        %get3A_402 = vector.shape_cast %get3A_401 : vector<1x16xf32> to vector<16xf32>
        %mul3A_403 = arith.mulf %get3A_402, %broadcast_in_dim3A_384 : vector<16xf32>
        %swap3A_404 = arith.index_cast %add3A_388 : i32 to index
        %swap3A_405 = arith.constant 16 : index
        %swap3A_406 = tpu.vector_load %arg11[%swap3A_404, %swap3A_405] {strides = array<i32>} : memref<128x128xf32, #tpu.memory_space<vmem>>, vector<1x16xf32>,
        %swap3A_407 = vector.shape_cast %swap3A_406 : vector<1x16xf32> to vector<16xf32>
        %swap3A_408 = vector.shape_cast %mul3A_403 : vector<16xf32> to vector<1x16xf32>
        tpu.vector_store %arg11[%swap3A_404, %swap3A_405], %swap3A_408 {strides = array<i32>} : memref<128x128xf32, #tpu.memory_space<vmem>>, vector<1x16xf32>,
        %get3A_409 = arith.index_cast %add3A_388 : i32 to index
        %get3A_410 = arith.constant 32 : index
        %get3A_411 = tpu.vector_load %arg11[%get3A_409, %get3A_410] {strides = array<i32>} : memref<128x128xf32, #tpu.memory_space<vmem>>, vector<1x16xf32>,
        %get3A_412 = vector.shape_cast %get3A_411 : vector<1x16xf32> to vector<16xf32>
        %mul3A_413 = arith.mulf %get3A_412, %broadcast_in_dim3A_384 : vector<16xf32>
        %swap3A_414 = arith.index_cast %add3A_388 : i32 to index
        %swap3A_415 = arith.constant 32 : index
        %swap3A_416 = tpu.vector_load %arg11[%swap3A_414, %swap3A_415] {strides = array<i32>} : memref<128x128xf32, #tpu.memory_space<vmem>>, vector<1x16xf32>,
        %swap3A_417 = vector.shape_cast %swap3A_416 : vector<1x16xf32> to vector<16xf32>
        %swap3A_418 = vector.shape_cast %mul3A_413 : vector<16xf32> to vector<1x16xf32>
        tpu.vector_store %arg11[%swap3A_414, %swap3A_415], %swap3A_418 {strides = array<i32>} : memref<128x128xf32, #tpu.memory_space<vmem>>, vector<1x16xf32>,
        %get3A_419 = arith.index_cast %add3A_388 : i32 to index
        %get3A_420 = arith.constant 48 : index
        %get3A_421 = tpu.vector_load %arg11[%get3A_419, %get3A_420] {strides = array<i32>} : memref<128x128xf32, #tpu.memory_space<vmem>>, vector<1x16xf32>,
        %get3A_422 = vector.shape_cast %get3A_421 : vector<1x16xf32> to vector<16xf32>
        %mul3A_423 = arith.mulf %get3A_422, %broadcast_in_dim3A_384 : vector<16xf32>
        %swap3A_424 = arith.index_cast %add3A_388 : i32 to index
        %swap3A_425 = arith.constant 48 : index
        %swap3A_426 = tpu.vector_load %arg11[%swap3A_424, %swap3A_425] {strides = array<i32>} : memref<128x128xf32, #tpu.memory_space<vmem>>, vector<1x16xf32>,
        %swap3A_427 = vector.shape_cast %swap3A_426 : vector<1x16xf32> to vector<16xf32>
        %swap3A_428 = vector.shape_cast %mul3A_423 : vector<16xf32> to vector<1x16xf32>
        tpu.vector_store %arg11[%swap3A_424, %swap3A_425], %swap3A_428 {strides = array<i32>} : memref<128x128xf32, #tpu.memory_space<vmem>>, vector<1x16xf32>,
        %get3A_429 = arith.index_cast %add3A_388 : i32 to index
        %get3A_430 = arith.constant 64 : index
        %get3A_431 = tpu.vector_load %arg11[%get3A_429, %get3A_430] {strides = array<i32>} : memref<128x128xf32, #tpu.memory_space<vmem>>, vector<1x16xf32>,
        %get3A_432 = vector.shape_cast %get3A_431 : vector<1x16xf32> to vector<16xf32>
        %mul3A_433 = arith.mulf %get3A_432, %broadcast_in_dim3A_384 : vector<16xf32>
        %swap3A_434 = arith.index_cast %add3A_388 : i32 to index
        %swap3A_435 = arith.constant 64 : index
        %swap3A_436 = tpu.vector_load %arg11[%swap3A_434, %swap3A_435] {strides = array<i32>} : memref<128x128xf32, #tpu.memory_space<vmem>>, vector<1x16xf32>,
        %swap3A_437 = vector.shape_cast %swap3A_436 : vector<1x16xf32> to vector<16xf32>
        %swap3A_438 = vector.shape_cast %mul3A_433 : vector<16xf32> to vector<1x16xf32>
        tpu.vector_store %arg11[%swap3A_434, %swap3A_435], %swap3A_438 {strides = array<i32>} : memref<128x128xf32, #tpu.memory_space<vmem>>, vector<1x16xf32>,
        %get3A_439 = arith.index_cast %add3A_388 : i32 to index
        %get3A_440 = arith.constant 80 : index
        %get3A_441 = tpu.vector_load %arg11[%get3A_439, %get3A_440] {strides = array<i32>} : memref<128x128xf32, #tpu.memory_space<vmem>>, vector<1x16xf32>,
        %get3A_442 = vector.shape_cast %get3A_441 : vector<1x16xf32> to vector<16xf32>
        %mul3A_443 = arith.mulf %get3A_442, %broadcast_in_dim3A_384 : vector<16xf32>
        %swap3A_444 = arith.index_cast %add3A_388 : i32 to index
        %swap3A_445 = arith.constant 80 : index
        %swap3A_446 = tpu.vector_load %arg11[%swap3A_444, %swap3A_445] {strides = array<i32>} : memref<128x128xf32, #tpu.memory_space<vmem>>, vector<1x16xf32>,
        %swap3A_447 = vector.shape_cast %swap3A_446 : vector<1x16xf32> to vector<16xf32>
        %swap3A_448 = vector.shape_cast %mul3A_443 : vector<16xf32> to vector<1x16xf32>
        tpu.vector_store %arg11[%swap3A_444, %swap3A_445], %swap3A_448 {strides = array<i32>} : memref<128x128xf32, #tpu.memory_space<vmem>>, vector<1x16xf32>,
        %get3A_449 = arith.index_cast %add3A_388 : i32 to index
        %get3A_450 = arith.constant 96 : index
        %get3A_451 = tpu.vector_load %arg11[%get3A_449, %get3A_450] {strides = array<i32>} : memref<128x128xf32, #tpu.memory_space<vmem>>, vector<1x16xf32>,
        %get3A_452 = vector.shape_cast %get3A_451 : vector<1x16xf32> to vector<16xf32>
        %mul3A_453 = arith.mulf %get3A_452, %broadcast_in_dim3A_384 : vector<16xf32>
        %swap3A_454 = arith.index_cast %add3A_388 : i32 to index
        %swap3A_455 = arith.constant 96 : index
        %swap3A_456 = tpu.vector_load %arg11[%swap3A_454, %swap3A_455] {strides = array<i32>} : memref<128x128xf32, #tpu.memory_space<vmem>>, vector<1x16xf32>,
        %swap3A_457 = vector.shape_cast %swap3A_456 : vector<1x16xf32> to vector<16xf32>
        %swap3A_458 = vector.shape_cast %mul3A_453 : vector<16xf32> to vector<1x16xf32>
        tpu.vector_store %arg11[%swap3A_454, %swap3A_455], %swap3A_458 {strides = array<i32>} : memref<128x128xf32, #tpu.memory_space<vmem>>, vector<1x16xf32>,
        %get3A_459 = arith.index_cast %add3A_388 : i32 to index
        %get3A_460 = arith.constant 112 : index
        %get3A_461 = tpu.vector_load %arg11[%get3A_459, %get3A_460] {strides = array<i32>} : memref<128x128xf32, #tpu.memory_space<vmem>>, vector<1x16xf32>,
        %get3A_462 = vector.shape_cast %get3A_461 : vector<1x16xf32> to vector<16xf32>
        %mul3A_463 = arith.mulf %get3A_462, %broadcast_in_dim3A_384 : vector<16xf32>
        %swap3A_464 = arith.index_cast %add3A_388 : i32 to index
        %swap3A_465 = arith.constant 112 : index
        %swap3A_466 = tpu.vector_load %arg11[%swap3A_464, %swap3A_465] {strides = array<i32>} : memref<128x128xf32, #tpu.memory_space<vmem>>, vector<1x16xf32>,
        %swap3A_467 = vector.shape_cast %swap3A_466 : vector<1x16xf32> to vector<16xf32>
        %swap3A_468 = vector.shape_cast %mul3A_463 : vector<16xf32> to vector<1x16xf32>
        tpu.vector_store %arg11[%swap3A_464, %swap3A_465], %swap3A_468 {strides = array<i32>} : memref<128x128xf32, #tpu.memory_space<vmem>>, vector<1x16xf32>,
        %slice3A_469 = vector.extract_strided_slice %get3A_37 {offsets = [5], sizes = [1], strides = [1]} : vector<16xf32> to vector<1xf32>
        %squeeze3A_470 = vector.extract %slice3A_469[0] : f32 from vector<1xf32>
        %broadcast_in_dim3A_471 = vector.broadcast %squeeze3A_470 : f32 to vector<16xf32>
        %mul3A_472 = arith.constant 16 : i32
        %mul3A_473 = arith.muli %scan3A_30, %mul3A_472 : i32
        %add3A_474 = arith.constant 5 : i32
        %add3A_475 = arith.addi %mul3A_473, %add3A_474 : i32
        %get3A_476 = arith.index_cast %add3A_475 : i32 to index
        %get3A_477 = arith.constant 0 : index
        %get3A_478 = tpu.vector_load %arg11[%get3A_476, %get3A_477] {strides = array<i32>} : memref<128x128xf32, #tpu.memory_space<vmem>>, vector<1x16xf32>,
        %get3A_479 = vector.shape_cast %get3A_478 : vector<1x16xf32> to vector<16xf32>
        %mul3A_480 = arith.mulf %get3A_479, %broadcast_in_dim3A_471 : vector<16xf32>
        %swap3A_481 = arith.index_cast %add3A_475 : i32 to index
        %swap3A_482 = arith.constant 0 : index
        %swap3A_483 = tpu.vector_load %arg11[%swap3A_481, %swap3A_482] {strides = array<i32>} : memref<128x128xf32, #tpu.memory_space<vmem>>, vector<1x16xf32>,
        %swap3A_484 = vector.shape_cast %swap3A_483 : vector<1x16xf32> to vector<16xf32>
        %swap3A_485 = vector.shape_cast %mul3A_480 : vector<16xf32> to vector<1x16xf32>
        tpu.vector_store %arg11[%swap3A_481, %swap3A_482], %swap3A_485 {strides = array<i32>} : memref<128x128xf32, #tpu.memory_space<vmem>>, vector<1x16xf32>,
        %get3A_486 = arith.index_cast %add3A_475 : i32 to index
        %get3A_487 = arith.constant 16 : index
        %get3A_488 = tpu.vector_load %arg11[%get3A_486, %get3A_487] {strides = array<i32>} : memref<128x128xf32, #tpu.memory_space<vmem>>, vector<1x16xf32>,
        %get3A_489 = vector.shape_cast %get3A_488 : vector<1x16xf32> to vector<16xf32>
        %mul3A_490 = arith.mulf %get3A_489, %broadcast_in_dim3A_471 : vector<16xf32>
        %swap3A_491 = arith.index_cast %add3A_475 : i32 to index
        %swap3A_492 = arith.constant 16 : index
        %swap3A_493 = tpu.vector_load %arg11[%swap3A_491, %swap3A_492] {strides = array<i32>} : memref<128x128xf32, #tpu.memory_space<vmem>>, vector<1x16xf32>,
        %swap3A_494 = vector.shape_cast %swap3A_493 : vector<1x16xf32> to vector<16xf32>
        %swap3A_495 = vector.shape_cast %mul3A_490 : vector<16xf32> to vector<1x16xf32>
        tpu.vector_store %arg11[%swap3A_491, %swap3A_492], %swap3A_495 {strides = array<i32>} : memref<128x128xf32, #tpu.memory_space<vmem>>, vector<1x16xf32>,
        %get3A_496 = arith.index_cast %add3A_475 : i32 to index
        %get3A_497 = arith.constant 32 : index
        %get3A_498 = tpu.vector_load %arg11[%get3A_496, %get3A_497] {strides = array<i32>} : memref<128x128xf32, #tpu.memory_space<vmem>>, vector<1x16xf32>,
        %get3A_499 = vector.shape_cast %get3A_498 : vector<1x16xf32> to vector<16xf32>
        %mul3A_500 = arith.mulf %get3A_499, %broadcast_in_dim3A_471 : vector<16xf32>
        %swap3A_501 = arith.index_cast %add3A_475 : i32 to index
        %swap3A_502 = arith.constant 32 : index
        %swap3A_503 = tpu.vector_load %arg11[%swap3A_501, %swap3A_502] {strides = array<i32>} : memref<128x128xf32, #tpu.memory_space<vmem>>, vector<1x16xf32>,
        %swap3A_504 = vector.shape_cast %swap3A_503 : vector<1x16xf32> to vector<16xf32>
        %swap3A_505 = vector.shape_cast %mul3A_500 : vector<16xf32> to vector<1x16xf32>
        tpu.vector_store %arg11[%swap3A_501, %swap3A_502], %swap3A_505 {strides = array<i32>} : memref<128x128xf32, #tpu.memory_space<vmem>>, vector<1x16xf32>,
        %get3A_506 = arith.index_cast %add3A_475 : i32 to index
        %get3A_507 = arith.constant 48 : index
        %get3A_508 = tpu.vector_load %arg11[%get3A_506, %get3A_507] {strides = array<i32>} : memref<128x128xf32, #tpu.memory_space<vmem>>, vector<1x16xf32>,
        %get3A_509 = vector.shape_cast %get3A_508 : vector<1x16xf32> to vector<16xf32>
        %mul3A_510 = arith.mulf %get3A_509, %broadcast_in_dim3A_471 : vector<16xf32>
        %swap3A_511 = arith.index_cast %add3A_475 : i32 to index
        %swap3A_512 = arith.constant 48 : index
        %swap3A_513 = tpu.vector_load %arg11[%swap3A_511, %swap3A_512] {strides = array<i32>} : memref<128x128xf32, #tpu.memory_space<vmem>>, vector<1x16xf32>,
        %swap3A_514 = vector.shape_cast %swap3A_513 : vector<1x16xf32> to vector<16xf32>
        %swap3A_515 = vector.shape_cast %mul3A_510 : vector<16xf32> to vector<1x16xf32>
        tpu.vector_store %arg11[%swap3A_511, %swap3A_512], %swap3A_515 {strides = array<i32>} : memref<128x128xf32, #tpu.memory_space<vmem>>, vector<1x16xf32>,
        %get3A_516 = arith.index_cast %add3A_475 : i32 to index
        %get3A_517 = arith.constant 64 : index
        %get3A_518 = tpu.vector_load %arg11[%get3A_516, %get3A_517] {strides = array<i32>} : memref<128x128xf32, #tpu.memory_space<vmem>>, vector<1x16xf32>,
        %get3A_519 = vector.shape_cast %get3A_518 : vector<1x16xf32> to vector<16xf32>
        %mul3A_520 = arith.mulf %get3A_519, %broadcast_in_dim3A_471 : vector<16xf32>
        %swap3A_521 = arith.index_cast %add3A_475 : i32 to index
        %swap3A_522 = arith.constant 64 : index
        %swap3A_523 = tpu.vector_load %arg11[%swap3A_521, %swap3A_522] {strides = array<i32>} : memref<128x128xf32, #tpu.memory_space<vmem>>, vector<1x16xf32>,
        %swap3A_524 = vector.shape_cast %swap3A_523 : vector<1x16xf32> to vector<16xf32>
        %swap3A_525 = vector.shape_cast %mul3A_520 : vector<16xf32> to vector<1x16xf32>
        tpu.vector_store %arg11[%swap3A_521, %swap3A_522], %swap3A_525 {strides = array<i32>} : memref<128x128xf32, #tpu.memory_space<vmem>>, vector<1x16xf32>,
        %get3A_526 = arith.index_cast %add3A_475 : i32 to index
        %get3A_527 = arith.constant 80 : index
        %get3A_528 = tpu.vector_load %arg11[%get3A_526, %get3A_527] {strides = array<i32>} : memref<128x128xf32, #tpu.memory_space<vmem>>, vector<1x16xf32>,
        %get3A_529 = vector.shape_cast %get3A_528 : vector<1x16xf32> to vector<16xf32>
        %mul3A_530 = arith.mulf %get3A_529, %broadcast_in_dim3A_471 : vector<16xf32>
        %swap3A_531 = arith.index_cast %add3A_475 : i32 to index
        %swap3A_532 = arith.constant 80 : index
        %swap3A_533 = tpu.vector_load %arg11[%swap3A_531, %swap3A_532] {strides = array<i32>} : memref<128x128xf32, #tpu.memory_space<vmem>>, vector<1x16xf32>,
        %swap3A_534 = vector.shape_cast %swap3A_533 : vector<1x16xf32> to vector<16xf32>
        %swap3A_535 = vector.shape_cast %mul3A_530 : vector<16xf32> to vector<1x16xf32>
        tpu.vector_store %arg11[%swap3A_531, %swap3A_532], %swap3A_535 {strides = array<i32>} : memref<128x128xf32, #tpu.memory_space<vmem>>, vector<1x16xf32>,
        %get3A_536 = arith.index_cast %add3A_475 : i32 to index
        %get3A_537 = arith.constant 96 : index
        %get3A_538 = tpu.vector_load %arg11[%get3A_536, %get3A_537] {strides = array<i32>} : memref<128x128xf32, #tpu.memory_space<vmem>>, vector<1x16xf32>,
        %get3A_539 = vector.shape_cast %get3A_538 : vector<1x16xf32> to vector<16xf32>
        %mul3A_540 = arith.mulf %get3A_539, %broadcast_in_dim3A_471 : vector<16xf32>
        %swap3A_541 = arith.index_cast %add3A_475 : i32 to index
        %swap3A_542 = arith.constant 96 : index
        %swap3A_543 = tpu.vector_load %arg11[%swap3A_541, %swap3A_542] {strides = array<i32>} : memref<128x128xf32, #tpu.memory_space<vmem>>, vector<1x16xf32>,
        %swap3A_544 = vector.shape_cast %swap3A_543 : vector<1x16xf32> to vector<16xf32>
        %swap3A_545 = vector.shape_cast %mul3A_540 : vector<16xf32> to vector<1x16xf32>
        tpu.vector_store %arg11[%swap3A_541, %swap3A_542], %swap3A_545 {strides = array<i32>} : memref<128x128xf32, #tpu.memory_space<vmem>>, vector<1x16xf32>,
        %get3A_546 = arith.index_cast %add3A_475 : i32 to index
        %get3A_547 = arith.constant 112 : index
        %get3A_548 = tpu.vector_load %arg11[%get3A_546, %get3A_547] {strides = array<i32>} : memref<128x128xf32, #tpu.memory_space<vmem>>, vector<1x16xf32>,
        %get3A_549 = vector.shape_cast %get3A_548 : vector<1x16xf32> to vector<16xf32>
        %mul3A_550 = arith.mulf %get3A_549, %broadcast_in_dim3A_471 : vector<16xf32>
        %swap3A_551 = arith.index_cast %add3A_475 : i32 to index
        %swap3A_552 = arith.constant 112 : index
        %swap3A_553 = tpu.vector_load %arg11[%swap3A_551, %swap3A_552] {strides = array<i32>} : memref<128x128xf32, #tpu.memory_space<vmem>>, vector<1x16xf32>,
        %swap3A_554 = vector.shape_cast %swap3A_553 : vector<1x16xf32> to vector<16xf32>
        %swap3A_555 = vector.shape_cast %mul3A_550 : vector<16xf32> to vector<1x16xf32>
        tpu.vector_store %arg11[%swap3A_551, %swap3A_552], %swap3A_555 {strides = array<i32>} : memref<128x128xf32, #tpu.memory_space<vmem>>, vector<1x16xf32>,
        %slice3A_556 = vector.extract_strided_slice %get3A_37 {offsets = [6], sizes = [1], strides = [1]} : vector<16xf32> to vector<1xf32>
        %squeeze3A_557 = vector.extract %slice3A_556[0] : f32 from vector<1xf32>
        %broadcast_in_dim3A_558 = vector.broadcast %squeeze3A_557 : f32 to vector<16xf32>
        %mul3A_559 = arith.constant 16 : i32
        %mul3A_560 = arith.muli %scan3A_30, %mul3A_559 : i32
        %add3A_561 = arith.constant 6 : i32
        %add3A_562 = arith.addi %mul3A_560, %add3A_561 : i32
        %get3A_563 = arith.index_cast %add3A_562 : i32 to index
        %get3A_564 = arith.constant 0 : index
        %get3A_565 = tpu.vector_load %arg11[%get3A_563, %get3A_564] {strides = array<i32>} : memref<128x128xf32, #tpu.memory_space<vmem>>, vector<1x16xf32>,
        %get3A_566 = vector.shape_cast %get3A_565 : vector<1x16xf32> to vector<16xf32>
        %mul3A_567 = arith.mulf %get3A_566, %broadcast_in_dim3A_558 : vector<16xf32>
        %swap3A_568 = arith.index_cast %add3A_562 : i32 to index
        %swap3A_569 = arith.constant 0 : index
        %swap3A_570 = tpu.vector_load %arg11[%swap3A_568, %swap3A_569] {strides = array<i32>} : memref<128x128xf32, #tpu.memory_space<vmem>>, vector<1x16xf32>,
        %swap3A_571 = vector.shape_cast %swap3A_570 : vector<1x16xf32> to vector<16xf32>
        %swap3A_572 = vector.shape_cast %mul3A_567 : vector<16xf32> to vector<1x16xf32>
        tpu.vector_store %arg11[%swap3A_568, %swap3A_569], %swap3A_572 {strides = array<i32>} : memref<128x128xf32, #tpu.memory_space<vmem>>, vector<1x16xf32>,
        %get3A_573 = arith.index_cast %add3A_562 : i32 to index
        %get3A_574 = arith.constant 16 : index
        %get3A_575 = tpu.vector_load %arg11[%get3A_573, %get3A_574] {strides = array<i32>} : memref<128x128xf32, #tpu.memory_space<vmem>>, vector<1x16xf32>,
        %get3A_576 = vector.shape_cast %get3A_575 : vector<1x16xf32> to vector<16xf32>
        %mul3A_577 = arith.mulf %get3A_576, %broadcast_in_dim3A_558 : vector<16xf32>
        %swap3A_578 = arith.index_cast %add3A_562 : i32 to index
        %swap3A_579 = arith.constant 16 : index
        %swap3A_580 = tpu.vector_load %arg11[%swap3A_578, %swap3A_579] {strides = array<i32>} : memref<128x128xf32, #tpu.memory_space<vmem>>, vector<1x16xf32>,
        %swap3A_581 = vector.shape_cast %swap3A_580 : vector<1x16xf32> to vector<16xf32>
        %swap3A_582 = vector.shape_cast %mul3A_577 : vector<16xf32> to vector<1x16xf32>
        tpu.vector_store %arg11[%swap3A_578, %swap3A_579], %swap3A_582 {strides = array<i32>} : memref<128x128xf32, #tpu.memory_space<vmem>>, vector<1x16xf32>,
        %get3A_583 = arith.index_cast %add3A_562 : i32 to index
        %get3A_584 = arith.constant 32 : index
        %get3A_585 = tpu.vector_load %arg11[%get3A_583, %get3A_584] {strides = array<i32>} : memref<128x128xf32, #tpu.memory_space<vmem>>, vector<1x16xf32>,
        %get3A_586 = vector.shape_cast %get3A_585 : vector<1x16xf32> to vector<16xf32>
        %mul3A_587 = arith.mulf %get3A_586, %broadcast_in_dim3A_558 : vector<16xf32>
        %swap3A_588 = arith.index_cast %add3A_562 : i32 to index
        %swap3A_589 = arith.constant 32 : index
        %swap3A_590 = tpu.vector_load %arg11[%swap3A_588, %swap3A_589] {strides = array<i32>} : memref<128x128xf32, #tpu.memory_space<vmem>>, vector<1x16xf32>,
        %swap3A_591 = vector.shape_cast %swap3A_590 : vector<1x16xf32> to vector<16xf32>
        %swap3A_592 = vector.shape_cast %mul3A_587 : vector<16xf32> to vector<1x16xf32>
        tpu.vector_store %arg11[%swap3A_588, %swap3A_589], %swap3A_592 {strides = array<i32>} : memref<128x128xf32, #tpu.memory_space<vmem>>, vector<1x16xf32>,
        %get3A_593 = arith.index_cast %add3A_562 : i32 to index
        %get3A_594 = arith.constant 48 : index
        %get3A_595 = tpu.vector_load %arg11[%get3A_593, %get3A_594] {strides = array<i32>} : memref<128x128xf32, #tpu.memory_space<vmem>>, vector<1x16xf32>,
        %get3A_596 = vector.shape_cast %get3A_595 : vector<1x16xf32> to vector<16xf32>
        %mul3A_597 = arith.mulf %get3A_596, %broadcast_in_dim3A_558 : vector<16xf32>
        %swap3A_598 = arith.index_cast %add3A_562 : i32 to index
        %swap3A_599 = arith.constant 48 : index
        %swap3A_600 = tpu.vector_load %arg11[%swap3A_598, %swap3A_599] {strides = array<i32>} : memref<128x128xf32, #tpu.memory_space<vmem>>, vector<1x16xf32>,
        %swap3A_601 = vector.shape_cast %swap3A_600 : vector<1x16xf32> to vector<16xf32>
        %swap3A_602 = vector.shape_cast %mul3A_597 : vector<16xf32> to vector<1x16xf32>
        tpu.vector_store %arg11[%swap3A_598, %swap3A_599], %swap3A_602 {strides = array<i32>} : memref<128x128xf32, #tpu.memory_space<vmem>>, vector<1x16xf32>,
        %get3A_603 = arith.index_cast %add3A_562 : i32 to index
        %get3A_604 = arith.constant 64 : index
        %get3A_605 = tpu.vector_load %arg11[%get3A_603, %get3A_604] {strides = array<i32>} : memref<128x128xf32, #tpu.memory_space<vmem>>, vector<1x16xf32>,
        %get3A_606 = vector.shape_cast %get3A_605 : vector<1x16xf32> to vector<16xf32>
        %mul3A_607 = arith.mulf %get3A_606, %broadcast_in_dim3A_558 : vector<16xf32>
        %swap3A_608 = arith.index_cast %add3A_562 : i32 to index
        %swap3A_609 = arith.constant 64 : index
        %swap3A_610 = tpu.vector_load %arg11[%swap3A_608, %swap3A_609] {strides = array<i32>} : memref<128x128xf32, #tpu.memory_space<vmem>>, vector<1x16xf32>,
        %swap3A_611 = vector.shape_cast %swap3A_610 : vector<1x16xf32> to vector<16xf32>
        %swap3A_612 = vector.shape_cast %mul3A_607 : vector<16xf32> to vector<1x16xf32>
        tpu.vector_store %arg11[%swap3A_608, %swap3A_609], %swap3A_612 {strides = array<i32>} : memref<128x128xf32, #tpu.memory_space<vmem>>, vector<1x16xf32>,
        %get3A_613 = arith.index_cast %add3A_562 : i32 to index
        %get3A_614 = arith.constant 80 : index
        %get3A_615 = tpu.vector_load %arg11[%get3A_613, %get3A_614] {strides = array<i32>} : memref<128x128xf32, #tpu.memory_space<vmem>>, vector<1x16xf32>,
        %get3A_616 = vector.shape_cast %get3A_615 : vector<1x16xf32> to vector<16xf32>
        %mul3A_617 = arith.mulf %get3A_616, %broadcast_in_dim3A_558 : vector<16xf32>
        %swap3A_618 = arith.index_cast %add3A_562 : i32 to index
        %swap3A_619 = arith.constant 80 : index
        %swap3A_620 = tpu.vector_load %arg11[%swap3A_618, %swap3A_619] {strides = array<i32>} : memref<128x128xf32, #tpu.memory_space<vmem>>, vector<1x16xf32>,
        %swap3A_621 = vector.shape_cast %swap3A_620 : vector<1x16xf32> to vector<16xf32>
        %swap3A_622 = vector.shape_cast %mul3A_617 : vector<16xf32> to vector<1x16xf32>
        tpu.vector_store %arg11[%swap3A_618, %swap3A_619], %swap3A_622 {strides = array<i32>} : memref<128x128xf32, #tpu.memory_space<vmem>>, vector<1x16xf32>,
        %get3A_623 = arith.index_cast %add3A_562 : i32 to index
        %get3A_624 = arith.constant 96 : index
        %get3A_625 = tpu.vector_load %arg11[%get3A_623, %get3A_624] {strides = array<i32>} : memref<128x128xf32, #tpu.memory_space<vmem>>, vector<1x16xf32>,
        %get3A_626 = vector.shape_cast %get3A_625 : vector<1x16xf32> to vector<16xf32>
        %mul3A_627 = arith.mulf %get3A_626, %broadcast_in_dim3A_558 : vector<16xf32>
        %swap3A_628 = arith.index_cast %add3A_562 : i32 to index
        %swap3A_629 = arith.constant 96 : index
        %swap3A_630 = tpu.vector_load %arg11[%swap3A_628, %swap3A_629] {strides = array<i32>} : memref<128x128xf32, #tpu.memory_space<vmem>>, vector<1x16xf32>,
        %swap3A_631 = vector.shape_cast %swap3A_630 : vector<1x16xf32> to vector<16xf32>
        %swap3A_632 = vector.shape_cast %mul3A_627 : vector<16xf32> to vector<1x16xf32>
        tpu.vector_store %arg11[%swap3A_628, %swap3A_629], %swap3A_632 {strides = array<i32>} : memref<128x128xf32, #tpu.memory_space<vmem>>, vector<1x16xf32>,
        %get3A_633 = arith.index_cast %add3A_562 : i32 to index
        %get3A_634 = arith.constant 112 : index
        %get3A_635 = tpu.vector_load %arg11[%get3A_633, %get3A_634] {strides = array<i32>} : memref<128x128xf32, #tpu.memory_space<vmem>>, vector<1x16xf32>,
        %get3A_636 = vector.shape_cast %get3A_635 : vector<1x16xf32> to vector<16xf32>
        %mul3A_637 = arith.mulf %get3A_636, %broadcast_in_dim3A_558 : vector<16xf32>
        %swap3A_638 = arith.index_cast %add3A_562 : i32 to index
        %swap3A_639 = arith.constant 112 : index
        %swap3A_640 = tpu.vector_load %arg11[%swap3A_638, %swap3A_639] {strides = array<i32>} : memref<128x128xf32, #tpu.memory_space<vmem>>, vector<1x16xf32>,
        %swap3A_641 = vector.shape_cast %swap3A_640 : vector<1x16xf32> to vector<16xf32>
        %swap3A_642 = vector.shape_cast %mul3A_637 : vector<16xf32> to vector<1x16xf32>
        tpu.vector_store %arg11[%swap3A_638, %swap3A_639], %swap3A_642 {strides = array<i32>} : memref<128x128xf32, #tpu.memory_space<vmem>>, vector<1x16xf32>,
        %slice3A_643 = vector.extract_strided_slice %get3A_37 {offsets = [7], sizes = [1], strides = [1]} : vector<16xf32> to vector<1xf32>
        %squeeze3A_644 = vector.extract %slice3A_643[0] : f32 from vector<1xf32>
        %broadcast_in_dim3A_645 = vector.broadcast %squeeze3A_644 : f32 to vector<16xf32>
        %mul3A_646 = arith.constant 16 : i32
        %mul3A_647 = arith.muli %scan3A_30, %mul3A_646 : i32
        %add3A_648 = arith.constant 7 : i32
        %add3A_649 = arith.addi %mul3A_647, %add3A_648 : i32
        %get3A_650 = arith.index_cast %add3A_649 : i32 to index
        %get3A_651 = arith.constant 0 : index
        %get3A_652 = tpu.vector_load %arg11[%get3A_650, %get3A_651] {strides = array<i32>} : memref<128x128xf32, #tpu.memory_space<vmem>>, vector<1x16xf32>,
        %get3A_653 = vector.shape_cast %get3A_652 : vector<1x16xf32> to vector<16xf32>
        %mul3A_654 = arith.mulf %get3A_653, %broadcast_in_dim3A_645 : vector<16xf32>
        %swap3A_655 = arith.index_cast %add3A_649 : i32 to index
        %swap3A_656 = arith.constant 0 : index
        %swap3A_657 = tpu.vector_load %arg11[%swap3A_655, %swap3A_656] {strides = array<i32>} : memref<128x128xf32, #tpu.memory_space<vmem>>, vector<1x16xf32>,
        %swap3A_658 = vector.shape_cast %swap3A_657 : vector<1x16xf32> to vector<16xf32>
        %swap3A_659 = vector.shape_cast %mul3A_654 : vector<16xf32> to vector<1x16xf32>
        tpu.vector_store %arg11[%swap3A_655, %swap3A_656], %swap3A_659 {strides = array<i32>} : memref<128x128xf32, #tpu.memory_space<vmem>>, vector<1x16xf32>,
        %get3A_660 = arith.index_cast %add3A_649 : i32 to index
        %get3A_661 = arith.constant 16 : index
        %get3A_662 = tpu.vector_load %arg11[%get3A_660, %get3A_661] {strides = array<i32>} : memref<128x128xf32, #tpu.memory_space<vmem>>, vector<1x16xf32>,
        %get3A_663 = vector.shape_cast %get3A_662 : vector<1x16xf32> to vector<16xf32>
        %mul3A_664 = arith.mulf %get3A_663, %broadcast_in_dim3A_645 : vector<16xf32>
        %swap3A_665 = arith.index_cast %add3A_649 : i32 to index
        %swap3A_666 = arith.constant 16 : index
        %swap3A_667 = tpu.vector_load %arg11[%swap3A_665, %swap3A_666] {strides = array<i32>} : memref<128x128xf32, #tpu.memory_space<vmem>>, vector<1x16xf32>,
        %swap3A_668 = vector.shape_cast %swap3A_667 : vector<1x16xf32> to vector<16xf32>
        %swap3A_669 = vector.shape_cast %mul3A_664 : vector<16xf32> to vector<1x16xf32>
        tpu.vector_store %arg11[%swap3A_665, %swap3A_666], %swap3A_669 {strides = array<i32>} : memref<128x128xf32, #tpu.memory_space<vmem>>, vector<1x16xf32>,
        %get3A_670 = arith.index_cast %add3A_649 : i32 to index
        %get3A_671 = arith.constant 32 : index
        %get3A_672 = tpu.vector_load %arg11[%get3A_670, %get3A_671] {strides = array<i32>} : memref<128x128xf32, #tpu.memory_space<vmem>>, vector<1x16xf32>,
        %get3A_673 = vector.shape_cast %get3A_672 : vector<1x16xf32> to vector<16xf32>
        %mul3A_674 = arith.mulf %get3A_673, %broadcast_in_dim3A_645 : vector<16xf32>
        %swap3A_675 = arith.index_cast %add3A_649 : i32 to index
        %swap3A_676 = arith.constant 32 : index
        %swap3A_677 = tpu.vector_load %arg11[%swap3A_675, %swap3A_676] {strides = array<i32>} : memref<128x128xf32, #tpu.memory_space<vmem>>, vector<1x16xf32>,
        %swap3A_678 = vector.shape_cast %swap3A_677 : vector<1x16xf32> to vector<16xf32>
        %swap3A_679 = vector.shape_cast %mul3A_674 : vector<16xf32> to vector<1x16xf32>
        tpu.vector_store %arg11[%swap3A_675, %swap3A_676], %swap3A_679 {strides = array<i32>} : memref<128x128xf32, #tpu.memory_space<vmem>>, vector<1x16xf32>,
        %get3A_680 = arith.index_cast %add3A_649 : i32 to index
        %get3A_681 = arith.constant 48 : index
        %get3A_682 = tpu.vector_load %arg11[%get3A_680, %get3A_681] {strides = array<i32>} : memref<128x128xf32, #tpu.memory_space<vmem>>, vector<1x16xf32>,
        %get3A_683 = vector.shape_cast %get3A_682 : vector<1x16xf32> to vector<16xf32>
        %mul3A_684 = arith.mulf %get3A_683, %broadcast_in_dim3A_645 : vector<16xf32>
        %swap3A_685 = arith.index_cast %add3A_649 : i32 to index
        %swap3A_686 = arith.constant 48 : index
        %swap3A_687 = tpu.vector_load %arg11[%swap3A_685, %swap3A_686] {strides = array<i32>} : memref<128x128xf32, #tpu.memory_space<vmem>>, vector<1x16xf32>,
        %swap3A_688 = vector.shape_cast %swap3A_687 : vector<1x16xf32> to vector<16xf32>
        %swap3A_689 = vector.shape_cast %mul3A_684 : vector<16xf32> to vector<1x16xf32>
        tpu.vector_store %arg11[%swap3A_685, %swap3A_686], %swap3A_689 {strides = array<i32>} : memref<128x128xf32, #tpu.memory_space<vmem>>, vector<1x16xf32>,
        %get3A_690 = arith.index_cast %add3A_649 : i32 to index
        %get3A_691 = arith.constant 64 : index
        %get3A_692 = tpu.vector_load %arg11[%get3A_690, %get3A_691] {strides = array<i32>} : memref<128x128xf32, #tpu.memory_space<vmem>>, vector<1x16xf32>,
        %get3A_693 = vector.shape_cast %get3A_692 : vector<1x16xf32> to vector<16xf32>
        %mul3A_694 = arith.mulf %get3A_693, %broadcast_in_dim3A_645 : vector<16xf32>
        %swap3A_695 = arith.index_cast %add3A_649 : i32 to index
        %swap3A_696 = arith.constant 64 : index
        %swap3A_697 = tpu.vector_load %arg11[%swap3A_695, %swap3A_696] {strides = array<i32>} : memref<128x128xf32, #tpu.memory_space<vmem>>, vector<1x16xf32>,
        %swap3A_698 = vector.shape_cast %swap3A_697 : vector<1x16xf32> to vector<16xf32>
        %swap3A_699 = vector.shape_cast %mul3A_694 : vector<16xf32> to vector<1x16xf32>
        tpu.vector_store %arg11[%swap3A_695, %swap3A_696], %swap3A_699 {strides = array<i32>} : memref<128x128xf32, #tpu.memory_space<vmem>>, vector<1x16xf32>,
        %get3A_700 = arith.index_cast %add3A_649 : i32 to index
        %get3A_701 = arith.constant 80 : index
        %get3A_702 = tpu.vector_load %arg11[%get3A_700, %get3A_701] {strides = array<i32>} : memref<128x128xf32, #tpu.memory_space<vmem>>, vector<1x16xf32>,
        %get3A_703 = vector.shape_cast %get3A_702 : vector<1x16xf32> to vector<16xf32>
        %mul3A_704 = arith.mulf %get3A_703, %broadcast_in_dim3A_645 : vector<16xf32>
        %swap3A_705 = arith.index_cast %add3A_649 : i32 to index
        %swap3A_706 = arith.constant 80 : index
        %swap3A_707 = tpu.vector_load %arg11[%swap3A_705, %swap3A_706] {strides = array<i32>} : memref<128x128xf32, #tpu.memory_space<vmem>>, vector<1x16xf32>,
        %swap3A_708 = vector.shape_cast %swap3A_707 : vector<1x16xf32> to vector<16xf32>
        %swap3A_709 = vector.shape_cast %mul3A_704 : vector<16xf32> to vector<1x16xf32>
        tpu.vector_store %arg11[%swap3A_705, %swap3A_706], %swap3A_709 {strides = array<i32>} : memref<128x128xf32, #tpu.memory_space<vmem>>, vector<1x16xf32>,
        %get3A_710 = arith.index_cast %add3A_649 : i32 to index
        %get3A_711 = arith.constant 96 : index
        %get3A_712 = tpu.vector_load %arg11[%get3A_710, %get3A_711] {strides = array<i32>} : memref<128x128xf32, #tpu.memory_space<vmem>>, vector<1x16xf32>,
        %get3A_713 = vector.shape_cast %get3A_712 : vector<1x16xf32> to vector<16xf32>
        %mul3A_714 = arith.mulf %get3A_713, %broadcast_in_dim3A_645 : vector<16xf32>
        %swap3A_715 = arith.index_cast %add3A_649 : i32 to index
        %swap3A_716 = arith.constant 96 : index
        %swap3A_717 = tpu.vector_load %arg11[%swap3A_715, %swap3A_716] {strides = array<i32>} : memref<128x128xf32, #tpu.memory_space<vmem>>, vector<1x16xf32>,
        %swap3A_718 = vector.shape_cast %swap3A_717 : vector<1x16xf32> to vector<16xf32>
        %swap3A_719 = vector.shape_cast %mul3A_714 : vector<16xf32> to vector<1x16xf32>
        tpu.vector_store %arg11[%swap3A_715, %swap3A_716], %swap3A_719 {strides = array<i32>} : memref<128x128xf32, #tpu.memory_space<vmem>>, vector<1x16xf32>,
        %get3A_720 = arith.index_cast %add3A_649 : i32 to index
        %get3A_721 = arith.constant 112 : index
        %get3A_722 = tpu.vector_load %arg11[%get3A_720, %get3A_721] {strides = array<i32>} : memref<128x128xf32, #tpu.memory_space<vmem>>, vector<1x16xf32>,
        %get3A_723 = vector.shape_cast %get3A_722 : vector<1x16xf32> to vector<16xf32>
        %mul3A_724 = arith.mulf %get3A_723, %broadcast_in_dim3A_645 : vector<16xf32>
        %swap3A_725 = arith.index_cast %add3A_649 : i32 to index
        %swap3A_726 = arith.constant 112 : index
        %swap3A_727 = tpu.vector_load %arg11[%swap3A_725, %swap3A_726] {strides = array<i32>} : memref<128x128xf32, #tpu.memory_space<vmem>>, vector<1x16xf32>,
        %swap3A_728 = vector.shape_cast %swap3A_727 : vector<1x16xf32> to vector<16xf32>
        %swap3A_729 = vector.shape_cast %mul3A_724 : vector<16xf32> to vector<1x16xf32>
        tpu.vector_store %arg11[%swap3A_725, %swap3A_726], %swap3A_729 {strides = array<i32>} : memref<128x128xf32, #tpu.memory_space<vmem>>, vector<1x16xf32>,
        %slice3A_730 = vector.extract_strided_slice %get3A_37 {offsets = [8], sizes = [1], strides = [1]} : vector<16xf32> to vector<1xf32>
        %squeeze3A_731 = vector.extract %slice3A_730[0] : f32 from vector<1xf32>
        %broadcast_in_dim3A_732 = vector.broadcast %squeeze3A_731 : f32 to vector<16xf32>
        %mul3A_733 = arith.constant 16 : i32
        %mul3A_734 = arith.muli %scan3A_30, %mul3A_733 : i32
        %add3A_735 = arith.constant 8 : i32
        %add3A_736 = arith.addi %mul3A_734, %add3A_735 : i32
        %get3A_737 = arith.index_cast %add3A_736 : i32 to index
        %get3A_738 = arith.constant 0 : index
        %get3A_739 = tpu.vector_load %arg11[%get3A_737, %get3A_738] {strides = array<i32>} : memref<128x128xf32, #tpu.memory_space<vmem>>, vector<1x16xf32>,
        %get3A_740 = vector.shape_cast %get3A_739 : vector<1x16xf32> to vector<16xf32>
        %mul3A_741 = arith.mulf %get3A_740, %broadcast_in_dim3A_732 : vector<16xf32>
        %swap3A_742 = arith.index_cast %add3A_736 : i32 to index
        %swap3A_743 = arith.constant 0 : index
        %swap3A_744 = tpu.vector_load %arg11[%swap3A_742, %swap3A_743] {strides = array<i32>} : memref<128x128xf32, #tpu.memory_space<vmem>>, vector<1x16xf32>,
        %swap3A_745 = vector.shape_cast %swap3A_744 : vector<1x16xf32> to vector<16xf32>
        %swap3A_746 = vector.shape_cast %mul3A_741 : vector<16xf32> to vector<1x16xf32>
        tpu.vector_store %arg11[%swap3A_742, %swap3A_743], %swap3A_746 {strides = array<i32>} : memref<128x128xf32, #tpu.memory_space<vmem>>, vector<1x16xf32>,
        %get3A_747 = arith.index_cast %add3A_736 : i32 to index
        %get3A_748 = arith.constant 16 : index
        %get3A_749 = tpu.vector_load %arg11[%get3A_747, %get3A_748] {strides = array<i32>} : memref<128x128xf32, #tpu.memory_space<vmem>>, vector<1x16xf32>,
        %get3A_750 = vector.shape_cast %get3A_749 : vector<1x16xf32> to vector<16xf32>
        %mul3A_751 = arith.mulf %get3A_750, %broadcast_in_dim3A_732 : vector<16xf32>
        %swap3A_752 = arith.index_cast %add3A_736 : i32 to index
        %swap3A_753 = arith.constant 16 : index
        %swap3A_754 = tpu.vector_load %arg11[%swap3A_752, %swap3A_753] {strides = array<i32>} : memref<128x128xf32, #tpu.memory_space<vmem>>, vector<1x16xf32>,
        %swap3A_755 = vector.shape_cast %swap3A_754 : vector<1x16xf32> to vector<16xf32>
        %swap3A_756 = vector.shape_cast %mul3A_751 : vector<16xf32> to vector<1x16xf32>
        tpu.vector_store %arg11[%swap3A_752, %swap3A_753], %swap3A_756 {strides = array<i32>} : memref<128x128xf32, #tpu.memory_space<vmem>>, vector<1x16xf32>,
        %get3A_757 = arith.index_cast %add3A_736 : i32 to index
        %get3A_758 = arith.constant 32 : index
        %get3A_759 = tpu.vector_load %arg11[%get3A_757, %get3A_758] {strides = array<i32>} : memref<128x128xf32, #tpu.memory_space<vmem>>, vector<1x16xf32>,
        %get3A_760 = vector.shape_cast %get3A_759 : vector<1x16xf32> to vector<16xf32>
        %mul3A_761 = arith.mulf %get3A_760, %broadcast_in_dim3A_732 : vector<16xf32>
        %swap3A_762 = arith.index_cast %add3A_736 : i32 to index
        %swap3A_763 = arith.constant 32 : index
        %swap3A_764 = tpu.vector_load %arg11[%swap3A_762, %swap3A_763] {strides = array<i32>} : memref<128x128xf32, #tpu.memory_space<vmem>>, vector<1x16xf32>,
        %swap3A_765 = vector.shape_cast %swap3A_764 : vector<1x16xf32> to vector<16xf32>
        %swap3A_766 = vector.shape_cast %mul3A_761 : vector<16xf32> to vector<1x16xf32>
        tpu.vector_store %arg11[%swap3A_762, %swap3A_763], %swap3A_766 {strides = array<i32>} : memref<128x128xf32, #tpu.memory_space<vmem>>, vector<1x16xf32>,
        %get3A_767 = arith.index_cast %add3A_736 : i32 to index
        %get3A_768 = arith.constant 48 : index
        %get3A_769 = tpu.vector_load %arg11[%get3A_767, %get3A_768] {strides = array<i32>} : memref<128x128xf32, #tpu.memory_space<vmem>>, vector<1x16xf32>,
        %get3A_770 = vector.shape_cast %get3A_769 : vector<1x16xf32> to vector<16xf32>
        %mul3A_771 = arith.mulf %get3A_770, %broadcast_in_dim3A_732 : vector<16xf32>
        %swap3A_772 = arith.index_cast %add3A_736 : i32 to index
        %swap3A_773 = arith.constant 48 : index
        %swap3A_774 = tpu.vector_load %arg11[%swap3A_772, %swap3A_773] {strides = array<i32>} : memref<128x128xf32, #tpu.memory_space<vmem>>, vector<1x16xf32>,
        %swap3A_775 = vector.shape_cast %swap3A_774 : vector<1x16xf32> to vector<16xf32>
        %swap3A_776 = vector.shape_cast %mul3A_771 : vector<16xf32> to vector<1x16xf32>
        tpu.vector_store %arg11[%swap3A_772, %swap3A_773], %swap3A_776 {strides = array<i32>} : memref<128x128xf32, #tpu.memory_space<vmem>>, vector<1x16xf32>,
        %get3A_777 = arith.index_cast %add3A_736 : i32 to index
        %get3A_778 = arith.constant 64 : index
        %get3A_779 = tpu.vector_load %arg11[%get3A_777, %get3A_778] {strides = array<i32>} : memref<128x128xf32, #tpu.memory_space<vmem>>, vector<1x16xf32>,
        %get3A_780 = vector.shape_cast %get3A_779 : vector<1x16xf32> to vector<16xf32>
        %mul3A_781 = arith.mulf %get3A_780, %broadcast_in_dim3A_732 : vector<16xf32>
        %swap3A_782 = arith.index_cast %add3A_736 : i32 to index
        %swap3A_783 = arith.constant 64 : index
        %swap3A_784 = tpu.vector_load %arg11[%swap3A_782, %swap3A_783] {strides = array<i32>} : memref<128x128xf32, #tpu.memory_space<vmem>>, vector<1x16xf32>,
        %swap3A_785 = vector.shape_cast %swap3A_784 : vector<1x16xf32> to vector<16xf32>
        %swap3A_786 = vector.shape_cast %mul3A_781 : vector<16xf32> to vector<1x16xf32>
        tpu.vector_store %arg11[%swap3A_782, %swap3A_783], %swap3A_786 {strides = array<i32>} : memref<128x128xf32, #tpu.memory_space<vmem>>, vector<1x16xf32>,
        %get3A_787 = arith.index_cast %add3A_736 : i32 to index
        %get3A_788 = arith.constant 80 : index
        %get3A_789 = tpu.vector_load %arg11[%get3A_787, %get3A_788] {strides = array<i32>} : memref<128x128xf32, #tpu.memory_space<vmem>>, vector<1x16xf32>,
        %get3A_790 = vector.shape_cast %get3A_789 : vector<1x16xf32> to vector<16xf32>
        %mul3A_791 = arith.mulf %get3A_790, %broadcast_in_dim3A_732 : vector<16xf32>
        %swap3A_792 = arith.index_cast %add3A_736 : i32 to index
        %swap3A_793 = arith.constant 80 : index
        %swap3A_794 = tpu.vector_load %arg11[%swap3A_792, %swap3A_793] {strides = array<i32>} : memref<128x128xf32, #tpu.memory_space<vmem>>, vector<1x16xf32>,
        %swap3A_795 = vector.shape_cast %swap3A_794 : vector<1x16xf32> to vector<16xf32>
        %swap3A_796 = vector.shape_cast %mul3A_791 : vector<16xf32> to vector<1x16xf32>
        tpu.vector_store %arg11[%swap3A_792, %swap3A_793], %swap3A_796 {strides = array<i32>} : memref<128x128xf32, #tpu.memory_space<vmem>>, vector<1x16xf32>,
        %get3A_797 = arith.index_cast %add3A_736 : i32 to index
        %get3A_798 = arith.constant 96 : index
        %get3A_799 = tpu.vector_load %arg11[%get3A_797, %get3A_798] {strides = array<i32>} : memref<128x128xf32, #tpu.memory_space<vmem>>, vector<1x16xf32>,
        %get3A_800 = vector.shape_cast %get3A_799 : vector<1x16xf32> to vector<16xf32>
        %mul3A_801 = arith.mulf %get3A_800, %broadcast_in_dim3A_732 : vector<16xf32>
        %swap3A_802 = arith.index_cast %add3A_736 : i32 to index
        %swap3A_803 = arith.constant 96 : index
        %swap3A_804 = tpu.vector_load %arg11[%swap3A_802, %swap3A_803] {strides = array<i32>} : memref<128x128xf32, #tpu.memory_space<vmem>>, vector<1x16xf32>,
        %swap3A_805 = vector.shape_cast %swap3A_804 : vector<1x16xf32> to vector<16xf32>
        %swap3A_806 = vector.shape_cast %mul3A_801 : vector<16xf32> to vector<1x16xf32>
        tpu.vector_store %arg11[%swap3A_802, %swap3A_803], %swap3A_806 {strides = array<i32>} : memref<128x128xf32, #tpu.memory_space<vmem>>, vector<1x16xf32>,
        %get3A_807 = arith.index_cast %add3A_736 : i32 to index
        %get3A_808 = arith.constant 112 : index
        %get3A_809 = tpu.vector_load %arg11[%get3A_807, %get3A_808] {strides = array<i32>} : memref<128x128xf32, #tpu.memory_space<vmem>>, vector<1x16xf32>,
        %get3A_810 = vector.shape_cast %get3A_809 : vector<1x16xf32> to vector<16xf32>
        %mul3A_811 = arith.mulf %get3A_810, %broadcast_in_dim3A_732 : vector<16xf32>
        %swap3A_812 = arith.index_cast %add3A_736 : i32 to index
        %swap3A_813 = arith.constant 112 : index
        %swap3A_814 = tpu.vector_load %arg11[%swap3A_812, %swap3A_813] {strides = array<i32>} : memref<128x128xf32, #tpu.memory_space<vmem>>, vector<1x16xf32>,
        %swap3A_815 = vector.shape_cast %swap3A_814 : vector<1x16xf32> to vector<16xf32>
        %swap3A_816 = vector.shape_cast %mul3A_811 : vector<16xf32> to vector<1x16xf32>
        tpu.vector_store %arg11[%swap3A_812, %swap3A_813], %swap3A_816 {strides = array<i32>} : memref<128x128xf32, #tpu.memory_space<vmem>>, vector<1x16xf32>,
        %slice3A_817 = vector.extract_strided_slice %get3A_37 {offsets = [9], sizes = [1], strides = [1]} : vector<16xf32> to vector<1xf32>
        %squeeze3A_818 = vector.extract %slice3A_817[0] : f32 from vector<1xf32>
        %broadcast_in_dim3A_819 = vector.broadcast %squeeze3A_818 : f32 to vector<16xf32>
        %mul3A_820 = arith.constant 16 : i32
        %mul3A_821 = arith.muli %scan3A_30, %mul3A_820 : i32
        %add3A_822 = arith.constant 9 : i32
        %add3A_823 = arith.addi %mul3A_821, %add3A_822 : i32
        %get3A_824 = arith.index_cast %add3A_823 : i32 to index
        %get3A_825 = arith.constant 0 : index
        %get3A_826 = tpu.vector_load %arg11[%get3A_824, %get3A_825] {strides = array<i32>} : memref<128x128xf32, #tpu.memory_space<vmem>>, vector<1x16xf32>,
        %get3A_827 = vector.shape_cast %get3A_826 : vector<1x16xf32> to vector<16xf32>
        %mul3A_828 = arith.mulf %get3A_827, %broadcast_in_dim3A_819 : vector<16xf32>
        %swap3A_829 = arith.index_cast %add3A_823 : i32 to index
        %swap3A_830 = arith.constant 0 : index
        %swap3A_831 = tpu.vector_load %arg11[%swap3A_829, %swap3A_830] {strides = array<i32>} : memref<128x128xf32, #tpu.memory_space<vmem>>, vector<1x16xf32>,
        %swap3A_832 = vector.shape_cast %swap3A_831 : vector<1x16xf32> to vector<16xf32>
        %swap3A_833 = vector.shape_cast %mul3A_828 : vector<16xf32> to vector<1x16xf32>
        tpu.vector_store %arg11[%swap3A_829, %swap3A_830], %swap3A_833 {strides = array<i32>} : memref<128x128xf32, #tpu.memory_space<vmem>>, vector<1x16xf32>,
        %get3A_834 = arith.index_cast %add3A_823 : i32 to index
        %get3A_835 = arith.constant 16 : index
        %get3A_836 = tpu.vector_load %arg11[%get3A_834, %get3A_835] {strides = array<i32>} : memref<128x128xf32, #tpu.memory_space<vmem>>, vector<1x16xf32>,
        %get3A_837 = vector.shape_cast %get3A_836 : vector<1x16xf32> to vector<16xf32>
        %mul3A_838 = arith.mulf %get3A_837, %broadcast_in_dim3A_819 : vector<16xf32>
        %swap3A_839 = arith.index_cast %add3A_823 : i32 to index
        %swap3A_840 = arith.constant 16 : index
        %swap3A_841 = tpu.vector_load %arg11[%swap3A_839, %swap3A_840] {strides = array<i32>} : memref<128x128xf32, #tpu.memory_space<vmem>>, vector<1x16xf32>,
        %swap3A_842 = vector.shape_cast %swap3A_841 : vector<1x16xf32> to vector<16xf32>
        %swap3A_843 = vector.shape_cast %mul3A_838 : vector<16xf32> to vector<1x16xf32>
        tpu.vector_store %arg11[%swap3A_839, %swap3A_840], %swap3A_843 {strides = array<i32>} : memref<128x128xf32, #tpu.memory_space<vmem>>, vector<1x16xf32>,
        %get3A_844 = arith.index_cast %add3A_823 : i32 to index
        %get3A_845 = arith.constant 32 : index
        %get3A_846 = tpu.vector_load %arg11[%get3A_844, %get3A_845] {strides = array<i32>} : memref<128x128xf32, #tpu.memory_space<vmem>>, vector<1x16xf32>,
        %get3A_847 = vector.shape_cast %get3A_846 : vector<1x16xf32> to vector<16xf32>
        %mul3A_848 = arith.mulf %get3A_847, %broadcast_in_dim3A_819 : vector<16xf32>
        %swap3A_849 = arith.index_cast %add3A_823 : i32 to index
        %swap3A_850 = arith.constant 32 : index
        %swap3A_851 = tpu.vector_load %arg11[%swap3A_849, %swap3A_850] {strides = array<i32>} : memref<128x128xf32, #tpu.memory_space<vmem>>, vector<1x16xf32>,
        %swap3A_852 = vector.shape_cast %swap3A_851 : vector<1x16xf32> to vector<16xf32>
        %swap3A_853 = vector.shape_cast %mul3A_848 : vector<16xf32> to vector<1x16xf32>
        tpu.vector_store %arg11[%swap3A_849, %swap3A_850], %swap3A_853 {strides = array<i32>} : memref<128x128xf32, #tpu.memory_space<vmem>>, vector<1x16xf32>,
        %get3A_854 = arith.index_cast %add3A_823 : i32 to index
        %get3A_855 = arith.constant 48 : index
        %get3A_856 = tpu.vector_load %arg11[%get3A_854, %get3A_855] {strides = array<i32>} : memref<128x128xf32, #tpu.memory_space<vmem>>, vector<1x16xf32>,
        %get3A_857 = vector.shape_cast %get3A_856 : vector<1x16xf32> to vector<16xf32>
        %mul3A_858 = arith.mulf %get3A_857, %broadcast_in_dim3A_819 : vector<16xf32>
        %swap3A_859 = arith.index_cast %add3A_823 : i32 to index
        %swap3A_860 = arith.constant 48 : index
        %swap3A_861 = tpu.vector_load %arg11[%swap3A_859, %swap3A_860] {strides = array<i32>} : memref<128x128xf32, #tpu.memory_space<vmem>>, vector<1x16xf32>,
        %swap3A_862 = vector.shape_cast %swap3A_861 : vector<1x16xf32> to vector<16xf32>
        %swap3A_863 = vector.shape_cast %mul3A_858 : vector<16xf32> to vector<1x16xf32>
        tpu.vector_store %arg11[%swap3A_859, %swap3A_860], %swap3A_863 {strides = array<i32>} : memref<128x128xf32, #tpu.memory_space<vmem>>, vector<1x16xf32>,
        %get3A_864 = arith.index_cast %add3A_823 : i32 to index
        %get3A_865 = arith.constant 64 : index
        %get3A_866 = tpu.vector_load %arg11[%get3A_864, %get3A_865] {strides = array<i32>} : memref<128x128xf32, #tpu.memory_space<vmem>>, vector<1x16xf32>,
        %get3A_867 = vector.shape_cast %get3A_866 : vector<1x16xf32> to vector<16xf32>
        %mul3A_868 = arith.mulf %get3A_867, %broadcast_in_dim3A_819 : vector<16xf32>
        %swap3A_869 = arith.index_cast %add3A_823 : i32 to index
        %swap3A_870 = arith.constant 64 : index
        %swap3A_871 = tpu.vector_load %arg11[%swap3A_869, %swap3A_870] {strides = array<i32>} : memref<128x128xf32, #tpu.memory_space<vmem>>, vector<1x16xf32>,
        %swap3A_872 = vector.shape_cast %swap3A_871 : vector<1x16xf32> to vector<16xf32>
        %swap3A_873 = vector.shape_cast %mul3A_868 : vector<16xf32> to vector<1x16xf32>
        tpu.vector_store %arg11[%swap3A_869, %swap3A_870], %swap3A_873 {strides = array<i32>} : memref<128x128xf32, #tpu.memory_space<vmem>>, vector<1x16xf32>,
        %get3A_874 = arith.index_cast %add3A_823 : i32 to index
        %get3A_875 = arith.constant 80 : index
        %get3A_876 = tpu.vector_load %arg11[%get3A_874, %get3A_875] {strides = array<i32>} : memref<128x128xf32, #tpu.memory_space<vmem>>, vector<1x16xf32>,
        %get3A_877 = vector.shape_cast %get3A_876 : vector<1x16xf32> to vector<16xf32>
        %mul3A_878 = arith.mulf %get3A_877, %broadcast_in_dim3A_819 : vector<16xf32>
        %swap3A_879 = arith.index_cast %add3A_823 : i32 to index
        %swap3A_880 = arith.constant 80 : index
        %swap3A_881 = tpu.vector_load %arg11[%swap3A_879, %swap3A_880] {strides = array<i32>} : memref<128x128xf32, #tpu.memory_space<vmem>>, vector<1x16xf32>,
        %swap3A_882 = vector.shape_cast %swap3A_881 : vector<1x16xf32> to vector<16xf32>
        %swap3A_883 = vector.shape_cast %mul3A_878 : vector<16xf32> to vector<1x16xf32>
        tpu.vector_store %arg11[%swap3A_879, %swap3A_880], %swap3A_883 {strides = array<i32>} : memref<128x128xf32, #tpu.memory_space<vmem>>, vector<1x16xf32>,
        %get3A_884 = arith.index_cast %add3A_823 : i32 to index
        %get3A_885 = arith.constant 96 : index
        %get3A_886 = tpu.vector_load %arg11[%get3A_884, %get3A_885] {strides = array<i32>} : memref<128x128xf32, #tpu.memory_space<vmem>>, vector<1x16xf32>,
        %get3A_887 = vector.shape_cast %get3A_886 : vector<1x16xf32> to vector<16xf32>
        %mul3A_888 = arith.mulf %get3A_887, %broadcast_in_dim3A_819 : vector<16xf32>
        %swap3A_889 = arith.index_cast %add3A_823 : i32 to index
        %swap3A_890 = arith.constant 96 : index
        %swap3A_891 = tpu.vector_load %arg11[%swap3A_889, %swap3A_890] {strides = array<i32>} : memref<128x128xf32, #tpu.memory_space<vmem>>, vector<1x16xf32>,
        %swap3A_892 = vector.shape_cast %swap3A_891 : vector<1x16xf32> to vector<16xf32>
        %swap3A_893 = vector.shape_cast %mul3A_888 : vector<16xf32> to vector<1x16xf32>
        tpu.vector_store %arg11[%swap3A_889, %swap3A_890], %swap3A_893 {strides = array<i32>} : memref<128x128xf32, #tpu.memory_space<vmem>>, vector<1x16xf32>,
        %get3A_894 = arith.index_cast %add3A_823 : i32 to index
        %get3A_895 = arith.constant 112 : index
        %get3A_896 = tpu.vector_load %arg11[%get3A_894, %get3A_895] {strides = array<i32>} : memref<128x128xf32, #tpu.memory_space<vmem>>, vector<1x16xf32>,
        %get3A_897 = vector.shape_cast %get3A_896 : vector<1x16xf32> to vector<16xf32>
        %mul3A_898 = arith.mulf %get3A_897, %broadcast_in_dim3A_819 : vector<16xf32>
        %swap3A_899 = arith.index_cast %add3A_823 : i32 to index
        %swap3A_900 = arith.constant 112 : index
        %swap3A_901 = tpu.vector_load %arg11[%swap3A_899, %swap3A_900] {strides = array<i32>} : memref<128x128xf32, #tpu.memory_space<vmem>>, vector<1x16xf32>,
        %swap3A_902 = vector.shape_cast %swap3A_901 : vector<1x16xf32> to vector<16xf32>
        %swap3A_903 = vector.shape_cast %mul3A_898 : vector<16xf32> to vector<1x16xf32>
        tpu.vector_store %arg11[%swap3A_899, %swap3A_900], %swap3A_903 {strides = array<i32>} : memref<128x128xf32, #tpu.memory_space<vmem>>, vector<1x16xf32>,
        %slice3A_904 = vector.extract_strided_slice %get3A_37 {offsets = [10], sizes = [1], strides = [1]} : vector<16xf32> to vector<1xf32>
        %squeeze3A_905 = vector.extract %slice3A_904[0] : f32 from vector<1xf32>
        %broadcast_in_dim3A_906 = vector.broadcast %squeeze3A_905 : f32 to vector<16xf32>
        %mul3A_907 = arith.constant 16 : i32
        %mul3A_908 = arith.muli %scan3A_30, %mul3A_907 : i32
        %add3A_909 = arith.constant 10 : i32
        %add3A_910 = arith.addi %mul3A_908, %add3A_909 : i32
        %get3A_911 = arith.index_cast %add3A_910 : i32 to index
        %get3A_912 = arith.constant 0 : index
        %get3A_913 = tpu.vector_load %arg11[%get3A_911, %get3A_912] {strides = array<i32>} : memref<128x128xf32, #tpu.memory_space<vmem>>, vector<1x16xf32>,
        %get3A_914 = vector.shape_cast %get3A_913 : vector<1x16xf32> to vector<16xf32>
        %mul3A_915 = arith.mulf %get3A_914, %broadcast_in_dim3A_906 : vector<16xf32>
        %swap3A_916 = arith.index_cast %add3A_910 : i32 to index
        %swap3A_917 = arith.constant 0 : index
        %swap3A_918 = tpu.vector_load %arg11[%swap3A_916, %swap3A_917] {strides = array<i32>} : memref<128x128xf32, #tpu.memory_space<vmem>>, vector<1x16xf32>,
        %swap3A_919 = vector.shape_cast %swap3A_918 : vector<1x16xf32> to vector<16xf32>
        %swap3A_920 = vector.shape_cast %mul3A_915 : vector<16xf32> to vector<1x16xf32>
        tpu.vector_store %arg11[%swap3A_916, %swap3A_917], %swap3A_920 {strides = array<i32>} : memref<128x128xf32, #tpu.memory_space<vmem>>, vector<1x16xf32>,
        %get3A_921 = arith.index_cast %add3A_910 : i32 to index
        %get3A_922 = arith.constant 16 : index
        %get3A_923 = tpu.vector_load %arg11[%get3A_921, %get3A_922] {strides = array<i32>} : memref<128x128xf32, #tpu.memory_space<vmem>>, vector<1x16xf32>,
        %get3A_924 = vector.shape_cast %get3A_923 : vector<1x16xf32> to vector<16xf32>
        %mul3A_925 = arith.mulf %get3A_924, %broadcast_in_dim3A_906 : vector<16xf32>
        %swap3A_926 = arith.index_cast %add3A_910 : i32 to index
        %swap3A_927 = arith.constant 16 : index
        %swap3A_928 = tpu.vector_load %arg11[%swap3A_926, %swap3A_927] {strides = array<i32>} : memref<128x128xf32, #tpu.memory_space<vmem>>, vector<1x16xf32>,
        %swap3A_929 = vector.shape_cast %swap3A_928 : vector<1x16xf32> to vector<16xf32>
        %swap3A_930 = vector.shape_cast %mul3A_925 : vector<16xf32> to vector<1x16xf32>
        tpu.vector_store %arg11[%swap3A_926, %swap3A_927], %swap3A_930 {strides = array<i32>} : memref<128x128xf32, #tpu.memory_space<vmem>>, vector<1x16xf32>,
        %get3A_931 = arith.index_cast %add3A_910 : i32 to index
        %get3A_932 = arith.constant 32 : index
        %get3A_933 = tpu.vector_load %arg11[%get3A_931, %get3A_932] {strides = array<i32>} : memref<128x128xf32, #tpu.memory_space<vmem>>, vector<1x16xf32>,
        %get3A_934 = vector.shape_cast %get3A_933 : vector<1x16xf32> to vector<16xf32>
        %mul3A_935 = arith.mulf %get3A_934, %broadcast_in_dim3A_906 : vector<16xf32>
        %swap3A_936 = arith.index_cast %add3A_910 : i32 to index
        %swap3A_937 = arith.constant 32 : index
        %swap3A_938 = tpu.vector_load %arg11[%swap3A_936, %swap3A_937] {strides = array<i32>} : memref<128x128xf32, #tpu.memory_space<vmem>>, vector<1x16xf32>,
        %swap3A_939 = vector.shape_cast %swap3A_938 : vector<1x16xf32> to vector<16xf32>
        %swap3A_940 = vector.shape_cast %mul3A_935 : vector<16xf32> to vector<1x16xf32>
        tpu.vector_store %arg11[%swap3A_936, %swap3A_937], %swap3A_940 {strides = array<i32>} : memref<128x128xf32, #tpu.memory_space<vmem>>, vector<1x16xf32>,
        %get3A_941 = arith.index_cast %add3A_910 : i32 to index
        %get3A_942 = arith.constant 48 : index
        %get3A_943 = tpu.vector_load %arg11[%get3A_941, %get3A_942] {strides = array<i32>} : memref<128x128xf32, #tpu.memory_space<vmem>>, vector<1x16xf32>,
        %get3A_944 = vector.shape_cast %get3A_943 : vector<1x16xf32> to vector<16xf32>
        %mul3A_945 = arith.mulf %get3A_944, %broadcast_in_dim3A_906 : vector<16xf32>
        %swap3A_946 = arith.index_cast %add3A_910 : i32 to index
        %swap3A_947 = arith.constant 48 : index
        %swap3A_948 = tpu.vector_load %arg11[%swap3A_946, %swap3A_947] {strides = array<i32>} : memref<128x128xf32, #tpu.memory_space<vmem>>, vector<1x16xf32>,
        %swap3A_949 = vector.shape_cast %swap3A_948 : vector<1x16xf32> to vector<16xf32>
        %swap3A_950 = vector.shape_cast %mul3A_945 : vector<16xf32> to vector<1x16xf32>
        tpu.vector_store %arg11[%swap3A_946, %swap3A_947], %swap3A_950 {strides = array<i32>} : memref<128x128xf32, #tpu.memory_space<vmem>>, vector<1x16xf32>,
        %get3A_951 = arith.index_cast %add3A_910 : i32 to index
        %get3A_952 = arith.constant 64 : index
        %get3A_953 = tpu.vector_load %arg11[%get3A_951, %get3A_952] {strides = array<i32>} : memref<128x128xf32, #tpu.memory_space<vmem>>, vector<1x16xf32>,
        %get3A_954 = vector.shape_cast %get3A_953 : vector<1x16xf32> to vector<16xf32>
        %mul3A_955 = arith.mulf %get3A_954, %broadcast_in_dim3A_906 : vector<16xf32>
        %swap3A_956 = arith.index_cast %add3A_910 : i32 to index
        %swap3A_957 = arith.constant 64 : index
        %swap3A_958 = tpu.vector_load %arg11[%swap3A_956, %swap3A_957] {strides = array<i32>} : memref<128x128xf32, #tpu.memory_space<vmem>>, vector<1x16xf32>,
        %swap3A_959 = vector.shape_cast %swap3A_958 : vector<1x16xf32> to vector<16xf32>
        %swap3A_960 = vector.shape_cast %mul3A_955 : vector<16xf32> to vector<1x16xf32>
        tpu.vector_store %arg11[%swap3A_956, %swap3A_957], %swap3A_960 {strides = array<i32>} : memref<128x128xf32, #tpu.memory_space<vmem>>, vector<1x16xf32>,
        %get3A_961 = arith.index_cast %add3A_910 : i32 to index
        %get3A_962 = arith.constant 80 : index
        %get3A_963 = tpu.vector_load %arg11[%get3A_961, %get3A_962] {strides = array<i32>} : memref<128x128xf32, #tpu.memory_space<vmem>>, vector<1x16xf32>,
        %get3A_964 = vector.shape_cast %get3A_963 : vector<1x16xf32> to vector<16xf32>
        %mul3A_965 = arith.mulf %get3A_964, %broadcast_in_dim3A_906 : vector<16xf32>
        %swap3A_966 = arith.index_cast %add3A_910 : i32 to index
        %swap3A_967 = arith.constant 80 : index
        %swap3A_968 = tpu.vector_load %arg11[%swap3A_966, %swap3A_967] {strides = array<i32>} : memref<128x128xf32, #tpu.memory_space<vmem>>, vector<1x16xf32>,
        %swap3A_969 = vector.shape_cast %swap3A_968 : vector<1x16xf32> to vector<16xf32>
        %swap3A_970 = vector.shape_cast %mul3A_965 : vector<16xf32> to vector<1x16xf32>
        tpu.vector_store %arg11[%swap3A_966, %swap3A_967], %swap3A_970 {strides = array<i32>} : memref<128x128xf32, #tpu.memory_space<vmem>>, vector<1x16xf32>,
        %get3A_971 = arith.index_cast %add3A_910 : i32 to index
        %get3A_972 = arith.constant 96 : index
        %get3A_973 = tpu.vector_load %arg11[%get3A_971, %get3A_972] {strides = array<i32>} : memref<128x128xf32, #tpu.memory_space<vmem>>, vector<1x16xf32>,
        %get3A_974 = vector.shape_cast %get3A_973 : vector<1x16xf32> to vector<16xf32>
        %mul3A_975 = arith.mulf %get3A_974, %broadcast_in_dim3A_906 : vector<16xf32>
        %swap3A_976 = arith.index_cast %add3A_910 : i32 to index
        %swap3A_977 = arith.constant 96 : index
        %swap3A_978 = tpu.vector_load %arg11[%swap3A_976, %swap3A_977] {strides = array<i32>} : memref<128x128xf32, #tpu.memory_space<vmem>>, vector<1x16xf32>,
        %swap3A_979 = vector.shape_cast %swap3A_978 : vector<1x16xf32> to vector<16xf32>
        %swap3A_980 = vector.shape_cast %mul3A_975 : vector<16xf32> to vector<1x16xf32>
        tpu.vector_store %arg11[%swap3A_976, %swap3A_977], %swap3A_980 {strides = array<i32>} : memref<128x128xf32, #tpu.memory_space<vmem>>, vector<1x16xf32>,
        %get3A_981 = arith.index_cast %add3A_910 : i32 to index
        %get3A_982 = arith.constant 112 : index
        %get3A_983 = tpu.vector_load %arg11[%get3A_981, %get3A_982] {strides = array<i32>} : memref<128x128xf32, #tpu.memory_space<vmem>>, vector<1x16xf32>,
        %get3A_984 = vector.shape_cast %get3A_983 : vector<1x16xf32> to vector<16xf32>
        %mul3A_985 = arith.mulf %get3A_984, %broadcast_in_dim3A_906 : vector<16xf32>
        %swap3A_986 = arith.index_cast %add3A_910 : i32 to index
        %swap3A_987 = arith.constant 112 : index
        %swap3A_988 = tpu.vector_load %arg11[%swap3A_986, %swap3A_987] {strides = array<i32>} : memref<128x128xf32, #tpu.memory_space<vmem>>, vector<1x16xf32>,
        %swap3A_989 = vector.shape_cast %swap3A_988 : vector<1x16xf32> to vector<16xf32>
        %swap3A_990 = vector.shape_cast %mul3A_985 : vector<16xf32> to vector<1x16xf32>
        tpu.vector_store %arg11[%swap3A_986, %swap3A_987], %swap3A_990 {strides = array<i32>} : memref<128x128xf32, #tpu.memory_space<vmem>>, vector<1x16xf32>,
        %slice3A_991 = vector.extract_strided_slice %get3A_37 {offsets = [11], sizes = [1], strides = [1]} : vector<16xf32> to vector<1xf32>
        %squeeze3A_992 = vector.extract %slice3A_991[0] : f32 from vector<1xf32>
        %broadcast_in_dim3A_993 = vector.broadcast %squeeze3A_992 : f32 to vector<16xf32>
        %mul3A_994 = arith.constant 16 : i32
        %mul3A_995 = arith.muli %scan3A_30, %mul3A_994 : i32
        %add3A_996 = arith.constant 11 : i32
        %add3A_997 = arith.addi %mul3A_995, %add3A_996 : i32
        %get3A_998 = arith.index_cast %add3A_997 : i32 to index
        %get3A_999 = arith.constant 0 : index
        %get3A_1000 = tpu.vector_load %arg11[%get3A_998, %get3A_999] {strides = array<i32>} : memref<128x128xf32, #tpu.memory_space<vmem>>, vector<1x16xf32>,
        %get3A_1001 = vector.shape_cast %get3A_1000 : vector<1x16xf32> to vector<16xf32>
        %mul3A_1002 = arith.mulf %get3A_1001, %broadcast_in_dim3A_993 : vector<16xf32>
        %swap3A_1003 = arith.index_cast %add3A_997 : i32 to index
        %swap3A_1004 = arith.constant 0 : index
        %swap3A_1005 = tpu.vector_load %arg11[%swap3A_1003, %swap3A_1004] {strides = array<i32>} : memref<128x128xf32, #tpu.memory_space<vmem>>, vector<1x16xf32>,
        %swap3A_1006 = vector.shape_cast %swap3A_1005 : vector<1x16xf32> to vector<16xf32>
        %swap3A_1007 = vector.shape_cast %mul3A_1002 : vector<16xf32> to vector<1x16xf32>
        tpu.vector_store %arg11[%swap3A_1003, %swap3A_1004], %swap3A_1007 {strides = array<i32>} : memref<128x128xf32, #tpu.memory_space<vmem>>, vector<1x16xf32>,
        %get3A_1008 = arith.index_cast %add3A_997 : i32 to index
        %get3A_1009 = arith.constant 16 : index
        %get3A_1010 = tpu.vector_load %arg11[%get3A_1008, %get3A_1009] {strides = array<i32>} : memref<128x128xf32, #tpu.memory_space<vmem>>, vector<1x16xf32>,
        %get3A_1011 = vector.shape_cast %get3A_1010 : vector<1x16xf32> to vector<16xf32>
        %mul3A_1012 = arith.mulf %get3A_1011, %broadcast_in_dim3A_993 : vector<16xf32>
        %swap3A_1013 = arith.index_cast %add3A_997 : i32 to index
        %swap3A_1014 = arith.constant 16 : index
        %swap3A_1015 = tpu.vector_load %arg11[%swap3A_1013, %swap3A_1014] {strides = array<i32>} : memref<128x128xf32, #tpu.memory_space<vmem>>, vector<1x16xf32>,
        %swap3A_1016 = vector.shape_cast %swap3A_1015 : vector<1x16xf32> to vector<16xf32>
        %swap3A_1017 = vector.shape_cast %mul3A_1012 : vector<16xf32> to vector<1x16xf32>
        tpu.vector_store %arg11[%swap3A_1013, %swap3A_1014], %swap3A_1017 {strides = array<i32>} : memref<128x128xf32, #tpu.memory_space<vmem>>, vector<1x16xf32>,
        %get3A_1018 = arith.index_cast %add3A_997 : i32 to index
        %get3A_1019 = arith.constant 32 : index
        %get3A_1020 = tpu.vector_load %arg11[%get3A_1018, %get3A_1019] {strides = array<i32>} : memref<128x128xf32, #tpu.memory_space<vmem>>, vector<1x16xf32>,
        %get3A_1021 = vector.shape_cast %get3A_1020 : vector<1x16xf32> to vector<16xf32>
        %mul3A_1022 = arith.mulf %get3A_1021, %broadcast_in_dim3A_993 : vector<16xf32>
        %swap3A_1023 = arith.index_cast %add3A_997 : i32 to index
        %swap3A_1024 = arith.constant 32 : index
        %swap3A_1025 = tpu.vector_load %arg11[%swap3A_1023, %swap3A_1024] {strides = array<i32>} : memref<128x128xf32, #tpu.memory_space<vmem>>, vector<1x16xf32>,
        %swap3A_1026 = vector.shape_cast %swap3A_1025 : vector<1x16xf32> to vector<16xf32>
        %swap3A_1027 = vector.shape_cast %mul3A_1022 : vector<16xf32> to vector<1x16xf32>
        tpu.vector_store %arg11[%swap3A_1023, %swap3A_1024], %swap3A_1027 {strides = array<i32>} : memref<128x128xf32, #tpu.memory_space<vmem>>, vector<1x16xf32>,
        %get3A_1028 = arith.index_cast %add3A_997 : i32 to index
        %get3A_1029 = arith.constant 48 : index
        %get3A_1030 = tpu.vector_load %arg11[%get3A_1028, %get3A_1029] {strides = array<i32>} : memref<128x128xf32, #tpu.memory_space<vmem>>, vector<1x16xf32>,
        %get3A_1031 = vector.shape_cast %get3A_1030 : vector<1x16xf32> to vector<16xf32>
        %mul3A_1032 = arith.mulf %get3A_1031, %broadcast_in_dim3A_993 : vector<16xf32>
        %swap3A_1033 = arith.index_cast %add3A_997 : i32 to index
        %swap3A_1034 = arith.constant 48 : index
        %swap3A_1035 = tpu.vector_load %arg11[%swap3A_1033, %swap3A_1034] {strides = array<i32>} : memref<128x128xf32, #tpu.memory_space<vmem>>, vector<1x16xf32>,
        %swap3A_1036 = vector.shape_cast %swap3A_1035 : vector<1x16xf32> to vector<16xf32>
        %swap3A_1037 = vector.shape_cast %mul3A_1032 : vector<16xf32> to vector<1x16xf32>
        tpu.vector_store %arg11[%swap3A_1033, %swap3A_1034], %swap3A_1037 {strides = array<i32>} : memref<128x128xf32, #tpu.memory_space<vmem>>, vector<1x16xf32>,
        %get3A_1038 = arith.index_cast %add3A_997 : i32 to index
        %get3A_1039 = arith.constant 64 : index
        %get3A_1040 = tpu.vector_load %arg11[%get3A_1038, %get3A_1039] {strides = array<i32>} : memref<128x128xf32, #tpu.memory_space<vmem>>, vector<1x16xf32>,
        %get3A_1041 = vector.shape_cast %get3A_1040 : vector<1x16xf32> to vector<16xf32>
        %mul3A_1042 = arith.mulf %get3A_1041, %broadcast_in_dim3A_993 : vector<16xf32>
        %swap3A_1043 = arith.index_cast %add3A_997 : i32 to index
        %swap3A_1044 = arith.constant 64 : index
        %swap3A_1045 = tpu.vector_load %arg11[%swap3A_1043, %swap3A_1044] {strides = array<i32>} : memref<128x128xf32, #tpu.memory_space<vmem>>, vector<1x16xf32>,
        %swap3A_1046 = vector.shape_cast %swap3A_1045 : vector<1x16xf32> to vector<16xf32>
        %swap3A_1047 = vector.shape_cast %mul3A_1042 : vector<16xf32> to vector<1x16xf32>
        tpu.vector_store %arg11[%swap3A_1043, %swap3A_1044], %swap3A_1047 {strides = array<i32>} : memref<128x128xf32, #tpu.memory_space<vmem>>, vector<1x16xf32>,
        %get3A_1048 = arith.index_cast %add3A_997 : i32 to index
        %get3A_1049 = arith.constant 80 : index
        %get3A_1050 = tpu.vector_load %arg11[%get3A_1048, %get3A_1049] {strides = array<i32>} : memref<128x128xf32, #tpu.memory_space<vmem>>, vector<1x16xf32>,
        %get3A_1051 = vector.shape_cast %get3A_1050 : vector<1x16xf32> to vector<16xf32>
        %mul3A_1052 = arith.mulf %get3A_1051, %broadcast_in_dim3A_993 : vector<16xf32>
        %swap3A_1053 = arith.index_cast %add3A_997 : i32 to index
        %swap3A_1054 = arith.constant 80 : index
        %swap3A_1055 = tpu.vector_load %arg11[%swap3A_1053, %swap3A_1054] {strides = array<i32>} : memref<128x128xf32, #tpu.memory_space<vmem>>, vector<1x16xf32>,
        %swap3A_1056 = vector.shape_cast %swap3A_1055 : vector<1x16xf32> to vector<16xf32>
        %swap3A_1057 = vector.shape_cast %mul3A_1052 : vector<16xf32> to vector<1x16xf32>
        tpu.vector_store %arg11[%swap3A_1053, %swap3A_1054], %swap3A_1057 {strides = array<i32>} : memref<128x128xf32, #tpu.memory_space<vmem>>, vector<1x16xf32>,
        %get3A_1058 = arith.index_cast %add3A_997 : i32 to index
        %get3A_1059 = arith.constant 96 : index
        %get3A_1060 = tpu.vector_load %arg11[%get3A_1058, %get3A_1059] {strides = array<i32>} : memref<128x128xf32, #tpu.memory_space<vmem>>, vector<1x16xf32>,
        %get3A_1061 = vector.shape_cast %get3A_1060 : vector<1x16xf32> to vector<16xf32>
        %mul3A_1062 = arith.mulf %get3A_1061, %broadcast_in_dim3A_993 : vector<16xf32>
        %swap3A_1063 = arith.index_cast %add3A_997 : i32 to index
        %swap3A_1064 = arith.constant 96 : index
        %swap3A_1065 = tpu.vector_load %arg11[%swap3A_1063, %swap3A_1064] {strides = array<i32>} : memref<128x128xf32, #tpu.memory_space<vmem>>, vector<1x16xf32>,
        %swap3A_1066 = vector.shape_cast %swap3A_1065 : vector<1x16xf32> to vector<16xf32>
        %swap3A_1067 = vector.shape_cast %mul3A_1062 : vector<16xf32> to vector<1x16xf32>
        tpu.vector_store %arg11[%swap3A_1063, %swap3A_1064], %swap3A_1067 {strides = array<i32>} : memref<128x128xf32, #tpu.memory_space<vmem>>, vector<1x16xf32>,
        %get3A_1068 = arith.index_cast %add3A_997 : i32 to index
        %get3A_1069 = arith.constant 112 : index
        %get3A_1070 = tpu.vector_load %arg11[%get3A_1068, %get3A_1069] {strides = array<i32>} : memref<128x128xf32, #tpu.memory_space<vmem>>, vector<1x16xf32>,
        %get3A_1071 = vector.shape_cast %get3A_1070 : vector<1x16xf32> to vector<16xf32>
        %mul3A_1072 = arith.mulf %get3A_1071, %broadcast_in_dim3A_993 : vector<16xf32>
        %swap3A_1073 = arith.index_cast %add3A_997 : i32 to index
        %swap3A_1074 = arith.constant 112 : index
        %swap3A_1075 = tpu.vector_load %arg11[%swap3A_1073, %swap3A_1074] {strides = array<i32>} : memref<128x128xf32, #tpu.memory_space<vmem>>, vector<1x16xf32>,
        %swap3A_1076 = vector.shape_cast %swap3A_1075 : vector<1x16xf32> to vector<16xf32>
        %swap3A_1077 = vector.shape_cast %mul3A_1072 : vector<16xf32> to vector<1x16xf32>
        tpu.vector_store %arg11[%swap3A_1073, %swap3A_1074], %swap3A_1077 {strides = array<i32>} : memref<128x128xf32, #tpu.memory_space<vmem>>, vector<1x16xf32>,
        %slice3A_1078 = vector.extract_strided_slice %get3A_37 {offsets = [12], sizes = [1], strides = [1]} : vector<16xf32> to vector<1xf32>
        %squeeze3A_1079 = vector.extract %slice3A_1078[0] : f32 from vector<1xf32>
        %broadcast_in_dim3A_1080 = vector.broadcast %squeeze3A_1079 : f32 to vector<16xf32>
        %mul3A_1081 = arith.constant 16 : i32
        %mul3A_1082 = arith.muli %scan3A_30, %mul3A_1081 : i32
        %add3A_1083 = arith.constant 12 : i32
        %add3A_1084 = arith.addi %mul3A_1082, %add3A_1083 : i32
        %get3A_1085 = arith.index_cast %add3A_1084 : i32 to index
        %get3A_1086 = arith.constant 0 : index
        %get3A_1087 = tpu.vector_load %arg11[%get3A_1085, %get3A_1086] {strides = array<i32>} : memref<128x128xf32, #tpu.memory_space<vmem>>, vector<1x16xf32>,
        %get3A_1088 = vector.shape_cast %get3A_1087 : vector<1x16xf32> to vector<16xf32>
        %mul3A_1089 = arith.mulf %get3A_1088, %broadcast_in_dim3A_1080 : vector<16xf32>
        %swap3A_1090 = arith.index_cast %add3A_1084 : i32 to index
        %swap3A_1091 = arith.constant 0 : index
        %swap3A_1092 = tpu.vector_load %arg11[%swap3A_1090, %swap3A_1091] {strides = array<i32>} : memref<128x128xf32, #tpu.memory_space<vmem>>, vector<1x16xf32>,
        %swap3A_1093 = vector.shape_cast %swap3A_1092 : vector<1x16xf32> to vector<16xf32>
        %swap3A_1094 = vector.shape_cast %mul3A_1089 : vector<16xf32> to vector<1x16xf32>
        tpu.vector_store %arg11[%swap3A_1090, %swap3A_1091], %swap3A_1094 {strides = array<i32>} : memref<128x128xf32, #tpu.memory_space<vmem>>, vector<1x16xf32>,
        %get3A_1095 = arith.index_cast %add3A_1084 : i32 to index
        %get3A_1096 = arith.constant 16 : index
        %get3A_1097 = tpu.vector_load %arg11[%get3A_1095, %get3A_1096] {strides = array<i32>} : memref<128x128xf32, #tpu.memory_space<vmem>>, vector<1x16xf32>,
        %get3A_1098 = vector.shape_cast %get3A_1097 : vector<1x16xf32> to vector<16xf32>
        %mul3A_1099 = arith.mulf %get3A_1098, %broadcast_in_dim3A_1080 : vector<16xf32>
        %swap3A_1100 = arith.index_cast %add3A_1084 : i32 to index
        %swap3A_1101 = arith.constant 16 : index
        %swap3A_1102 = tpu.vector_load %arg11[%swap3A_1100, %swap3A_1101] {strides = array<i32>} : memref<128x128xf32, #tpu.memory_space<vmem>>, vector<1x16xf32>,
        %swap3A_1103 = vector.shape_cast %swap3A_1102 : vector<1x16xf32> to vector<16xf32>
        %swap3A_1104 = vector.shape_cast %mul3A_1099 : vector<16xf32> to vector<1x16xf32>
        tpu.vector_store %arg11[%swap3A_1100, %swap3A_1101], %swap3A_1104 {strides = array<i32>} : memref<128x128xf32, #tpu.memory_space<vmem>>, vector<1x16xf32>,
        %get3A_1105 = arith.index_cast %add3A_1084 : i32 to index
        %get3A_1106 = arith.constant 32 : index
        %get3A_1107 = tpu.vector_load %arg11[%get3A_1105, %get3A_1106] {strides = array<i32>} : memref<128x128xf32, #tpu.memory_space<vmem>>, vector<1x16xf32>,
        %get3A_1108 = vector.shape_cast %get3A_1107 : vector<1x16xf32> to vector<16xf32>
        %mul3A_1109 = arith.mulf %get3A_1108, %broadcast_in_dim3A_1080 : vector<16xf32>
        %swap3A_1110 = arith.index_cast %add3A_1084 : i32 to index
        %swap3A_1111 = arith.constant 32 : index
        %swap3A_1112 = tpu.vector_load %arg11[%swap3A_1110, %swap3A_1111] {strides = array<i32>} : memref<128x128xf32, #tpu.memory_space<vmem>>, vector<1x16xf32>,
        %swap3A_1113 = vector.shape_cast %swap3A_1112 : vector<1x16xf32> to vector<16xf32>
        %swap3A_1114 = vector.shape_cast %mul3A_1109 : vector<16xf32> to vector<1x16xf32>
        tpu.vector_store %arg11[%swap3A_1110, %swap3A_1111], %swap3A_1114 {strides = array<i32>} : memref<128x128xf32, #tpu.memory_space<vmem>>, vector<1x16xf32>,
        %get3A_1115 = arith.index_cast %add3A_1084 : i32 to index
        %get3A_1116 = arith.constant 48 : index
        %get3A_1117 = tpu.vector_load %arg11[%get3A_1115, %get3A_1116] {strides = array<i32>} : memref<128x128xf32, #tpu.memory_space<vmem>>, vector<1x16xf32>,
        %get3A_1118 = vector.shape_cast %get3A_1117 : vector<1x16xf32> to vector<16xf32>
        %mul3A_1119 = arith.mulf %get3A_1118, %broadcast_in_dim3A_1080 : vector<16xf32>
        %swap3A_1120 = arith.index_cast %add3A_1084 : i32 to index
        %swap3A_1121 = arith.constant 48 : index
        %swap3A_1122 = tpu.vector_load %arg11[%swap3A_1120, %swap3A_1121] {strides = array<i32>} : memref<128x128xf32, #tpu.memory_space<vmem>>, vector<1x16xf32>,
        %swap3A_1123 = vector.shape_cast %swap3A_1122 : vector<1x16xf32> to vector<16xf32>
        %swap3A_1124 = vector.shape_cast %mul3A_1119 : vector<16xf32> to vector<1x16xf32>
        tpu.vector_store %arg11[%swap3A_1120, %swap3A_1121], %swap3A_1124 {strides = array<i32>} : memref<128x128xf32, #tpu.memory_space<vmem>>, vector<1x16xf32>,
        %get3A_1125 = arith.index_cast %add3A_1084 : i32 to index
        %get3A_1126 = arith.constant 64 : index
        %get3A_1127 = tpu.vector_load %arg11[%get3A_1125, %get3A_1126] {strides = array<i32>} : memref<128x128xf32, #tpu.memory_space<vmem>>, vector<1x16xf32>,
        %get3A_1128 = vector.shape_cast %get3A_1127 : vector<1x16xf32> to vector<16xf32>
        %mul3A_1129 = arith.mulf %get3A_1128, %broadcast_in_dim3A_1080 : vector<16xf32>
        %swap3A_1130 = arith.index_cast %add3A_1084 : i32 to index
        %swap3A_1131 = arith.constant 64 : index
        %swap3A_1132 = tpu.vector_load %arg11[%swap3A_1130, %swap3A_1131] {strides = array<i32>} : memref<128x128xf32, #tpu.memory_space<vmem>>, vector<1x16xf32>,
        %swap3A_1133 = vector.shape_cast %swap3A_1132 : vector<1x16xf32> to vector<16xf32>
        %swap3A_1134 = vector.shape_cast %mul3A_1129 : vector<16xf32> to vector<1x16xf32>
        tpu.vector_store %arg11[%swap3A_1130, %swap3A_1131], %swap3A_1134 {strides = array<i32>} : memref<128x128xf32, #tpu.memory_space<vmem>>, vector<1x16xf32>,
        %get3A_1135 = arith.index_cast %add3A_1084 : i32 to index
        %get3A_1136 = arith.constant 80 : index
        %get3A_1137 = tpu.vector_load %arg11[%get3A_1135, %get3A_1136] {strides = array<i32>} : memref<128x128xf32, #tpu.memory_space<vmem>>, vector<1x16xf32>,
        %get3A_1138 = vector.shape_cast %get3A_1137 : vector<1x16xf32> to vector<16xf32>
        %mul3A_1139 = arith.mulf %get3A_1138, %broadcast_in_dim3A_1080 : vector<16xf32>
        %swap3A_1140 = arith.index_cast %add3A_1084 : i32 to index
        %swap3A_1141 = arith.constant 80 : index
        %swap3A_1142 = tpu.vector_load %arg11[%swap3A_1140, %swap3A_1141] {strides = array<i32>} : memref<128x128xf32, #tpu.memory_space<vmem>>, vector<1x16xf32>,
        %swap3A_1143 = vector.shape_cast %swap3A_1142 : vector<1x16xf32> to vector<16xf32>
        %swap3A_1144 = vector.shape_cast %mul3A_1139 : vector<16xf32> to vector<1x16xf32>
        tpu.vector_store %arg11[%swap3A_1140, %swap3A_1141], %swap3A_1144 {strides = array<i32>} : memref<128x128xf32, #tpu.memory_space<vmem>>, vector<1x16xf32>,
        %get3A_1145 = arith.index_cast %add3A_1084 : i32 to index
        %get3A_1146 = arith.constant 96 : index
        %get3A_1147 = tpu.vector_load %arg11[%get3A_1145, %get3A_1146] {strides = array<i32>} : memref<128x128xf32, #tpu.memory_space<vmem>>, vector<1x16xf32>,
        %get3A_1148 = vector.shape_cast %get3A_1147 : vector<1x16xf32> to vector<16xf32>
        %mul3A_1149 = arith.mulf %get3A_1148, %broadcast_in_dim3A_1080 : vector<16xf32>
        %swap3A_1150 = arith.index_cast %add3A_1084 : i32 to index
        %swap3A_1151 = arith.constant 96 : index
        %swap3A_1152 = tpu.vector_load %arg11[%swap3A_1150, %swap3A_1151] {strides = array<i32>} : memref<128x128xf32, #tpu.memory_space<vmem>>, vector<1x16xf32>,
        %swap3A_1153 = vector.shape_cast %swap3A_1152 : vector<1x16xf32> to vector<16xf32>
        %swap3A_1154 = vector.shape_cast %mul3A_1149 : vector<16xf32> to vector<1x16xf32>
        tpu.vector_store %arg11[%swap3A_1150, %swap3A_1151], %swap3A_1154 {strides = array<i32>} : memref<128x128xf32, #tpu.memory_space<vmem>>, vector<1x16xf32>,
        %get3A_1155 = arith.index_cast %add3A_1084 : i32 to index
        %get3A_1156 = arith.constant 112 : index
        %get3A_1157 = tpu.vector_load %arg11[%get3A_1155, %get3A_1156] {strides = array<i32>} : memref<128x128xf32, #tpu.memory_space<vmem>>, vector<1x16xf32>,
        %get3A_1158 = vector.shape_cast %get3A_1157 : vector<1x16xf32> to vector<16xf32>
        %mul3A_1159 = arith.mulf %get3A_1158, %broadcast_in_dim3A_1080 : vector<16xf32>
        %swap3A_1160 = arith.index_cast %add3A_1084 : i32 to index
        %swap3A_1161 = arith.constant 112 : index
        %swap3A_1162 = tpu.vector_load %arg11[%swap3A_1160, %swap3A_1161] {strides = array<i32>} : memref<128x128xf32, #tpu.memory_space<vmem>>, vector<1x16xf32>,
        %swap3A_1163 = vector.shape_cast %swap3A_1162 : vector<1x16xf32> to vector<16xf32>
        %swap3A_1164 = vector.shape_cast %mul3A_1159 : vector<16xf32> to vector<1x16xf32>
        tpu.vector_store %arg11[%swap3A_1160, %swap3A_1161], %swap3A_1164 {strides = array<i32>} : memref<128x128xf32, #tpu.memory_space<vmem>>, vector<1x16xf32>,
        %slice3A_1165 = vector.extract_strided_slice %get3A_37 {offsets = [13], sizes = [1], strides = [1]} : vector<16xf32> to vector<1xf32>
        %squeeze3A_1166 = vector.extract %slice3A_1165[0] : f32 from vector<1xf32>
        %broadcast_in_dim3A_1167 = vector.broadcast %squeeze3A_1166 : f32 to vector<16xf32>
        %mul3A_1168 = arith.constant 16 : i32
        %mul3A_1169 = arith.muli %scan3A_30, %mul3A_1168 : i32
        %add3A_1170 = arith.constant 13 : i32
        %add3A_1171 = arith.addi %mul3A_1169, %add3A_1170 : i32
        %get3A_1172 = arith.index_cast %add3A_1171 : i32 to index
        %get3A_1173 = arith.constant 0 : index
        %get3A_1174 = tpu.vector_load %arg11[%get3A_1172, %get3A_1173] {strides = array<i32>} : memref<128x128xf32, #tpu.memory_space<vmem>>, vector<1x16xf32>,
        %get3A_1175 = vector.shape_cast %get3A_1174 : vector<1x16xf32> to vector<16xf32>
        %mul3A_1176 = arith.mulf %get3A_1175, %broadcast_in_dim3A_1167 : vector<16xf32>
        %swap3A_1177 = arith.index_cast %add3A_1171 : i32 to index
        %swap3A_1178 = arith.constant 0 : index
        %swap3A_1179 = tpu.vector_load %arg11[%swap3A_1177, %swap3A_1178] {strides = array<i32>} : memref<128x128xf32, #tpu.memory_space<vmem>>, vector<1x16xf32>,
        %swap3A_1180 = vector.shape_cast %swap3A_1179 : vector<1x16xf32> to vector<16xf32>
        %swap3A_1181 = vector.shape_cast %mul3A_1176 : vector<16xf32> to vector<1x16xf32>
        tpu.vector_store %arg11[%swap3A_1177, %swap3A_1178], %swap3A_1181 {strides = array<i32>} : memref<128x128xf32, #tpu.memory_space<vmem>>, vector<1x16xf32>,
        %get3A_1182 = arith.index_cast %add3A_1171 : i32 to index
        %get3A_1183 = arith.constant 16 : index
        %get3A_1184 = tpu.vector_load %arg11[%get3A_1182, %get3A_1183] {strides = array<i32>} : memref<128x128xf32, #tpu.memory_space<vmem>>, vector<1x16xf32>,
        %get3A_1185 = vector.shape_cast %get3A_1184 : vector<1x16xf32> to vector<16xf32>
        %mul3A_1186 = arith.mulf %get3A_1185, %broadcast_in_dim3A_1167 : vector<16xf32>
        %swap3A_1187 = arith.index_cast %add3A_1171 : i32 to index
        %swap3A_1188 = arith.constant 16 : index
        %swap3A_1189 = tpu.vector_load %arg11[%swap3A_1187, %swap3A_1188] {strides = array<i32>} : memref<128x128xf32, #tpu.memory_space<vmem>>, vector<1x16xf32>,
        %swap3A_1190 = vector.shape_cast %swap3A_1189 : vector<1x16xf32> to vector<16xf32>
        %swap3A_1191 = vector.shape_cast %mul3A_1186 : vector<16xf32> to vector<1x16xf32>
        tpu.vector_store %arg11[%swap3A_1187, %swap3A_1188], %swap3A_1191 {strides = array<i32>} : memref<128x128xf32, #tpu.memory_space<vmem>>, vector<1x16xf32>,
        %get3A_1192 = arith.index_cast %add3A_1171 : i32 to index
        %get3A_1193 = arith.constant 32 : index
        %get3A_1194 = tpu.vector_load %arg11[%get3A_1192, %get3A_1193] {strides = array<i32>} : memref<128x128xf32, #tpu.memory_space<vmem>>, vector<1x16xf32>,
        %get3A_1195 = vector.shape_cast %get3A_1194 : vector<1x16xf32> to vector<16xf32>
        %mul3A_1196 = arith.mulf %get3A_1195, %broadcast_in_dim3A_1167 : vector<16xf32>
        %swap3A_1197 = arith.index_cast %add3A_1171 : i32 to index
        %swap3A_1198 = arith.constant 32 : index
        %swap3A_1199 = tpu.vector_load %arg11[%swap3A_1197, %swap3A_1198] {strides = array<i32>} : memref<128x128xf32, #tpu.memory_space<vmem>>, vector<1x16xf32>,
        %swap3A_1200 = vector.shape_cast %swap3A_1199 : vector<1x16xf32> to vector<16xf32>
        %swap3A_1201 = vector.shape_cast %mul3A_1196 : vector<16xf32> to vector<1x16xf32>
        tpu.vector_store %arg11[%swap3A_1197, %swap3A_1198], %swap3A_1201 {strides = array<i32>} : memref<128x128xf32, #tpu.memory_space<vmem>>, vector<1x16xf32>,
        %get3A_1202 = arith.index_cast %add3A_1171 : i32 to index
        %get3A_1203 = arith.constant 48 : index
        %get3A_1204 = tpu.vector_load %arg11[%get3A_1202, %get3A_1203] {strides = array<i32>} : memref<128x128xf32, #tpu.memory_space<vmem>>, vector<1x16xf32>,
        %get3A_1205 = vector.shape_cast %get3A_1204 : vector<1x16xf32> to vector<16xf32>
        %mul3A_1206 = arith.mulf %get3A_1205, %broadcast_in_dim3A_1167 : vector<16xf32>
        %swap3A_1207 = arith.index_cast %add3A_1171 : i32 to index
        %swap3A_1208 = arith.constant 48 : index
        %swap3A_1209 = tpu.vector_load %arg11[%swap3A_1207, %swap3A_1208] {strides = array<i32>} : memref<128x128xf32, #tpu.memory_space<vmem>>, vector<1x16xf32>,
        %swap3A_1210 = vector.shape_cast %swap3A_1209 : vector<1x16xf32> to vector<16xf32>
        %swap3A_1211 = vector.shape_cast %mul3A_1206 : vector<16xf32> to vector<1x16xf32>
        tpu.vector_store %arg11[%swap3A_1207, %swap3A_1208], %swap3A_1211 {strides = array<i32>} : memref<128x128xf32, #tpu.memory_space<vmem>>, vector<1x16xf32>,
        %get3A_1212 = arith.index_cast %add3A_1171 : i32 to index
        %get3A_1213 = arith.constant 64 : index
        %get3A_1214 = tpu.vector_load %arg11[%get3A_1212, %get3A_1213] {strides = array<i32>} : memref<128x128xf32, #tpu.memory_space<vmem>>, vector<1x16xf32>,
        %get3A_1215 = vector.shape_cast %get3A_1214 : vector<1x16xf32> to vector<16xf32>
        %mul3A_1216 = arith.mulf %get3A_1215, %broadcast_in_dim3A_1167 : vector<16xf32>
        %swap3A_1217 = arith.index_cast %add3A_1171 : i32 to index
        %swap3A_1218 = arith.constant 64 : index
        %swap3A_1219 = tpu.vector_load %arg11[%swap3A_1217, %swap3A_1218] {strides = array<i32>} : memref<128x128xf32, #tpu.memory_space<vmem>>, vector<1x16xf32>,
        %swap3A_1220 = vector.shape_cast %swap3A_1219 : vector<1x16xf32> to vector<16xf32>
        %swap3A_1221 = vector.shape_cast %mul3A_1216 : vector<16xf32> to vector<1x16xf32>
        tpu.vector_store %arg11[%swap3A_1217, %swap3A_1218], %swap3A_1221 {strides = array<i32>} : memref<128x128xf32, #tpu.memory_space<vmem>>, vector<1x16xf32>,
        %get3A_1222 = arith.index_cast %add3A_1171 : i32 to index
        %get3A_1223 = arith.constant 80 : index
        %get3A_1224 = tpu.vector_load %arg11[%get3A_1222, %get3A_1223] {strides = array<i32>} : memref<128x128xf32, #tpu.memory_space<vmem>>, vector<1x16xf32>,
        %get3A_1225 = vector.shape_cast %get3A_1224 : vector<1x16xf32> to vector<16xf32>
        %mul3A_1226 = arith.mulf %get3A_1225, %broadcast_in_dim3A_1167 : vector<16xf32>
        %swap3A_1227 = arith.index_cast %add3A_1171 : i32 to index
        %swap3A_1228 = arith.constant 80 : index
        %swap3A_1229 = tpu.vector_load %arg11[%swap3A_1227, %swap3A_1228] {strides = array<i32>} : memref<128x128xf32, #tpu.memory_space<vmem>>, vector<1x16xf32>,
        %swap3A_1230 = vector.shape_cast %swap3A_1229 : vector<1x16xf32> to vector<16xf32>
        %swap3A_1231 = vector.shape_cast %mul3A_1226 : vector<16xf32> to vector<1x16xf32>
        tpu.vector_store %arg11[%swap3A_1227, %swap3A_1228], %swap3A_1231 {strides = array<i32>} : memref<128x128xf32, #tpu.memory_space<vmem>>, vector<1x16xf32>,
        %get3A_1232 = arith.index_cast %add3A_1171 : i32 to index
        %get3A_1233 = arith.constant 96 : index
        %get3A_1234 = tpu.vector_load %arg11[%get3A_1232, %get3A_1233] {strides = array<i32>} : memref<128x128xf32, #tpu.memory_space<vmem>>, vector<1x16xf32>,
        %get3A_1235 = vector.shape_cast %get3A_1234 : vector<1x16xf32> to vector<16xf32>
        %mul3A_1236 = arith.mulf %get3A_1235, %broadcast_in_dim3A_1167 : vector<16xf32>
        %swap3A_1237 = arith.index_cast %add3A_1171 : i32 to index
        %swap3A_1238 = arith.constant 96 : index
        %swap3A_1239 = tpu.vector_load %arg11[%swap3A_1237, %swap3A_1238] {strides = array<i32>} : memref<128x128xf32, #tpu.memory_space<vmem>>, vector<1x16xf32>,
        %swap3A_1240 = vector.shape_cast %swap3A_1239 : vector<1x16xf32> to vector<16xf32>
        %swap3A_1241 = vector.shape_cast %mul3A_1236 : vector<16xf32> to vector<1x16xf32>
        tpu.vector_store %arg11[%swap3A_1237, %swap3A_1238], %swap3A_1241 {strides = array<i32>} : memref<128x128xf32, #tpu.memory_space<vmem>>, vector<1x16xf32>,
        %get3A_1242 = arith.index_cast %add3A_1171 : i32 to index
        %get3A_1243 = arith.constant 112 : index
        %get3A_1244 = tpu.vector_load %arg11[%get3A_1242, %get3A_1243] {strides = array<i32>} : memref<128x128xf32, #tpu.memory_space<vmem>>, vector<1x16xf32>,
        %get3A_1245 = vector.shape_cast %get3A_1244 : vector<1x16xf32> to vector<16xf32>
        %mul3A_1246 = arith.mulf %get3A_1245, %broadcast_in_dim3A_1167 : vector<16xf32>
        %swap3A_1247 = arith.index_cast %add3A_1171 : i32 to index
        %swap3A_1248 = arith.constant 112 : index
        %swap3A_1249 = tpu.vector_load %arg11[%swap3A_1247, %swap3A_1248] {strides = array<i32>} : memref<128x128xf32, #tpu.memory_space<vmem>>, vector<1x16xf32>,
        %swap3A_1250 = vector.shape_cast %swap3A_1249 : vector<1x16xf32> to vector<16xf32>
        %swap3A_1251 = vector.shape_cast %mul3A_1246 : vector<16xf32> to vector<1x16xf32>
        tpu.vector_store %arg11[%swap3A_1247, %swap3A_1248], %swap3A_1251 {strides = array<i32>} : memref<128x128xf32, #tpu.memory_space<vmem>>, vector<1x16xf32>,
        %slice3A_1252 = vector.extract_strided_slice %get3A_37 {offsets = [14], sizes = [1], strides = [1]} : vector<16xf32> to vector<1xf32>
        %squeeze3A_1253 = vector.extract %slice3A_1252[0] : f32 from vector<1xf32>
        %broadcast_in_dim3A_1254 = vector.broadcast %squeeze3A_1253 : f32 to vector<16xf32>
        %mul3A_1255 = arith.constant 16 : i32
        %mul3A_1256 = arith.muli %scan3A_30, %mul3A_1255 : i32
        %add3A_1257 = arith.constant 14 : i32
        %add3A_1258 = arith.addi %mul3A_1256, %add3A_1257 : i32
        %get3A_1259 = arith.index_cast %add3A_1258 : i32 to index
        %get3A_1260 = arith.constant 0 : index
        %get3A_1261 = tpu.vector_load %arg11[%get3A_1259, %get3A_1260] {strides = array<i32>} : memref<128x128xf32, #tpu.memory_space<vmem>>, vector<1x16xf32>,
        %get3A_1262 = vector.shape_cast %get3A_1261 : vector<1x16xf32> to vector<16xf32>
        %mul3A_1263 = arith.mulf %get3A_1262, %broadcast_in_dim3A_1254 : vector<16xf32>
        %swap3A_1264 = arith.index_cast %add3A_1258 : i32 to index
        %swap3A_1265 = arith.constant 0 : index
        %swap3A_1266 = tpu.vector_load %arg11[%swap3A_1264, %swap3A_1265] {strides = array<i32>} : memref<128x128xf32, #tpu.memory_space<vmem>>, vector<1x16xf32>,
        %swap3A_1267 = vector.shape_cast %swap3A_1266 : vector<1x16xf32> to vector<16xf32>
        %swap3A_1268 = vector.shape_cast %mul3A_1263 : vector<16xf32> to vector<1x16xf32>
        tpu.vector_store %arg11[%swap3A_1264, %swap3A_1265], %swap3A_1268 {strides = array<i32>} : memref<128x128xf32, #tpu.memory_space<vmem>>, vector<1x16xf32>,
        %get3A_1269 = arith.index_cast %add3A_1258 : i32 to index
        %get3A_1270 = arith.constant 16 : index
        %get3A_1271 = tpu.vector_load %arg11[%get3A_1269, %get3A_1270] {strides = array<i32>} : memref<128x128xf32, #tpu.memory_space<vmem>>, vector<1x16xf32>,
        %get3A_1272 = vector.shape_cast %get3A_1271 : vector<1x16xf32> to vector<16xf32>
        %mul3A_1273 = arith.mulf %get3A_1272, %broadcast_in_dim3A_1254 : vector<16xf32>
        %swap3A_1274 = arith.index_cast %add3A_1258 : i32 to index
        %swap3A_1275 = arith.constant 16 : index
        %swap3A_1276 = tpu.vector_load %arg11[%swap3A_1274, %swap3A_1275] {strides = array<i32>} : memref<128x128xf32, #tpu.memory_space<vmem>>, vector<1x16xf32>,
        %swap3A_1277 = vector.shape_cast %swap3A_1276 : vector<1x16xf32> to vector<16xf32>
        %swap3A_1278 = vector.shape_cast %mul3A_1273 : vector<16xf32> to vector<1x16xf32>
        tpu.vector_store %arg11[%swap3A_1274, %swap3A_1275], %swap3A_1278 {strides = array<i32>} : memref<128x128xf32, #tpu.memory_space<vmem>>, vector<1x16xf32>,
        %get3A_1279 = arith.index_cast %add3A_1258 : i32 to index
        %get3A_1280 = arith.constant 32 : index
        %get3A_1281 = tpu.vector_load %arg11[%get3A_1279, %get3A_1280] {strides = array<i32>} : memref<128x128xf32, #tpu.memory_space<vmem>>, vector<1x16xf32>,
        %get3A_1282 = vector.shape_cast %get3A_1281 : vector<1x16xf32> to vector<16xf32>
        %mul3A_1283 = arith.mulf %get3A_1282, %broadcast_in_dim3A_1254 : vector<16xf32>
        %swap3A_1284 = arith.index_cast %add3A_1258 : i32 to index
        %swap3A_1285 = arith.constant 32 : index
        %swap3A_1286 = tpu.vector_load %arg11[%swap3A_1284, %swap3A_1285] {strides = array<i32>} : memref<128x128xf32, #tpu.memory_space<vmem>>, vector<1x16xf32>,
        %swap3A_1287 = vector.shape_cast %swap3A_1286 : vector<1x16xf32> to vector<16xf32>
        %swap3A_1288 = vector.shape_cast %mul3A_1283 : vector<16xf32> to vector<1x16xf32>
        tpu.vector_store %arg11[%swap3A_1284, %swap3A_1285], %swap3A_1288 {strides = array<i32>} : memref<128x128xf32, #tpu.memory_space<vmem>>, vector<1x16xf32>,
        %get3A_1289 = arith.index_cast %add3A_1258 : i32 to index
        %get3A_1290 = arith.constant 48 : index
        %get3A_1291 = tpu.vector_load %arg11[%get3A_1289, %get3A_1290] {strides = array<i32>} : memref<128x128xf32, #tpu.memory_space<vmem>>, vector<1x16xf32>,
        %get3A_1292 = vector.shape_cast %get3A_1291 : vector<1x16xf32> to vector<16xf32>
        %mul3A_1293 = arith.mulf %get3A_1292, %broadcast_in_dim3A_1254 : vector<16xf32>
        %swap3A_1294 = arith.index_cast %add3A_1258 : i32 to index
        %swap3A_1295 = arith.constant 48 : index
        %swap3A_1296 = tpu.vector_load %arg11[%swap3A_1294, %swap3A_1295] {strides = array<i32>} : memref<128x128xf32, #tpu.memory_space<vmem>>, vector<1x16xf32>,
        %swap3A_1297 = vector.shape_cast %swap3A_1296 : vector<1x16xf32> to vector<16xf32>
        %swap3A_1298 = vector.shape_cast %mul3A_1293 : vector<16xf32> to vector<1x16xf32>
        tpu.vector_store %arg11[%swap3A_1294, %swap3A_1295], %swap3A_1298 {strides = array<i32>} : memref<128x128xf32, #tpu.memory_space<vmem>>, vector<1x16xf32>,
        %get3A_1299 = arith.index_cast %add3A_1258 : i32 to index
        %get3A_1300 = arith.constant 64 : index
        %get3A_1301 = tpu.vector_load %arg11[%get3A_1299, %get3A_1300] {strides = array<i32>} : memref<128x128xf32, #tpu.memory_space<vmem>>, vector<1x16xf32>,
        %get3A_1302 = vector.shape_cast %get3A_1301 : vector<1x16xf32> to vector<16xf32>
        %mul3A_1303 = arith.mulf %get3A_1302, %broadcast_in_dim3A_1254 : vector<16xf32>
        %swap3A_1304 = arith.index_cast %add3A_1258 : i32 to index
        %swap3A_1305 = arith.constant 64 : index
        %swap3A_1306 = tpu.vector_load %arg11[%swap3A_1304, %swap3A_1305] {strides = array<i32>} : memref<128x128xf32, #tpu.memory_space<vmem>>, vector<1x16xf32>,
        %swap3A_1307 = vector.shape_cast %swap3A_1306 : vector<1x16xf32> to vector<16xf32>
        %swap3A_1308 = vector.shape_cast %mul3A_1303 : vector<16xf32> to vector<1x16xf32>
        tpu.vector_store %arg11[%swap3A_1304, %swap3A_1305], %swap3A_1308 {strides = array<i32>} : memref<128x128xf32, #tpu.memory_space<vmem>>, vector<1x16xf32>,
        %get3A_1309 = arith.index_cast %add3A_1258 : i32 to index
        %get3A_1310 = arith.constant 80 : index
        %get3A_1311 = tpu.vector_load %arg11[%get3A_1309, %get3A_1310] {strides = array<i32>} : memref<128x128xf32, #tpu.memory_space<vmem>>, vector<1x16xf32>,
        %get3A_1312 = vector.shape_cast %get3A_1311 : vector<1x16xf32> to vector<16xf32>
        %mul3A_1313 = arith.mulf %get3A_1312, %broadcast_in_dim3A_1254 : vector<16xf32>
        %swap3A_1314 = arith.index_cast %add3A_1258 : i32 to index
        %swap3A_1315 = arith.constant 80 : index
        %swap3A_1316 = tpu.vector_load %arg11[%swap3A_1314, %swap3A_1315] {strides = array<i32>} : memref<128x128xf32, #tpu.memory_space<vmem>>, vector<1x16xf32>,
        %swap3A_1317 = vector.shape_cast %swap3A_1316 : vector<1x16xf32> to vector<16xf32>
        %swap3A_1318 = vector.shape_cast %mul3A_1313 : vector<16xf32> to vector<1x16xf32>
        tpu.vector_store %arg11[%swap3A_1314, %swap3A_1315], %swap3A_1318 {strides = array<i32>} : memref<128x128xf32, #tpu.memory_space<vmem>>, vector<1x16xf32>,
        %get3A_1319 = arith.index_cast %add3A_1258 : i32 to index
        %get3A_1320 = arith.constant 96 : index
        %get3A_1321 = tpu.vector_load %arg11[%get3A_1319, %get3A_1320] {strides = array<i32>} : memref<128x128xf32, #tpu.memory_space<vmem>>, vector<1x16xf32>,
        %get3A_1322 = vector.shape_cast %get3A_1321 : vector<1x16xf32> to vector<16xf32>
        %mul3A_1323 = arith.mulf %get3A_1322, %broadcast_in_dim3A_1254 : vector<16xf32>
        %swap3A_1324 = arith.index_cast %add3A_1258 : i32 to index
        %swap3A_1325 = arith.constant 96 : index
        %swap3A_1326 = tpu.vector_load %arg11[%swap3A_1324, %swap3A_1325] {strides = array<i32>} : memref<128x128xf32, #tpu.memory_space<vmem>>, vector<1x16xf32>,
        %swap3A_1327 = vector.shape_cast %swap3A_1326 : vector<1x16xf32> to vector<16xf32>
        %swap3A_1328 = vector.shape_cast %mul3A_1323 : vector<16xf32> to vector<1x16xf32>
        tpu.vector_store %arg11[%swap3A_1324, %swap3A_1325], %swap3A_1328 {strides = array<i32>} : memref<128x128xf32, #tpu.memory_space<vmem>>, vector<1x16xf32>,
        %get3A_1329 = arith.index_cast %add3A_1258 : i32 to index
        %get3A_1330 = arith.constant 112 : index
        %get3A_1331 = tpu.vector_load %arg11[%get3A_1329, %get3A_1330] {strides = array<i32>} : memref<128x128xf32, #tpu.memory_space<vmem>>, vector<1x16xf32>,
        %get3A_1332 = vector.shape_cast %get3A_1331 : vector<1x16xf32> to vector<16xf32>
        %mul3A_1333 = arith.mulf %get3A_1332, %broadcast_in_dim3A_1254 : vector<16xf32>
        %swap3A_1334 = arith.index_cast %add3A_1258 : i32 to index
        %swap3A_1335 = arith.constant 112 : index
        %swap3A_1336 = tpu.vector_load %arg11[%swap3A_1334, %swap3A_1335] {strides = array<i32>} : memref<128x128xf32, #tpu.memory_space<vmem>>, vector<1x16xf32>,
        %swap3A_1337 = vector.shape_cast %swap3A_1336 : vector<1x16xf32> to vector<16xf32>
        %swap3A_1338 = vector.shape_cast %mul3A_1333 : vector<16xf32> to vector<1x16xf32>
        tpu.vector_store %arg11[%swap3A_1334, %swap3A_1335], %swap3A_1338 {strides = array<i32>} : memref<128x128xf32, #tpu.memory_space<vmem>>, vector<1x16xf32>,
        %slice3A_1339 = vector.extract_strided_slice %get3A_37 {offsets = [15], sizes = [1], strides = [1]} : vector<16xf32> to vector<1xf32>
        %squeeze3A_1340 = vector.extract %slice3A_1339[0] : f32 from vector<1xf32>
        %broadcast_in_dim3A_1341 = vector.broadcast %squeeze3A_1340 : f32 to vector<16xf32>
        %mul3A_1342 = arith.constant 16 : i32
        %mul3A_1343 = arith.muli %scan3A_30, %mul3A_1342 : i32
        %add3A_1344 = arith.constant 15 : i32
        %add3A_1345 = arith.addi %mul3A_1343, %add3A_1344 : i32
        %get3A_1346 = arith.index_cast %add3A_1345 : i32 to index
        %get3A_1347 = arith.constant 0 : index
        %get3A_1348 = tpu.vector_load %arg11[%get3A_1346, %get3A_1347] {strides = array<i32>} : memref<128x128xf32, #tpu.memory_space<vmem>>, vector<1x16xf32>,
        %get3A_1349 = vector.shape_cast %get3A_1348 : vector<1x16xf32> to vector<16xf32>
        %mul3A_1350 = arith.mulf %get3A_1349, %broadcast_in_dim3A_1341 : vector<16xf32>
        %swap3A_1351 = arith.index_cast %add3A_1345 : i32 to index
        %swap3A_1352 = arith.constant 0 : index
        %swap3A_1353 = tpu.vector_load %arg11[%swap3A_1351, %swap3A_1352] {strides = array<i32>} : memref<128x128xf32, #tpu.memory_space<vmem>>, vector<1x16xf32>,
        %swap3A_1354 = vector.shape_cast %swap3A_1353 : vector<1x16xf32> to vector<16xf32>
        %swap3A_1355 = vector.shape_cast %mul3A_1350 : vector<16xf32> to vector<1x16xf32>
        tpu.vector_store %arg11[%swap3A_1351, %swap3A_1352], %swap3A_1355 {strides = array<i32>} : memref<128x128xf32, #tpu.memory_space<vmem>>, vector<1x16xf32>,
        %get3A_1356 = arith.index_cast %add3A_1345 : i32 to index
        %get3A_1357 = arith.constant 16 : index
        %get3A_1358 = tpu.vector_load %arg11[%get3A_1356, %get3A_1357] {strides = array<i32>} : memref<128x128xf32, #tpu.memory_space<vmem>>, vector<1x16xf32>,
        %get3A_1359 = vector.shape_cast %get3A_1358 : vector<1x16xf32> to vector<16xf32>
        %mul3A_1360 = arith.mulf %get3A_1359, %broadcast_in_dim3A_1341 : vector<16xf32>
        %swap3A_1361 = arith.index_cast %add3A_1345 : i32 to index
        %swap3A_1362 = arith.constant 16 : index
        %swap3A_1363 = tpu.vector_load %arg11[%swap3A_1361, %swap3A_1362] {strides = array<i32>} : memref<128x128xf32, #tpu.memory_space<vmem>>, vector<1x16xf32>,
        %swap3A_1364 = vector.shape_cast %swap3A_1363 : vector<1x16xf32> to vector<16xf32>
        %swap3A_1365 = vector.shape_cast %mul3A_1360 : vector<16xf32> to vector<1x16xf32>
        tpu.vector_store %arg11[%swap3A_1361, %swap3A_1362], %swap3A_1365 {strides = array<i32>} : memref<128x128xf32, #tpu.memory_space<vmem>>, vector<1x16xf32>,
        %get3A_1366 = arith.index_cast %add3A_1345 : i32 to index
        %get3A_1367 = arith.constant 32 : index
        %get3A_1368 = tpu.vector_load %arg11[%get3A_1366, %get3A_1367] {strides = array<i32>} : memref<128x128xf32, #tpu.memory_space<vmem>>, vector<1x16xf32>,
        %get3A_1369 = vector.shape_cast %get3A_1368 : vector<1x16xf32> to vector<16xf32>
        %mul3A_1370 = arith.mulf %get3A_1369, %broadcast_in_dim3A_1341 : vector<16xf32>
        %swap3A_1371 = arith.index_cast %add3A_1345 : i32 to index
        %swap3A_1372 = arith.constant 32 : index
        %swap3A_1373 = tpu.vector_load %arg11[%swap3A_1371, %swap3A_1372] {strides = array<i32>} : memref<128x128xf32, #tpu.memory_space<vmem>>, vector<1x16xf32>,
        %swap3A_1374 = vector.shape_cast %swap3A_1373 : vector<1x16xf32> to vector<16xf32>
        %swap3A_1375 = vector.shape_cast %mul3A_1370 : vector<16xf32> to vector<1x16xf32>
        tpu.vector_store %arg11[%swap3A_1371, %swap3A_1372], %swap3A_1375 {strides = array<i32>} : memref<128x128xf32, #tpu.memory_space<vmem>>, vector<1x16xf32>,
        %get3A_1376 = arith.index_cast %add3A_1345 : i32 to index
        %get3A_1377 = arith.constant 48 : index
        %get3A_1378 = tpu.vector_load %arg11[%get3A_1376, %get3A_1377] {strides = array<i32>} : memref<128x128xf32, #tpu.memory_space<vmem>>, vector<1x16xf32>,
        %get3A_1379 = vector.shape_cast %get3A_1378 : vector<1x16xf32> to vector<16xf32>
        %mul3A_1380 = arith.mulf %get3A_1379, %broadcast_in_dim3A_1341 : vector<16xf32>
        %swap3A_1381 = arith.index_cast %add3A_1345 : i32 to index
        %swap3A_1382 = arith.constant 48 : index
        %swap3A_1383 = tpu.vector_load %arg11[%swap3A_1381, %swap3A_1382] {strides = array<i32>} : memref<128x128xf32, #tpu.memory_space<vmem>>, vector<1x16xf32>,
        %swap3A_1384 = vector.shape_cast %swap3A_1383 : vector<1x16xf32> to vector<16xf32>
        %swap3A_1385 = vector.shape_cast %mul3A_1380 : vector<16xf32> to vector<1x16xf32>
        tpu.vector_store %arg11[%swap3A_1381, %swap3A_1382], %swap3A_1385 {strides = array<i32>} : memref<128x128xf32, #tpu.memory_space<vmem>>, vector<1x16xf32>,
        %get3A_1386 = arith.index_cast %add3A_1345 : i32 to index
        %get3A_1387 = arith.constant 64 : index
        %get3A_1388 = tpu.vector_load %arg11[%get3A_1386, %get3A_1387] {strides = array<i32>} : memref<128x128xf32, #tpu.memory_space<vmem>>, vector<1x16xf32>,
        %get3A_1389 = vector.shape_cast %get3A_1388 : vector<1x16xf32> to vector<16xf32>
        %mul3A_1390 = arith.mulf %get3A_1389, %broadcast_in_dim3A_1341 : vector<16xf32>
        %swap3A_1391 = arith.index_cast %add3A_1345 : i32 to index
        %swap3A_1392 = arith.constant 64 : index
        %swap3A_1393 = tpu.vector_load %arg11[%swap3A_1391, %swap3A_1392] {strides = array<i32>} : memref<128x128xf32, #tpu.memory_space<vmem>>, vector<1x16xf32>,
        %swap3A_1394 = vector.shape_cast %swap3A_1393 : vector<1x16xf32> to vector<16xf32>
        %swap3A_1395 = vector.shape_cast %mul3A_1390 : vector<16xf32> to vector<1x16xf32>
        tpu.vector_store %arg11[%swap3A_1391, %swap3A_1392], %swap3A_1395 {strides = array<i32>} : memref<128x128xf32, #tpu.memory_space<vmem>>, vector<1x16xf32>,
        %get3A_1396 = arith.index_cast %add3A_1345 : i32 to index
        %get3A_1397 = arith.constant 80 : index
        %get3A_1398 = tpu.vector_load %arg11[%get3A_1396, %get3A_1397] {strides = array<i32>} : memref<128x128xf32, #tpu.memory_space<vmem>>, vector<1x16xf32>,
        %get3A_1399 = vector.shape_cast %get3A_1398 : vector<1x16xf32> to vector<16xf32>
        %mul3A_1400 = arith.mulf %get3A_1399, %broadcast_in_dim3A_1341 : vector<16xf32>
        %swap3A_1401 = arith.index_cast %add3A_1345 : i32 to index
        %swap3A_1402 = arith.constant 80 : index
        %swap3A_1403 = tpu.vector_load %arg11[%swap3A_1401, %swap3A_1402] {strides = array<i32>} : memref<128x128xf32, #tpu.memory_space<vmem>>, vector<1x16xf32>,
        %swap3A_1404 = vector.shape_cast %swap3A_1403 : vector<1x16xf32> to vector<16xf32>
        %swap3A_1405 = vector.shape_cast %mul3A_1400 : vector<16xf32> to vector<1x16xf32>
        tpu.vector_store %arg11[%swap3A_1401, %swap3A_1402], %swap3A_1405 {strides = array<i32>} : memref<128x128xf32, #tpu.memory_space<vmem>>, vector<1x16xf32>,
        %get3A_1406 = arith.index_cast %add3A_1345 : i32 to index
        %get3A_1407 = arith.constant 96 : index
        %get3A_1408 = tpu.vector_load %arg11[%get3A_1406, %get3A_1407] {strides = array<i32>} : memref<128x128xf32, #tpu.memory_space<vmem>>, vector<1x16xf32>,
        %get3A_1409 = vector.shape_cast %get3A_1408 : vector<1x16xf32> to vector<16xf32>
        %mul3A_1410 = arith.mulf %get3A_1409, %broadcast_in_dim3A_1341 : vector<16xf32>
        %swap3A_1411 = arith.index_cast %add3A_1345 : i32 to index
        %swap3A_1412 = arith.constant 96 : index
        %swap3A_1413 = tpu.vector_load %arg11[%swap3A_1411, %swap3A_1412] {strides = array<i32>} : memref<128x128xf32, #tpu.memory_space<vmem>>, vector<1x16xf32>,
        %swap3A_1414 = vector.shape_cast %swap3A_1413 : vector<1x16xf32> to vector<16xf32>
        %swap3A_1415 = vector.shape_cast %mul3A_1410 : vector<16xf32> to vector<1x16xf32>
        tpu.vector_store %arg11[%swap3A_1411, %swap3A_1412], %swap3A_1415 {strides = array<i32>} : memref<128x128xf32, #tpu.memory_space<vmem>>, vector<1x16xf32>,
        %get3A_1416 = arith.index_cast %add3A_1345 : i32 to index
        %get3A_1417 = arith.constant 112 : index
        %get3A_1418 = tpu.vector_load %arg11[%get3A_1416, %get3A_1417] {strides = array<i32>} : memref<128x128xf32, #tpu.memory_space<vmem>>, vector<1x16xf32>,
        %get3A_1419 = vector.shape_cast %get3A_1418 : vector<1x16xf32> to vector<16xf32>
        %mul3A_1420 = arith.mulf %get3A_1419, %broadcast_in_dim3A_1341 : vector<16xf32>
        %swap3A_1421 = arith.index_cast %add3A_1345 : i32 to index
        %swap3A_1422 = arith.constant 112 : index
        %swap3A_1423 = tpu.vector_load %arg11[%swap3A_1421, %swap3A_1422] {strides = array<i32>} : memref<128x128xf32, #tpu.memory_space<vmem>>, vector<1x16xf32>,
        %swap3A_1424 = vector.shape_cast %swap3A_1423 : vector<1x16xf32> to vector<16xf32>
        %swap3A_1425 = vector.shape_cast %mul3A_1420 : vector<16xf32> to vector<1x16xf32>
        tpu.vector_store %arg11[%swap3A_1421, %swap3A_1422], %swap3A_1425 {strides = array<i32>} : memref<128x128xf32, #tpu.memory_space<vmem>>, vector<1x16xf32>,
        %mul3A_1426 = arith.constant 16 : i32
        %mul3A_1427 = arith.muli %add3A_32, %mul3A_1426 : i32
        %get3A_1428 = arith.index_cast %scan3A_13 : i32 to index
        %get3A_1429 = arith.index_cast %mul3A_1427 : i32 to index
        %get3A_1430 = tpu.vector_load %arg10[%get3A_1428, %get3A_1429] {strides = array<i32>} : memref<79x128xf32, #tpu.memory_space<vmem>>, vector<1x16xf32>,
        %get3A_1431 = vector.shape_cast %get3A_1430 : vector<1x16xf32> to vector<16xf32>
        %slice3A_1432 = vector.extract_strided_slice %get3A_1431 {offsets = [0], sizes = [1], strides = [1]} : vector<16xf32> to vector<1xf32>
        %squeeze3A_1433 = vector.extract %slice3A_1432[0] : f32 from vector<1xf32>
        %broadcast_in_dim3A_1434 = vector.broadcast %squeeze3A_1433 : f32 to vector<16xf32>
        %mul3A_1435 = arith.constant 16 : i32
        %mul3A_1436 = arith.muli %add3A_32, %mul3A_1435 : i32
        %add3A_1437 = arith.constant 0 : i32
        %add3A_1438 = arith.addi %mul3A_1436, %add3A_1437 : i32
        %get3A_1439 = arith.index_cast %add3A_1438 : i32 to index
        %get3A_1440 = arith.constant 0 : index
        %get3A_1441 = tpu.vector_load %arg11[%get3A_1439, %get3A_1440] {strides = array<i32>} : memref<128x128xf32, #tpu.memory_space<vmem>>, vector<1x16xf32>,
        %get3A_1442 = vector.shape_cast %get3A_1441 : vector<1x16xf32> to vector<16xf32>
        %mul3A_1443 = arith.mulf %get3A_1442, %broadcast_in_dim3A_1434 : vector<16xf32>
        %swap3A_1444 = arith.index_cast %add3A_1438 : i32 to index
        %swap3A_1445 = arith.constant 0 : index
        %swap3A_1446 = tpu.vector_load %arg11[%swap3A_1444, %swap3A_1445] {strides = array<i32>} : memref<128x128xf32, #tpu.memory_space<vmem>>, vector<1x16xf32>,
        %swap3A_1447 = vector.shape_cast %swap3A_1446 : vector<1x16xf32> to vector<16xf32>
        %swap3A_1448 = vector.shape_cast %mul3A_1443 : vector<16xf32> to vector<1x16xf32>
        tpu.vector_store %arg11[%swap3A_1444, %swap3A_1445], %swap3A_1448 {strides = array<i32>} : memref<128x128xf32, #tpu.memory_space<vmem>>, vector<1x16xf32>,
        %get3A_1449 = arith.index_cast %add3A_1438 : i32 to index
        %get3A_1450 = arith.constant 16 : index
        %get3A_1451 = tpu.vector_load %arg11[%get3A_1449, %get3A_1450] {strides = array<i32>} : memref<128x128xf32, #tpu.memory_space<vmem>>, vector<1x16xf32>,
        %get3A_1452 = vector.shape_cast %get3A_1451 : vector<1x16xf32> to vector<16xf32>
        %mul3A_1453 = arith.mulf %get3A_1452, %broadcast_in_dim3A_1434 : vector<16xf32>
        %swap3A_1454 = arith.index_cast %add3A_1438 : i32 to index
        %swap3A_1455 = arith.constant 16 : index
        %swap3A_1456 = tpu.vector_load %arg11[%swap3A_1454, %swap3A_1455] {strides = array<i32>} : memref<128x128xf32, #tpu.memory_space<vmem>>, vector<1x16xf32>,
        %swap3A_1457 = vector.shape_cast %swap3A_1456 : vector<1x16xf32> to vector<16xf32>
        %swap3A_1458 = vector.shape_cast %mul3A_1453 : vector<16xf32> to vector<1x16xf32>
        tpu.vector_store %arg11[%swap3A_1454, %swap3A_1455], %swap3A_1458 {strides = array<i32>} : memref<128x128xf32, #tpu.memory_space<vmem>>, vector<1x16xf32>,
        %get3A_1459 = arith.index_cast %add3A_1438 : i32 to index
        %get3A_1460 = arith.constant 32 : index
        %get3A_1461 = tpu.vector_load %arg11[%get3A_1459, %get3A_1460] {strides = array<i32>} : memref<128x128xf32, #tpu.memory_space<vmem>>, vector<1x16xf32>,
        %get3A_1462 = vector.shape_cast %get3A_1461 : vector<1x16xf32> to vector<16xf32>
        %mul3A_1463 = arith.mulf %get3A_1462, %broadcast_in_dim3A_1434 : vector<16xf32>
        %swap3A_1464 = arith.index_cast %add3A_1438 : i32 to index
        %swap3A_1465 = arith.constant 32 : index
        %swap3A_1466 = tpu.vector_load %arg11[%swap3A_1464, %swap3A_1465] {strides = array<i32>} : memref<128x128xf32, #tpu.memory_space<vmem>>, vector<1x16xf32>,
        %swap3A_1467 = vector.shape_cast %swap3A_1466 : vector<1x16xf32> to vector<16xf32>
        %swap3A_1468 = vector.shape_cast %mul3A_1463 : vector<16xf32> to vector<1x16xf32>
        tpu.vector_store %arg11[%swap3A_1464, %swap3A_1465], %swap3A_1468 {strides = array<i32>} : memref<128x128xf32, #tpu.memory_space<vmem>>, vector<1x16xf32>,
        %get3A_1469 = arith.index_cast %add3A_1438 : i32 to index
        %get3A_1470 = arith.constant 48 : index
        %get3A_1471 = tpu.vector_load %arg11[%get3A_1469, %get3A_1470] {strides = array<i32>} : memref<128x128xf32, #tpu.memory_space<vmem>>, vector<1x16xf32>,
        %get3A_1472 = vector.shape_cast %get3A_1471 : vector<1x16xf32> to vector<16xf32>
        %mul3A_1473 = arith.mulf %get3A_1472, %broadcast_in_dim3A_1434 : vector<16xf32>
        %swap3A_1474 = arith.index_cast %add3A_1438 : i32 to index
        %swap3A_1475 = arith.constant 48 : index
        %swap3A_1476 = tpu.vector_load %arg11[%swap3A_1474, %swap3A_1475] {strides = array<i32>} : memref<128x128xf32, #tpu.memory_space<vmem>>, vector<1x16xf32>,
        %swap3A_1477 = vector.shape_cast %swap3A_1476 : vector<1x16xf32> to vector<16xf32>
        %swap3A_1478 = vector.shape_cast %mul3A_1473 : vector<16xf32> to vector<1x16xf32>
        tpu.vector_store %arg11[%swap3A_1474, %swap3A_1475], %swap3A_1478 {strides = array<i32>} : memref<128x128xf32, #tpu.memory_space<vmem>>, vector<1x16xf32>,
        %get3A_1479 = arith.index_cast %add3A_1438 : i32 to index
        %get3A_1480 = arith.constant 64 : index
        %get3A_1481 = tpu.vector_load %arg11[%get3A_1479, %get3A_1480] {strides = array<i32>} : memref<128x128xf32, #tpu.memory_space<vmem>>, vector<1x16xf32>,
        %get3A_1482 = vector.shape_cast %get3A_1481 : vector<1x16xf32> to vector<16xf32>
        %mul3A_1483 = arith.mulf %get3A_1482, %broadcast_in_dim3A_1434 : vector<16xf32>
        %swap3A_1484 = arith.index_cast %add3A_1438 : i32 to index
        %swap3A_1485 = arith.constant 64 : index
        %swap3A_1486 = tpu.vector_load %arg11[%swap3A_1484, %swap3A_1485] {strides = array<i32>} : memref<128x128xf32, #tpu.memory_space<vmem>>, vector<1x16xf32>,
        %swap3A_1487 = vector.shape_cast %swap3A_1486 : vector<1x16xf32> to vector<16xf32>
        %swap3A_1488 = vector.shape_cast %mul3A_1483 : vector<16xf32> to vector<1x16xf32>
        tpu.vector_store %arg11[%swap3A_1484, %swap3A_1485], %swap3A_1488 {strides = array<i32>} : memref<128x128xf32, #tpu.memory_space<vmem>>, vector<1x16xf32>,
        %get3A_1489 = arith.index_cast %add3A_1438 : i32 to index
        %get3A_1490 = arith.constant 80 : index
        %get3A_1491 = tpu.vector_load %arg11[%get3A_1489, %get3A_1490] {strides = array<i32>} : memref<128x128xf32, #tpu.memory_space<vmem>>, vector<1x16xf32>,
        %get3A_1492 = vector.shape_cast %get3A_1491 : vector<1x16xf32> to vector<16xf32>
        %mul3A_1493 = arith.mulf %get3A_1492, %broadcast_in_dim3A_1434 : vector<16xf32>
        %swap3A_1494 = arith.index_cast %add3A_1438 : i32 to index
        %swap3A_1495 = arith.constant 80 : index
        %swap3A_1496 = tpu.vector_load %arg11[%swap3A_1494, %swap3A_1495] {strides = array<i32>} : memref<128x128xf32, #tpu.memory_space<vmem>>, vector<1x16xf32>,
        %swap3A_1497 = vector.shape_cast %swap3A_1496 : vector<1x16xf32> to vector<16xf32>
        %swap3A_1498 = vector.shape_cast %mul3A_1493 : vector<16xf32> to vector<1x16xf32>
        tpu.vector_store %arg11[%swap3A_1494, %swap3A_1495], %swap3A_1498 {strides = array<i32>} : memref<128x128xf32, #tpu.memory_space<vmem>>, vector<1x16xf32>,
        %get3A_1499 = arith.index_cast %add3A_1438 : i32 to index
        %get3A_1500 = arith.constant 96 : index
        %get3A_1501 = tpu.vector_load %arg11[%get3A_1499, %get3A_1500] {strides = array<i32>} : memref<128x128xf32, #tpu.memory_space<vmem>>, vector<1x16xf32>,
        %get3A_1502 = vector.shape_cast %get3A_1501 : vector<1x16xf32> to vector<16xf32>
        %mul3A_1503 = arith.mulf %get3A_1502, %broadcast_in_dim3A_1434 : vector<16xf32>
        %swap3A_1504 = arith.index_cast %add3A_1438 : i32 to index
        %swap3A_1505 = arith.constant 96 : index
        %swap3A_1506 = tpu.vector_load %arg11[%swap3A_1504, %swap3A_1505] {strides = array<i32>} : memref<128x128xf32, #tpu.memory_space<vmem>>, vector<1x16xf32>,
        %swap3A_1507 = vector.shape_cast %swap3A_1506 : vector<1x16xf32> to vector<16xf32>
        %swap3A_1508 = vector.shape_cast %mul3A_1503 : vector<16xf32> to vector<1x16xf32>
        tpu.vector_store %arg11[%swap3A_1504, %swap3A_1505], %swap3A_1508 {strides = array<i32>} : memref<128x128xf32, #tpu.memory_space<vmem>>, vector<1x16xf32>,
        %get3A_1509 = arith.index_cast %add3A_1438 : i32 to index
        %get3A_1510 = arith.constant 112 : index
        %get3A_1511 = tpu.vector_load %arg11[%get3A_1509, %get3A_1510] {strides = array<i32>} : memref<128x128xf32, #tpu.memory_space<vmem>>, vector<1x16xf32>,
        %get3A_1512 = vector.shape_cast %get3A_1511 : vector<1x16xf32> to vector<16xf32>
        %mul3A_1513 = arith.mulf %get3A_1512, %broadcast_in_dim3A_1434 : vector<16xf32>
        %swap3A_1514 = arith.index_cast %add3A_1438 : i32 to index
        %swap3A_1515 = arith.constant 112 : index
        %swap3A_1516 = tpu.vector_load %arg11[%swap3A_1514, %swap3A_1515] {strides = array<i32>} : memref<128x128xf32, #tpu.memory_space<vmem>>, vector<1x16xf32>,
        %swap3A_1517 = vector.shape_cast %swap3A_1516 : vector<1x16xf32> to vector<16xf32>
        %swap3A_1518 = vector.shape_cast %mul3A_1513 : vector<16xf32> to vector<1x16xf32>
        tpu.vector_store %arg11[%swap3A_1514, %swap3A_1515], %swap3A_1518 {strides = array<i32>} : memref<128x128xf32, #tpu.memory_space<vmem>>, vector<1x16xf32>,
        %slice3A_1519 = vector.extract_strided_slice %get3A_1431 {offsets = [1], sizes = [1], strides = [1]} : vector<16xf32> to vector<1xf32>
        %squeeze3A_1520 = vector.extract %slice3A_1519[0] : f32 from vector<1xf32>
        %broadcast_in_dim3A_1521 = vector.broadcast %squeeze3A_1520 : f32 to vector<16xf32>
        %mul3A_1522 = arith.constant 16 : i32
        %mul3A_1523 = arith.muli %add3A_32, %mul3A_1522 : i32
        %add3A_1524 = arith.constant 1 : i32
        %add3A_1525 = arith.addi %mul3A_1523, %add3A_1524 : i32
        %get3A_1526 = arith.index_cast %add3A_1525 : i32 to index
        %get3A_1527 = arith.constant 0 : index
        %get3A_1528 = tpu.vector_load %arg11[%get3A_1526, %get3A_1527] {strides = array<i32>} : memref<128x128xf32, #tpu.memory_space<vmem>>, vector<1x16xf32>,
        %get3A_1529 = vector.shape_cast %get3A_1528 : vector<1x16xf32> to vector<16xf32>
        %mul3A_1530 = arith.mulf %get3A_1529, %broadcast_in_dim3A_1521 : vector<16xf32>
        %swap3A_1531 = arith.index_cast %add3A_1525 : i32 to index
        %swap3A_1532 = arith.constant 0 : index
        %swap3A_1533 = tpu.vector_load %arg11[%swap3A_1531, %swap3A_1532] {strides = array<i32>} : memref<128x128xf32, #tpu.memory_space<vmem>>, vector<1x16xf32>,
        %swap3A_1534 = vector.shape_cast %swap3A_1533 : vector<1x16xf32> to vector<16xf32>
        %swap3A_1535 = vector.shape_cast %mul3A_1530 : vector<16xf32> to vector<1x16xf32>
        tpu.vector_store %arg11[%swap3A_1531, %swap3A_1532], %swap3A_1535 {strides = array<i32>} : memref<128x128xf32, #tpu.memory_space<vmem>>, vector<1x16xf32>,
        %get3A_1536 = arith.index_cast %add3A_1525 : i32 to index
        %get3A_1537 = arith.constant 16 : index
        %get3A_1538 = tpu.vector_load %arg11[%get3A_1536, %get3A_1537] {strides = array<i32>} : memref<128x128xf32, #tpu.memory_space<vmem>>, vector<1x16xf32>,
        %get3A_1539 = vector.shape_cast %get3A_1538 : vector<1x16xf32> to vector<16xf32>
        %mul3A_1540 = arith.mulf %get3A_1539, %broadcast_in_dim3A_1521 : vector<16xf32>
        %swap3A_1541 = arith.index_cast %add3A_1525 : i32 to index
        %swap3A_1542 = arith.constant 16 : index
        %swap3A_1543 = tpu.vector_load %arg11[%swap3A_1541, %swap3A_1542] {strides = array<i32>} : memref<128x128xf32, #tpu.memory_space<vmem>>, vector<1x16xf32>,
        %swap3A_1544 = vector.shape_cast %swap3A_1543 : vector<1x16xf32> to vector<16xf32>
        %swap3A_1545 = vector.shape_cast %mul3A_1540 : vector<16xf32> to vector<1x16xf32>
        tpu.vector_store %arg11[%swap3A_1541, %swap3A_1542], %swap3A_1545 {strides = array<i32>} : memref<128x128xf32, #tpu.memory_space<vmem>>, vector<1x16xf32>,
        %get3A_1546 = arith.index_cast %add3A_1525 : i32 to index
        %get3A_1547 = arith.constant 32 : index
        %get3A_1548 = tpu.vector_load %arg11[%get3A_1546, %get3A_1547] {strides = array<i32>} : memref<128x128xf32, #tpu.memory_space<vmem>>, vector<1x16xf32>,
        %get3A_1549 = vector.shape_cast %get3A_1548 : vector<1x16xf32> to vector<16xf32>
        %mul3A_1550 = arith.mulf %get3A_1549, %broadcast_in_dim3A_1521 : vector<16xf32>
        %swap3A_1551 = arith.index_cast %add3A_1525 : i32 to index
        %swap3A_1552 = arith.constant 32 : index
        %swap3A_1553 = tpu.vector_load %arg11[%swap3A_1551, %swap3A_1552] {strides = array<i32>} : memref<128x128xf32, #tpu.memory_space<vmem>>, vector<1x16xf32>,
        %swap3A_1554 = vector.shape_cast %swap3A_1553 : vector<1x16xf32> to vector<16xf32>
        %swap3A_1555 = vector.shape_cast %mul3A_1550 : vector<16xf32> to vector<1x16xf32>
        tpu.vector_store %arg11[%swap3A_1551, %swap3A_1552], %swap3A_1555 {strides = array<i32>} : memref<128x128xf32, #tpu.memory_space<vmem>>, vector<1x16xf32>,
        %get3A_1556 = arith.index_cast %add3A_1525 : i32 to index
        %get3A_1557 = arith.constant 48 : index
        %get3A_1558 = tpu.vector_load %arg11[%get3A_1556, %get3A_1557] {strides = array<i32>} : memref<128x128xf32, #tpu.memory_space<vmem>>, vector<1x16xf32>,
        %get3A_1559 = vector.shape_cast %get3A_1558 : vector<1x16xf32> to vector<16xf32>
        %mul3A_1560 = arith.mulf %get3A_1559, %broadcast_in_dim3A_1521 : vector<16xf32>
        %swap3A_1561 = arith.index_cast %add3A_1525 : i32 to index
        %swap3A_1562 = arith.constant 48 : index
        %swap3A_1563 = tpu.vector_load %arg11[%swap3A_1561, %swap3A_1562] {strides = array<i32>} : memref<128x128xf32, #tpu.memory_space<vmem>>, vector<1x16xf32>,
        %swap3A_1564 = vector.shape_cast %swap3A_1563 : vector<1x16xf32> to vector<16xf32>
        %swap3A_1565 = vector.shape_cast %mul3A_1560 : vector<16xf32> to vector<1x16xf32>
        tpu.vector_store %arg11[%swap3A_1561, %swap3A_1562], %swap3A_1565 {strides = array<i32>} : memref<128x128xf32, #tpu.memory_space<vmem>>, vector<1x16xf32>,
        %get3A_1566 = arith.index_cast %add3A_1525 : i32 to index
        %get3A_1567 = arith.constant 64 : index
        %get3A_1568 = tpu.vector_load %arg11[%get3A_1566, %get3A_1567] {strides = array<i32>} : memref<128x128xf32, #tpu.memory_space<vmem>>, vector<1x16xf32>,
        %get3A_1569 = vector.shape_cast %get3A_1568 : vector<1x16xf32> to vector<16xf32>
        %mul3A_1570 = arith.mulf %get3A_1569, %broadcast_in_dim3A_1521 : vector<16xf32>
        %swap3A_1571 = arith.index_cast %add3A_1525 : i32 to index
        %swap3A_1572 = arith.constant 64 : index
        %swap3A_1573 = tpu.vector_load %arg11[%swap3A_1571, %swap3A_1572] {strides = array<i32>} : memref<128x128xf32, #tpu.memory_space<vmem>>, vector<1x16xf32>,
        %swap3A_1574 = vector.shape_cast %swap3A_1573 : vector<1x16xf32> to vector<16xf32>
        %swap3A_1575 = vector.shape_cast %mul3A_1570 : vector<16xf32> to vector<1x16xf32>
        tpu.vector_store %arg11[%swap3A_1571, %swap3A_1572], %swap3A_1575 {strides = array<i32>} : memref<128x128xf32, #tpu.memory_space<vmem>>, vector<1x16xf32>,
        %get3A_1576 = arith.index_cast %add3A_1525 : i32 to index
        %get3A_1577 = arith.constant 80 : index
        %get3A_1578 = tpu.vector_load %arg11[%get3A_1576, %get3A_1577] {strides = array<i32>} : memref<128x128xf32, #tpu.memory_space<vmem>>, vector<1x16xf32>,
        %get3A_1579 = vector.shape_cast %get3A_1578 : vector<1x16xf32> to vector<16xf32>
        %mul3A_1580 = arith.mulf %get3A_1579, %broadcast_in_dim3A_1521 : vector<16xf32>
        %swap3A_1581 = arith.index_cast %add3A_1525 : i32 to index
        %swap3A_1582 = arith.constant 80 : index
        %swap3A_1583 = tpu.vector_load %arg11[%swap3A_1581, %swap3A_1582] {strides = array<i32>} : memref<128x128xf32, #tpu.memory_space<vmem>>, vector<1x16xf32>,
        %swap3A_1584 = vector.shape_cast %swap3A_1583 : vector<1x16xf32> to vector<16xf32>
        %swap3A_1585 = vector.shape_cast %mul3A_1580 : vector<16xf32> to vector<1x16xf32>
        tpu.vector_store %arg11[%swap3A_1581, %swap3A_1582], %swap3A_1585 {strides = array<i32>} : memref<128x128xf32, #tpu.memory_space<vmem>>, vector<1x16xf32>,
        %get3A_1586 = arith.index_cast %add3A_1525 : i32 to index
        %get3A_1587 = arith.constant 96 : index
        %get3A_1588 = tpu.vector_load %arg11[%get3A_1586, %get3A_1587] {strides = array<i32>} : memref<128x128xf32, #tpu.memory_space<vmem>>, vector<1x16xf32>,
        %get3A_1589 = vector.shape_cast %get3A_1588 : vector<1x16xf32> to vector<16xf32>
        %mul3A_1590 = arith.mulf %get3A_1589, %broadcast_in_dim3A_1521 : vector<16xf32>
        %swap3A_1591 = arith.index_cast %add3A_1525 : i32 to index
        %swap3A_1592 = arith.constant 96 : index
        %swap3A_1593 = tpu.vector_load %arg11[%swap3A_1591, %swap3A_1592] {strides = array<i32>} : memref<128x128xf32, #tpu.memory_space<vmem>>, vector<1x16xf32>,
        %swap3A_1594 = vector.shape_cast %swap3A_1593 : vector<1x16xf32> to vector<16xf32>
        %swap3A_1595 = vector.shape_cast %mul3A_1590 : vector<16xf32> to vector<1x16xf32>
        tpu.vector_store %arg11[%swap3A_1591, %swap3A_1592], %swap3A_1595 {strides = array<i32>} : memref<128x128xf32, #tpu.memory_space<vmem>>, vector<1x16xf32>,
        %get3A_1596 = arith.index_cast %add3A_1525 : i32 to index
        %get3A_1597 = arith.constant 112 : index
        %get3A_1598 = tpu.vector_load %arg11[%get3A_1596, %get3A_1597] {strides = array<i32>} : memref<128x128xf32, #tpu.memory_space<vmem>>, vector<1x16xf32>,
        %get3A_1599 = vector.shape_cast %get3A_1598 : vector<1x16xf32> to vector<16xf32>
        %mul3A_1600 = arith.mulf %get3A_1599, %broadcast_in_dim3A_1521 : vector<16xf32>
        %swap3A_1601 = arith.index_cast %add3A_1525 : i32 to index
        %swap3A_1602 = arith.constant 112 : index
        %swap3A_1603 = tpu.vector_load %arg11[%swap3A_1601, %swap3A_1602] {strides = array<i32>} : memref<128x128xf32, #tpu.memory_space<vmem>>, vector<1x16xf32>,
        %swap3A_1604 = vector.shape_cast %swap3A_1603 : vector<1x16xf32> to vector<16xf32>
        %swap3A_1605 = vector.shape_cast %mul3A_1600 : vector<16xf32> to vector<1x16xf32>
        tpu.vector_store %arg11[%swap3A_1601, %swap3A_1602], %swap3A_1605 {strides = array<i32>} : memref<128x128xf32, #tpu.memory_space<vmem>>, vector<1x16xf32>,
        %slice3A_1606 = vector.extract_strided_slice %get3A_1431 {offsets = [2], sizes = [1], strides = [1]} : vector<16xf32> to vector<1xf32>
        %squeeze3A_1607 = vector.extract %slice3A_1606[0] : f32 from vector<1xf32>
        %broadcast_in_dim3A_1608 = vector.broadcast %squeeze3A_1607 : f32 to vector<16xf32>
        %mul3A_1609 = arith.constant 16 : i32
        %mul3A_1610 = arith.muli %add3A_32, %mul3A_1609 : i32
        %add3A_1611 = arith.constant 2 : i32
        %add3A_1612 = arith.addi %mul3A_1610, %add3A_1611 : i32
        %get3A_1613 = arith.index_cast %add3A_1612 : i32 to index
        %get3A_1614 = arith.constant 0 : index
        %get3A_1615 = tpu.vector_load %arg11[%get3A_1613, %get3A_1614] {strides = array<i32>} : memref<128x128xf32, #tpu.memory_space<vmem>>, vector<1x16xf32>,
        %get3A_1616 = vector.shape_cast %get3A_1615 : vector<1x16xf32> to vector<16xf32>
        %mul3A_1617 = arith.mulf %get3A_1616, %broadcast_in_dim3A_1608 : vector<16xf32>
        %swap3A_1618 = arith.index_cast %add3A_1612 : i32 to index
        %swap3A_1619 = arith.constant 0 : index
        %swap3A_1620 = tpu.vector_load %arg11[%swap3A_1618, %swap3A_1619] {strides = array<i32>} : memref<128x128xf32, #tpu.memory_space<vmem>>, vector<1x16xf32>,
        %swap3A_1621 = vector.shape_cast %swap3A_1620 : vector<1x16xf32> to vector<16xf32>
        %swap3A_1622 = vector.shape_cast %mul3A_1617 : vector<16xf32> to vector<1x16xf32>
        tpu.vector_store %arg11[%swap3A_1618, %swap3A_1619], %swap3A_1622 {strides = array<i32>} : memref<128x128xf32, #tpu.memory_space<vmem>>, vector<1x16xf32>,
        %get3A_1623 = arith.index_cast %add3A_1612 : i32 to index
        %get3A_1624 = arith.constant 16 : index
        %get3A_1625 = tpu.vector_load %arg11[%get3A_1623, %get3A_1624] {strides = array<i32>} : memref<128x128xf32, #tpu.memory_space<vmem>>, vector<1x16xf32>,
        %get3A_1626 = vector.shape_cast %get3A_1625 : vector<1x16xf32> to vector<16xf32>
        %mul3A_1627 = arith.mulf %get3A_1626, %broadcast_in_dim3A_1608 : vector<16xf32>
        %swap3A_1628 = arith.index_cast %add3A_1612 : i32 to index
        %swap3A_1629 = arith.constant 16 : index
        %swap3A_1630 = tpu.vector_load %arg11[%swap3A_1628, %swap3A_1629] {strides = array<i32>} : memref<128x128xf32, #tpu.memory_space<vmem>>, vector<1x16xf32>,
        %swap3A_1631 = vector.shape_cast %swap3A_1630 : vector<1x16xf32> to vector<16xf32>
        %swap3A_1632 = vector.shape_cast %mul3A_1627 : vector<16xf32> to vector<1x16xf32>
        tpu.vector_store %arg11[%swap3A_1628, %swap3A_1629], %swap3A_1632 {strides = array<i32>} : memref<128x128xf32, #tpu.memory_space<vmem>>, vector<1x16xf32>,
        %get3A_1633 = arith.index_cast %add3A_1612 : i32 to index
        %get3A_1634 = arith.constant 32 : index
        %get3A_1635 = tpu.vector_load %arg11[%get3A_1633, %get3A_1634] {strides = array<i32>} : memref<128x128xf32, #tpu.memory_space<vmem>>, vector<1x16xf32>,
        %get3A_1636 = vector.shape_cast %get3A_1635 : vector<1x16xf32> to vector<16xf32>
        %mul3A_1637 = arith.mulf %get3A_1636, %broadcast_in_dim3A_1608 : vector<16xf32>
        %swap3A_1638 = arith.index_cast %add3A_1612 : i32 to index
        %swap3A_1639 = arith.constant 32 : index
        %swap3A_1640 = tpu.vector_load %arg11[%swap3A_1638, %swap3A_1639] {strides = array<i32>} : memref<128x128xf32, #tpu.memory_space<vmem>>, vector<1x16xf32>,
        %swap3A_1641 = vector.shape_cast %swap3A_1640 : vector<1x16xf32> to vector<16xf32>
        %swap3A_1642 = vector.shape_cast %mul3A_1637 : vector<16xf32> to vector<1x16xf32>
        tpu.vector_store %arg11[%swap3A_1638, %swap3A_1639], %swap3A_1642 {strides = array<i32>} : memref<128x128xf32, #tpu.memory_space<vmem>>, vector<1x16xf32>,
        %get3A_1643 = arith.index_cast %add3A_1612 : i32 to index
        %get3A_1644 = arith.constant 48 : index
        %get3A_1645 = tpu.vector_load %arg11[%get3A_1643, %get3A_1644] {strides = array<i32>} : memref<128x128xf32, #tpu.memory_space<vmem>>, vector<1x16xf32>,
        %get3A_1646 = vector.shape_cast %get3A_1645 : vector<1x16xf32> to vector<16xf32>
        %mul3A_1647 = arith.mulf %get3A_1646, %broadcast_in_dim3A_1608 : vector<16xf32>
        %swap3A_1648 = arith.index_cast %add3A_1612 : i32 to index
        %swap3A_1649 = arith.constant 48 : index
        %swap3A_1650 = tpu.vector_load %arg11[%swap3A_1648, %swap3A_1649] {strides = array<i32>} : memref<128x128xf32, #tpu.memory_space<vmem>>, vector<1x16xf32>,
        %swap3A_1651 = vector.shape_cast %swap3A_1650 : vector<1x16xf32> to vector<16xf32>
        %swap3A_1652 = vector.shape_cast %mul3A_1647 : vector<16xf32> to vector<1x16xf32>
        tpu.vector_store %arg11[%swap3A_1648, %swap3A_1649], %swap3A_1652 {strides = array<i32>} : memref<128x128xf32, #tpu.memory_space<vmem>>, vector<1x16xf32>,
        %get3A_1653 = arith.index_cast %add3A_1612 : i32 to index
        %get3A_1654 = arith.constant 64 : index
        %get3A_1655 = tpu.vector_load %arg11[%get3A_1653, %get3A_1654] {strides = array<i32>} : memref<128x128xf32, #tpu.memory_space<vmem>>, vector<1x16xf32>,
        %get3A_1656 = vector.shape_cast %get3A_1655 : vector<1x16xf32> to vector<16xf32>
        %mul3A_1657 = arith.mulf %get3A_1656, %broadcast_in_dim3A_1608 : vector<16xf32>
        %swap3A_1658 = arith.index_cast %add3A_1612 : i32 to index
        %swap3A_1659 = arith.constant 64 : index
        %swap3A_1660 = tpu.vector_load %arg11[%swap3A_1658, %swap3A_1659] {strides = array<i32>} : memref<128x128xf32, #tpu.memory_space<vmem>>, vector<1x16xf32>,
        %swap3A_1661 = vector.shape_cast %swap3A_1660 : vector<1x16xf32> to vector<16xf32>
        %swap3A_1662 = vector.shape_cast %mul3A_1657 : vector<16xf32> to vector<1x16xf32>
        tpu.vector_store %arg11[%swap3A_1658, %swap3A_1659], %swap3A_1662 {strides = array<i32>} : memref<128x128xf32, #tpu.memory_space<vmem>>, vector<1x16xf32>,
        %get3A_1663 = arith.index_cast %add3A_1612 : i32 to index
        %get3A_1664 = arith.constant 80 : index
        %get3A_1665 = tpu.vector_load %arg11[%get3A_1663, %get3A_1664] {strides = array<i32>} : memref<128x128xf32, #tpu.memory_space<vmem>>, vector<1x16xf32>,
        %get3A_1666 = vector.shape_cast %get3A_1665 : vector<1x16xf32> to vector<16xf32>
        %mul3A_1667 = arith.mulf %get3A_1666, %broadcast_in_dim3A_1608 : vector<16xf32>
        %swap3A_1668 = arith.index_cast %add3A_1612 : i32 to index
        %swap3A_1669 = arith.constant 80 : index
        %swap3A_1670 = tpu.vector_load %arg11[%swap3A_1668, %swap3A_1669] {strides = array<i32>} : memref<128x128xf32, #tpu.memory_space<vmem>>, vector<1x16xf32>,
        %swap3A_1671 = vector.shape_cast %swap3A_1670 : vector<1x16xf32> to vector<16xf32>
        %swap3A_1672 = vector.shape_cast %mul3A_1667 : vector<16xf32> to vector<1x16xf32>
        tpu.vector_store %arg11[%swap3A_1668, %swap3A_1669], %swap3A_1672 {strides = array<i32>} : memref<128x128xf32, #tpu.memory_space<vmem>>, vector<1x16xf32>,
        %get3A_1673 = arith.index_cast %add3A_1612 : i32 to index
        %get3A_1674 = arith.constant 96 : index
        %get3A_1675 = tpu.vector_load %arg11[%get3A_1673, %get3A_1674] {strides = array<i32>} : memref<128x128xf32, #tpu.memory_space<vmem>>, vector<1x16xf32>,
        %get3A_1676 = vector.shape_cast %get3A_1675 : vector<1x16xf32> to vector<16xf32>
        %mul3A_1677 = arith.mulf %get3A_1676, %broadcast_in_dim3A_1608 : vector<16xf32>
        %swap3A_1678 = arith.index_cast %add3A_1612 : i32 to index
        %swap3A_1679 = arith.constant 96 : index
        %swap3A_1680 = tpu.vector_load %arg11[%swap3A_1678, %swap3A_1679] {strides = array<i32>} : memref<128x128xf32, #tpu.memory_space<vmem>>, vector<1x16xf32>,
        %swap3A_1681 = vector.shape_cast %swap3A_1680 : vector<1x16xf32> to vector<16xf32>
        %swap3A_1682 = vector.shape_cast %mul3A_1677 : vector<16xf32> to vector<1x16xf32>
        tpu.vector_store %arg11[%swap3A_1678, %swap3A_1679], %swap3A_1682 {strides = array<i32>} : memref<128x128xf32, #tpu.memory_space<vmem>>, vector<1x16xf32>,
        %get3A_1683 = arith.index_cast %add3A_1612 : i32 to index
        %get3A_1684 = arith.constant 112 : index
        %get3A_1685 = tpu.vector_load %arg11[%get3A_1683, %get3A_1684] {strides = array<i32>} : memref<128x128xf32, #tpu.memory_space<vmem>>, vector<1x16xf32>,
        %get3A_1686 = vector.shape_cast %get3A_1685 : vector<1x16xf32> to vector<16xf32>
        %mul3A_1687 = arith.mulf %get3A_1686, %broadcast_in_dim3A_1608 : vector<16xf32>
        %swap3A_1688 = arith.index_cast %add3A_1612 : i32 to index
        %swap3A_1689 = arith.constant 112 : index
        %swap3A_1690 = tpu.vector_load %arg11[%swap3A_1688, %swap3A_1689] {strides = array<i32>} : memref<128x128xf32, #tpu.memory_space<vmem>>, vector<1x16xf32>,
        %swap3A_1691 = vector.shape_cast %swap3A_1690 : vector<1x16xf32> to vector<16xf32>
        %swap3A_1692 = vector.shape_cast %mul3A_1687 : vector<16xf32> to vector<1x16xf32>
        tpu.vector_store %arg11[%swap3A_1688, %swap3A_1689], %swap3A_1692 {strides = array<i32>} : memref<128x128xf32, #tpu.memory_space<vmem>>, vector<1x16xf32>,
        %slice3A_1693 = vector.extract_strided_slice %get3A_1431 {offsets = [3], sizes = [1], strides = [1]} : vector<16xf32> to vector<1xf32>
        %squeeze3A_1694 = vector.extract %slice3A_1693[0] : f32 from vector<1xf32>
        %broadcast_in_dim3A_1695 = vector.broadcast %squeeze3A_1694 : f32 to vector<16xf32>
        %mul3A_1696 = arith.constant 16 : i32
        %mul3A_1697 = arith.muli %add3A_32, %mul3A_1696 : i32
        %add3A_1698 = arith.constant 3 : i32
        %add3A_1699 = arith.addi %mul3A_1697, %add3A_1698 : i32
        %get3A_1700 = arith.index_cast %add3A_1699 : i32 to index
        %get3A_1701 = arith.constant 0 : index
        %get3A_1702 = tpu.vector_load %arg11[%get3A_1700, %get3A_1701] {strides = array<i32>} : memref<128x128xf32, #tpu.memory_space<vmem>>, vector<1x16xf32>,
        %get3A_1703 = vector.shape_cast %get3A_1702 : vector<1x16xf32> to vector<16xf32>
        %mul3A_1704 = arith.mulf %get3A_1703, %broadcast_in_dim3A_1695 : vector<16xf32>
        %swap3A_1705 = arith.index_cast %add3A_1699 : i32 to index
        %swap3A_1706 = arith.constant 0 : index
        %swap3A_1707 = tpu.vector_load %arg11[%swap3A_1705, %swap3A_1706] {strides = array<i32>} : memref<128x128xf32, #tpu.memory_space<vmem>>, vector<1x16xf32>,
        %swap3A_1708 = vector.shape_cast %swap3A_1707 : vector<1x16xf32> to vector<16xf32>
        %swap3A_1709 = vector.shape_cast %mul3A_1704 : vector<16xf32> to vector<1x16xf32>
        tpu.vector_store %arg11[%swap3A_1705, %swap3A_1706], %swap3A_1709 {strides = array<i32>} : memref<128x128xf32, #tpu.memory_space<vmem>>, vector<1x16xf32>,
        %get3A_1710 = arith.index_cast %add3A_1699 : i32 to index
        %get3A_1711 = arith.constant 16 : index
        %get3A_1712 = tpu.vector_load %arg11[%get3A_1710, %get3A_1711] {strides = array<i32>} : memref<128x128xf32, #tpu.memory_space<vmem>>, vector<1x16xf32>,
        %get3A_1713 = vector.shape_cast %get3A_1712 : vector<1x16xf32> to vector<16xf32>
        %mul3A_1714 = arith.mulf %get3A_1713, %broadcast_in_dim3A_1695 : vector<16xf32>
        %swap3A_1715 = arith.index_cast %add3A_1699 : i32 to index
        %swap3A_1716 = arith.constant 16 : index
        %swap3A_1717 = tpu.vector_load %arg11[%swap3A_1715, %swap3A_1716] {strides = array<i32>} : memref<128x128xf32, #tpu.memory_space<vmem>>, vector<1x16xf32>,
        %swap3A_1718 = vector.shape_cast %swap3A_1717 : vector<1x16xf32> to vector<16xf32>
        %swap3A_1719 = vector.shape_cast %mul3A_1714 : vector<16xf32> to vector<1x16xf32>
        tpu.vector_store %arg11[%swap3A_1715, %swap3A_1716], %swap3A_1719 {strides = array<i32>} : memref<128x128xf32, #tpu.memory_space<vmem>>, vector<1x16xf32>,
        %get3A_1720 = arith.index_cast %add3A_1699 : i32 to index
        %get3A_1721 = arith.constant 32 : index
        %get3A_1722 = tpu.vector_load %arg11[%get3A_1720, %get3A_1721] {strides = array<i32>} : memref<128x128xf32, #tpu.memory_space<vmem>>, vector<1x16xf32>,
        %get3A_1723 = vector.shape_cast %get3A_1722 : vector<1x16xf32> to vector<16xf32>
        %mul3A_1724 = arith.mulf %get3A_1723, %broadcast_in_dim3A_1695 : vector<16xf32>
        %swap3A_1725 = arith.index_cast %add3A_1699 : i32 to index
        %swap3A_1726 = arith.constant 32 : index
        %swap3A_1727 = tpu.vector_load %arg11[%swap3A_1725, %swap3A_1726] {strides = array<i32>} : memref<128x128xf32, #tpu.memory_space<vmem>>, vector<1x16xf32>,
        %swap3A_1728 = vector.shape_cast %swap3A_1727 : vector<1x16xf32> to vector<16xf32>
        %swap3A_1729 = vector.shape_cast %mul3A_1724 : vector<16xf32> to vector<1x16xf32>
        tpu.vector_store %arg11[%swap3A_1725, %swap3A_1726], %swap3A_1729 {strides = array<i32>} : memref<128x128xf32, #tpu.memory_space<vmem>>, vector<1x16xf32>,
        %get3A_1730 = arith.index_cast %add3A_1699 : i32 to index
        %get3A_1731 = arith.constant 48 : index
        %get3A_1732 = tpu.vector_load %arg11[%get3A_1730, %get3A_1731] {strides = array<i32>} : memref<128x128xf32, #tpu.memory_space<vmem>>, vector<1x16xf32>,
        %get3A_1733 = vector.shape_cast %get3A_1732 : vector<1x16xf32> to vector<16xf32>
        %mul3A_1734 = arith.mulf %get3A_1733, %broadcast_in_dim3A_1695 : vector<16xf32>
        %swap3A_1735 = arith.index_cast %add3A_1699 : i32 to index
        %swap3A_1736 = arith.constant 48 : index
        %swap3A_1737 = tpu.vector_load %arg11[%swap3A_1735, %swap3A_1736] {strides = array<i32>} : memref<128x128xf32, #tpu.memory_space<vmem>>, vector<1x16xf32>,
        %swap3A_1738 = vector.shape_cast %swap3A_1737 : vector<1x16xf32> to vector<16xf32>
        %swap3A_1739 = vector.shape_cast %mul3A_1734 : vector<16xf32> to vector<1x16xf32>
        tpu.vector_store %arg11[%swap3A_1735, %swap3A_1736], %swap3A_1739 {strides = array<i32>} : memref<128x128xf32, #tpu.memory_space<vmem>>, vector<1x16xf32>,
        %get3A_1740 = arith.index_cast %add3A_1699 : i32 to index
        %get3A_1741 = arith.constant 64 : index
        %get3A_1742 = tpu.vector_load %arg11[%get3A_1740, %get3A_1741] {strides = array<i32>} : memref<128x128xf32, #tpu.memory_space<vmem>>, vector<1x16xf32>,
        %get3A_1743 = vector.shape_cast %get3A_1742 : vector<1x16xf32> to vector<16xf32>
        %mul3A_1744 = arith.mulf %get3A_1743, %broadcast_in_dim3A_1695 : vector<16xf32>
        %swap3A_1745 = arith.index_cast %add3A_1699 : i32 to index
        %swap3A_1746 = arith.constant 64 : index
        %swap3A_1747 = tpu.vector_load %arg11[%swap3A_1745, %swap3A_1746] {strides = array<i32>} : memref<128x128xf32, #tpu.memory_space<vmem>>, vector<1x16xf32>,
        %swap3A_1748 = vector.shape_cast %swap3A_1747 : vector<1x16xf32> to vector<16xf32>
        %swap3A_1749 = vector.shape_cast %mul3A_1744 : vector<16xf32> to vector<1x16xf32>
        tpu.vector_store %arg11[%swap3A_1745, %swap3A_1746], %swap3A_1749 {strides = array<i32>} : memref<128x128xf32, #tpu.memory_space<vmem>>, vector<1x16xf32>,
        %get3A_1750 = arith.index_cast %add3A_1699 : i32 to index
        %get3A_1751 = arith.constant 80 : index
        %get3A_1752 = tpu.vector_load %arg11[%get3A_1750, %get3A_1751] {strides = array<i32>} : memref<128x128xf32, #tpu.memory_space<vmem>>, vector<1x16xf32>,
        %get3A_1753 = vector.shape_cast %get3A_1752 : vector<1x16xf32> to vector<16xf32>
        %mul3A_1754 = arith.mulf %get3A_1753, %broadcast_in_dim3A_1695 : vector<16xf32>
        %swap3A_1755 = arith.index_cast %add3A_1699 : i32 to index
        %swap3A_1756 = arith.constant 80 : index
        %swap3A_1757 = tpu.vector_load %arg11[%swap3A_1755, %swap3A_1756] {strides = array<i32>} : memref<128x128xf32, #tpu.memory_space<vmem>>, vector<1x16xf32>,
        %swap3A_1758 = vector.shape_cast %swap3A_1757 : vector<1x16xf32> to vector<16xf32>
        %swap3A_1759 = vector.shape_cast %mul3A_1754 : vector<16xf32> to vector<1x16xf32>
        tpu.vector_store %arg11[%swap3A_1755, %swap3A_1756], %swap3A_1759 {strides = array<i32>} : memref<128x128xf32, #tpu.memory_space<vmem>>, vector<1x16xf32>,
        %get3A_1760 = arith.index_cast %add3A_1699 : i32 to index
        %get3A_1761 = arith.constant 96 : index
        %get3A_1762 = tpu.vector_load %arg11[%get3A_1760, %get3A_1761] {strides = array<i32>} : memref<128x128xf32, #tpu.memory_space<vmem>>, vector<1x16xf32>,
        %get3A_1763 = vector.shape_cast %get3A_1762 : vector<1x16xf32> to vector<16xf32>
        %mul3A_1764 = arith.mulf %get3A_1763, %broadcast_in_dim3A_1695 : vector<16xf32>
        %swap3A_1765 = arith.index_cast %add3A_1699 : i32 to index
        %swap3A_1766 = arith.constant 96 : index
        %swap3A_1767 = tpu.vector_load %arg11[%swap3A_1765, %swap3A_1766] {strides = array<i32>} : memref<128x128xf32, #tpu.memory_space<vmem>>, vector<1x16xf32>,
        %swap3A_1768 = vector.shape_cast %swap3A_1767 : vector<1x16xf32> to vector<16xf32>
        %swap3A_1769 = vector.shape_cast %mul3A_1764 : vector<16xf32> to vector<1x16xf32>
        tpu.vector_store %arg11[%swap3A_1765, %swap3A_1766], %swap3A_1769 {strides = array<i32>} : memref<128x128xf32, #tpu.memory_space<vmem>>, vector<1x16xf32>,
        %get3A_1770 = arith.index_cast %add3A_1699 : i32 to index
        %get3A_1771 = arith.constant 112 : index
        %get3A_1772 = tpu.vector_load %arg11[%get3A_1770, %get3A_1771] {strides = array<i32>} : memref<128x128xf32, #tpu.memory_space<vmem>>, vector<1x16xf32>,
        %get3A_1773 = vector.shape_cast %get3A_1772 : vector<1x16xf32> to vector<16xf32>
        %mul3A_1774 = arith.mulf %get3A_1773, %broadcast_in_dim3A_1695 : vector<16xf32>
        %swap3A_1775 = arith.index_cast %add3A_1699 : i32 to index
        %swap3A_1776 = arith.constant 112 : index
        %swap3A_1777 = tpu.vector_load %arg11[%swap3A_1775, %swap3A_1776] {strides = array<i32>} : memref<128x128xf32, #tpu.memory_space<vmem>>, vector<1x16xf32>,
        %swap3A_1778 = vector.shape_cast %swap3A_1777 : vector<1x16xf32> to vector<16xf32>
        %swap3A_1779 = vector.shape_cast %mul3A_1774 : vector<16xf32> to vector<1x16xf32>
        tpu.vector_store %arg11[%swap3A_1775, %swap3A_1776], %swap3A_1779 {strides = array<i32>} : memref<128x128xf32, #tpu.memory_space<vmem>>, vector<1x16xf32>,
        %slice3A_1780 = vector.extract_strided_slice %get3A_1431 {offsets = [4], sizes = [1], strides = [1]} : vector<16xf32> to vector<1xf32>
        %squeeze3A_1781 = vector.extract %slice3A_1780[0] : f32 from vector<1xf32>
        %broadcast_in_dim3A_1782 = vector.broadcast %squeeze3A_1781 : f32 to vector<16xf32>
        %mul3A_1783 = arith.constant 16 : i32
        %mul3A_1784 = arith.muli %add3A_32, %mul3A_1783 : i32
        %add3A_1785 = arith.constant 4 : i32
        %add3A_1786 = arith.addi %mul3A_1784, %add3A_1785 : i32
        %get3A_1787 = arith.index_cast %add3A_1786 : i32 to index
        %get3A_1788 = arith.constant 0 : index
        %get3A_1789 = tpu.vector_load %arg11[%get3A_1787, %get3A_1788] {strides = array<i32>} : memref<128x128xf32, #tpu.memory_space<vmem>>, vector<1x16xf32>,
        %get3A_1790 = vector.shape_cast %get3A_1789 : vector<1x16xf32> to vector<16xf32>
        %mul3A_1791 = arith.mulf %get3A_1790, %broadcast_in_dim3A_1782 : vector<16xf32>
        %swap3A_1792 = arith.index_cast %add3A_1786 : i32 to index
        %swap3A_1793 = arith.constant 0 : index
        %swap3A_1794 = tpu.vector_load %arg11[%swap3A_1792, %swap3A_1793] {strides = array<i32>} : memref<128x128xf32, #tpu.memory_space<vmem>>, vector<1x16xf32>,
        %swap3A_1795 = vector.shape_cast %swap3A_1794 : vector<1x16xf32> to vector<16xf32>
        %swap3A_1796 = vector.shape_cast %mul3A_1791 : vector<16xf32> to vector<1x16xf32>
        tpu.vector_store %arg11[%swap3A_1792, %swap3A_1793], %swap3A_1796 {strides = array<i32>} : memref<128x128xf32, #tpu.memory_space<vmem>>, vector<1x16xf32>,
        %get3A_1797 = arith.index_cast %add3A_1786 : i32 to index
        %get3A_1798 = arith.constant 16 : index
        %get3A_1799 = tpu.vector_load %arg11[%get3A_1797, %get3A_1798] {strides = array<i32>} : memref<128x128xf32, #tpu.memory_space<vmem>>, vector<1x16xf32>,
        %get3A_1800 = vector.shape_cast %get3A_1799 : vector<1x16xf32> to vector<16xf32>
        %mul3A_1801 = arith.mulf %get3A_1800, %broadcast_in_dim3A_1782 : vector<16xf32>
        %swap3A_1802 = arith.index_cast %add3A_1786 : i32 to index
        %swap3A_1803 = arith.constant 16 : index
        %swap3A_1804 = tpu.vector_load %arg11[%swap3A_1802, %swap3A_1803] {strides = array<i32>} : memref<128x128xf32, #tpu.memory_space<vmem>>, vector<1x16xf32>,
        %swap3A_1805 = vector.shape_cast %swap3A_1804 : vector<1x16xf32> to vector<16xf32>
        %swap3A_1806 = vector.shape_cast %mul3A_1801 : vector<16xf32> to vector<1x16xf32>
        tpu.vector_store %arg11[%swap3A_1802, %swap3A_1803], %swap3A_1806 {strides = array<i32>} : memref<128x128xf32, #tpu.memory_space<vmem>>, vector<1x16xf32>,
        %get3A_1807 = arith.index_cast %add3A_1786 : i32 to index
        %get3A_1808 = arith.constant 32 : index
        %get3A_1809 = tpu.vector_load %arg11[%get3A_1807, %get3A_1808] {strides = array<i32>} : memref<128x128xf32, #tpu.memory_space<vmem>>, vector<1x16xf32>,
        %get3A_1810 = vector.shape_cast %get3A_1809 : vector<1x16xf32> to vector<16xf32>
        %mul3A_1811 = arith.mulf %get3A_1810, %broadcast_in_dim3A_1782 : vector<16xf32>
        %swap3A_1812 = arith.index_cast %add3A_1786 : i32 to index
        %swap3A_1813 = arith.constant 32 : index
        %swap3A_1814 = tpu.vector_load %arg11[%swap3A_1812, %swap3A_1813] {strides = array<i32>} : memref<128x128xf32, #tpu.memory_space<vmem>>, vector<1x16xf32>,
        %swap3A_1815 = vector.shape_cast %swap3A_1814 : vector<1x16xf32> to vector<16xf32>
        %swap3A_1816 = vector.shape_cast %mul3A_1811 : vector<16xf32> to vector<1x16xf32>
        tpu.vector_store %arg11[%swap3A_1812, %swap3A_1813], %swap3A_1816 {strides = array<i32>} : memref<128x128xf32, #tpu.memory_space<vmem>>, vector<1x16xf32>,
        %get3A_1817 = arith.index_cast %add3A_1786 : i32 to index
        %get3A_1818 = arith.constant 48 : index
        %get3A_1819 = tpu.vector_load %arg11[%get3A_1817, %get3A_1818] {strides = array<i32>} : memref<128x128xf32, #tpu.memory_space<vmem>>, vector<1x16xf32>,
        %get3A_1820 = vector.shape_cast %get3A_1819 : vector<1x16xf32> to vector<16xf32>
        %mul3A_1821 = arith.mulf %get3A_1820, %broadcast_in_dim3A_1782 : vector<16xf32>
        %swap3A_1822 = arith.index_cast %add3A_1786 : i32 to index
        %swap3A_1823 = arith.constant 48 : index
        %swap3A_1824 = tpu.vector_load %arg11[%swap3A_1822, %swap3A_1823] {strides = array<i32>} : memref<128x128xf32, #tpu.memory_space<vmem>>, vector<1x16xf32>,
        %swap3A_1825 = vector.shape_cast %swap3A_1824 : vector<1x16xf32> to vector<16xf32>
        %swap3A_1826 = vector.shape_cast %mul3A_1821 : vector<16xf32> to vector<1x16xf32>
        tpu.vector_store %arg11[%swap3A_1822, %swap3A_1823], %swap3A_1826 {strides = array<i32>} : memref<128x128xf32, #tpu.memory_space<vmem>>, vector<1x16xf32>,
        %get3A_1827 = arith.index_cast %add3A_1786 : i32 to index
        %get3A_1828 = arith.constant 64 : index
        %get3A_1829 = tpu.vector_load %arg11[%get3A_1827, %get3A_1828] {strides = array<i32>} : memref<128x128xf32, #tpu.memory_space<vmem>>, vector<1x16xf32>,
        %get3A_1830 = vector.shape_cast %get3A_1829 : vector<1x16xf32> to vector<16xf32>
        %mul3A_1831 = arith.mulf %get3A_1830, %broadcast_in_dim3A_1782 : vector<16xf32>
        %swap3A_1832 = arith.index_cast %add3A_1786 : i32 to index
        %swap3A_1833 = arith.constant 64 : index
        %swap3A_1834 = tpu.vector_load %arg11[%swap3A_1832, %swap3A_1833] {strides = array<i32>} : memref<128x128xf32, #tpu.memory_space<vmem>>, vector<1x16xf32>,
        %swap3A_1835 = vector.shape_cast %swap3A_1834 : vector<1x16xf32> to vector<16xf32>
        %swap3A_1836 = vector.shape_cast %mul3A_1831 : vector<16xf32> to vector<1x16xf32>
        tpu.vector_store %arg11[%swap3A_1832, %swap3A_1833], %swap3A_1836 {strides = array<i32>} : memref<128x128xf32, #tpu.memory_space<vmem>>, vector<1x16xf32>,
        %get3A_1837 = arith.index_cast %add3A_1786 : i32 to index
        %get3A_1838 = arith.constant 80 : index
        %get3A_1839 = tpu.vector_load %arg11[%get3A_1837, %get3A_1838] {strides = array<i32>} : memref<128x128xf32, #tpu.memory_space<vmem>>, vector<1x16xf32>,
        %get3A_1840 = vector.shape_cast %get3A_1839 : vector<1x16xf32> to vector<16xf32>
        %mul3A_1841 = arith.mulf %get3A_1840, %broadcast_in_dim3A_1782 : vector<16xf32>
        %swap3A_1842 = arith.index_cast %add3A_1786 : i32 to index
        %swap3A_1843 = arith.constant 80 : index
        %swap3A_1844 = tpu.vector_load %arg11[%swap3A_1842, %swap3A_1843] {strides = array<i32>} : memref<128x128xf32, #tpu.memory_space<vmem>>, vector<1x16xf32>,
        %swap3A_1845 = vector.shape_cast %swap3A_1844 : vector<1x16xf32> to vector<16xf32>
        %swap3A_1846 = vector.shape_cast %mul3A_1841 : vector<16xf32> to vector<1x16xf32>
        tpu.vector_store %arg11[%swap3A_1842, %swap3A_1843], %swap3A_1846 {strides = array<i32>} : memref<128x128xf32, #tpu.memory_space<vmem>>, vector<1x16xf32>,
        %get3A_1847 = arith.index_cast %add3A_1786 : i32 to index
        %get3A_1848 = arith.constant 96 : index
        %get3A_1849 = tpu.vector_load %arg11[%get3A_1847, %get3A_1848] {strides = array<i32>} : memref<128x128xf32, #tpu.memory_space<vmem>>, vector<1x16xf32>,
        %get3A_1850 = vector.shape_cast %get3A_1849 : vector<1x16xf32> to vector<16xf32>
        %mul3A_1851 = arith.mulf %get3A_1850, %broadcast_in_dim3A_1782 : vector<16xf32>
        %swap3A_1852 = arith.index_cast %add3A_1786 : i32 to index
        %swap3A_1853 = arith.constant 96 : index
        %swap3A_1854 = tpu.vector_load %arg11[%swap3A_1852, %swap3A_1853] {strides = array<i32>} : memref<128x128xf32, #tpu.memory_space<vmem>>, vector<1x16xf32>,
        %swap3A_1855 = vector.shape_cast %swap3A_1854 : vector<1x16xf32> to vector<16xf32>
        %swap3A_1856 = vector.shape_cast %mul3A_1851 : vector<16xf32> to vector<1x16xf32>
        tpu.vector_store %arg11[%swap3A_1852, %swap3A_1853], %swap3A_1856 {strides = array<i32>} : memref<128x128xf32, #tpu.memory_space<vmem>>, vector<1x16xf32>,
        %get3A_1857 = arith.index_cast %add3A_1786 : i32 to index
        %get3A_1858 = arith.constant 112 : index
        %get3A_1859 = tpu.vector_load %arg11[%get3A_1857, %get3A_1858] {strides = array<i32>} : memref<128x128xf32, #tpu.memory_space<vmem>>, vector<1x16xf32>,
        %get3A_1860 = vector.shape_cast %get3A_1859 : vector<1x16xf32> to vector<16xf32>
        %mul3A_1861 = arith.mulf %get3A_1860, %broadcast_in_dim3A_1782 : vector<16xf32>
        %swap3A_1862 = arith.index_cast %add3A_1786 : i32 to index
        %swap3A_1863 = arith.constant 112 : index
        %swap3A_1864 = tpu.vector_load %arg11[%swap3A_1862, %swap3A_1863] {strides = array<i32>} : memref<128x128xf32, #tpu.memory_space<vmem>>, vector<1x16xf32>,
        %swap3A_1865 = vector.shape_cast %swap3A_1864 : vector<1x16xf32> to vector<16xf32>
        %swap3A_1866 = vector.shape_cast %mul3A_1861 : vector<16xf32> to vector<1x16xf32>
        tpu.vector_store %arg11[%swap3A_1862, %swap3A_1863], %swap3A_1866 {strides = array<i32>} : memref<128x128xf32, #tpu.memory_space<vmem>>, vector<1x16xf32>,
        %slice3A_1867 = vector.extract_strided_slice %get3A_1431 {offsets = [5], sizes = [1], strides = [1]} : vector<16xf32> to vector<1xf32>
        %squeeze3A_1868 = vector.extract %slice3A_1867[0] : f32 from vector<1xf32>
        %broadcast_in_dim3A_1869 = vector.broadcast %squeeze3A_1868 : f32 to vector<16xf32>
        %mul3A_1870 = arith.constant 16 : i32
        %mul3A_1871 = arith.muli %add3A_32, %mul3A_1870 : i32
        %add3A_1872 = arith.constant 5 : i32
        %add3A_1873 = arith.addi %mul3A_1871, %add3A_1872 : i32
        %get3A_1874 = arith.index_cast %add3A_1873 : i32 to index
        %get3A_1875 = arith.constant 0 : index
        %get3A_1876 = tpu.vector_load %arg11[%get3A_1874, %get3A_1875] {strides = array<i32>} : memref<128x128xf32, #tpu.memory_space<vmem>>, vector<1x16xf32>,
        %get3A_1877 = vector.shape_cast %get3A_1876 : vector<1x16xf32> to vector<16xf32>
        %mul3A_1878 = arith.mulf %get3A_1877, %broadcast_in_dim3A_1869 : vector<16xf32>
        %swap3A_1879 = arith.index_cast %add3A_1873 : i32 to index
        %swap3A_1880 = arith.constant 0 : index
        %swap3A_1881 = tpu.vector_load %arg11[%swap3A_1879, %swap3A_1880] {strides = array<i32>} : memref<128x128xf32, #tpu.memory_space<vmem>>, vector<1x16xf32>,
        %swap3A_1882 = vector.shape_cast %swap3A_1881 : vector<1x16xf32> to vector<16xf32>
        %swap3A_1883 = vector.shape_cast %mul3A_1878 : vector<16xf32> to vector<1x16xf32>
        tpu.vector_store %arg11[%swap3A_1879, %swap3A_1880], %swap3A_1883 {strides = array<i32>} : memref<128x128xf32, #tpu.memory_space<vmem>>, vector<1x16xf32>,
        %get3A_1884 = arith.index_cast %add3A_1873 : i32 to index
        %get3A_1885 = arith.constant 16 : index
        %get3A_1886 = tpu.vector_load %arg11[%get3A_1884, %get3A_1885] {strides = array<i32>} : memref<128x128xf32, #tpu.memory_space<vmem>>, vector<1x16xf32>,
        %get3A_1887 = vector.shape_cast %get3A_1886 : vector<1x16xf32> to vector<16xf32>
        %mul3A_1888 = arith.mulf %get3A_1887, %broadcast_in_dim3A_1869 : vector<16xf32>
        %swap3A_1889 = arith.index_cast %add3A_1873 : i32 to index
        %swap3A_1890 = arith.constant 16 : index
        %swap3A_1891 = tpu.vector_load %arg11[%swap3A_1889, %swap3A_1890] {strides = array<i32>} : memref<128x128xf32, #tpu.memory_space<vmem>>, vector<1x16xf32>,
        %swap3A_1892 = vector.shape_cast %swap3A_1891 : vector<1x16xf32> to vector<16xf32>
        %swap3A_1893 = vector.shape_cast %mul3A_1888 : vector<16xf32> to vector<1x16xf32>
        tpu.vector_store %arg11[%swap3A_1889, %swap3A_1890], %swap3A_1893 {strides = array<i32>} : memref<128x128xf32, #tpu.memory_space<vmem>>, vector<1x16xf32>,
        %get3A_1894 = arith.index_cast %add3A_1873 : i32 to index
        %get3A_1895 = arith.constant 32 : index
        %get3A_1896 = tpu.vector_load %arg11[%get3A_1894, %get3A_1895] {strides = array<i32>} : memref<128x128xf32, #tpu.memory_space<vmem>>, vector<1x16xf32>,
        %get3A_1897 = vector.shape_cast %get3A_1896 : vector<1x16xf32> to vector<16xf32>
        %mul3A_1898 = arith.mulf %get3A_1897, %broadcast_in_dim3A_1869 : vector<16xf32>
        %swap3A_1899 = arith.index_cast %add3A_1873 : i32 to index
        %swap3A_1900 = arith.constant 32 : index
        %swap3A_1901 = tpu.vector_load %arg11[%swap3A_1899, %swap3A_1900] {strides = array<i32>} : memref<128x128xf32, #tpu.memory_space<vmem>>, vector<1x16xf32>,
        %swap3A_1902 = vector.shape_cast %swap3A_1901 : vector<1x16xf32> to vector<16xf32>
        %swap3A_1903 = vector.shape_cast %mul3A_1898 : vector<16xf32> to vector<1x16xf32>
        tpu.vector_store %arg11[%swap3A_1899, %swap3A_1900], %swap3A_1903 {strides = array<i32>} : memref<128x128xf32, #tpu.memory_space<vmem>>, vector<1x16xf32>,
        %get3A_1904 = arith.index_cast %add3A_1873 : i32 to index
        %get3A_1905 = arith.constant 48 : index
        %get3A_1906 = tpu.vector_load %arg11[%get3A_1904, %get3A_1905] {strides = array<i32>} : memref<128x128xf32, #tpu.memory_space<vmem>>, vector<1x16xf32>,
        %get3A_1907 = vector.shape_cast %get3A_1906 : vector<1x16xf32> to vector<16xf32>
        %mul3A_1908 = arith.mulf %get3A_1907, %broadcast_in_dim3A_1869 : vector<16xf32>
        %swap3A_1909 = arith.index_cast %add3A_1873 : i32 to index
        %swap3A_1910 = arith.constant 48 : index
        %swap3A_1911 = tpu.vector_load %arg11[%swap3A_1909, %swap3A_1910] {strides = array<i32>} : memref<128x128xf32, #tpu.memory_space<vmem>>, vector<1x16xf32>,
        %swap3A_1912 = vector.shape_cast %swap3A_1911 : vector<1x16xf32> to vector<16xf32>
        %swap3A_1913 = vector.shape_cast %mul3A_1908 : vector<16xf32> to vector<1x16xf32>
        tpu.vector_store %arg11[%swap3A_1909, %swap3A_1910], %swap3A_1913 {strides = array<i32>} : memref<128x128xf32, #tpu.memory_space<vmem>>, vector<1x16xf32>,
        %get3A_1914 = arith.index_cast %add3A_1873 : i32 to index
        %get3A_1915 = arith.constant 64 : index
        %get3A_1916 = tpu.vector_load %arg11[%get3A_1914, %get3A_1915] {strides = array<i32>} : memref<128x128xf32, #tpu.memory_space<vmem>>, vector<1x16xf32>,
        %get3A_1917 = vector.shape_cast %get3A_1916 : vector<1x16xf32> to vector<16xf32>
        %mul3A_1918 = arith.mulf %get3A_1917, %broadcast_in_dim3A_1869 : vector<16xf32>
        %swap3A_1919 = arith.index_cast %add3A_1873 : i32 to index
        %swap3A_1920 = arith.constant 64 : index
        %swap3A_1921 = tpu.vector_load %arg11[%swap3A_1919, %swap3A_1920] {strides = array<i32>} : memref<128x128xf32, #tpu.memory_space<vmem>>, vector<1x16xf32>,
        %swap3A_1922 = vector.shape_cast %swap3A_1921 : vector<1x16xf32> to vector<16xf32>
        %swap3A_1923 = vector.shape_cast %mul3A_1918 : vector<16xf32> to vector<1x16xf32>
        tpu.vector_store %arg11[%swap3A_1919, %swap3A_1920], %swap3A_1923 {strides = array<i32>} : memref<128x128xf32, #tpu.memory_space<vmem>>, vector<1x16xf32>,
        %get3A_1924 = arith.index_cast %add3A_1873 : i32 to index
        %get3A_1925 = arith.constant 80 : index
        %get3A_1926 = tpu.vector_load %arg11[%get3A_1924, %get3A_1925] {strides = array<i32>} : memref<128x128xf32, #tpu.memory_space<vmem>>, vector<1x16xf32>,
        %get3A_1927 = vector.shape_cast %get3A_1926 : vector<1x16xf32> to vector<16xf32>
        %mul3A_1928 = arith.mulf %get3A_1927, %broadcast_in_dim3A_1869 : vector<16xf32>
        %swap3A_1929 = arith.index_cast %add3A_1873 : i32 to index
        %swap3A_1930 = arith.constant 80 : index
        %swap3A_1931 = tpu.vector_load %arg11[%swap3A_1929, %swap3A_1930] {strides = array<i32>} : memref<128x128xf32, #tpu.memory_space<vmem>>, vector<1x16xf32>,
        %swap3A_1932 = vector.shape_cast %swap3A_1931 : vector<1x16xf32> to vector<16xf32>
        %swap3A_1933 = vector.shape_cast %mul3A_1928 : vector<16xf32> to vector<1x16xf32>
        tpu.vector_store %arg11[%swap3A_1929, %swap3A_1930], %swap3A_1933 {strides = array<i32>} : memref<128x128xf32, #tpu.memory_space<vmem>>, vector<1x16xf32>,
        %get3A_1934 = arith.index_cast %add3A_1873 : i32 to index
        %get3A_1935 = arith.constant 96 : index
        %get3A_1936 = tpu.vector_load %arg11[%get3A_1934, %get3A_1935] {strides = array<i32>} : memref<128x128xf32, #tpu.memory_space<vmem>>, vector<1x16xf32>,
        %get3A_1937 = vector.shape_cast %get3A_1936 : vector<1x16xf32> to vector<16xf32>
        %mul3A_1938 = arith.mulf %get3A_1937, %broadcast_in_dim3A_1869 : vector<16xf32>
        %swap3A_1939 = arith.index_cast %add3A_1873 : i32 to index
        %swap3A_1940 = arith.constant 96 : index
        %swap3A_1941 = tpu.vector_load %arg11[%swap3A_1939, %swap3A_1940] {strides = array<i32>} : memref<128x128xf32, #tpu.memory_space<vmem>>, vector<1x16xf32>,
        %swap3A_1942 = vector.shape_cast %swap3A_1941 : vector<1x16xf32> to vector<16xf32>
        %swap3A_1943 = vector.shape_cast %mul3A_1938 : vector<16xf32> to vector<1x16xf32>
        tpu.vector_store %arg11[%swap3A_1939, %swap3A_1940], %swap3A_1943 {strides = array<i32>} : memref<128x128xf32, #tpu.memory_space<vmem>>, vector<1x16xf32>,
        %get3A_1944 = arith.index_cast %add3A_1873 : i32 to index
        %get3A_1945 = arith.constant 112 : index
        %get3A_1946 = tpu.vector_load %arg11[%get3A_1944, %get3A_1945] {strides = array<i32>} : memref<128x128xf32, #tpu.memory_space<vmem>>, vector<1x16xf32>,
        %get3A_1947 = vector.shape_cast %get3A_1946 : vector<1x16xf32> to vector<16xf32>
        %mul3A_1948 = arith.mulf %get3A_1947, %broadcast_in_dim3A_1869 : vector<16xf32>
        %swap3A_1949 = arith.index_cast %add3A_1873 : i32 to index
        %swap3A_1950 = arith.constant 112 : index
        %swap3A_1951 = tpu.vector_load %arg11[%swap3A_1949, %swap3A_1950] {strides = array<i32>} : memref<128x128xf32, #tpu.memory_space<vmem>>, vector<1x16xf32>,
        %swap3A_1952 = vector.shape_cast %swap3A_1951 : vector<1x16xf32> to vector<16xf32>
        %swap3A_1953 = vector.shape_cast %mul3A_1948 : vector<16xf32> to vector<1x16xf32>
        tpu.vector_store %arg11[%swap3A_1949, %swap3A_1950], %swap3A_1953 {strides = array<i32>} : memref<128x128xf32, #tpu.memory_space<vmem>>, vector<1x16xf32>,
        %slice3A_1954 = vector.extract_strided_slice %get3A_1431 {offsets = [6], sizes = [1], strides = [1]} : vector<16xf32> to vector<1xf32>
        %squeeze3A_1955 = vector.extract %slice3A_1954[0] : f32 from vector<1xf32>
        %broadcast_in_dim3A_1956 = vector.broadcast %squeeze3A_1955 : f32 to vector<16xf32>
        %mul3A_1957 = arith.constant 16 : i32
        %mul3A_1958 = arith.muli %add3A_32, %mul3A_1957 : i32
        %add3A_1959 = arith.constant 6 : i32
        %add3A_1960 = arith.addi %mul3A_1958, %add3A_1959 : i32
        %get3A_1961 = arith.index_cast %add3A_1960 : i32 to index
        %get3A_1962 = arith.constant 0 : index
        %get3A_1963 = tpu.vector_load %arg11[%get3A_1961, %get3A_1962] {strides = array<i32>} : memref<128x128xf32, #tpu.memory_space<vmem>>, vector<1x16xf32>,
        %get3A_1964 = vector.shape_cast %get3A_1963 : vector<1x16xf32> to vector<16xf32>
        %mul3A_1965 = arith.mulf %get3A_1964, %broadcast_in_dim3A_1956 : vector<16xf32>
        %swap3A_1966 = arith.index_cast %add3A_1960 : i32 to index
        %swap3A_1967 = arith.constant 0 : index
        %swap3A_1968 = tpu.vector_load %arg11[%swap3A_1966, %swap3A_1967] {strides = array<i32>} : memref<128x128xf32, #tpu.memory_space<vmem>>, vector<1x16xf32>,
        %swap3A_1969 = vector.shape_cast %swap3A_1968 : vector<1x16xf32> to vector<16xf32>
        %swap3A_1970 = vector.shape_cast %mul3A_1965 : vector<16xf32> to vector<1x16xf32>
        tpu.vector_store %arg11[%swap3A_1966, %swap3A_1967], %swap3A_1970 {strides = array<i32>} : memref<128x128xf32, #tpu.memory_space<vmem>>, vector<1x16xf32>,
        %get3A_1971 = arith.index_cast %add3A_1960 : i32 to index
        %get3A_1972 = arith.constant 16 : index
        %get3A_1973 = tpu.vector_load %arg11[%get3A_1971, %get3A_1972] {strides = array<i32>} : memref<128x128xf32, #tpu.memory_space<vmem>>, vector<1x16xf32>,
        %get3A_1974 = vector.shape_cast %get3A_1973 : vector<1x16xf32> to vector<16xf32>
        %mul3A_1975 = arith.mulf %get3A_1974, %broadcast_in_dim3A_1956 : vector<16xf32>
        %swap3A_1976 = arith.index_cast %add3A_1960 : i32 to index
        %swap3A_1977 = arith.constant 16 : index
        %swap3A_1978 = tpu.vector_load %arg11[%swap3A_1976, %swap3A_1977] {strides = array<i32>} : memref<128x128xf32, #tpu.memory_space<vmem>>, vector<1x16xf32>,
        %swap3A_1979 = vector.shape_cast %swap3A_1978 : vector<1x16xf32> to vector<16xf32>
        %swap3A_1980 = vector.shape_cast %mul3A_1975 : vector<16xf32> to vector<1x16xf32>
        tpu.vector_store %arg11[%swap3A_1976, %swap3A_1977], %swap3A_1980 {strides = array<i32>} : memref<128x128xf32, #tpu.memory_space<vmem>>, vector<1x16xf32>,
        %get3A_1981 = arith.index_cast %add3A_1960 : i32 to index
        %get3A_1982 = arith.constant 32 : index
        %get3A_1983 = tpu.vector_load %arg11[%get3A_1981, %get3A_1982] {strides = array<i32>} : memref<128x128xf32, #tpu.memory_space<vmem>>, vector<1x16xf32>,
        %get3A_1984 = vector.shape_cast %get3A_1983 : vector<1x16xf32> to vector<16xf32>
        %mul3A_1985 = arith.mulf %get3A_1984, %broadcast_in_dim3A_1956 : vector<16xf32>
        %swap3A_1986 = arith.index_cast %add3A_1960 : i32 to index
        %swap3A_1987 = arith.constant 32 : index
        %swap3A_1988 = tpu.vector_load %arg11[%swap3A_1986, %swap3A_1987] {strides = array<i32>} : memref<128x128xf32, #tpu.memory_space<vmem>>, vector<1x16xf32>,
        %swap3A_1989 = vector.shape_cast %swap3A_1988 : vector<1x16xf32> to vector<16xf32>
        %swap3A_1990 = vector.shape_cast %mul3A_1985 : vector<16xf32> to vector<1x16xf32>
        tpu.vector_store %arg11[%swap3A_1986, %swap3A_1987], %swap3A_1990 {strides = array<i32>} : memref<128x128xf32, #tpu.memory_space<vmem>>, vector<1x16xf32>,
        %get3A_1991 = arith.index_cast %add3A_1960 : i32 to index
        %get3A_1992 = arith.constant 48 : index
        %get3A_1993 = tpu.vector_load %arg11[%get3A_1991, %get3A_1992] {strides = array<i32>} : memref<128x128xf32, #tpu.memory_space<vmem>>, vector<1x16xf32>,
        %get3A_1994 = vector.shape_cast %get3A_1993 : vector<1x16xf32> to vector<16xf32>
        %mul3A_1995 = arith.mulf %get3A_1994, %broadcast_in_dim3A_1956 : vector<16xf32>
        %swap3A_1996 = arith.index_cast %add3A_1960 : i32 to index
        %swap3A_1997 = arith.constant 48 : index
        %swap3A_1998 = tpu.vector_load %arg11[%swap3A_1996, %swap3A_1997] {strides = array<i32>} : memref<128x128xf32, #tpu.memory_space<vmem>>, vector<1x16xf32>,
        %swap3A_1999 = vector.shape_cast %swap3A_1998 : vector<1x16xf32> to vector<16xf32>
        %swap3A_2000 = vector.shape_cast %mul3A_1995 : vector<16xf32> to vector<1x16xf32>
        tpu.vector_store %arg11[%swap3A_1996, %swap3A_1997], %swap3A_2000 {strides = array<i32>} : memref<128x128xf32, #tpu.memory_space<vmem>>, vector<1x16xf32>,
        %get3A_2001 = arith.index_cast %add3A_1960 : i32 to index
        %get3A_2002 = arith.constant 64 : index
        %get3A_2003 = tpu.vector_load %arg11[%get3A_2001, %get3A_2002] {strides = array<i32>} : memref<128x128xf32, #tpu.memory_space<vmem>>, vector<1x16xf32>,
        %get3A_2004 = vector.shape_cast %get3A_2003 : vector<1x16xf32> to vector<16xf32>
        %mul3A_2005 = arith.mulf %get3A_2004, %broadcast_in_dim3A_1956 : vector<16xf32>
        %swap3A_2006 = arith.index_cast %add3A_1960 : i32 to index
        %swap3A_2007 = arith.constant 64 : index
        %swap3A_2008 = tpu.vector_load %arg11[%swap3A_2006, %swap3A_2007] {strides = array<i32>} : memref<128x128xf32, #tpu.memory_space<vmem>>, vector<1x16xf32>,
        %swap3A_2009 = vector.shape_cast %swap3A_2008 : vector<1x16xf32> to vector<16xf32>
        %swap3A_2010 = vector.shape_cast %mul3A_2005 : vector<16xf32> to vector<1x16xf32>
        tpu.vector_store %arg11[%swap3A_2006, %swap3A_2007], %swap3A_2010 {strides = array<i32>} : memref<128x128xf32, #tpu.memory_space<vmem>>, vector<1x16xf32>,
        %get3A_2011 = arith.index_cast %add3A_1960 : i32 to index
        %get3A_2012 = arith.constant 80 : index
        %get3A_2013 = tpu.vector_load %arg11[%get3A_2011, %get3A_2012] {strides = array<i32>} : memref<128x128xf32, #tpu.memory_space<vmem>>, vector<1x16xf32>,
        %get3A_2014 = vector.shape_cast %get3A_2013 : vector<1x16xf32> to vector<16xf32>
        %mul3A_2015 = arith.mulf %get3A_2014, %broadcast_in_dim3A_1956 : vector<16xf32>
        %swap3A_2016 = arith.index_cast %add3A_1960 : i32 to index
        %swap3A_2017 = arith.constant 80 : index
        %swap3A_2018 = tpu.vector_load %arg11[%swap3A_2016, %swap3A_2017] {strides = array<i32>} : memref<128x128xf32, #tpu.memory_space<vmem>>, vector<1x16xf32>,
        %swap3A_2019 = vector.shape_cast %swap3A_2018 : vector<1x16xf32> to vector<16xf32>
        %swap3A_2020 = vector.shape_cast %mul3A_2015 : vector<16xf32> to vector<1x16xf32>
        tpu.vector_store %arg11[%swap3A_2016, %swap3A_2017], %swap3A_2020 {strides = array<i32>} : memref<128x128xf32, #tpu.memory_space<vmem>>, vector<1x16xf32>,
        %get3A_2021 = arith.index_cast %add3A_1960 : i32 to index
        %get3A_2022 = arith.constant 96 : index
        %get3A_2023 = tpu.vector_load %arg11[%get3A_2021, %get3A_2022] {strides = array<i32>} : memref<128x128xf32, #tpu.memory_space<vmem>>, vector<1x16xf32>,
        %get3A_2024 = vector.shape_cast %get3A_2023 : vector<1x16xf32> to vector<16xf32>
        %mul3A_2025 = arith.mulf %get3A_2024, %broadcast_in_dim3A_1956 : vector<16xf32>
        %swap3A_2026 = arith.index_cast %add3A_1960 : i32 to index
        %swap3A_2027 = arith.constant 96 : index
        %swap3A_2028 = tpu.vector_load %arg11[%swap3A_2026, %swap3A_2027] {strides = array<i32>} : memref<128x128xf32, #tpu.memory_space<vmem>>, vector<1x16xf32>,
        %swap3A_2029 = vector.shape_cast %swap3A_2028 : vector<1x16xf32> to vector<16xf32>
        %swap3A_2030 = vector.shape_cast %mul3A_2025 : vector<16xf32> to vector<1x16xf32>
        tpu.vector_store %arg11[%swap3A_2026, %swap3A_2027], %swap3A_2030 {strides = array<i32>} : memref<128x128xf32, #tpu.memory_space<vmem>>, vector<1x16xf32>,
        %get3A_2031 = arith.index_cast %add3A_1960 : i32 to index
        %get3A_2032 = arith.constant 112 : index
        %get3A_2033 = tpu.vector_load %arg11[%get3A_2031, %get3A_2032] {strides = array<i32>} : memref<128x128xf32, #tpu.memory_space<vmem>>, vector<1x16xf32>,
        %get3A_2034 = vector.shape_cast %get3A_2033 : vector<1x16xf32> to vector<16xf32>
        %mul3A_2035 = arith.mulf %get3A_2034, %broadcast_in_dim3A_1956 : vector<16xf32>
        %swap3A_2036 = arith.index_cast %add3A_1960 : i32 to index
        %swap3A_2037 = arith.constant 112 : index
        %swap3A_2038 = tpu.vector_load %arg11[%swap3A_2036, %swap3A_2037] {strides = array<i32>} : memref<128x128xf32, #tpu.memory_space<vmem>>, vector<1x16xf32>,
        %swap3A_2039 = vector.shape_cast %swap3A_2038 : vector<1x16xf32> to vector<16xf32>
        %swap3A_2040 = vector.shape_cast %mul3A_2035 : vector<16xf32> to vector<1x16xf32>
        tpu.vector_store %arg11[%swap3A_2036, %swap3A_2037], %swap3A_2040 {strides = array<i32>} : memref<128x128xf32, #tpu.memory_space<vmem>>, vector<1x16xf32>,
        %slice3A_2041 = vector.extract_strided_slice %get3A_1431 {offsets = [7], sizes = [1], strides = [1]} : vector<16xf32> to vector<1xf32>
        %squeeze3A_2042 = vector.extract %slice3A_2041[0] : f32 from vector<1xf32>
        %broadcast_in_dim3A_2043 = vector.broadcast %squeeze3A_2042 : f32 to vector<16xf32>
        %mul3A_2044 = arith.constant 16 : i32
        %mul3A_2045 = arith.muli %add3A_32, %mul3A_2044 : i32
        %add3A_2046 = arith.constant 7 : i32
        %add3A_2047 = arith.addi %mul3A_2045, %add3A_2046 : i32
        %get3A_2048 = arith.index_cast %add3A_2047 : i32 to index
        %get3A_2049 = arith.constant 0 : index
        %get3A_2050 = tpu.vector_load %arg11[%get3A_2048, %get3A_2049] {strides = array<i32>} : memref<128x128xf32, #tpu.memory_space<vmem>>, vector<1x16xf32>,
        %get3A_2051 = vector.shape_cast %get3A_2050 : vector<1x16xf32> to vector<16xf32>
        %mul3A_2052 = arith.mulf %get3A_2051, %broadcast_in_dim3A_2043 : vector<16xf32>
        %swap3A_2053 = arith.index_cast %add3A_2047 : i32 to index
        %swap3A_2054 = arith.constant 0 : index
        %swap3A_2055 = tpu.vector_load %arg11[%swap3A_2053, %swap3A_2054] {strides = array<i32>} : memref<128x128xf32, #tpu.memory_space<vmem>>, vector<1x16xf32>,
        %swap3A_2056 = vector.shape_cast %swap3A_2055 : vector<1x16xf32> to vector<16xf32>
        %swap3A_2057 = vector.shape_cast %mul3A_2052 : vector<16xf32> to vector<1x16xf32>
        tpu.vector_store %arg11[%swap3A_2053, %swap3A_2054], %swap3A_2057 {strides = array<i32>} : memref<128x128xf32, #tpu.memory_space<vmem>>, vector<1x16xf32>,
        %get3A_2058 = arith.index_cast %add3A_2047 : i32 to index
        %get3A_2059 = arith.constant 16 : index
        %get3A_2060 = tpu.vector_load %arg11[%get3A_2058, %get3A_2059] {strides = array<i32>} : memref<128x128xf32, #tpu.memory_space<vmem>>, vector<1x16xf32>,
        %get3A_2061 = vector.shape_cast %get3A_2060 : vector<1x16xf32> to vector<16xf32>
        %mul3A_2062 = arith.mulf %get3A_2061, %broadcast_in_dim3A_2043 : vector<16xf32>
        %swap3A_2063 = arith.index_cast %add3A_2047 : i32 to index
        %swap3A_2064 = arith.constant 16 : index
        %swap3A_2065 = tpu.vector_load %arg11[%swap3A_2063, %swap3A_2064] {strides = array<i32>} : memref<128x128xf32, #tpu.memory_space<vmem>>, vector<1x16xf32>,
        %swap3A_2066 = vector.shape_cast %swap3A_2065 : vector<1x16xf32> to vector<16xf32>
        %swap3A_2067 = vector.shape_cast %mul3A_2062 : vector<16xf32> to vector<1x16xf32>
        tpu.vector_store %arg11[%swap3A_2063, %swap3A_2064], %swap3A_2067 {strides = array<i32>} : memref<128x128xf32, #tpu.memory_space<vmem>>, vector<1x16xf32>,
        %get3A_2068 = arith.index_cast %add3A_2047 : i32 to index
        %get3A_2069 = arith.constant 32 : index
        %get3A_2070 = tpu.vector_load %arg11[%get3A_2068, %get3A_2069] {strides = array<i32>} : memref<128x128xf32, #tpu.memory_space<vmem>>, vector<1x16xf32>,
        %get3A_2071 = vector.shape_cast %get3A_2070 : vector<1x16xf32> to vector<16xf32>
        %mul3A_2072 = arith.mulf %get3A_2071, %broadcast_in_dim3A_2043 : vector<16xf32>
        %swap3A_2073 = arith.index_cast %add3A_2047 : i32 to index
        %swap3A_2074 = arith.constant 32 : index
        %swap3A_2075 = tpu.vector_load %arg11[%swap3A_2073, %swap3A_2074] {strides = array<i32>} : memref<128x128xf32, #tpu.memory_space<vmem>>, vector<1x16xf32>,
        %swap3A_2076 = vector.shape_cast %swap3A_2075 : vector<1x16xf32> to vector<16xf32>
        %swap3A_2077 = vector.shape_cast %mul3A_2072 : vector<16xf32> to vector<1x16xf32>
        tpu.vector_store %arg11[%swap3A_2073, %swap3A_2074], %swap3A_2077 {strides = array<i32>} : memref<128x128xf32, #tpu.memory_space<vmem>>, vector<1x16xf32>,
        %get3A_2078 = arith.index_cast %add3A_2047 : i32 to index
        %get3A_2079 = arith.constant 48 : index
        %get3A_2080 = tpu.vector_load %arg11[%get3A_2078, %get3A_2079] {strides = array<i32>} : memref<128x128xf32, #tpu.memory_space<vmem>>, vector<1x16xf32>,
        %get3A_2081 = vector.shape_cast %get3A_2080 : vector<1x16xf32> to vector<16xf32>
        %mul3A_2082 = arith.mulf %get3A_2081, %broadcast_in_dim3A_2043 : vector<16xf32>
        %swap3A_2083 = arith.index_cast %add3A_2047 : i32 to index
        %swap3A_2084 = arith.constant 48 : index
        %swap3A_2085 = tpu.vector_load %arg11[%swap3A_2083, %swap3A_2084] {strides = array<i32>} : memref<128x128xf32, #tpu.memory_space<vmem>>, vector<1x16xf32>,
        %swap3A_2086 = vector.shape_cast %swap3A_2085 : vector<1x16xf32> to vector<16xf32>
        %swap3A_2087 = vector.shape_cast %mul3A_2082 : vector<16xf32> to vector<1x16xf32>
        tpu.vector_store %arg11[%swap3A_2083, %swap3A_2084], %swap3A_2087 {strides = array<i32>} : memref<128x128xf32, #tpu.memory_space<vmem>>, vector<1x16xf32>,
        %get3A_2088 = arith.index_cast %add3A_2047 : i32 to index
        %get3A_2089 = arith.constant 64 : index
        %get3A_2090 = tpu.vector_load %arg11[%get3A_2088, %get3A_2089] {strides = array<i32>} : memref<128x128xf32, #tpu.memory_space<vmem>>, vector<1x16xf32>,
        %get3A_2091 = vector.shape_cast %get3A_2090 : vector<1x16xf32> to vector<16xf32>
        %mul3A_2092 = arith.mulf %get3A_2091, %broadcast_in_dim3A_2043 : vector<16xf32>
        %swap3A_2093 = arith.index_cast %add3A_2047 : i32 to index
        %swap3A_2094 = arith.constant 64 : index
        %swap3A_2095 = tpu.vector_load %arg11[%swap3A_2093, %swap3A_2094] {strides = array<i32>} : memref<128x128xf32, #tpu.memory_space<vmem>>, vector<1x16xf32>,
        %swap3A_2096 = vector.shape_cast %swap3A_2095 : vector<1x16xf32> to vector<16xf32>
        %swap3A_2097 = vector.shape_cast %mul3A_2092 : vector<16xf32> to vector<1x16xf32>
        tpu.vector_store %arg11[%swap3A_2093, %swap3A_2094], %swap3A_2097 {strides = array<i32>} : memref<128x128xf32, #tpu.memory_space<vmem>>, vector<1x16xf32>,
        %get3A_2098 = arith.index_cast %add3A_2047 : i32 to index
        %get3A_2099 = arith.constant 80 : index
        %get3A_2100 = tpu.vector_load %arg11[%get3A_2098, %get3A_2099] {strides = array<i32>} : memref<128x128xf32, #tpu.memory_space<vmem>>, vector<1x16xf32>,
        %get3A_2101 = vector.shape_cast %get3A_2100 : vector<1x16xf32> to vector<16xf32>
        %mul3A_2102 = arith.mulf %get3A_2101, %broadcast_in_dim3A_2043 : vector<16xf32>
        %swap3A_2103 = arith.index_cast %add3A_2047 : i32 to index
        %swap3A_2104 = arith.constant 80 : index
        %swap3A_2105 = tpu.vector_load %arg11[%swap3A_2103, %swap3A_2104] {strides = array<i32>} : memref<128x128xf32, #tpu.memory_space<vmem>>, vector<1x16xf32>,
        %swap3A_2106 = vector.shape_cast %swap3A_2105 : vector<1x16xf32> to vector<16xf32>
        %swap3A_2107 = vector.shape_cast %mul3A_2102 : vector<16xf32> to vector<1x16xf32>
        tpu.vector_store %arg11[%swap3A_2103, %swap3A_2104], %swap3A_2107 {strides = array<i32>} : memref<128x128xf32, #tpu.memory_space<vmem>>, vector<1x16xf32>,
        %get3A_2108 = arith.index_cast %add3A_2047 : i32 to index
        %get3A_2109 = arith.constant 96 : index
        %get3A_2110 = tpu.vector_load %arg11[%get3A_2108, %get3A_2109] {strides = array<i32>} : memref<128x128xf32, #tpu.memory_space<vmem>>, vector<1x16xf32>,
        %get3A_2111 = vector.shape_cast %get3A_2110 : vector<1x16xf32> to vector<16xf32>
        %mul3A_2112 = arith.mulf %get3A_2111, %broadcast_in_dim3A_2043 : vector<16xf32>
        %swap3A_2113 = arith.index_cast %add3A_2047 : i32 to index
        %swap3A_2114 = arith.constant 96 : index
        %swap3A_2115 = tpu.vector_load %arg11[%swap3A_2113, %swap3A_2114] {strides = array<i32>} : memref<128x128xf32, #tpu.memory_space<vmem>>, vector<1x16xf32>,
        %swap3A_2116 = vector.shape_cast %swap3A_2115 : vector<1x16xf32> to vector<16xf32>
        %swap3A_2117 = vector.shape_cast %mul3A_2112 : vector<16xf32> to vector<1x16xf32>
        tpu.vector_store %arg11[%swap3A_2113, %swap3A_2114], %swap3A_2117 {strides = array<i32>} : memref<128x128xf32, #tpu.memory_space<vmem>>, vector<1x16xf32>,
        %get3A_2118 = arith.index_cast %add3A_2047 : i32 to index
        %get3A_2119 = arith.constant 112 : index
        %get3A_2120 = tpu.vector_load %arg11[%get3A_2118, %get3A_2119] {strides = array<i32>} : memref<128x128xf32, #tpu.memory_space<vmem>>, vector<1x16xf32>,
        %get3A_2121 = vector.shape_cast %get3A_2120 : vector<1x16xf32> to vector<16xf32>
        %mul3A_2122 = arith.mulf %get3A_2121, %broadcast_in_dim3A_2043 : vector<16xf32>
        %swap3A_2123 = arith.index_cast %add3A_2047 : i32 to index
        %swap3A_2124 = arith.constant 112 : index
        %swap3A_2125 = tpu.vector_load %arg11[%swap3A_2123, %swap3A_2124] {strides = array<i32>} : memref<128x128xf32, #tpu.memory_space<vmem>>, vector<1x16xf32>,
        %swap3A_2126 = vector.shape_cast %swap3A_2125 : vector<1x16xf32> to vector<16xf32>
        %swap3A_2127 = vector.shape_cast %mul3A_2122 : vector<16xf32> to vector<1x16xf32>
        tpu.vector_store %arg11[%swap3A_2123, %swap3A_2124], %swap3A_2127 {strides = array<i32>} : memref<128x128xf32, #tpu.memory_space<vmem>>, vector<1x16xf32>,
        %slice3A_2128 = vector.extract_strided_slice %get3A_1431 {offsets = [8], sizes = [1], strides = [1]} : vector<16xf32> to vector<1xf32>
        %squeeze3A_2129 = vector.extract %slice3A_2128[0] : f32 from vector<1xf32>
        %broadcast_in_dim3A_2130 = vector.broadcast %squeeze3A_2129 : f32 to vector<16xf32>
        %mul3A_2131 = arith.constant 16 : i32
        %mul3A_2132 = arith.muli %add3A_32, %mul3A_2131 : i32
        %add3A_2133 = arith.constant 8 : i32
        %add3A_2134 = arith.addi %mul3A_2132, %add3A_2133 : i32
        %get3A_2135 = arith.index_cast %add3A_2134 : i32 to index
        %get3A_2136 = arith.constant 0 : index
        %get3A_2137 = tpu.vector_load %arg11[%get3A_2135, %get3A_2136] {strides = array<i32>} : memref<128x128xf32, #tpu.memory_space<vmem>>, vector<1x16xf32>,
        %get3A_2138 = vector.shape_cast %get3A_2137 : vector<1x16xf32> to vector<16xf32>
        %mul3A_2139 = arith.mulf %get3A_2138, %broadcast_in_dim3A_2130 : vector<16xf32>
        %swap3A_2140 = arith.index_cast %add3A_2134 : i32 to index
        %swap3A_2141 = arith.constant 0 : index
        %swap3A_2142 = tpu.vector_load %arg11[%swap3A_2140, %swap3A_2141] {strides = array<i32>} : memref<128x128xf32, #tpu.memory_space<vmem>>, vector<1x16xf32>,
        %swap3A_2143 = vector.shape_cast %swap3A_2142 : vector<1x16xf32> to vector<16xf32>
        %swap3A_2144 = vector.shape_cast %mul3A_2139 : vector<16xf32> to vector<1x16xf32>
        tpu.vector_store %arg11[%swap3A_2140, %swap3A_2141], %swap3A_2144 {strides = array<i32>} : memref<128x128xf32, #tpu.memory_space<vmem>>, vector<1x16xf32>,
        %get3A_2145 = arith.index_cast %add3A_2134 : i32 to index
        %get3A_2146 = arith.constant 16 : index
        %get3A_2147 = tpu.vector_load %arg11[%get3A_2145, %get3A_2146] {strides = array<i32>} : memref<128x128xf32, #tpu.memory_space<vmem>>, vector<1x16xf32>,
        %get3A_2148 = vector.shape_cast %get3A_2147 : vector<1x16xf32> to vector<16xf32>
        %mul3A_2149 = arith.mulf %get3A_2148, %broadcast_in_dim3A_2130 : vector<16xf32>
        %swap3A_2150 = arith.index_cast %add3A_2134 : i32 to index
        %swap3A_2151 = arith.constant 16 : index
        %swap3A_2152 = tpu.vector_load %arg11[%swap3A_2150, %swap3A_2151] {strides = array<i32>} : memref<128x128xf32, #tpu.memory_space<vmem>>, vector<1x16xf32>,
        %swap3A_2153 = vector.shape_cast %swap3A_2152 : vector<1x16xf32> to vector<16xf32>
        %swap3A_2154 = vector.shape_cast %mul3A_2149 : vector<16xf32> to vector<1x16xf32>
        tpu.vector_store %arg11[%swap3A_2150, %swap3A_2151], %swap3A_2154 {strides = array<i32>} : memref<128x128xf32, #tpu.memory_space<vmem>>, vector<1x16xf32>,
        %get3A_2155 = arith.index_cast %add3A_2134 : i32 to index
        %get3A_2156 = arith.constant 32 : index
        %get3A_2157 = tpu.vector_load %arg11[%get3A_2155, %get3A_2156] {strides = array<i32>} : memref<128x128xf32, #tpu.memory_space<vmem>>, vector<1x16xf32>,
        %get3A_2158 = vector.shape_cast %get3A_2157 : vector<1x16xf32> to vector<16xf32>
        %mul3A_2159 = arith.mulf %get3A_2158, %broadcast_in_dim3A_2130 : vector<16xf32>
        %swap3A_2160 = arith.index_cast %add3A_2134 : i32 to index
        %swap3A_2161 = arith.constant 32 : index
        %swap3A_2162 = tpu.vector_load %arg11[%swap3A_2160, %swap3A_2161] {strides = array<i32>} : memref<128x128xf32, #tpu.memory_space<vmem>>, vector<1x16xf32>,
        %swap3A_2163 = vector.shape_cast %swap3A_2162 : vector<1x16xf32> to vector<16xf32>
        %swap3A_2164 = vector.shape_cast %mul3A_2159 : vector<16xf32> to vector<1x16xf32>
        tpu.vector_store %arg11[%swap3A_2160, %swap3A_2161], %swap3A_2164 {strides = array<i32>} : memref<128x128xf32, #tpu.memory_space<vmem>>, vector<1x16xf32>,
        %get3A_2165 = arith.index_cast %add3A_2134 : i32 to index
        %get3A_2166 = arith.constant 48 : index
        %get3A_2167 = tpu.vector_load %arg11[%get3A_2165, %get3A_2166] {strides = array<i32>} : memref<128x128xf32, #tpu.memory_space<vmem>>, vector<1x16xf32>,
        %get3A_2168 = vector.shape_cast %get3A_2167 : vector<1x16xf32> to vector<16xf32>
        %mul3A_2169 = arith.mulf %get3A_2168, %broadcast_in_dim3A_2130 : vector<16xf32>
        %swap3A_2170 = arith.index_cast %add3A_2134 : i32 to index
        %swap3A_2171 = arith.constant 48 : index
        %swap3A_2172 = tpu.vector_load %arg11[%swap3A_2170, %swap3A_2171] {strides = array<i32>} : memref<128x128xf32, #tpu.memory_space<vmem>>, vector<1x16xf32>,
        %swap3A_2173 = vector.shape_cast %swap3A_2172 : vector<1x16xf32> to vector<16xf32>
        %swap3A_2174 = vector.shape_cast %mul3A_2169 : vector<16xf32> to vector<1x16xf32>
        tpu.vector_store %arg11[%swap3A_2170, %swap3A_2171], %swap3A_2174 {strides = array<i32>} : memref<128x128xf32, #tpu.memory_space<vmem>>, vector<1x16xf32>,
        %get3A_2175 = arith.index_cast %add3A_2134 : i32 to index
        %get3A_2176 = arith.constant 64 : index
        %get3A_2177 = tpu.vector_load %arg11[%get3A_2175, %get3A_2176] {strides = array<i32>} : memref<128x128xf32, #tpu.memory_space<vmem>>, vector<1x16xf32>,
        %get3A_2178 = vector.shape_cast %get3A_2177 : vector<1x16xf32> to vector<16xf32>
        %mul3A_2179 = arith.mulf %get3A_2178, %broadcast_in_dim3A_2130 : vector<16xf32>
        %swap3A_2180 = arith.index_cast %add3A_2134 : i32 to index
        %swap3A_2181 = arith.constant 64 : index
        %swap3A_2182 = tpu.vector_load %arg11[%swap3A_2180, %swap3A_2181] {strides = array<i32>} : memref<128x128xf32, #tpu.memory_space<vmem>>, vector<1x16xf32>,
        %swap3A_2183 = vector.shape_cast %swap3A_2182 : vector<1x16xf32> to vector<16xf32>
        %swap3A_2184 = vector.shape_cast %mul3A_2179 : vector<16xf32> to vector<1x16xf32>
        tpu.vector_store %arg11[%swap3A_2180, %swap3A_2181], %swap3A_2184 {strides = array<i32>} : memref<128x128xf32, #tpu.memory_space<vmem>>, vector<1x16xf32>,
        %get3A_2185 = arith.index_cast %add3A_2134 : i32 to index
        %get3A_2186 = arith.constant 80 : index
        %get3A_2187 = tpu.vector_load %arg11[%get3A_2185, %get3A_2186] {strides = array<i32>} : memref<128x128xf32, #tpu.memory_space<vmem>>, vector<1x16xf32>,
        %get3A_2188 = vector.shape_cast %get3A_2187 : vector<1x16xf32> to vector<16xf32>
        %mul3A_2189 = arith.mulf %get3A_2188, %broadcast_in_dim3A_2130 : vector<16xf32>
        %swap3A_2190 = arith.index_cast %add3A_2134 : i32 to index
        %swap3A_2191 = arith.constant 80 : index
        %swap3A_2192 = tpu.vector_load %arg11[%swap3A_2190, %swap3A_2191] {strides = array<i32>} : memref<128x128xf32, #tpu.memory_space<vmem>>, vector<1x16xf32>,
        %swap3A_2193 = vector.shape_cast %swap3A_2192 : vector<1x16xf32> to vector<16xf32>
        %swap3A_2194 = vector.shape_cast %mul3A_2189 : vector<16xf32> to vector<1x16xf32>
        tpu.vector_store %arg11[%swap3A_2190, %swap3A_2191], %swap3A_2194 {strides = array<i32>} : memref<128x128xf32, #tpu.memory_space<vmem>>, vector<1x16xf32>,
        %get3A_2195 = arith.index_cast %add3A_2134 : i32 to index
        %get3A_2196 = arith.constant 96 : index
        %get3A_2197 = tpu.vector_load %arg11[%get3A_2195, %get3A_2196] {strides = array<i32>} : memref<128x128xf32, #tpu.memory_space<vmem>>, vector<1x16xf32>,
        %get3A_2198 = vector.shape_cast %get3A_2197 : vector<1x16xf32> to vector<16xf32>
        %mul3A_2199 = arith.mulf %get3A_2198, %broadcast_in_dim3A_2130 : vector<16xf32>
        %swap3A_2200 = arith.index_cast %add3A_2134 : i32 to index
        %swap3A_2201 = arith.constant 96 : index
        %swap3A_2202 = tpu.vector_load %arg11[%swap3A_2200, %swap3A_2201] {strides = array<i32>} : memref<128x128xf32, #tpu.memory_space<vmem>>, vector<1x16xf32>,
        %swap3A_2203 = vector.shape_cast %swap3A_2202 : vector<1x16xf32> to vector<16xf32>
        %swap3A_2204 = vector.shape_cast %mul3A_2199 : vector<16xf32> to vector<1x16xf32>
        tpu.vector_store %arg11[%swap3A_2200, %swap3A_2201], %swap3A_2204 {strides = array<i32>} : memref<128x128xf32, #tpu.memory_space<vmem>>, vector<1x16xf32>,
        %get3A_2205 = arith.index_cast %add3A_2134 : i32 to index
        %get3A_2206 = arith.constant 112 : index
        %get3A_2207 = tpu.vector_load %arg11[%get3A_2205, %get3A_2206] {strides = array<i32>} : memref<128x128xf32, #tpu.memory_space<vmem>>, vector<1x16xf32>,
        %get3A_2208 = vector.shape_cast %get3A_2207 : vector<1x16xf32> to vector<16xf32>
        %mul3A_2209 = arith.mulf %get3A_2208, %broadcast_in_dim3A_2130 : vector<16xf32>
        %swap3A_2210 = arith.index_cast %add3A_2134 : i32 to index
        %swap3A_2211 = arith.constant 112 : index
        %swap3A_2212 = tpu.vector_load %arg11[%swap3A_2210, %swap3A_2211] {strides = array<i32>} : memref<128x128xf32, #tpu.memory_space<vmem>>, vector<1x16xf32>,
        %swap3A_2213 = vector.shape_cast %swap3A_2212 : vector<1x16xf32> to vector<16xf32>
        %swap3A_2214 = vector.shape_cast %mul3A_2209 : vector<16xf32> to vector<1x16xf32>
        tpu.vector_store %arg11[%swap3A_2210, %swap3A_2211], %swap3A_2214 {strides = array<i32>} : memref<128x128xf32, #tpu.memory_space<vmem>>, vector<1x16xf32>,
        %slice3A_2215 = vector.extract_strided_slice %get3A_1431 {offsets = [9], sizes = [1], strides = [1]} : vector<16xf32> to vector<1xf32>
        %squeeze3A_2216 = vector.extract %slice3A_2215[0] : f32 from vector<1xf32>
        %broadcast_in_dim3A_2217 = vector.broadcast %squeeze3A_2216 : f32 to vector<16xf32>
        %mul3A_2218 = arith.constant 16 : i32
        %mul3A_2219 = arith.muli %add3A_32, %mul3A_2218 : i32
        %add3A_2220 = arith.constant 9 : i32
        %add3A_2221 = arith.addi %mul3A_2219, %add3A_2220 : i32
        %get3A_2222 = arith.index_cast %add3A_2221 : i32 to index
        %get3A_2223 = arith.constant 0 : index
        %get3A_2224 = tpu.vector_load %arg11[%get3A_2222, %get3A_2223] {strides = array<i32>} : memref<128x128xf32, #tpu.memory_space<vmem>>, vector<1x16xf32>,
        %get3A_2225 = vector.shape_cast %get3A_2224 : vector<1x16xf32> to vector<16xf32>
        %mul3A_2226 = arith.mulf %get3A_2225, %broadcast_in_dim3A_2217 : vector<16xf32>
        %swap3A_2227 = arith.index_cast %add3A_2221 : i32 to index
        %swap3A_2228 = arith.constant 0 : index
        %swap3A_2229 = tpu.vector_load %arg11[%swap3A_2227, %swap3A_2228] {strides = array<i32>} : memref<128x128xf32, #tpu.memory_space<vmem>>, vector<1x16xf32>,
        %swap3A_2230 = vector.shape_cast %swap3A_2229 : vector<1x16xf32> to vector<16xf32>
        %swap3A_2231 = vector.shape_cast %mul3A_2226 : vector<16xf32> to vector<1x16xf32>
        tpu.vector_store %arg11[%swap3A_2227, %swap3A_2228], %swap3A_2231 {strides = array<i32>} : memref<128x128xf32, #tpu.memory_space<vmem>>, vector<1x16xf32>,
        %get3A_2232 = arith.index_cast %add3A_2221 : i32 to index
        %get3A_2233 = arith.constant 16 : index
        %get3A_2234 = tpu.vector_load %arg11[%get3A_2232, %get3A_2233] {strides = array<i32>} : memref<128x128xf32, #tpu.memory_space<vmem>>, vector<1x16xf32>,
        %get3A_2235 = vector.shape_cast %get3A_2234 : vector<1x16xf32> to vector<16xf32>
        %mul3A_2236 = arith.mulf %get3A_2235, %broadcast_in_dim3A_2217 : vector<16xf32>
        %swap3A_2237 = arith.index_cast %add3A_2221 : i32 to index
        %swap3A_2238 = arith.constant 16 : index
        %swap3A_2239 = tpu.vector_load %arg11[%swap3A_2237, %swap3A_2238] {strides = array<i32>} : memref<128x128xf32, #tpu.memory_space<vmem>>, vector<1x16xf32>,
        %swap3A_2240 = vector.shape_cast %swap3A_2239 : vector<1x16xf32> to vector<16xf32>
        %swap3A_2241 = vector.shape_cast %mul3A_2236 : vector<16xf32> to vector<1x16xf32>
        tpu.vector_store %arg11[%swap3A_2237, %swap3A_2238], %swap3A_2241 {strides = array<i32>} : memref<128x128xf32, #tpu.memory_space<vmem>>, vector<1x16xf32>,
        %get3A_2242 = arith.index_cast %add3A_2221 : i32 to index
        %get3A_2243 = arith.constant 32 : index
        %get3A_2244 = tpu.vector_load %arg11[%get3A_2242, %get3A_2243] {strides = array<i32>} : memref<128x128xf32, #tpu.memory_space<vmem>>, vector<1x16xf32>,
        %get3A_2245 = vector.shape_cast %get3A_2244 : vector<1x16xf32> to vector<16xf32>
        %mul3A_2246 = arith.mulf %get3A_2245, %broadcast_in_dim3A_2217 : vector<16xf32>
        %swap3A_2247 = arith.index_cast %add3A_2221 : i32 to index
        %swap3A_2248 = arith.constant 32 : index
        %swap3A_2249 = tpu.vector_load %arg11[%swap3A_2247, %swap3A_2248] {strides = array<i32>} : memref<128x128xf32, #tpu.memory_space<vmem>>, vector<1x16xf32>,
        %swap3A_2250 = vector.shape_cast %swap3A_2249 : vector<1x16xf32> to vector<16xf32>
        %swap3A_2251 = vector.shape_cast %mul3A_2246 : vector<16xf32> to vector<1x16xf32>
        tpu.vector_store %arg11[%swap3A_2247, %swap3A_2248], %swap3A_2251 {strides = array<i32>} : memref<128x128xf32, #tpu.memory_space<vmem>>, vector<1x16xf32>,
        %get3A_2252 = arith.index_cast %add3A_2221 : i32 to index
        %get3A_2253 = arith.constant 48 : index
        %get3A_2254 = tpu.vector_load %arg11[%get3A_2252, %get3A_2253] {strides = array<i32>} : memref<128x128xf32, #tpu.memory_space<vmem>>, vector<1x16xf32>,
        %get3A_2255 = vector.shape_cast %get3A_2254 : vector<1x16xf32> to vector<16xf32>
        %mul3A_2256 = arith.mulf %get3A_2255, %broadcast_in_dim3A_2217 : vector<16xf32>
        %swap3A_2257 = arith.index_cast %add3A_2221 : i32 to index
        %swap3A_2258 = arith.constant 48 : index
        %swap3A_2259 = tpu.vector_load %arg11[%swap3A_2257, %swap3A_2258] {strides = array<i32>} : memref<128x128xf32, #tpu.memory_space<vmem>>, vector<1x16xf32>,
        %swap3A_2260 = vector.shape_cast %swap3A_2259 : vector<1x16xf32> to vector<16xf32>
        %swap3A_2261 = vector.shape_cast %mul3A_2256 : vector<16xf32> to vector<1x16xf32>
        tpu.vector_store %arg11[%swap3A_2257, %swap3A_2258], %swap3A_2261 {strides = array<i32>} : memref<128x128xf32, #tpu.memory_space<vmem>>, vector<1x16xf32>,
        %get3A_2262 = arith.index_cast %add3A_2221 : i32 to index
        %get3A_2263 = arith.constant 64 : index
        %get3A_2264 = tpu.vector_load %arg11[%get3A_2262, %get3A_2263] {strides = array<i32>} : memref<128x128xf32, #tpu.memory_space<vmem>>, vector<1x16xf32>,
        %get3A_2265 = vector.shape_cast %get3A_2264 : vector<1x16xf32> to vector<16xf32>
        %mul3A_2266 = arith.mulf %get3A_2265, %broadcast_in_dim3A_2217 : vector<16xf32>
        %swap3A_2267 = arith.index_cast %add3A_2221 : i32 to index
        %swap3A_2268 = arith.constant 64 : index
        %swap3A_2269 = tpu.vector_load %arg11[%swap3A_2267, %swap3A_2268] {strides = array<i32>} : memref<128x128xf32, #tpu.memory_space<vmem>>, vector<1x16xf32>,
        %swap3A_2270 = vector.shape_cast %swap3A_2269 : vector<1x16xf32> to vector<16xf32>
        %swap3A_2271 = vector.shape_cast %mul3A_2266 : vector<16xf32> to vector<1x16xf32>
        tpu.vector_store %arg11[%swap3A_2267, %swap3A_2268], %swap3A_2271 {strides = array<i32>} : memref<128x128xf32, #tpu.memory_space<vmem>>, vector<1x16xf32>,
        %get3A_2272 = arith.index_cast %add3A_2221 : i32 to index
        %get3A_2273 = arith.constant 80 : index
        %get3A_2274 = tpu.vector_load %arg11[%get3A_2272, %get3A_2273] {strides = array<i32>} : memref<128x128xf32, #tpu.memory_space<vmem>>, vector<1x16xf32>,
        %get3A_2275 = vector.shape_cast %get3A_2274 : vector<1x16xf32> to vector<16xf32>
        %mul3A_2276 = arith.mulf %get3A_2275, %broadcast_in_dim3A_2217 : vector<16xf32>
        %swap3A_2277 = arith.index_cast %add3A_2221 : i32 to index
        %swap3A_2278 = arith.constant 80 : index
        %swap3A_2279 = tpu.vector_load %arg11[%swap3A_2277, %swap3A_2278] {strides = array<i32>} : memref<128x128xf32, #tpu.memory_space<vmem>>, vector<1x16xf32>,
        %swap3A_2280 = vector.shape_cast %swap3A_2279 : vector<1x16xf32> to vector<16xf32>
        %swap3A_2281 = vector.shape_cast %mul3A_2276 : vector<16xf32> to vector<1x16xf32>
        tpu.vector_store %arg11[%swap3A_2277, %swap3A_2278], %swap3A_2281 {strides = array<i32>} : memref<128x128xf32, #tpu.memory_space<vmem>>, vector<1x16xf32>,
        %get3A_2282 = arith.index_cast %add3A_2221 : i32 to index
        %get3A_2283 = arith.constant 96 : index
        %get3A_2284 = tpu.vector_load %arg11[%get3A_2282, %get3A_2283] {strides = array<i32>} : memref<128x128xf32, #tpu.memory_space<vmem>>, vector<1x16xf32>,
        %get3A_2285 = vector.shape_cast %get3A_2284 : vector<1x16xf32> to vector<16xf32>
        %mul3A_2286 = arith.mulf %get3A_2285, %broadcast_in_dim3A_2217 : vector<16xf32>
        %swap3A_2287 = arith.index_cast %add3A_2221 : i32 to index
        %swap3A_2288 = arith.constant 96 : index
        %swap3A_2289 = tpu.vector_load %arg11[%swap3A_2287, %swap3A_2288] {strides = array<i32>} : memref<128x128xf32, #tpu.memory_space<vmem>>, vector<1x16xf32>,
        %swap3A_2290 = vector.shape_cast %swap3A_2289 : vector<1x16xf32> to vector<16xf32>
        %swap3A_2291 = vector.shape_cast %mul3A_2286 : vector<16xf32> to vector<1x16xf32>
        tpu.vector_store %arg11[%swap3A_2287, %swap3A_2288], %swap3A_2291 {strides = array<i32>} : memref<128x128xf32, #tpu.memory_space<vmem>>, vector<1x16xf32>,
        %get3A_2292 = arith.index_cast %add3A_2221 : i32 to index
        %get3A_2293 = arith.constant 112 : index
        %get3A_2294 = tpu.vector_load %arg11[%get3A_2292, %get3A_2293] {strides = array<i32>} : memref<128x128xf32, #tpu.memory_space<vmem>>, vector<1x16xf32>,
        %get3A_2295 = vector.shape_cast %get3A_2294 : vector<1x16xf32> to vector<16xf32>
        %mul3A_2296 = arith.mulf %get3A_2295, %broadcast_in_dim3A_2217 : vector<16xf32>
        %swap3A_2297 = arith.index_cast %add3A_2221 : i32 to index
        %swap3A_2298 = arith.constant 112 : index
        %swap3A_2299 = tpu.vector_load %arg11[%swap3A_2297, %swap3A_2298] {strides = array<i32>} : memref<128x128xf32, #tpu.memory_space<vmem>>, vector<1x16xf32>,
        %swap3A_2300 = vector.shape_cast %swap3A_2299 : vector<1x16xf32> to vector<16xf32>
        %swap3A_2301 = vector.shape_cast %mul3A_2296 : vector<16xf32> to vector<1x16xf32>
        tpu.vector_store %arg11[%swap3A_2297, %swap3A_2298], %swap3A_2301 {strides = array<i32>} : memref<128x128xf32, #tpu.memory_space<vmem>>, vector<1x16xf32>,
        %slice3A_2302 = vector.extract_strided_slice %get3A_1431 {offsets = [10], sizes = [1], strides = [1]} : vector<16xf32> to vector<1xf32>
        %squeeze3A_2303 = vector.extract %slice3A_2302[0] : f32 from vector<1xf32>
        %broadcast_in_dim3A_2304 = vector.broadcast %squeeze3A_2303 : f32 to vector<16xf32>
        %mul3A_2305 = arith.constant 16 : i32
        %mul3A_2306 = arith.muli %add3A_32, %mul3A_2305 : i32
        %add3A_2307 = arith.constant 10 : i32
        %add3A_2308 = arith.addi %mul3A_2306, %add3A_2307 : i32
        %get3A_2309 = arith.index_cast %add3A_2308 : i32 to index
        %get3A_2310 = arith.constant 0 : index
        %get3A_2311 = tpu.vector_load %arg11[%get3A_2309, %get3A_2310] {strides = array<i32>} : memref<128x128xf32, #tpu.memory_space<vmem>>, vector<1x16xf32>,
        %get3A_2312 = vector.shape_cast %get3A_2311 : vector<1x16xf32> to vector<16xf32>
        %mul3A_2313 = arith.mulf %get3A_2312, %broadcast_in_dim3A_2304 : vector<16xf32>
        %swap3A_2314 = arith.index_cast %add3A_2308 : i32 to index
        %swap3A_2315 = arith.constant 0 : index
        %swap3A_2316 = tpu.vector_load %arg11[%swap3A_2314, %swap3A_2315] {strides = array<i32>} : memref<128x128xf32, #tpu.memory_space<vmem>>, vector<1x16xf32>,
        %swap3A_2317 = vector.shape_cast %swap3A_2316 : vector<1x16xf32> to vector<16xf32>
        %swap3A_2318 = vector.shape_cast %mul3A_2313 : vector<16xf32> to vector<1x16xf32>
        tpu.vector_store %arg11[%swap3A_2314, %swap3A_2315], %swap3A_2318 {strides = array<i32>} : memref<128x128xf32, #tpu.memory_space<vmem>>, vector<1x16xf32>,
        %get3A_2319 = arith.index_cast %add3A_2308 : i32 to index
        %get3A_2320 = arith.constant 16 : index
        %get3A_2321 = tpu.vector_load %arg11[%get3A_2319, %get3A_2320] {strides = array<i32>} : memref<128x128xf32, #tpu.memory_space<vmem>>, vector<1x16xf32>,
        %get3A_2322 = vector.shape_cast %get3A_2321 : vector<1x16xf32> to vector<16xf32>
        %mul3A_2323 = arith.mulf %get3A_2322, %broadcast_in_dim3A_2304 : vector<16xf32>
        %swap3A_2324 = arith.index_cast %add3A_2308 : i32 to index
        %swap3A_2325 = arith.constant 16 : index
        %swap3A_2326 = tpu.vector_load %arg11[%swap3A_2324, %swap3A_2325] {strides = array<i32>} : memref<128x128xf32, #tpu.memory_space<vmem>>, vector<1x16xf32>,
        %swap3A_2327 = vector.shape_cast %swap3A_2326 : vector<1x16xf32> to vector<16xf32>
        %swap3A_2328 = vector.shape_cast %mul3A_2323 : vector<16xf32> to vector<1x16xf32>
        tpu.vector_store %arg11[%swap3A_2324, %swap3A_2325], %swap3A_2328 {strides = array<i32>} : memref<128x128xf32, #tpu.memory_space<vmem>>, vector<1x16xf32>,
        %get3A_2329 = arith.index_cast %add3A_2308 : i32 to index
        %get3A_2330 = arith.constant 32 : index
        %get3A_2331 = tpu.vector_load %arg11[%get3A_2329, %get3A_2330] {strides = array<i32>} : memref<128x128xf32, #tpu.memory_space<vmem>>, vector<1x16xf32>,
        %get3A_2332 = vector.shape_cast %get3A_2331 : vector<1x16xf32> to vector<16xf32>
        %mul3A_2333 = arith.mulf %get3A_2332, %broadcast_in_dim3A_2304 : vector<16xf32>
        %swap3A_2334 = arith.index_cast %add3A_2308 : i32 to index
        %swap3A_2335 = arith.constant 32 : index
        %swap3A_2336 = tpu.vector_load %arg11[%swap3A_2334, %swap3A_2335] {strides = array<i32>} : memref<128x128xf32, #tpu.memory_space<vmem>>, vector<1x16xf32>,
        %swap3A_2337 = vector.shape_cast %swap3A_2336 : vector<1x16xf32> to vector<16xf32>
        %swap3A_2338 = vector.shape_cast %mul3A_2333 : vector<16xf32> to vector<1x16xf32>
        tpu.vector_store %arg11[%swap3A_2334, %swap3A_2335], %swap3A_2338 {strides = array<i32>} : memref<128x128xf32, #tpu.memory_space<vmem>>, vector<1x16xf32>,
        %get3A_2339 = arith.index_cast %add3A_2308 : i32 to index
        %get3A_2340 = arith.constant 48 : index
        %get3A_2341 = tpu.vector_load %arg11[%get3A_2339, %get3A_2340] {strides = array<i32>} : memref<128x128xf32, #tpu.memory_space<vmem>>, vector<1x16xf32>,
        %get3A_2342 = vector.shape_cast %get3A_2341 : vector<1x16xf32> to vector<16xf32>
        %mul3A_2343 = arith.mulf %get3A_2342, %broadcast_in_dim3A_2304 : vector<16xf32>
        %swap3A_2344 = arith.index_cast %add3A_2308 : i32 to index
        %swap3A_2345 = arith.constant 48 : index
        %swap3A_2346 = tpu.vector_load %arg11[%swap3A_2344, %swap3A_2345] {strides = array<i32>} : memref<128x128xf32, #tpu.memory_space<vmem>>, vector<1x16xf32>,
        %swap3A_2347 = vector.shape_cast %swap3A_2346 : vector<1x16xf32> to vector<16xf32>
        %swap3A_2348 = vector.shape_cast %mul3A_2343 : vector<16xf32> to vector<1x16xf32>
        tpu.vector_store %arg11[%swap3A_2344, %swap3A_2345], %swap3A_2348 {strides = array<i32>} : memref<128x128xf32, #tpu.memory_space<vmem>>, vector<1x16xf32>,
        %get3A_2349 = arith.index_cast %add3A_2308 : i32 to index
        %get3A_2350 = arith.constant 64 : index
        %get3A_2351 = tpu.vector_load %arg11[%get3A_2349, %get3A_2350] {strides = array<i32>} : memref<128x128xf32, #tpu.memory_space<vmem>>, vector<1x16xf32>,
        %get3A_2352 = vector.shape_cast %get3A_2351 : vector<1x16xf32> to vector<16xf32>
        %mul3A_2353 = arith.mulf %get3A_2352, %broadcast_in_dim3A_2304 : vector<16xf32>
        %swap3A_2354 = arith.index_cast %add3A_2308 : i32 to index
        %swap3A_2355 = arith.constant 64 : index
        %swap3A_2356 = tpu.vector_load %arg11[%swap3A_2354, %swap3A_2355] {strides = array<i32>} : memref<128x128xf32, #tpu.memory_space<vmem>>, vector<1x16xf32>,
        %swap3A_2357 = vector.shape_cast %swap3A_2356 : vector<1x16xf32> to vector<16xf32>
        %swap3A_2358 = vector.shape_cast %mul3A_2353 : vector<16xf32> to vector<1x16xf32>
        tpu.vector_store %arg11[%swap3A_2354, %swap3A_2355], %swap3A_2358 {strides = array<i32>} : memref<128x128xf32, #tpu.memory_space<vmem>>, vector<1x16xf32>,
        %get3A_2359 = arith.index_cast %add3A_2308 : i32 to index
        %get3A_2360 = arith.constant 80 : index
        %get3A_2361 = tpu.vector_load %arg11[%get3A_2359, %get3A_2360] {strides = array<i32>} : memref<128x128xf32, #tpu.memory_space<vmem>>, vector<1x16xf32>,
        %get3A_2362 = vector.shape_cast %get3A_2361 : vector<1x16xf32> to vector<16xf32>
        %mul3A_2363 = arith.mulf %get3A_2362, %broadcast_in_dim3A_2304 : vector<16xf32>
        %swap3A_2364 = arith.index_cast %add3A_2308 : i32 to index
        %swap3A_2365 = arith.constant 80 : index
        %swap3A_2366 = tpu.vector_load %arg11[%swap3A_2364, %swap3A_2365] {strides = array<i32>} : memref<128x128xf32, #tpu.memory_space<vmem>>, vector<1x16xf32>,
        %swap3A_2367 = vector.shape_cast %swap3A_2366 : vector<1x16xf32> to vector<16xf32>
        %swap3A_2368 = vector.shape_cast %mul3A_2363 : vector<16xf32> to vector<1x16xf32>
        tpu.vector_store %arg11[%swap3A_2364, %swap3A_2365], %swap3A_2368 {strides = array<i32>} : memref<128x128xf32, #tpu.memory_space<vmem>>, vector<1x16xf32>,
        %get3A_2369 = arith.index_cast %add3A_2308 : i32 to index
        %get3A_2370 = arith.constant 96 : index
        %get3A_2371 = tpu.vector_load %arg11[%get3A_2369, %get3A_2370] {strides = array<i32>} : memref<128x128xf32, #tpu.memory_space<vmem>>, vector<1x16xf32>,
        %get3A_2372 = vector.shape_cast %get3A_2371 : vector<1x16xf32> to vector<16xf32>
        %mul3A_2373 = arith.mulf %get3A_2372, %broadcast_in_dim3A_2304 : vector<16xf32>
        %swap3A_2374 = arith.index_cast %add3A_2308 : i32 to index
        %swap3A_2375 = arith.constant 96 : index
        %swap3A_2376 = tpu.vector_load %arg11[%swap3A_2374, %swap3A_2375] {strides = array<i32>} : memref<128x128xf32, #tpu.memory_space<vmem>>, vector<1x16xf32>,
        %swap3A_2377 = vector.shape_cast %swap3A_2376 : vector<1x16xf32> to vector<16xf32>
        %swap3A_2378 = vector.shape_cast %mul3A_2373 : vector<16xf32> to vector<1x16xf32>
        tpu.vector_store %arg11[%swap3A_2374, %swap3A_2375], %swap3A_2378 {strides = array<i32>} : memref<128x128xf32, #tpu.memory_space<vmem>>, vector<1x16xf32>,
        %get3A_2379 = arith.index_cast %add3A_2308 : i32 to index
        %get3A_2380 = arith.constant 112 : index
        %get3A_2381 = tpu.vector_load %arg11[%get3A_2379, %get3A_2380] {strides = array<i32>} : memref<128x128xf32, #tpu.memory_space<vmem>>, vector<1x16xf32>,
        %get3A_2382 = vector.shape_cast %get3A_2381 : vector<1x16xf32> to vector<16xf32>
        %mul3A_2383 = arith.mulf %get3A_2382, %broadcast_in_dim3A_2304 : vector<16xf32>
        %swap3A_2384 = arith.index_cast %add3A_2308 : i32 to index
        %swap3A_2385 = arith.constant 112 : index
        %swap3A_2386 = tpu.vector_load %arg11[%swap3A_2384, %swap3A_2385] {strides = array<i32>} : memref<128x128xf32, #tpu.memory_space<vmem>>, vector<1x16xf32>,
        %swap3A_2387 = vector.shape_cast %swap3A_2386 : vector<1x16xf32> to vector<16xf32>
        %swap3A_2388 = vector.shape_cast %mul3A_2383 : vector<16xf32> to vector<1x16xf32>
        tpu.vector_store %arg11[%swap3A_2384, %swap3A_2385], %swap3A_2388 {strides = array<i32>} : memref<128x128xf32, #tpu.memory_space<vmem>>, vector<1x16xf32>,
        %slice3A_2389 = vector.extract_strided_slice %get3A_1431 {offsets = [11], sizes = [1], strides = [1]} : vector<16xf32> to vector<1xf32>
        %squeeze3A_2390 = vector.extract %slice3A_2389[0] : f32 from vector<1xf32>
        %broadcast_in_dim3A_2391 = vector.broadcast %squeeze3A_2390 : f32 to vector<16xf32>
        %mul3A_2392 = arith.constant 16 : i32
        %mul3A_2393 = arith.muli %add3A_32, %mul3A_2392 : i32
        %add3A_2394 = arith.constant 11 : i32
        %add3A_2395 = arith.addi %mul3A_2393, %add3A_2394 : i32
        %get3A_2396 = arith.index_cast %add3A_2395 : i32 to index
        %get3A_2397 = arith.constant 0 : index
        %get3A_2398 = tpu.vector_load %arg11[%get3A_2396, %get3A_2397] {strides = array<i32>} : memref<128x128xf32, #tpu.memory_space<vmem>>, vector<1x16xf32>,
        %get3A_2399 = vector.shape_cast %get3A_2398 : vector<1x16xf32> to vector<16xf32>
        %mul3A_2400 = arith.mulf %get3A_2399, %broadcast_in_dim3A_2391 : vector<16xf32>
        %swap3A_2401 = arith.index_cast %add3A_2395 : i32 to index
        %swap3A_2402 = arith.constant 0 : index
        %swap3A_2403 = tpu.vector_load %arg11[%swap3A_2401, %swap3A_2402] {strides = array<i32>} : memref<128x128xf32, #tpu.memory_space<vmem>>, vector<1x16xf32>,
        %swap3A_2404 = vector.shape_cast %swap3A_2403 : vector<1x16xf32> to vector<16xf32>
        %swap3A_2405 = vector.shape_cast %mul3A_2400 : vector<16xf32> to vector<1x16xf32>
        tpu.vector_store %arg11[%swap3A_2401, %swap3A_2402], %swap3A_2405 {strides = array<i32>} : memref<128x128xf32, #tpu.memory_space<vmem>>, vector<1x16xf32>,
        %get3A_2406 = arith.index_cast %add3A_2395 : i32 to index
        %get3A_2407 = arith.constant 16 : index
        %get3A_2408 = tpu.vector_load %arg11[%get3A_2406, %get3A_2407] {strides = array<i32>} : memref<128x128xf32, #tpu.memory_space<vmem>>, vector<1x16xf32>,
        %get3A_2409 = vector.shape_cast %get3A_2408 : vector<1x16xf32> to vector<16xf32>
        %mul3A_2410 = arith.mulf %get3A_2409, %broadcast_in_dim3A_2391 : vector<16xf32>
        %swap3A_2411 = arith.index_cast %add3A_2395 : i32 to index
        %swap3A_2412 = arith.constant 16 : index
        %swap3A_2413 = tpu.vector_load %arg11[%swap3A_2411, %swap3A_2412] {strides = array<i32>} : memref<128x128xf32, #tpu.memory_space<vmem>>, vector<1x16xf32>,
        %swap3A_2414 = vector.shape_cast %swap3A_2413 : vector<1x16xf32> to vector<16xf32>
        %swap3A_2415 = vector.shape_cast %mul3A_2410 : vector<16xf32> to vector<1x16xf32>
        tpu.vector_store %arg11[%swap3A_2411, %swap3A_2412], %swap3A_2415 {strides = array<i32>} : memref<128x128xf32, #tpu.memory_space<vmem>>, vector<1x16xf32>,
        %get3A_2416 = arith.index_cast %add3A_2395 : i32 to index
        %get3A_2417 = arith.constant 32 : index
        %get3A_2418 = tpu.vector_load %arg11[%get3A_2416, %get3A_2417] {strides = array<i32>} : memref<128x128xf32, #tpu.memory_space<vmem>>, vector<1x16xf32>,
        %get3A_2419 = vector.shape_cast %get3A_2418 : vector<1x16xf32> to vector<16xf32>
        %mul3A_2420 = arith.mulf %get3A_2419, %broadcast_in_dim3A_2391 : vector<16xf32>
        %swap3A_2421 = arith.index_cast %add3A_2395 : i32 to index
        %swap3A_2422 = arith.constant 32 : index
        %swap3A_2423 = tpu.vector_load %arg11[%swap3A_2421, %swap3A_2422] {strides = array<i32>} : memref<128x128xf32, #tpu.memory_space<vmem>>, vector<1x16xf32>,
        %swap3A_2424 = vector.shape_cast %swap3A_2423 : vector<1x16xf32> to vector<16xf32>
        %swap3A_2425 = vector.shape_cast %mul3A_2420 : vector<16xf32> to vector<1x16xf32>
        tpu.vector_store %arg11[%swap3A_2421, %swap3A_2422], %swap3A_2425 {strides = array<i32>} : memref<128x128xf32, #tpu.memory_space<vmem>>, vector<1x16xf32>,
        %get3A_2426 = arith.index_cast %add3A_2395 : i32 to index
        %get3A_2427 = arith.constant 48 : index
        %get3A_2428 = tpu.vector_load %arg11[%get3A_2426, %get3A_2427] {strides = array<i32>} : memref<128x128xf32, #tpu.memory_space<vmem>>, vector<1x16xf32>,
        %get3A_2429 = vector.shape_cast %get3A_2428 : vector<1x16xf32> to vector<16xf32>
        %mul3A_2430 = arith.mulf %get3A_2429, %broadcast_in_dim3A_2391 : vector<16xf32>
        %swap3A_2431 = arith.index_cast %add3A_2395 : i32 to index
        %swap3A_2432 = arith.constant 48 : index
        %swap3A_2433 = tpu.vector_load %arg11[%swap3A_2431, %swap3A_2432] {strides = array<i32>} : memref<128x128xf32, #tpu.memory_space<vmem>>, vector<1x16xf32>,
        %swap3A_2434 = vector.shape_cast %swap3A_2433 : vector<1x16xf32> to vector<16xf32>
        %swap3A_2435 = vector.shape_cast %mul3A_2430 : vector<16xf32> to vector<1x16xf32>
        tpu.vector_store %arg11[%swap3A_2431, %swap3A_2432], %swap3A_2435 {strides = array<i32>} : memref<128x128xf32, #tpu.memory_space<vmem>>, vector<1x16xf32>,
        %get3A_2436 = arith.index_cast %add3A_2395 : i32 to index
        %get3A_2437 = arith.constant 64 : index
        %get3A_2438 = tpu.vector_load %arg11[%get3A_2436, %get3A_2437] {strides = array<i32>} : memref<128x128xf32, #tpu.memory_space<vmem>>, vector<1x16xf32>,
        %get3A_2439 = vector.shape_cast %get3A_2438 : vector<1x16xf32> to vector<16xf32>
        %mul3A_2440 = arith.mulf %get3A_2439, %broadcast_in_dim3A_2391 : vector<16xf32>
        %swap3A_2441 = arith.index_cast %add3A_2395 : i32 to index
        %swap3A_2442 = arith.constant 64 : index
        %swap3A_2443 = tpu.vector_load %arg11[%swap3A_2441, %swap3A_2442] {strides = array<i32>} : memref<128x128xf32, #tpu.memory_space<vmem>>, vector<1x16xf32>,
        %swap3A_2444 = vector.shape_cast %swap3A_2443 : vector<1x16xf32> to vector<16xf32>
        %swap3A_2445 = vector.shape_cast %mul3A_2440 : vector<16xf32> to vector<1x16xf32>
        tpu.vector_store %arg11[%swap3A_2441, %swap3A_2442], %swap3A_2445 {strides = array<i32>} : memref<128x128xf32, #tpu.memory_space<vmem>>, vector<1x16xf32>,
        %get3A_2446 = arith.index_cast %add3A_2395 : i32 to index
        %get3A_2447 = arith.constant 80 : index
        %get3A_2448 = tpu.vector_load %arg11[%get3A_2446, %get3A_2447] {strides = array<i32>} : memref<128x128xf32, #tpu.memory_space<vmem>>, vector<1x16xf32>,
        %get3A_2449 = vector.shape_cast %get3A_2448 : vector<1x16xf32> to vector<16xf32>
        %mul3A_2450 = arith.mulf %get3A_2449, %broadcast_in_dim3A_2391 : vector<16xf32>
        %swap3A_2451 = arith.index_cast %add3A_2395 : i32 to index
        %swap3A_2452 = arith.constant 80 : index
        %swap3A_2453 = tpu.vector_load %arg11[%swap3A_2451, %swap3A_2452] {strides = array<i32>} : memref<128x128xf32, #tpu.memory_space<vmem>>, vector<1x16xf32>,
        %swap3A_2454 = vector.shape_cast %swap3A_2453 : vector<1x16xf32> to vector<16xf32>
        %swap3A_2455 = vector.shape_cast %mul3A_2450 : vector<16xf32> to vector<1x16xf32>
        tpu.vector_store %arg11[%swap3A_2451, %swap3A_2452], %swap3A_2455 {strides = array<i32>} : memref<128x128xf32, #tpu.memory_space<vmem>>, vector<1x16xf32>,
        %get3A_2456 = arith.index_cast %add3A_2395 : i32 to index
        %get3A_2457 = arith.constant 96 : index
        %get3A_2458 = tpu.vector_load %arg11[%get3A_2456, %get3A_2457] {strides = array<i32>} : memref<128x128xf32, #tpu.memory_space<vmem>>, vector<1x16xf32>,
        %get3A_2459 = vector.shape_cast %get3A_2458 : vector<1x16xf32> to vector<16xf32>
        %mul3A_2460 = arith.mulf %get3A_2459, %broadcast_in_dim3A_2391 : vector<16xf32>
        %swap3A_2461 = arith.index_cast %add3A_2395 : i32 to index
        %swap3A_2462 = arith.constant 96 : index
        %swap3A_2463 = tpu.vector_load %arg11[%swap3A_2461, %swap3A_2462] {strides = array<i32>} : memref<128x128xf32, #tpu.memory_space<vmem>>, vector<1x16xf32>,
        %swap3A_2464 = vector.shape_cast %swap3A_2463 : vector<1x16xf32> to vector<16xf32>
        %swap3A_2465 = vector.shape_cast %mul3A_2460 : vector<16xf32> to vector<1x16xf32>
        tpu.vector_store %arg11[%swap3A_2461, %swap3A_2462], %swap3A_2465 {strides = array<i32>} : memref<128x128xf32, #tpu.memory_space<vmem>>, vector<1x16xf32>,
        %get3A_2466 = arith.index_cast %add3A_2395 : i32 to index
        %get3A_2467 = arith.constant 112 : index
        %get3A_2468 = tpu.vector_load %arg11[%get3A_2466, %get3A_2467] {strides = array<i32>} : memref<128x128xf32, #tpu.memory_space<vmem>>, vector<1x16xf32>,
        %get3A_2469 = vector.shape_cast %get3A_2468 : vector<1x16xf32> to vector<16xf32>
        %mul3A_2470 = arith.mulf %get3A_2469, %broadcast_in_dim3A_2391 : vector<16xf32>
        %swap3A_2471 = arith.index_cast %add3A_2395 : i32 to index
        %swap3A_2472 = arith.constant 112 : index
        %swap3A_2473 = tpu.vector_load %arg11[%swap3A_2471, %swap3A_2472] {strides = array<i32>} : memref<128x128xf32, #tpu.memory_space<vmem>>, vector<1x16xf32>,
        %swap3A_2474 = vector.shape_cast %swap3A_2473 : vector<1x16xf32> to vector<16xf32>
        %swap3A_2475 = vector.shape_cast %mul3A_2470 : vector<16xf32> to vector<1x16xf32>
        tpu.vector_store %arg11[%swap3A_2471, %swap3A_2472], %swap3A_2475 {strides = array<i32>} : memref<128x128xf32, #tpu.memory_space<vmem>>, vector<1x16xf32>,
        %slice3A_2476 = vector.extract_strided_slice %get3A_1431 {offsets = [12], sizes = [1], strides = [1]} : vector<16xf32> to vector<1xf32>
        %squeeze3A_2477 = vector.extract %slice3A_2476[0] : f32 from vector<1xf32>
        %broadcast_in_dim3A_2478 = vector.broadcast %squeeze3A_2477 : f32 to vector<16xf32>
        %mul3A_2479 = arith.constant 16 : i32
        %mul3A_2480 = arith.muli %add3A_32, %mul3A_2479 : i32
        %add3A_2481 = arith.constant 12 : i32
        %add3A_2482 = arith.addi %mul3A_2480, %add3A_2481 : i32
        %get3A_2483 = arith.index_cast %add3A_2482 : i32 to index
        %get3A_2484 = arith.constant 0 : index
        %get3A_2485 = tpu.vector_load %arg11[%get3A_2483, %get3A_2484] {strides = array<i32>} : memref<128x128xf32, #tpu.memory_space<vmem>>, vector<1x16xf32>,
        %get3A_2486 = vector.shape_cast %get3A_2485 : vector<1x16xf32> to vector<16xf32>
        %mul3A_2487 = arith.mulf %get3A_2486, %broadcast_in_dim3A_2478 : vector<16xf32>
        %swap3A_2488 = arith.index_cast %add3A_2482 : i32 to index
        %swap3A_2489 = arith.constant 0 : index
        %swap3A_2490 = tpu.vector_load %arg11[%swap3A_2488, %swap3A_2489] {strides = array<i32>} : memref<128x128xf32, #tpu.memory_space<vmem>>, vector<1x16xf32>,
        %swap3A_2491 = vector.shape_cast %swap3A_2490 : vector<1x16xf32> to vector<16xf32>
        %swap3A_2492 = vector.shape_cast %mul3A_2487 : vector<16xf32> to vector<1x16xf32>
        tpu.vector_store %arg11[%swap3A_2488, %swap3A_2489], %swap3A_2492 {strides = array<i32>} : memref<128x128xf32, #tpu.memory_space<vmem>>, vector<1x16xf32>,
        %get3A_2493 = arith.index_cast %add3A_2482 : i32 to index
        %get3A_2494 = arith.constant 16 : index
        %get3A_2495 = tpu.vector_load %arg11[%get3A_2493, %get3A_2494] {strides = array<i32>} : memref<128x128xf32, #tpu.memory_space<vmem>>, vector<1x16xf32>,
        %get3A_2496 = vector.shape_cast %get3A_2495 : vector<1x16xf32> to vector<16xf32>
        %mul3A_2497 = arith.mulf %get3A_2496, %broadcast_in_dim3A_2478 : vector<16xf32>
        %swap3A_2498 = arith.index_cast %add3A_2482 : i32 to index
        %swap3A_2499 = arith.constant 16 : index
        %swap3A_2500 = tpu.vector_load %arg11[%swap3A_2498, %swap3A_2499] {strides = array<i32>} : memref<128x128xf32, #tpu.memory_space<vmem>>, vector<1x16xf32>,
        %swap3A_2501 = vector.shape_cast %swap3A_2500 : vector<1x16xf32> to vector<16xf32>
        %swap3A_2502 = vector.shape_cast %mul3A_2497 : vector<16xf32> to vector<1x16xf32>
        tpu.vector_store %arg11[%swap3A_2498, %swap3A_2499], %swap3A_2502 {strides = array<i32>} : memref<128x128xf32, #tpu.memory_space<vmem>>, vector<1x16xf32>,
        %get3A_2503 = arith.index_cast %add3A_2482 : i32 to index
        %get3A_2504 = arith.constant 32 : index
        %get3A_2505 = tpu.vector_load %arg11[%get3A_2503, %get3A_2504] {strides = array<i32>} : memref<128x128xf32, #tpu.memory_space<vmem>>, vector<1x16xf32>,
        %get3A_2506 = vector.shape_cast %get3A_2505 : vector<1x16xf32> to vector<16xf32>
        %mul3A_2507 = arith.mulf %get3A_2506, %broadcast_in_dim3A_2478 : vector<16xf32>
        %swap3A_2508 = arith.index_cast %add3A_2482 : i32 to index
        %swap3A_2509 = arith.constant 32 : index
        %swap3A_2510 = tpu.vector_load %arg11[%swap3A_2508, %swap3A_2509] {strides = array<i32>} : memref<128x128xf32, #tpu.memory_space<vmem>>, vector<1x16xf32>,
        %swap3A_2511 = vector.shape_cast %swap3A_2510 : vector<1x16xf32> to vector<16xf32>
        %swap3A_2512 = vector.shape_cast %mul3A_2507 : vector<16xf32> to vector<1x16xf32>
        tpu.vector_store %arg11[%swap3A_2508, %swap3A_2509], %swap3A_2512 {strides = array<i32>} : memref<128x128xf32, #tpu.memory_space<vmem>>, vector<1x16xf32>,
        %get3A_2513 = arith.index_cast %add3A_2482 : i32 to index
        %get3A_2514 = arith.constant 48 : index
        %get3A_2515 = tpu.vector_load %arg11[%get3A_2513, %get3A_2514] {strides = array<i32>} : memref<128x128xf32, #tpu.memory_space<vmem>>, vector<1x16xf32>,
        %get3A_2516 = vector.shape_cast %get3A_2515 : vector<1x16xf32> to vector<16xf32>
        %mul3A_2517 = arith.mulf %get3A_2516, %broadcast_in_dim3A_2478 : vector<16xf32>
        %swap3A_2518 = arith.index_cast %add3A_2482 : i32 to index
        %swap3A_2519 = arith.constant 48 : index
        %swap3A_2520 = tpu.vector_load %arg11[%swap3A_2518, %swap3A_2519] {strides = array<i32>} : memref<128x128xf32, #tpu.memory_space<vmem>>, vector<1x16xf32>,
        %swap3A_2521 = vector.shape_cast %swap3A_2520 : vector<1x16xf32> to vector<16xf32>
        %swap3A_2522 = vector.shape_cast %mul3A_2517 : vector<16xf32> to vector<1x16xf32>
        tpu.vector_store %arg11[%swap3A_2518, %swap3A_2519], %swap3A_2522 {strides = array<i32>} : memref<128x128xf32, #tpu.memory_space<vmem>>, vector<1x16xf32>,
        %get3A_2523 = arith.index_cast %add3A_2482 : i32 to index
        %get3A_2524 = arith.constant 64 : index
        %get3A_2525 = tpu.vector_load %arg11[%get3A_2523, %get3A_2524] {strides = array<i32>} : memref<128x128xf32, #tpu.memory_space<vmem>>, vector<1x16xf32>,
        %get3A_2526 = vector.shape_cast %get3A_2525 : vector<1x16xf32> to vector<16xf32>
        %mul3A_2527 = arith.mulf %get3A_2526, %broadcast_in_dim3A_2478 : vector<16xf32>
        %swap3A_2528 = arith.index_cast %add3A_2482 : i32 to index
        %swap3A_2529 = arith.constant 64 : index
        %swap3A_2530 = tpu.vector_load %arg11[%swap3A_2528, %swap3A_2529] {strides = array<i32>} : memref<128x128xf32, #tpu.memory_space<vmem>>, vector<1x16xf32>,
        %swap3A_2531 = vector.shape_cast %swap3A_2530 : vector<1x16xf32> to vector<16xf32>
        %swap3A_2532 = vector.shape_cast %mul3A_2527 : vector<16xf32> to vector<1x16xf32>
        tpu.vector_store %arg11[%swap3A_2528, %swap3A_2529], %swap3A_2532 {strides = array<i32>} : memref<128x128xf32, #tpu.memory_space<vmem>>, vector<1x16xf32>,
        %get3A_2533 = arith.index_cast %add3A_2482 : i32 to index
        %get3A_2534 = arith.constant 80 : index
        %get3A_2535 = tpu.vector_load %arg11[%get3A_2533, %get3A_2534] {strides = array<i32>} : memref<128x128xf32, #tpu.memory_space<vmem>>, vector<1x16xf32>,
        %get3A_2536 = vector.shape_cast %get3A_2535 : vector<1x16xf32> to vector<16xf32>
        %mul3A_2537 = arith.mulf %get3A_2536, %broadcast_in_dim3A_2478 : vector<16xf32>
        %swap3A_2538 = arith.index_cast %add3A_2482 : i32 to index
        %swap3A_2539 = arith.constant 80 : index
        %swap3A_2540 = tpu.vector_load %arg11[%swap3A_2538, %swap3A_2539] {strides = array<i32>} : memref<128x128xf32, #tpu.memory_space<vmem>>, vector<1x16xf32>,
        %swap3A_2541 = vector.shape_cast %swap3A_2540 : vector<1x16xf32> to vector<16xf32>
        %swap3A_2542 = vector.shape_cast %mul3A_2537 : vector<16xf32> to vector<1x16xf32>
        tpu.vector_store %arg11[%swap3A_2538, %swap3A_2539], %swap3A_2542 {strides = array<i32>} : memref<128x128xf32, #tpu.memory_space<vmem>>, vector<1x16xf32>,
        %get3A_2543 = arith.index_cast %add3A_2482 : i32 to index
        %get3A_2544 = arith.constant 96 : index
        %get3A_2545 = tpu.vector_load %arg11[%get3A_2543, %get3A_2544] {strides = array<i32>} : memref<128x128xf32, #tpu.memory_space<vmem>>, vector<1x16xf32>,
        %get3A_2546 = vector.shape_cast %get3A_2545 : vector<1x16xf32> to vector<16xf32>
        %mul3A_2547 = arith.mulf %get3A_2546, %broadcast_in_dim3A_2478 : vector<16xf32>
        %swap3A_2548 = arith.index_cast %add3A_2482 : i32 to index
        %swap3A_2549 = arith.constant 96 : index
        %swap3A_2550 = tpu.vector_load %arg11[%swap3A_2548, %swap3A_2549] {strides = array<i32>} : memref<128x128xf32, #tpu.memory_space<vmem>>, vector<1x16xf32>,
        %swap3A_2551 = vector.shape_cast %swap3A_2550 : vector<1x16xf32> to vector<16xf32>
        %swap3A_2552 = vector.shape_cast %mul3A_2547 : vector<16xf32> to vector<1x16xf32>
        tpu.vector_store %arg11[%swap3A_2548, %swap3A_2549], %swap3A_2552 {strides = array<i32>} : memref<128x128xf32, #tpu.memory_space<vmem>>, vector<1x16xf32>,
        %get3A_2553 = arith.index_cast %add3A_2482 : i32 to index
        %get3A_2554 = arith.constant 112 : index
        %get3A_2555 = tpu.vector_load %arg11[%get3A_2553, %get3A_2554] {strides = array<i32>} : memref<128x128xf32, #tpu.memory_space<vmem>>, vector<1x16xf32>,
        %get3A_2556 = vector.shape_cast %get3A_2555 : vector<1x16xf32> to vector<16xf32>
        %mul3A_2557 = arith.mulf %get3A_2556, %broadcast_in_dim3A_2478 : vector<16xf32>
        %swap3A_2558 = arith.index_cast %add3A_2482 : i32 to index
        %swap3A_2559 = arith.constant 112 : index
        %swap3A_2560 = tpu.vector_load %arg11[%swap3A_2558, %swap3A_2559] {strides = array<i32>} : memref<128x128xf32, #tpu.memory_space<vmem>>, vector<1x16xf32>,
        %swap3A_2561 = vector.shape_cast %swap3A_2560 : vector<1x16xf32> to vector<16xf32>
        %swap3A_2562 = vector.shape_cast %mul3A_2557 : vector<16xf32> to vector<1x16xf32>
        tpu.vector_store %arg11[%swap3A_2558, %swap3A_2559], %swap3A_2562 {strides = array<i32>} : memref<128x128xf32, #tpu.memory_space<vmem>>, vector<1x16xf32>,
        %slice3A_2563 = vector.extract_strided_slice %get3A_1431 {offsets = [13], sizes = [1], strides = [1]} : vector<16xf32> to vector<1xf32>
        %squeeze3A_2564 = vector.extract %slice3A_2563[0] : f32 from vector<1xf32>
        %broadcast_in_dim3A_2565 = vector.broadcast %squeeze3A_2564 : f32 to vector<16xf32>
        %mul3A_2566 = arith.constant 16 : i32
        %mul3A_2567 = arith.muli %add3A_32, %mul3A_2566 : i32
        %add3A_2568 = arith.constant 13 : i32
        %add3A_2569 = arith.addi %mul3A_2567, %add3A_2568 : i32
        %get3A_2570 = arith.index_cast %add3A_2569 : i32 to index
        %get3A_2571 = arith.constant 0 : index
        %get3A_2572 = tpu.vector_load %arg11[%get3A_2570, %get3A_2571] {strides = array<i32>} : memref<128x128xf32, #tpu.memory_space<vmem>>, vector<1x16xf32>,
        %get3A_2573 = vector.shape_cast %get3A_2572 : vector<1x16xf32> to vector<16xf32>
        %mul3A_2574 = arith.mulf %get3A_2573, %broadcast_in_dim3A_2565 : vector<16xf32>
        %swap3A_2575 = arith.index_cast %add3A_2569 : i32 to index
        %swap3A_2576 = arith.constant 0 : index
        %swap3A_2577 = tpu.vector_load %arg11[%swap3A_2575, %swap3A_2576] {strides = array<i32>} : memref<128x128xf32, #tpu.memory_space<vmem>>, vector<1x16xf32>,
        %swap3A_2578 = vector.shape_cast %swap3A_2577 : vector<1x16xf32> to vector<16xf32>
        %swap3A_2579 = vector.shape_cast %mul3A_2574 : vector<16xf32> to vector<1x16xf32>
        tpu.vector_store %arg11[%swap3A_2575, %swap3A_2576], %swap3A_2579 {strides = array<i32>} : memref<128x128xf32, #tpu.memory_space<vmem>>, vector<1x16xf32>,
        %get3A_2580 = arith.index_cast %add3A_2569 : i32 to index
        %get3A_2581 = arith.constant 16 : index
        %get3A_2582 = tpu.vector_load %arg11[%get3A_2580, %get3A_2581] {strides = array<i32>} : memref<128x128xf32, #tpu.memory_space<vmem>>, vector<1x16xf32>,
        %get3A_2583 = vector.shape_cast %get3A_2582 : vector<1x16xf32> to vector<16xf32>
        %mul3A_2584 = arith.mulf %get3A_2583, %broadcast_in_dim3A_2565 : vector<16xf32>
        %swap3A_2585 = arith.index_cast %add3A_2569 : i32 to index
        %swap3A_2586 = arith.constant 16 : index
        %swap3A_2587 = tpu.vector_load %arg11[%swap3A_2585, %swap3A_2586] {strides = array<i32>} : memref<128x128xf32, #tpu.memory_space<vmem>>, vector<1x16xf32>,
        %swap3A_2588 = vector.shape_cast %swap3A_2587 : vector<1x16xf32> to vector<16xf32>
        %swap3A_2589 = vector.shape_cast %mul3A_2584 : vector<16xf32> to vector<1x16xf32>
        tpu.vector_store %arg11[%swap3A_2585, %swap3A_2586], %swap3A_2589 {strides = array<i32>} : memref<128x128xf32, #tpu.memory_space<vmem>>, vector<1x16xf32>,
        %get3A_2590 = arith.index_cast %add3A_2569 : i32 to index
        %get3A_2591 = arith.constant 32 : index
        %get3A_2592 = tpu.vector_load %arg11[%get3A_2590, %get3A_2591] {strides = array<i32>} : memref<128x128xf32, #tpu.memory_space<vmem>>, vector<1x16xf32>,
        %get3A_2593 = vector.shape_cast %get3A_2592 : vector<1x16xf32> to vector<16xf32>
        %mul3A_2594 = arith.mulf %get3A_2593, %broadcast_in_dim3A_2565 : vector<16xf32>
        %swap3A_2595 = arith.index_cast %add3A_2569 : i32 to index
        %swap3A_2596 = arith.constant 32 : index
        %swap3A_2597 = tpu.vector_load %arg11[%swap3A_2595, %swap3A_2596] {strides = array<i32>} : memref<128x128xf32, #tpu.memory_space<vmem>>, vector<1x16xf32>,
        %swap3A_2598 = vector.shape_cast %swap3A_2597 : vector<1x16xf32> to vector<16xf32>
        %swap3A_2599 = vector.shape_cast %mul3A_2594 : vector<16xf32> to vector<1x16xf32>
        tpu.vector_store %arg11[%swap3A_2595, %swap3A_2596], %swap3A_2599 {strides = array<i32>} : memref<128x128xf32, #tpu.memory_space<vmem>>, vector<1x16xf32>,
        %get3A_2600 = arith.index_cast %add3A_2569 : i32 to index
        %get3A_2601 = arith.constant 48 : index
        %get3A_2602 = tpu.vector_load %arg11[%get3A_2600, %get3A_2601] {strides = array<i32>} : memref<128x128xf32, #tpu.memory_space<vmem>>, vector<1x16xf32>,
        %get3A_2603 = vector.shape_cast %get3A_2602 : vector<1x16xf32> to vector<16xf32>
        %mul3A_2604 = arith.mulf %get3A_2603, %broadcast_in_dim3A_2565 : vector<16xf32>
        %swap3A_2605 = arith.index_cast %add3A_2569 : i32 to index
        %swap3A_2606 = arith.constant 48 : index
        %swap3A_2607 = tpu.vector_load %arg11[%swap3A_2605, %swap3A_2606] {strides = array<i32>} : memref<128x128xf32, #tpu.memory_space<vmem>>, vector<1x16xf32>,
        %swap3A_2608 = vector.shape_cast %swap3A_2607 : vector<1x16xf32> to vector<16xf32>
        %swap3A_2609 = vector.shape_cast %mul3A_2604 : vector<16xf32> to vector<1x16xf32>
        tpu.vector_store %arg11[%swap3A_2605, %swap3A_2606], %swap3A_2609 {strides = array<i32>} : memref<128x128xf32, #tpu.memory_space<vmem>>, vector<1x16xf32>,
        %get3A_2610 = arith.index_cast %add3A_2569 : i32 to index
        %get3A_2611 = arith.constant 64 : index
        %get3A_2612 = tpu.vector_load %arg11[%get3A_2610, %get3A_2611] {strides = array<i32>} : memref<128x128xf32, #tpu.memory_space<vmem>>, vector<1x16xf32>,
        %get3A_2613 = vector.shape_cast %get3A_2612 : vector<1x16xf32> to vector<16xf32>
        %mul3A_2614 = arith.mulf %get3A_2613, %broadcast_in_dim3A_2565 : vector<16xf32>
        %swap3A_2615 = arith.index_cast %add3A_2569 : i32 to index
        %swap3A_2616 = arith.constant 64 : index
        %swap3A_2617 = tpu.vector_load %arg11[%swap3A_2615, %swap3A_2616] {strides = array<i32>} : memref<128x128xf32, #tpu.memory_space<vmem>>, vector<1x16xf32>,
        %swap3A_2618 = vector.shape_cast %swap3A_2617 : vector<1x16xf32> to vector<16xf32>
        %swap3A_2619 = vector.shape_cast %mul3A_2614 : vector<16xf32> to vector<1x16xf32>
        tpu.vector_store %arg11[%swap3A_2615, %swap3A_2616], %swap3A_2619 {strides = array<i32>} : memref<128x128xf32, #tpu.memory_space<vmem>>, vector<1x16xf32>,
        %get3A_2620 = arith.index_cast %add3A_2569 : i32 to index
        %get3A_2621 = arith.constant 80 : index
        %get3A_2622 = tpu.vector_load %arg11[%get3A_2620, %get3A_2621] {strides = array<i32>} : memref<128x128xf32, #tpu.memory_space<vmem>>, vector<1x16xf32>,
        %get3A_2623 = vector.shape_cast %get3A_2622 : vector<1x16xf32> to vector<16xf32>
        %mul3A_2624 = arith.mulf %get3A_2623, %broadcast_in_dim3A_2565 : vector<16xf32>
        %swap3A_2625 = arith.index_cast %add3A_2569 : i32 to index
        %swap3A_2626 = arith.constant 80 : index
        %swap3A_2627 = tpu.vector_load %arg11[%swap3A_2625, %swap3A_2626] {strides = array<i32>} : memref<128x128xf32, #tpu.memory_space<vmem>>, vector<1x16xf32>,
        %swap3A_2628 = vector.shape_cast %swap3A_2627 : vector<1x16xf32> to vector<16xf32>
        %swap3A_2629 = vector.shape_cast %mul3A_2624 : vector<16xf32> to vector<1x16xf32>
        tpu.vector_store %arg11[%swap3A_2625, %swap3A_2626], %swap3A_2629 {strides = array<i32>} : memref<128x128xf32, #tpu.memory_space<vmem>>, vector<1x16xf32>,
        %get3A_2630 = arith.index_cast %add3A_2569 : i32 to index
        %get3A_2631 = arith.constant 96 : index
        %get3A_2632 = tpu.vector_load %arg11[%get3A_2630, %get3A_2631] {strides = array<i32>} : memref<128x128xf32, #tpu.memory_space<vmem>>, vector<1x16xf32>,
        %get3A_2633 = vector.shape_cast %get3A_2632 : vector<1x16xf32> to vector<16xf32>
        %mul3A_2634 = arith.mulf %get3A_2633, %broadcast_in_dim3A_2565 : vector<16xf32>
        %swap3A_2635 = arith.index_cast %add3A_2569 : i32 to index
        %swap3A_2636 = arith.constant 96 : index
        %swap3A_2637 = tpu.vector_load %arg11[%swap3A_2635, %swap3A_2636] {strides = array<i32>} : memref<128x128xf32, #tpu.memory_space<vmem>>, vector<1x16xf32>,
        %swap3A_2638 = vector.shape_cast %swap3A_2637 : vector<1x16xf32> to vector<16xf32>
        %swap3A_2639 = vector.shape_cast %mul3A_2634 : vector<16xf32> to vector<1x16xf32>
        tpu.vector_store %arg11[%swap3A_2635, %swap3A_2636], %swap3A_2639 {strides = array<i32>} : memref<128x128xf32, #tpu.memory_space<vmem>>, vector<1x16xf32>,
        %get3A_2640 = arith.index_cast %add3A_2569 : i32 to index
        %get3A_2641 = arith.constant 112 : index
        %get3A_2642 = tpu.vector_load %arg11[%get3A_2640, %get3A_2641] {strides = array<i32>} : memref<128x128xf32, #tpu.memory_space<vmem>>, vector<1x16xf32>,
        %get3A_2643 = vector.shape_cast %get3A_2642 : vector<1x16xf32> to vector<16xf32>
        %mul3A_2644 = arith.mulf %get3A_2643, %broadcast_in_dim3A_2565 : vector<16xf32>
        %swap3A_2645 = arith.index_cast %add3A_2569 : i32 to index
        %swap3A_2646 = arith.constant 112 : index
        %swap3A_2647 = tpu.vector_load %arg11[%swap3A_2645, %swap3A_2646] {strides = array<i32>} : memref<128x128xf32, #tpu.memory_space<vmem>>, vector<1x16xf32>,
        %swap3A_2648 = vector.shape_cast %swap3A_2647 : vector<1x16xf32> to vector<16xf32>
        %swap3A_2649 = vector.shape_cast %mul3A_2644 : vector<16xf32> to vector<1x16xf32>
        tpu.vector_store %arg11[%swap3A_2645, %swap3A_2646], %swap3A_2649 {strides = array<i32>} : memref<128x128xf32, #tpu.memory_space<vmem>>, vector<1x16xf32>,
        %slice3A_2650 = vector.extract_strided_slice %get3A_1431 {offsets = [14], sizes = [1], strides = [1]} : vector<16xf32> to vector<1xf32>
        %squeeze3A_2651 = vector.extract %slice3A_2650[0] : f32 from vector<1xf32>
        %broadcast_in_dim3A_2652 = vector.broadcast %squeeze3A_2651 : f32 to vector<16xf32>
        %mul3A_2653 = arith.constant 16 : i32
        %mul3A_2654 = arith.muli %add3A_32, %mul3A_2653 : i32
        %add3A_2655 = arith.constant 14 : i32
        %add3A_2656 = arith.addi %mul3A_2654, %add3A_2655 : i32
        %get3A_2657 = arith.index_cast %add3A_2656 : i32 to index
        %get3A_2658 = arith.constant 0 : index
        %get3A_2659 = tpu.vector_load %arg11[%get3A_2657, %get3A_2658] {strides = array<i32>} : memref<128x128xf32, #tpu.memory_space<vmem>>, vector<1x16xf32>,
        %get3A_2660 = vector.shape_cast %get3A_2659 : vector<1x16xf32> to vector<16xf32>
        %mul3A_2661 = arith.mulf %get3A_2660, %broadcast_in_dim3A_2652 : vector<16xf32>
        %swap3A_2662 = arith.index_cast %add3A_2656 : i32 to index
        %swap3A_2663 = arith.constant 0 : index
        %swap3A_2664 = tpu.vector_load %arg11[%swap3A_2662, %swap3A_2663] {strides = array<i32>} : memref<128x128xf32, #tpu.memory_space<vmem>>, vector<1x16xf32>,
        %swap3A_2665 = vector.shape_cast %swap3A_2664 : vector<1x16xf32> to vector<16xf32>
        %swap3A_2666 = vector.shape_cast %mul3A_2661 : vector<16xf32> to vector<1x16xf32>
        tpu.vector_store %arg11[%swap3A_2662, %swap3A_2663], %swap3A_2666 {strides = array<i32>} : memref<128x128xf32, #tpu.memory_space<vmem>>, vector<1x16xf32>,
        %get3A_2667 = arith.index_cast %add3A_2656 : i32 to index
        %get3A_2668 = arith.constant 16 : index
        %get3A_2669 = tpu.vector_load %arg11[%get3A_2667, %get3A_2668] {strides = array<i32>} : memref<128x128xf32, #tpu.memory_space<vmem>>, vector<1x16xf32>,
        %get3A_2670 = vector.shape_cast %get3A_2669 : vector<1x16xf32> to vector<16xf32>
        %mul3A_2671 = arith.mulf %get3A_2670, %broadcast_in_dim3A_2652 : vector<16xf32>
        %swap3A_2672 = arith.index_cast %add3A_2656 : i32 to index
        %swap3A_2673 = arith.constant 16 : index
        %swap3A_2674 = tpu.vector_load %arg11[%swap3A_2672, %swap3A_2673] {strides = array<i32>} : memref<128x128xf32, #tpu.memory_space<vmem>>, vector<1x16xf32>,
        %swap3A_2675 = vector.shape_cast %swap3A_2674 : vector<1x16xf32> to vector<16xf32>
        %swap3A_2676 = vector.shape_cast %mul3A_2671 : vector<16xf32> to vector<1x16xf32>
        tpu.vector_store %arg11[%swap3A_2672, %swap3A_2673], %swap3A_2676 {strides = array<i32>} : memref<128x128xf32, #tpu.memory_space<vmem>>, vector<1x16xf32>,
        %get3A_2677 = arith.index_cast %add3A_2656 : i32 to index
        %get3A_2678 = arith.constant 32 : index
        %get3A_2679 = tpu.vector_load %arg11[%get3A_2677, %get3A_2678] {strides = array<i32>} : memref<128x128xf32, #tpu.memory_space<vmem>>, vector<1x16xf32>,
        %get3A_2680 = vector.shape_cast %get3A_2679 : vector<1x16xf32> to vector<16xf32>
        %mul3A_2681 = arith.mulf %get3A_2680, %broadcast_in_dim3A_2652 : vector<16xf32>
        %swap3A_2682 = arith.index_cast %add3A_2656 : i32 to index
        %swap3A_2683 = arith.constant 32 : index
        %swap3A_2684 = tpu.vector_load %arg11[%swap3A_2682, %swap3A_2683] {strides = array<i32>} : memref<128x128xf32, #tpu.memory_space<vmem>>, vector<1x16xf32>,
        %swap3A_2685 = vector.shape_cast %swap3A_2684 : vector<1x16xf32> to vector<16xf32>
        %swap3A_2686 = vector.shape_cast %mul3A_2681 : vector<16xf32> to vector<1x16xf32>
        tpu.vector_store %arg11[%swap3A_2682, %swap3A_2683], %swap3A_2686 {strides = array<i32>} : memref<128x128xf32, #tpu.memory_space<vmem>>, vector<1x16xf32>,
        %get3A_2687 = arith.index_cast %add3A_2656 : i32 to index
        %get3A_2688 = arith.constant 48 : index
        %get3A_2689 = tpu.vector_load %arg11[%get3A_2687, %get3A_2688] {strides = array<i32>} : memref<128x128xf32, #tpu.memory_space<vmem>>, vector<1x16xf32>,
        %get3A_2690 = vector.shape_cast %get3A_2689 : vector<1x16xf32> to vector<16xf32>
        %mul3A_2691 = arith.mulf %get3A_2690, %broadcast_in_dim3A_2652 : vector<16xf32>
        %swap3A_2692 = arith.index_cast %add3A_2656 : i32 to index
        %swap3A_2693 = arith.constant 48 : index
        %swap3A_2694 = tpu.vector_load %arg11[%swap3A_2692, %swap3A_2693] {strides = array<i32>} : memref<128x128xf32, #tpu.memory_space<vmem>>, vector<1x16xf32>,
        %swap3A_2695 = vector.shape_cast %swap3A_2694 : vector<1x16xf32> to vector<16xf32>
        %swap3A_2696 = vector.shape_cast %mul3A_2691 : vector<16xf32> to vector<1x16xf32>
        tpu.vector_store %arg11[%swap3A_2692, %swap3A_2693], %swap3A_2696 {strides = array<i32>} : memref<128x128xf32, #tpu.memory_space<vmem>>, vector<1x16xf32>,
        %get3A_2697 = arith.index_cast %add3A_2656 : i32 to index
        %get3A_2698 = arith.constant 64 : index
        %get3A_2699 = tpu.vector_load %arg11[%get3A_2697, %get3A_2698] {strides = array<i32>} : memref<128x128xf32, #tpu.memory_space<vmem>>, vector<1x16xf32>,
        %get3A_2700 = vector.shape_cast %get3A_2699 : vector<1x16xf32> to vector<16xf32>
        %mul3A_2701 = arith.mulf %get3A_2700, %broadcast_in_dim3A_2652 : vector<16xf32>
        %swap3A_2702 = arith.index_cast %add3A_2656 : i32 to index
        %swap3A_2703 = arith.constant 64 : index
        %swap3A_2704 = tpu.vector_load %arg11[%swap3A_2702, %swap3A_2703] {strides = array<i32>} : memref<128x128xf32, #tpu.memory_space<vmem>>, vector<1x16xf32>,
        %swap3A_2705 = vector.shape_cast %swap3A_2704 : vector<1x16xf32> to vector<16xf32>
        %swap3A_2706 = vector.shape_cast %mul3A_2701 : vector<16xf32> to vector<1x16xf32>
        tpu.vector_store %arg11[%swap3A_2702, %swap3A_2703], %swap3A_2706 {strides = array<i32>} : memref<128x128xf32, #tpu.memory_space<vmem>>, vector<1x16xf32>,
        %get3A_2707 = arith.index_cast %add3A_2656 : i32 to index
        %get3A_2708 = arith.constant 80 : index
        %get3A_2709 = tpu.vector_load %arg11[%get3A_2707, %get3A_2708] {strides = array<i32>} : memref<128x128xf32, #tpu.memory_space<vmem>>, vector<1x16xf32>,
        %get3A_2710 = vector.shape_cast %get3A_2709 : vector<1x16xf32> to vector<16xf32>
        %mul3A_2711 = arith.mulf %get3A_2710, %broadcast_in_dim3A_2652 : vector<16xf32>
        %swap3A_2712 = arith.index_cast %add3A_2656 : i32 to index
        %swap3A_2713 = arith.constant 80 : index
        %swap3A_2714 = tpu.vector_load %arg11[%swap3A_2712, %swap3A_2713] {strides = array<i32>} : memref<128x128xf32, #tpu.memory_space<vmem>>, vector<1x16xf32>,
        %swap3A_2715 = vector.shape_cast %swap3A_2714 : vector<1x16xf32> to vector<16xf32>
        %swap3A_2716 = vector.shape_cast %mul3A_2711 : vector<16xf32> to vector<1x16xf32>
        tpu.vector_store %arg11[%swap3A_2712, %swap3A_2713], %swap3A_2716 {strides = array<i32>} : memref<128x128xf32, #tpu.memory_space<vmem>>, vector<1x16xf32>,
        %get3A_2717 = arith.index_cast %add3A_2656 : i32 to index
        %get3A_2718 = arith.constant 96 : index
        %get3A_2719 = tpu.vector_load %arg11[%get3A_2717, %get3A_2718] {strides = array<i32>} : memref<128x128xf32, #tpu.memory_space<vmem>>, vector<1x16xf32>,
        %get3A_2720 = vector.shape_cast %get3A_2719 : vector<1x16xf32> to vector<16xf32>
        %mul3A_2721 = arith.mulf %get3A_2720, %broadcast_in_dim3A_2652 : vector<16xf32>
        %swap3A_2722 = arith.index_cast %add3A_2656 : i32 to index
        %swap3A_2723 = arith.constant 96 : index
        %swap3A_2724 = tpu.vector_load %arg11[%swap3A_2722, %swap3A_2723] {strides = array<i32>} : memref<128x128xf32, #tpu.memory_space<vmem>>, vector<1x16xf32>,
        %swap3A_2725 = vector.shape_cast %swap3A_2724 : vector<1x16xf32> to vector<16xf32>
        %swap3A_2726 = vector.shape_cast %mul3A_2721 : vector<16xf32> to vector<1x16xf32>
        tpu.vector_store %arg11[%swap3A_2722, %swap3A_2723], %swap3A_2726 {strides = array<i32>} : memref<128x128xf32, #tpu.memory_space<vmem>>, vector<1x16xf32>,
        %get3A_2727 = arith.index_cast %add3A_2656 : i32 to index
        %get3A_2728 = arith.constant 112 : index
        %get3A_2729 = tpu.vector_load %arg11[%get3A_2727, %get3A_2728] {strides = array<i32>} : memref<128x128xf32, #tpu.memory_space<vmem>>, vector<1x16xf32>,
        %get3A_2730 = vector.shape_cast %get3A_2729 : vector<1x16xf32> to vector<16xf32>
        %mul3A_2731 = arith.mulf %get3A_2730, %broadcast_in_dim3A_2652 : vector<16xf32>
        %swap3A_2732 = arith.index_cast %add3A_2656 : i32 to index
        %swap3A_2733 = arith.constant 112 : index
        %swap3A_2734 = tpu.vector_load %arg11[%swap3A_2732, %swap3A_2733] {strides = array<i32>} : memref<128x128xf32, #tpu.memory_space<vmem>>, vector<1x16xf32>,
        %swap3A_2735 = vector.shape_cast %swap3A_2734 : vector<1x16xf32> to vector<16xf32>
        %swap3A_2736 = vector.shape_cast %mul3A_2731 : vector<16xf32> to vector<1x16xf32>
        tpu.vector_store %arg11[%swap3A_2732, %swap3A_2733], %swap3A_2736 {strides = array<i32>} : memref<128x128xf32, #tpu.memory_space<vmem>>, vector<1x16xf32>,
        %slice3A_2737 = vector.extract_strided_slice %get3A_1431 {offsets = [15], sizes = [1], strides = [1]} : vector<16xf32> to vector<1xf32>
        %squeeze3A_2738 = vector.extract %slice3A_2737[0] : f32 from vector<1xf32>
        %broadcast_in_dim3A_2739 = vector.broadcast %squeeze3A_2738 : f32 to vector<16xf32>
        %mul3A_2740 = arith.constant 16 : i32
        %mul3A_2741 = arith.muli %add3A_32, %mul3A_2740 : i32
        %add3A_2742 = arith.constant 15 : i32
        %add3A_2743 = arith.addi %mul3A_2741, %add3A_2742 : i32
        %get3A_2744 = arith.index_cast %add3A_2743 : i32 to index
        %get3A_2745 = arith.constant 0 : index
        %get3A_2746 = tpu.vector_load %arg11[%get3A_2744, %get3A_2745] {strides = array<i32>} : memref<128x128xf32, #tpu.memory_space<vmem>>, vector<1x16xf32>,
        %get3A_2747 = vector.shape_cast %get3A_2746 : vector<1x16xf32> to vector<16xf32>
        %mul3A_2748 = arith.mulf %get3A_2747, %broadcast_in_dim3A_2739 : vector<16xf32>
        %swap3A_2749 = arith.index_cast %add3A_2743 : i32 to index
        %swap3A_2750 = arith.constant 0 : index
        %swap3A_2751 = tpu.vector_load %arg11[%swap3A_2749, %swap3A_2750] {strides = array<i32>} : memref<128x128xf32, #tpu.memory_space<vmem>>, vector<1x16xf32>,
        %swap3A_2752 = vector.shape_cast %swap3A_2751 : vector<1x16xf32> to vector<16xf32>
        %swap3A_2753 = vector.shape_cast %mul3A_2748 : vector<16xf32> to vector<1x16xf32>
        tpu.vector_store %arg11[%swap3A_2749, %swap3A_2750], %swap3A_2753 {strides = array<i32>} : memref<128x128xf32, #tpu.memory_space<vmem>>, vector<1x16xf32>,
        %get3A_2754 = arith.index_cast %add3A_2743 : i32 to index
        %get3A_2755 = arith.constant 16 : index
        %get3A_2756 = tpu.vector_load %arg11[%get3A_2754, %get3A_2755] {strides = array<i32>} : memref<128x128xf32, #tpu.memory_space<vmem>>, vector<1x16xf32>,
        %get3A_2757 = vector.shape_cast %get3A_2756 : vector<1x16xf32> to vector<16xf32>
        %mul3A_2758 = arith.mulf %get3A_2757, %broadcast_in_dim3A_2739 : vector<16xf32>
        %swap3A_2759 = arith.index_cast %add3A_2743 : i32 to index
        %swap3A_2760 = arith.constant 16 : index
        %swap3A_2761 = tpu.vector_load %arg11[%swap3A_2759, %swap3A_2760] {strides = array<i32>} : memref<128x128xf32, #tpu.memory_space<vmem>>, vector<1x16xf32>,
        %swap3A_2762 = vector.shape_cast %swap3A_2761 : vector<1x16xf32> to vector<16xf32>
        %swap3A_2763 = vector.shape_cast %mul3A_2758 : vector<16xf32> to vector<1x16xf32>
        tpu.vector_store %arg11[%swap3A_2759, %swap3A_2760], %swap3A_2763 {strides = array<i32>} : memref<128x128xf32, #tpu.memory_space<vmem>>, vector<1x16xf32>,
        %get3A_2764 = arith.index_cast %add3A_2743 : i32 to index
        %get3A_2765 = arith.constant 32 : index
        %get3A_2766 = tpu.vector_load %arg11[%get3A_2764, %get3A_2765] {strides = array<i32>} : memref<128x128xf32, #tpu.memory_space<vmem>>, vector<1x16xf32>,
        %get3A_2767 = vector.shape_cast %get3A_2766 : vector<1x16xf32> to vector<16xf32>
        %mul3A_2768 = arith.mulf %get3A_2767, %broadcast_in_dim3A_2739 : vector<16xf32>
        %swap3A_2769 = arith.index_cast %add3A_2743 : i32 to index
        %swap3A_2770 = arith.constant 32 : index
        %swap3A_2771 = tpu.vector_load %arg11[%swap3A_2769, %swap3A_2770] {strides = array<i32>} : memref<128x128xf32, #tpu.memory_space<vmem>>, vector<1x16xf32>,
        %swap3A_2772 = vector.shape_cast %swap3A_2771 : vector<1x16xf32> to vector<16xf32>
        %swap3A_2773 = vector.shape_cast %mul3A_2768 : vector<16xf32> to vector<1x16xf32>
        tpu.vector_store %arg11[%swap3A_2769, %swap3A_2770], %swap3A_2773 {strides = array<i32>} : memref<128x128xf32, #tpu.memory_space<vmem>>, vector<1x16xf32>,
        %get3A_2774 = arith.index_cast %add3A_2743 : i32 to index
        %get3A_2775 = arith.constant 48 : index
        %get3A_2776 = tpu.vector_load %arg11[%get3A_2774, %get3A_2775] {strides = array<i32>} : memref<128x128xf32, #tpu.memory_space<vmem>>, vector<1x16xf32>,
        %get3A_2777 = vector.shape_cast %get3A_2776 : vector<1x16xf32> to vector<16xf32>
        %mul3A_2778 = arith.mulf %get3A_2777, %broadcast_in_dim3A_2739 : vector<16xf32>
        %swap3A_2779 = arith.index_cast %add3A_2743 : i32 to index
        %swap3A_2780 = arith.constant 48 : index
        %swap3A_2781 = tpu.vector_load %arg11[%swap3A_2779, %swap3A_2780] {strides = array<i32>} : memref<128x128xf32, #tpu.memory_space<vmem>>, vector<1x16xf32>,
        %swap3A_2782 = vector.shape_cast %swap3A_2781 : vector<1x16xf32> to vector<16xf32>
        %swap3A_2783 = vector.shape_cast %mul3A_2778 : vector<16xf32> to vector<1x16xf32>
        tpu.vector_store %arg11[%swap3A_2779, %swap3A_2780], %swap3A_2783 {strides = array<i32>} : memref<128x128xf32, #tpu.memory_space<vmem>>, vector<1x16xf32>,
        %get3A_2784 = arith.index_cast %add3A_2743 : i32 to index
        %get3A_2785 = arith.constant 64 : index
        %get3A_2786 = tpu.vector_load %arg11[%get3A_2784, %get3A_2785] {strides = array<i32>} : memref<128x128xf32, #tpu.memory_space<vmem>>, vector<1x16xf32>,
        %get3A_2787 = vector.shape_cast %get3A_2786 : vector<1x16xf32> to vector<16xf32>
        %mul3A_2788 = arith.mulf %get3A_2787, %broadcast_in_dim3A_2739 : vector<16xf32>
        %swap3A_2789 = arith.index_cast %add3A_2743 : i32 to index
        %swap3A_2790 = arith.constant 64 : index
        %swap3A_2791 = tpu.vector_load %arg11[%swap3A_2789, %swap3A_2790] {strides = array<i32>} : memref<128x128xf32, #tpu.memory_space<vmem>>, vector<1x16xf32>,
        %swap3A_2792 = vector.shape_cast %swap3A_2791 : vector<1x16xf32> to vector<16xf32>
        %swap3A_2793 = vector.shape_cast %mul3A_2788 : vector<16xf32> to vector<1x16xf32>
        tpu.vector_store %arg11[%swap3A_2789, %swap3A_2790], %swap3A_2793 {strides = array<i32>} : memref<128x128xf32, #tpu.memory_space<vmem>>, vector<1x16xf32>,
        %get3A_2794 = arith.index_cast %add3A_2743 : i32 to index
        %get3A_2795 = arith.constant 80 : index
        %get3A_2796 = tpu.vector_load %arg11[%get3A_2794, %get3A_2795] {strides = array<i32>} : memref<128x128xf32, #tpu.memory_space<vmem>>, vector<1x16xf32>,
        %get3A_2797 = vector.shape_cast %get3A_2796 : vector<1x16xf32> to vector<16xf32>
        %mul3A_2798 = arith.mulf %get3A_2797, %broadcast_in_dim3A_2739 : vector<16xf32>
        %swap3A_2799 = arith.index_cast %add3A_2743 : i32 to index
        %swap3A_2800 = arith.constant 80 : index
        %swap3A_2801 = tpu.vector_load %arg11[%swap3A_2799, %swap3A_2800] {strides = array<i32>} : memref<128x128xf32, #tpu.memory_space<vmem>>, vector<1x16xf32>,
        %swap3A_2802 = vector.shape_cast %swap3A_2801 : vector<1x16xf32> to vector<16xf32>
        %swap3A_2803 = vector.shape_cast %mul3A_2798 : vector<16xf32> to vector<1x16xf32>
        tpu.vector_store %arg11[%swap3A_2799, %swap3A_2800], %swap3A_2803 {strides = array<i32>} : memref<128x128xf32, #tpu.memory_space<vmem>>, vector<1x16xf32>,
        %get3A_2804 = arith.index_cast %add3A_2743 : i32 to index
        %get3A_2805 = arith.constant 96 : index
        %get3A_2806 = tpu.vector_load %arg11[%get3A_2804, %get3A_2805] {strides = array<i32>} : memref<128x128xf32, #tpu.memory_space<vmem>>, vector<1x16xf32>,
        %get3A_2807 = vector.shape_cast %get3A_2806 : vector<1x16xf32> to vector<16xf32>
        %mul3A_2808 = arith.mulf %get3A_2807, %broadcast_in_dim3A_2739 : vector<16xf32>
        %swap3A_2809 = arith.index_cast %add3A_2743 : i32 to index
        %swap3A_2810 = arith.constant 96 : index
        %swap3A_2811 = tpu.vector_load %arg11[%swap3A_2809, %swap3A_2810] {strides = array<i32>} : memref<128x128xf32, #tpu.memory_space<vmem>>, vector<1x16xf32>,
        %swap3A_2812 = vector.shape_cast %swap3A_2811 : vector<1x16xf32> to vector<16xf32>
        %swap3A_2813 = vector.shape_cast %mul3A_2808 : vector<16xf32> to vector<1x16xf32>
        tpu.vector_store %arg11[%swap3A_2809, %swap3A_2810], %swap3A_2813 {strides = array<i32>} : memref<128x128xf32, #tpu.memory_space<vmem>>, vector<1x16xf32>,
        %get3A_2814 = arith.index_cast %add3A_2743 : i32 to index
        %get3A_2815 = arith.constant 112 : index
        %get3A_2816 = tpu.vector_load %arg11[%get3A_2814, %get3A_2815] {strides = array<i32>} : memref<128x128xf32, #tpu.memory_space<vmem>>, vector<1x16xf32>,
        %get3A_2817 = vector.shape_cast %get3A_2816 : vector<1x16xf32> to vector<16xf32>
        %mul3A_2818 = arith.mulf %get3A_2817, %broadcast_in_dim3A_2739 : vector<16xf32>
        %swap3A_2819 = arith.index_cast %add3A_2743 : i32 to index
        %swap3A_2820 = arith.constant 112 : index
        %swap3A_2821 = tpu.vector_load %arg11[%swap3A_2819, %swap3A_2820] {strides = array<i32>} : memref<128x128xf32, #tpu.memory_space<vmem>>, vector<1x16xf32>,
        %swap3A_2822 = vector.shape_cast %swap3A_2821 : vector<1x16xf32> to vector<16xf32>
        %swap3A_2823 = vector.shape_cast %mul3A_2818 : vector<16xf32> to vector<1x16xf32>
        tpu.vector_store %arg11[%swap3A_2819, %swap3A_2820], %swap3A_2823 {strides = array<i32>} : memref<128x128xf32, #tpu.memory_space<vmem>>, vector<1x16xf32>,
      }
      %scan3A_29 = arith.constant 4 : i32
      "tpu.region"() ({
        %run_scoped3A = tpu.sem_alloc : memref<!tpu.dma_semaphore, #tpu.memory_space<semaphore_mem>>
        %dma_start3A_30 = arith.constant 0 : i32
        %dma_start3A_31 = tpu.memref_slice %arg9[%scan3A_13, %dma_start3A_30] : memref<79x128xi32, #tpu.memory_space<vmem>> -> memref<1x128xi32, #tpu.memory_space<vmem>>
        %dma_start3A_32 = tpu.memref_squeeze %dma_start3A_31 : memref<1x128xi32, #tpu.memory_space<vmem>> -> memref<128xi32, #tpu.memory_space<vmem>>
        %dma_start3A_33 = arith.constant 0 : i32
        %dma_start3A_34 = arith.constant 0 : i32
        %dma_start3A_35 = tpu.memref_slice %arg12[%dma_start3A_33, %dma_start3A_34] : memref<10240x128xf32, #tpu.memory_space<vmem_shared>> -> memref<10240x128xf32, #tpu.memory_space<vmem_shared>>
        tpu.enqueue_indirect_dma source(%arg11 : memref<128x128xf32, #tpu.memory_space<vmem>>) target(%dma_start3A_35 : memref<10240x128xf32, #tpu.memory_space<vmem_shared>>) offsets(%dma_start3A_32 : memref<128xi32, #tpu.memory_space<vmem>>) semaphore(%run_scoped3A : memref<!tpu.dma_semaphore, #tpu.memory_space<semaphore_mem>>) {add = true}
        %dma_wait3A_36 = arith.constant 0 : i32
        %dma_wait3A_37 = tpu.memref_slice %arg9[%scan3A_13, %dma_wait3A_36] : memref<79x128xi32, #tpu.memory_space<vmem>> -> memref<1x128xi32, #tpu.memory_space<vmem>>
        %dma_wait3A_38 = tpu.memref_squeeze %dma_wait3A_37 : memref<1x128xi32, #tpu.memory_space<vmem>> -> memref<128xi32, #tpu.memory_space<vmem>>
        %dma_wait3A_39 = arith.constant 0 : i32
        %dma_wait3A_40 = arith.constant 0 : i32
        %dma_wait3A_41 = tpu.memref_slice %arg12[%dma_wait3A_39, %dma_wait3A_40] : memref<10240x128xf32, #tpu.memory_space<vmem_shared>> -> memref<10240x128xf32, #tpu.memory_space<vmem_shared>>
        tpu.wait_indirect_dma semaphore(%run_scoped3A : memref<!tpu.dma_semaphore, #tpu.memory_space<semaphore_mem>>) src(%arg11 : memref<128x128xf32, #tpu.memory_space<vmem>>) dst(%dma_wait3A_41 : memref<10240x128xf32, #tpu.memory_space<vmem_shared>>)
        tpu.yield
      }) : () -> ()
    }
    %scan3A_7 = arith.constant 79 : i32
    %barrier3A_8 = arith.constant 0 : index
    tpu.barrier barrier_id(%barrier3A_8)
    %mul3A_9 = arith.constant 640 : i32
    %mul3A_10 = arith.muli %arg1, %mul3A_9 : i32
    %mul3A_11 = arith.constant 640 : i32
    %mul3A_12 = arith.muli %arg1, %mul3A_11 : i32
    "tpu.region"() ({
      %run_scoped3A = tpu.sem_alloc : memref<!tpu.dma_semaphore, #tpu.memory_space<semaphore_mem>>
      %dma_start3A = arith.constant 0 : i32
      %dma_start3A_13 = tpu.memref_slice %arg7[%arg0, %mul3A_12, %dma_start3A] : memref<2x10240x128xf32, #tpu.memory_space<hbm>> -> memref<1x640x128xf32, #tpu.memory_space<hbm>>
      %dma_start3A_14 = tpu.memref_squeeze %dma_start3A_13 : memref<1x640x128xf32, #tpu.memory_space<hbm>> -> memref<640x128xf32, #tpu.memory_space<hbm>>
      %dma_start3A_15 = arith.constant 0 : i32
      %dma_start3A_16 = tpu.memref_slice %arg12[%mul3A_10, %dma_start3A_15] : memref<10240x128xf32, #tpu.memory_space<vmem_shared>> -> memref<640x128xf32, #tpu.memory_space<vmem_shared>>
      tpu.enqueue_dma source(%dma_start3A_16 : memref<640x128xf32, #tpu.memory_space<vmem_shared>>) target(%dma_start3A_14 : memref<640x128xf32, #tpu.memory_space<hbm>>) target_semaphore(%run_scoped3A : memref<!tpu.dma_semaphore, #tpu.memory_space<semaphore_mem>>)
      %dma_wait3A = arith.constant 0 : i32
      %dma_wait3A_17 = tpu.memref_slice %arg7[%arg0, %mul3A_12, %dma_wait3A] : memref<2x10240x128xf32, #tpu.memory_space<hbm>> -> memref<1x640x128xf32, #tpu.memory_space<hbm>>
      %dma_wait3A_18 = tpu.memref_squeeze %dma_wait3A_17 : memref<1x640x128xf32, #tpu.memory_space<hbm>> -> memref<640x128xf32, #tpu.memory_space<hbm>>
      %dma_wait3A_19 = arith.constant 0 : i32
      %dma_wait3A_20 = tpu.memref_slice %arg12[%mul3A_10, %dma_wait3A_19] : memref<10240x128xf32, #tpu.memory_space<vmem_shared>> -> memref<640x128xf32, #tpu.memory_space<vmem_shared>>
      tpu.wait_dma2 semaphore(%run_scoped3A : memref<!tpu.dma_semaphore, #tpu.memory_space<semaphore_mem>>) src(%dma_wait3A_20 : memref<640x128xf32, #tpu.memory_space<vmem_shared>>) dst(%dma_wait3A_18 : memref<640x128xf32, #tpu.memory_space<hbm>>)
      tpu.yield
    }) : () -> ()
    return
  }
}

module attributes {stable_mosaic.version = 14 : i64} {
  func.func @body(%arg0: i32, %arg1: memref<2x1000x128xf32, #tpu.memory_space<vmem>>, %arg2: memref<128x128xf32, #tpu.memory_space<vmem>>, %arg3: memref<1x128xf32, #tpu.memory_space<vmem>>, %arg4: memref<1000x128xf32, #tpu.memory_space<vmem>>) attributes {dimension_semantics = [#tpu.dimension_semantics<arbitrary>], iteration_bounds = array<i64: 10>, scalar_prefetch = 0 : i64, scratch_operands = 0 : i64, tpu.core_type = #tpu.core_type<tc>, window_params = [{transform_indices = @transform_0, window_bounds = array<i64: 2, 1000, 128>}, {pipeline_mode = #tpu.pipeline_mode<synchronous>, transform_indices = @transform_1, window_bounds = array<i64: 128, 128>}, {pipeline_mode = #tpu.pipeline_mode<synchronous>, transform_indices = @transform_2, window_bounds = array<i64: 1, 128>}, {transform_indices = @transform_3, window_bounds = array<i64: 1000, 128>}]} {
    %get3A = arith.constant 0 : index
    %get3A_0 = arith.constant 0 : index
    %get3A_1 = arith.constant 0 : index
    %get3A_2 = vector.load %arg1[%get3A, %get3A_0, %get3A_1] : memref<2x1000x128xf32, #tpu.memory_space<vmem>>, vector<1x1000x128xf32>
    %get3A_3 = vector.shape_cast %get3A_2 : vector<1x1000x128xf32> to vector<1000x128xf32>
    %get3A_4 = arith.constant 1 : index
    %get3A_5 = arith.constant 0 : index
    %get3A_6 = arith.constant 0 : index
    %get3A_7 = vector.load %arg1[%get3A_4, %get3A_5, %get3A_6] : memref<2x1000x128xf32, #tpu.memory_space<vmem>>, vector<1x1000x128xf32>
    %get3A_8 = vector.shape_cast %get3A_7 : vector<1x1000x128xf32> to vector<1000x128xf32>
    %add3A = arith.addf %get3A_3, %get3A_8 : vector<1000x128xf32>
    %get3A_9 = arith.constant 0 : index
    %get3A_10 = arith.constant 0 : index
    %get3A_11 = vector.load %arg2[%get3A_9, %get3A_10] : memref<128x128xf32, #tpu.memory_space<vmem>>, vector<128x128xf32>
    %dot_general3A = arith.constant dense<0.000000e+00> : vector<1000x128xf32>
    %dot_general3A_12 = tpu.matmul %add3A, %get3A_11, %dot_general3A {dimension_numbers = #tpu.dot_dimension_numbers<[1], [1], [0], [0], [0, 0, 1, 0], [], []>, transpose_lhs_hint = false} : vector<1000x128xf32>, vector<128x128xf32>, vector<1000x128xf32> -> vector<1000x128xf32>
    %get3A_13 = arith.constant 0 : index
    %get3A_14 = arith.constant 0 : index
    %get3A_15 = vector.load %arg3[%get3A_13, %get3A_14] : memref<1x128xf32, #tpu.memory_space<vmem>>, vector<1x128xf32>
    %add3A_16 = vector.broadcast %get3A_15 : vector<1x128xf32> to vector<1000x128xf32>
    %add3A_17 = arith.addf %dot_general3A_12, %add3A_16 : vector<1000x128xf32>
    %swap3A = arith.constant 0 : index
    %swap3A_18 = arith.constant 0 : index
    %swap3A_19 = vector.load %arg4[%swap3A, %swap3A_18] : memref<1000x128xf32, #tpu.memory_space<vmem>>, vector<1000x128xf32>
    tpu.vector_store %arg4[%swap3A, %swap3A_18], %add3A_17 {strides = array<i32>} : memref<1000x128xf32, #tpu.memory_space<vmem>>, vector<1000x128xf32>,
    return
  }
  func.func @transform_0(%arg0: i32) -> (i32, i32, i32) {
    %c0_i32 = arith.constant 0 : i32
    %c0_i32_0 = arith.constant 0 : i32
    %c0_i32_1 = arith.constant 0 : i32
    return %c0_i32, %arg0, %c0_i32_0 : i32, i32, i32
  }
  func.func @transform_1(%arg0: i32) -> (i32, i32) {
    %c0_i32 = arith.constant 0 : i32
    %c0_i32_0 = arith.constant 0 : i32
    %c0_i32_1 = arith.constant 0 : i32
    return %c0_i32, %c0_i32_0 : i32, i32
  }
  func.func @transform_2(%arg0: i32) -> (i32, i32) {
    %c0_i32 = arith.constant 0 : i32
    %c0_i32_0 = arith.constant 0 : i32
    %c0_i32_1 = arith.constant 0 : i32
    return %c0_i32, %c0_i32_0 : i32, i32
  }
  func.func @transform_3(%arg0: i32) -> (i32, i32) {
    %c0_i32 = arith.constant 0 : i32
    %c0_i32_0 = arith.constant 0 : i32
    return %arg0, %c0_i32 : i32, i32
  }
}

</mosaic_0001>

<sc_bundles>
// kernel: kernel.4.cloned.1.call-start
scs
__scs_entry_jumppad:
0x0: {  	(pc) =	sbr.rel $0x88, $3  }
0x1: {  	(tag) =	ssettag $0x0;
	lr =	simm.s32 $0x1  }
0x2: {  	[smem:$0x3F9C] =	sst lr;
	_ =	strace $0xD0000000  }
0x3: {  	_ = 	snop  }
0x4: {  	_ = 	snop  }
0x5: {  	_ = 	snop  }
0x6: {  	_ = 	snop  }
0x7: {  	_ = 	snop  }
__scs_overlays_trampoline_lowered:
0x8: {  	[smem:$0x3FAB] =	sst s0  }
0x9: {  	[smem:$0x3FAC] =	sst s1  }
0xa: {  	[smem:$0x3FAD] =	sst s2  }
0xb: {  	[smem:$0x3FAE] =	sst s3  }
0xc: {  	[smem:$0x3FAF] =	sst s4  }
0xd: {  	[smem:$0x3FB0] =	sst s5  }
0xe: {  	[smem:$0x3FB1] =	sst s6  }
0xf: {  	[smem:$0x3FB2] =	sst s7  }
0x10: {  	[smem:$0x3FB3] =	sst s8  }
0x11: {  	[smem:$0x3FB4] =	sst s9;
	s0 =	simm.s32 @!p0 $0x0  }
0x12: {  	s1 =	sld [smem:$0x3F9A];
	s0 =	simm.s32 @p0 $0x1  }
0x13: {  	[smem:$0x3FB5] =	sst s0;
	s0 =	simm.s32 @!p1 $0x0  }
0x14: {  	s2 =	sld [smem:$0x3F99];
	s0 =	simm.s32 @p1 $0x1  }
0x15: {  	[smem:$0x3FB6] =	sst s0;
	s0 =	simm.s32 @!p2 $0x0  }
0x16: {  	s3 =	sld [smem:$0x3FDB];
	s0 =	simm.s32 @p2 $0x1  }
0x17: {  	s4 =	simm.s32 $0x1BF5;
	[smem:$0x3FB8] =	sst s0  }
0x18: {  	s0 =	sld [smem:$0x3F9B];
	_ =	swait.ge [sflag:s4], $0x0  }
0x19: {  	s7 =	sld [smem:$0x3F9C]  }
0x1a: {  	s8 =	sadd.s32 $0xFFFFE003, lr  }
0x1b: {  	s9 =	sadd.s32 $0xFFFFFEF7, lr;
	s5 =	simm.s32 $0xFFFFFFFF;
	p2 =	slt.u32 s8, $0xFFFFF086  }
0x1c: {  	p1 =	slt.u32 s9, $0xF7A;
	s5 =	simm.s32 @!p2 $0x0  }
0x1d: {  	s5 =	simm.s32 @p1 $0x1;
	p0 =	seq.s32 s7, s2  }
0x1e: {  	s7 =	smul.u32 @!p0 $0xF7A, s2;
	p2 =	seq.s32 @!p0 s5, $0x0  }
0x1f: {  	s9 =	smul.u32 $0xF7A, s1;
	s8 =	simm.s32 @!p0 $0x1BF5;
	p2 =	por !p2, p0  }
0x20: {  	[sflag:s8] =	ssyncset.s32 @!p0 $0xFFFFF086;
	s6 =	sadd.s32 @!p0 s3, s7;
	s7 =	simm.s32 @!p0 $0x108  }
0x21: {  	s3 =	sadd.s32 s3, s9;
	s6 =	sadd.s32 @!p0 $0x88, s6;
	s7 =	simm.s32 @p2 $0x1082  }
0x22: {  	[simem:s7], [sflag:s8] =	dma.local @!p0 [hbm:s6], $0xF7A  }
0x23: {  	s9 =	sor.u32 $0xD0000000, s2;
	s6 =	simm.s32 $0x108;
	_ =	swait.ge @!p0 [sflag:s8], $0x0  }
0x24: {  	s3 =	sadd.s32 $0x88, s3;
	s6 =	simm.s32 @!p1 $0x1082;
	[sflag:s4] =	ssyncset.s32 $0xFFFFF086  }
0x25: {  	[simem:s6], [sflag:s4] =	dma.local [hbm:s3], $0xF7A  }
0x26: {  	[smem:$0x3F9C] =	sst s1;
	(tag) =	ssettag s2;
	_ =	strace s9  }
0x27: {  	s1 =	sld [smem:$0x3FAC]  }
0x28: {  	s2 =	sld [smem:$0x3FAD]  }
0x29: {  	s4 =	sld [smem:$0x3FAF]  }
0x2a: {  	p0 =	seq.s32 s5, $0x0;
	s5 =	sld [smem:$0x3FB0]  }
0x2b: {  	s6 =	sld [smem:$0x3FB1]  }
0x2c: {  	s7 =	sld [smem:$0x3FB2]  }
0x2d: {  	s3 =	simm.s32 $0x108;
	s8 =	sld [smem:$0x3FB3]  }
0x2e: {  	s3 =	simm.s32 @!p0 $0x1082;
	s9 =	sld [smem:$0x3FB4]  }
0x2f: {  	lr =	sadd.s32 s0, s3;
	s0 =	sld [smem:$0x3FAB]  }
0x30: {  	s3 =	sld [smem:$0x3FAE]  }
0x31: {  	[smem:$0x3FB7] =	sst s10  }
0x32: {  	s10 =	sld [smem:$0x3FB5];
	_ =	sdelay $0x3  }
0x33: {  	p0 =	seq.s32 s10, $0x1;
	s10 =	sld [smem:$0x3FB7];
	_ =	sdelay $0x3  }
0x34: {  	[smem:$0x3FB7] =	sst s10  }
0x35: {  	s10 =	sld [smem:$0x3FB6];
	_ =	sdelay $0x3  }
0x36: {  	p1 =	seq.s32 s10, $0x1;
	s10 =	sld [smem:$0x3FB7];
	_ =	sdelay $0x3  }
0x37: {  	[smem:$0x3FB7] =	sst s10  }
0x38: {  	s10 =	sld [smem:$0x3FB8]  }
0x39: {  	_ = 	snop;
	(pc) =	sbr.ind lr, $3  }
0x3a: {  	_ = 	snop  }
0x3b: {  	_ = 	snop  }
0x3c: {  	p2 =	seq.s32 s10, $0x1;
	s10 =	sld [smem:$0x3FB7]  }
0x3d: {  	_ =	shalt  }
0x3e: {  	_ =	shalt  }
0x3f: {  	_ =	shalt  }
0x40: {  	_ =	shalt  }
0x41: {  	_ =	shalt  }
0x42: {  	_ =	shalt  }
0x43: {  	_ =	shalt  }
0x44: {  	_ =	shalt  }
0x45: {  	_ =	shalt  }
0x46: {  	_ =	shalt  }
0x47: {  	_ =	shalt  }
0x48: {  	_ =	shalt  }
0x49: {  	_ =	shalt  }
0x4a: {  	_ =	shalt  }
0x4b: {  	_ =	shalt  }
0x4c: {  	_ =	shalt  }
0x4d: {  	_ =	shalt  }
0x4e: {  	_ =	shalt  }
0x4f: {  	_ =	shalt  }
0x50: {  	_ =	shalt  }
0x51: {  	_ =	shalt  }
0x52: {  	_ =	shalt  }
0x53: {  	_ =	shalt  }
0x54: {  	_ =	shalt  }
0x55: {  	_ =	shalt  }
0x56: {  	_ =	shalt  }
0x57: {  	_ =	shalt  }
0x58: {  	_ =	shalt  }
0x59: {  	_ =	shalt  }
0x5a: {  	_ =	shalt  }
0x5b: {  	_ =	shalt  }
0x5c: {  	_ =	shalt  }
0x5d: {  	_ =	shalt  }
0x5e: {  	_ =	shalt  }
0x5f: {  	_ =	shalt  }
0x60: {  	_ =	shalt  }
0x61: {  	_ =	shalt  }
0x62: {  	_ =	shalt  }
0x63: {  	_ =	shalt  }
0x64: {  	_ =	shalt  }
0x65: {  	_ =	shalt  }
0x66: {  	_ =	shalt  }
0x67: {  	_ =	shalt  }
0x68: {  	_ =	shalt  }
0x69: {  	_ =	shalt  }
0x6a: {  	_ =	shalt  }
0x6b: {  	_ =	shalt  }
0x6c: {  	_ =	shalt  }
0x6d: {  	_ =	shalt  }
0x6e: {  	_ =	shalt  }
0x6f: {  	_ =	shalt  }
0x70: {  	_ =	shalt  }
0x71: {  	_ =	shalt  }
0x72: {  	_ =	shalt  }
0x73: {  	_ =	shalt  }
0x74: {  	_ =	shalt  }
0x75: {  	_ =	shalt  }
0x76: {  	_ =	shalt  }
0x77: {  	_ =	shalt  }
0x78: {  	_ =	shalt  }
0x79: {  	_ =	shalt  }
0x7a: {  	_ =	shalt  }
0x7b: {  	_ =	shalt  }
0x7c: {  	_ =	shalt  }
0x7d: {  	_ =	shalt  }
0x7e: {  	_ =	shalt  }
0x7f: {  	_ =	shalt  }
0x80: {  	_ =	shalt  }
0x81: {  	_ =	shalt  }
0x82: {  	_ =	shalt  }
0x83: {  	_ =	shalt  }
0x84: {  	_ =	shalt  }
0x85: {  	_ =	shalt  }
0x86: {  	_ =	shalt  }
0x87: {  	_ =	shalt  }
.Lfunc_end0:
.L_simem_size_0:
called_computation_lowered:
.L_overlay_start_0:
0x88: {  	s2 =	sld [smem:$0x3FD9]  }
0x89: {  	s3 =	sld [smem:$0x3FFE];
	_ =	sdelay $0x1  }
0x8a: {  	s1 =	srdreg.scid  }
0x8b: {  	s0 =	sand.u32 $0x1, s1  }
0x8c: {  	s17 =	sshll.u32 s0, $0xA;
	s2 =	sadd.s32 s3, s2  }
0x8d: {  	s2 =	sadd.s32 s2, s17  }
0x8e: {  	[smem:$0x3FC3] =	sst s2  }
0x8f: {  	_ = 	snop  }
0x90: {  	s2 =	sld [smem:$0x3FC9]  }
0x91: {  	s18 =	sld [smem:$0x3FD0];
	(tm) =	ssettm $0x1  }
0x92: {  	s4 =	sld [smem:$0x3FFB];
	_ =	sdelay $0x3  }
0x93: {  	_ =	strace s4  }
0x94: {  	s4 =	sld [smem:$0x3FFC];
	_ =	sdelay $0x3  }
0x95: {  	_ =	strace s4  }
0x96: {  	s4 =	sld [smem:$0x3FFD];
	_ =	sdelay $0x3  }
0x97: {  	_ =	strace s4  }
0x98: {  	_ =	strace $0x8FFFFFFF  }
0x99: {  	s19 =	sld [smem:$0x3FDB];
	_ =	sdelay $0x1  }
0x9a: {  	s5 =	simm.s32 $_scs_section_size  }
0x9b: {  	s6 =	simm.s32 $_size__tile_overlayer_lowered;
	s7 =	simm.s32 $_tile_overlayer_lowered  }
0x9c: {  	s22 =	simm.s32 $0x1BFF;
	s21 =	sshll.u32 s7, $0x1;
	s4 =	sadd.s32 s5, s19  }
0x9d: {  	s8 =	simm.s32 $0x0;
	s20 =	sshll.u32 s6, $0x1;
	s6 =	sadd.s32 s21, s4  }
0x9e: {  	[timem:s8], [sflag:s22] =	dma.local [hbm:s6], s20  }
0x9f: {  	_ =	swait.ge [sflag:s22], s20  }
0xa0: {  	s5 =	ssub.s32 $0x0, s20;
	[sflag:s22] =	ssyncset.done $0x0  }
0xa1: {  	[sflag:s22] =	ssyncadd.s32 s5;
	_ =	sdelay $0x1  }
0xa2: {  	s23 =	simm.s32 $0x1B8B  }
0xa3: {  	_ =	swait.ge [sflag:s23], $0x1  }
0xa4: {  	[sflag:s23] =	ssyncset.done $0x0  }
0xa5: {  	s25 =	simm.s32 $0x1B8E;
	s24 =	sld [smem:$0x3FFE];
	[sflag:s23] =	ssyncadd.s32 $0xFFFFFFFF  }
0xa6: {  	s26 =	simm.s32 $execute0_lowered;
	[smem:$0x3FD2] =	sst s25  }
0xa7: {  	s6 =	sshll.u32 s26, $0x1;
	_ =	strace $0x80000046;
	[dreg:$0x1] =	wrdreg $0xFFFFFFFF  }
0xa8: {  	s28 =	simm.s32 $_size_execute0_lowered;
	s4 =	sadd.s32 s4, s6;
	[dreg:$0x0] =	wrdreg $0x0  }
0xa9: {  	s6 =	sshll.u32 s28, $0x1;
	[dreg:$0x2] =	wrdreg s4  }
0xaa: {  	[dreg:$0x3] =	wrdreg s6  }
0xab: {  	[dreg:$0x4] =	wrdreg $0xC0  }
0xac: {  	_ =	task [dreg:s8], $0x5FFFF  }
0xad: {  	[dreg:$0x1] =	wrdreg $0xFFFFFFFF  }
0xae: {  	[dreg:$0x0] =	wrdreg $0x60  }
0xaf: {  	[dreg:$0x2] =	wrdreg s2  }
0xb0: {  	[dreg:$0x3] =	wrdreg s18  }
0xb1: {  	[dreg:$0x4] =	wrdreg s24  }
0xb2: {  	[dreg:$0x5] =	wrdreg $0xB8000  }
0xb3: {  	[dreg:$0x6] =	wrdreg $0x9  }
0xb4: {  	_ =	task.clear_ibuf [dreg:s8], $0x7FFFF;
	_ =	strace $0x90000046  }
0xb5: {  	s29 =	simm.s32 $0x9;
	_ =	strace $0x80000048  }
0xb6: {  	_ =	swait.ge [sflag:s29], $0x1  }
0xb7: {  	[sflag:s29] =	ssyncadd.s32 $0xFFFFFFFF  }
0xb8: {  	_ =	strace $0x90000048  }
0xb9: {  	_ =	sfence  }
0xba: {  	s30 =	sld [smem:$0x0];
	_ =	sdelay $0x2  }
0xbb: {  	s31 =	sshll.u32 s1, $0xD;
	s1 =	sshrl.u32 s1, $0x2  }
0xbc: {  	s3 =	sand.u32 $0x4000, s31;
	s1 =	sadd.s32 s1, s30  }
0xbd: {  	s0 =	sor.u32 s3, s0;
	s1 =	sshll.u32 s1, $0x11  }
0xbe: {  	s0 =	sor.u32 s1, s0  }
0xbf: {  	s0 =	sadd.s32 $0x8F2B, s0  }
0xc0: {  	[sflag:s0] =	ssyncadd.remote.s32 $0x1  }
0xc1: {  	_ =	sfence.sel $0xFFFF  }
0xc2: {  	[dreg:$0x0] =	wrdreg $0xFFFFFFFF;
	(pc) =	sbr.abs _section_cstart, $3  }
0xc3: {  	[dreg:$0x1] =	wrdreg $0xFFFFFFFF  }
0xc4: {  	_ =	task.clear_ibuf [dreg:s8], $0x2FFFF;
	_ =	strace $0x9FFFFFFF  }
0xc5: {  	(tm) =	ssettm $0x7FFFFFFF  }
tec
execute0_lowered:
.L_overlay_start_1:
0x0: {  	(tag) =	ssettag $0x1  }
0x1: {  	s1 =	rddreg [dreg:$0x0]  }
0x2: {  	s7 =	rddreg [dreg:$0x1]  }
0x3: {  	s6 =	rddreg [dreg:$0x2]  }
0x4: {  	s0 =	srdreg.scid;
	s3 =	rddreg [dreg:$0x3];
	s4 =	simm.s32 $0x0  }
0x5: {  	s15 =	simm.s32 $0x5000;
	s16 =	simm.s32 $0x80;
	s17 =	simm.s32 $0x7800  }
0x6: {  	s18 =	simm.s32 $0x1;
	s5 =	sand.u32 $0x1, s0;
	s0 =	stileid.u32  }
0x7: {  	s19 =	simm.s32 $0x0;
	[smem:$0x7FF] =	sst s4;
	s9 =	smul.u32 $0x140000, s5  }
0x8: {  	s2 =	sshll.u32 s5, $0x4;
	s10 =	smul.u32 $0x14000, s0;
	s28 =	ssub.s32 $0x2, s5  }
0x9: {  	s12 =	smul.u32 $0x50000, s0;
	s5 =	sadd.s32 $0x14400, s6;
	s2 =	sor.u32 s0, s2  }
0xa: {  	s31 =	sshll.u32 s0, $0x6;
	s29 =	sshrl.u32 s28, $0x1;
	s8 =	smul.u32 $0x500, s2  }
0xb: {  	s2 =	rddreg [dreg:$0x4];
	_ =	strace $0x80000047;
	s9 =	sadd.s32 s10, s9  }
0xc: {  	s14 =	ssub.s32 s28, s29;
	s30 =	sshrl.u32 s12, $0x2;
	s9 =	sshrl.u32 s9, $0x3  }
0xd: {  	s12 =	sadd.s32 s30, s3;
	s11 =	sadd.s32 s8, s6;
	s13 =	sadd.s32 s9, s6  }
0xe: {  	s6 =	sor.u32 $0x1C02, s31;
	s7 =	sadd.s32 s7, s8;
	s12 =	sshrl.u32 s12, $0x3  }
0xf: {  	s8 =	sadd.s32 $0xA400, s11;
	s9 =	sadd.s32 $0x400, s11;
	s10 =	sadd.s32 $0x16C00, s13  }
0x10: {  	s11 =	smax.u32 s14, $0x1;
	s13 =	simm.s32 $0x2;
	s14 =	simm.s32 $0x2800  }
.LBB2_1:
0x11: {  	[spmem:s12], [sflag:s6] =	dma.local [hbm:s5], $0x2800  }
0x12: {  	_ =	swait.ge [sflag:s13], $0x2800  }
0x13: {  	[sflag:s13] =	ssyncset.done $0x0  }
0x14: {  	[sflag:s13] =	ssyncadd.s32 $0xFFFFD800  }
0x15: {  	[tilespmem:s4], [sflag:$0x2] =	stream.linear.gather [hbm4b:s7+s4], $0x2780, $0x38;
	[tilespmem:$0x1F800] =	vst v63  }
0x16: {  	_ =	swait.ge [sflag:s13], $0x2780  }
0x17: {  	[sflag:s13] =	ssyncset.done $0x0  }
0x18: {  	[sflag:s13] =	ssyncadd.s32 $0xFFFFD880  }
0x19: {  	[tilespmem:s14], [sflag:$0x2] =	stream.linear.gather [hbm4b:s8+s4], $0x2780, $0x38;
	[tilespmem:$0x1F800] =	vst v63  }
0x1a: {  	_ =	swait.ge [sflag:s13], $0x2780  }
0x1b: {  	[sflag:s13] =	ssyncset.done $0x0  }
0x1c: {  	[sflag:s13] =	ssyncadd.s32 $0xFFFFD880  }
0x1d: {  	[tilespmem:s15], [sflag:$0x2] =	stream.linear.gather [hbm4b:s9+s4], $0x2780, $0x38;
	[tilespmem:$0x1F800] =	vst v63  }
0x1e: {  	_ =	swait.ge [sflag:s13], $0x2780  }
0x1f: {  	[sflag:s13] =	ssyncset.done $0x0  }
0x20: {  	[sflag:s13] =	ssyncadd.s32 $0xFFFFD880  }
0x21: {  	s20 =	simm.s32 $0x0;
	[bflag:$0x0] =	sbarrier.arrive $0xFFFF  }
.LBB2_2:
0x22: {  	s21 =	sshll.u32 s20, $0x7  }
0x23: {  	[tilespmem:s17], [sflag:$0x1] =	stream.indirect.gather [hbm4b:s1+s16], $0x80, s21, s16, $0xb8;
	[tilespmem:$0x1F800] =	vst v63  }
0x24: {  	s23 =	sadd.s32 $0x5000, s21  }
0x25: {  	_ =	swait.ge [sflag:s18], $0x4000;
	v0 =	vmov s23  }
0x26: {  	[sflag:s18] =	ssyncset.done $0x0  }
0x27: {  	s22 =	simm.s32 $0x0;
	[sflag:s18] =	ssyncadd.s32 $0xFFFFC000  }
.LBB2_3:
0x28: {  	s24 =	sshll.u32 s22, $0x4  }
0x29: {  	s23 =	sand.u32 $0x3FFFFFF0, s24  }
0x2a: {  	s31 =	sshll.u32 s22, $0xB;
	v1 =	vld.idx.msk [tilespmem:v0+s23+$0x0 ss:$0x1], $0xffff  }
0x2b: {  	s23 =	sand.u32 $0x3FFFF800, s31  }
0x2c: {  	v2 =	vld [tilespmem:s23+$0x7800]  }
0x2d: {  	v3 =	vld [tilespmem:s23+$0x7810]  }
0x2e: {  	v4 =	vld [tilespmem:s23+$0x7820]  }
0x2f: {  	v6 =	vld [tilespmem:s23+$0x7830];
	v5 =	vbroadcast v1, $0x0  }
0x30: {  	v7 =	vld [tilespmem:s23+$0x7840]  }
0x31: {  	v8 =	vld [tilespmem:s23+$0x7850];
	v2 =	vmul.f32 v5, v2  }
0x32: {  	v9 =	vld [tilespmem:s23+$0x7860];
	v3 =	vmul.f32 v3, v5  }
0x33: {  	[tilespmem:s23+$0x7800] =	vst v2;
	v2 =	vmul.f32 v4, v5  }
0x34: {  	[tilespmem:s23+$0x7810] =	vst v3;
	v3 =	vmul.f32 v6, v5  }
0x35: {  	[tilespmem:s23+$0x7820] =	vst v2;
	v2 =	vmul.f32 v7, v5  }
0x36: {  	[tilespmem:s23+$0x7830] =	vst v3;
	v3 =	vmul.f32 v8, v5  }
0x37: {  	[tilespmem:s23+$0x7840] =	vst v2;
	v2 =	vmul.f32 v9, v5  }
0x38: {  	[tilespmem:s23+$0x7850] =	vst v3  }
0x39: {  	[tilespmem:s23+$0x7860] =	vst v2  }
0x3a: {  	v2 =	vld [tilespmem:s23+$0x7870]  }
0x3b: {  	v3 =	vld [tilespmem:s23+$0x7880]  }
0x3c: {  	v53 =	vld [tilespmem:s23+$0x7890]  }
0x3d: {  	v54 =	vld [tilespmem:s23+$0x78A0]  }
0x3e: {  	v55 =	vbroadcast v1, $0x1;
	v56 =	vld [tilespmem:s23+$0x78B0]  }
0x3f: {  	v57 =	vld [tilespmem:s23+$0x78C0];
	v2 =	vmul.f32 v2, v5  }
0x40: {  	v58 =	vld [tilespmem:s23+$0x78D0];
	v3 =	vmul.f32 v3, v55  }
0x41: {  	v59 =	vld [tilespmem:s23+$0x78E0];
	[tilespmem:s23+$0x7870] =	vst v2;
	v2 =	vmul.f32 v53, v55  }
0x42: {  	v60 =	vld [tilespmem:s23+$0x78F0];
	[tilespmem:s23+$0x7880] =	vst v3;
	v3 =	vmul.f32 v54, v55  }
0x43: {  	v61 =	vld [tilespmem:s23+$0x7900];
	[tilespmem:s23+$0x7890] =	vst v2;
	v2 =	vmul.f32 v56, v55  }
0x44: {  	v62 =	vld [tilespmem:s23+$0x7910];
	[tilespmem:s23+$0x78A0] =	vst v3;
	v3 =	vmul.f32 v57, v55  }
0x45: {  	v63 =	vld [tilespmem:s23+$0x7920];
	[tilespmem:s23+$0x78B0] =	vst v2;
	v2 =	vmul.f32 v58, v55  }
0x46: {  	v12 =	vbroadcast v1, $0x2;
	v10 =	vld [tilespmem:s23+$0x7930];
	[tilespmem:s23+$0x78C0] =	vst v3;
	v3 =	vmul.f32 v59, v55  }
0x47: {  	v13 =	vld [tilespmem:s23+$0x7940];
	[tilespmem:s23+$0x78D0] =	vst v2;
	v2 =	vmul.f32 v60, v55  }
0x48: {  	v14 =	vld [tilespmem:s23+$0x7950];
	[tilespmem:s23+$0x78E0] =	vst v3;
	v3 =	vmul.f32 v61, v12  }
0x49: {  	v15 =	vld [tilespmem:s23+$0x7960];
	[tilespmem:s23+$0x78F0] =	vst v2;
	v2 =	vmul.f32 v62, v12  }
0x4a: {  	v16 =	vld [tilespmem:s23+$0x7970];
	[tilespmem:s23+$0x7900] =	vst v3;
	v3 =	vmul.f32 v63, v12  }
0x4b: {  	v17 =	vld [tilespmem:s23+$0x7980];
	[tilespmem:s23+$0x7910] =	vst v2;
	v2 =	vmul.f32 v10, v12  }
0x4c: {  	v18 =	vld [tilespmem:s23+$0x7990];
	[tilespmem:s23+$0x7920] =	vst v3;
	v3 =	vmul.f32 v13, v12  }
0x4d: {  	v19 =	vld [tilespmem:s23+$0x79A0];
	[tilespmem:s23+$0x7930] =	vst v2;
	v2 =	vmul.f32 v14, v12  }
0x4e: {  	v20 =	vbroadcast v1, $0x3;
	v21 =	vld [tilespmem:s23+$0x79B0];
	[tilespmem:s23+$0x7940] =	vst v3;
	v3 =	vmul.f32 v15, v12  }
0x4f: {  	v22 =	vld [tilespmem:s23+$0x79C0];
	[tilespmem:s23+$0x7950] =	vst v2;
	v2 =	vmul.f32 v16, v12  }
0x50: {  	v23 =	vld [tilespmem:s23+$0x79D0];
	[tilespmem:s23+$0x7960] =	vst v3;
	v3 =	vmul.f32 v17, v20  }
0x51: {  	v24 =	vld [tilespmem:s23+$0x79E0];
	[tilespmem:s23+$0x7970] =	vst v2;
	v2 =	vmul.f32 v18, v20  }
0x52: {  	v25 =	vld [tilespmem:s23+$0x79F0];
	[tilespmem:s23+$0x7980] =	vst v3;
	v3 =	vmul.f32 v19, v20  }
0x53: {  	v26 =	vld [tilespmem:s23+$0x7A00];
	[tilespmem:s23+$0x7990] =	vst v2;
	v2 =	vmul.f32 v21, v20  }
0x54: {  	v27 =	vld [tilespmem:s23+$0x7A10];
	[tilespmem:s23+$0x79A0] =	vst v3;
	v3 =	vmul.f32 v22, v20  }
0x55: {  	v28 =	vld [tilespmem:s23+$0x7A20];
	[tilespmem:s23+$0x79B0] =	vst v2;
	v2 =	vmul.f32 v23, v20  }
0x56: {  	v29 =	vbroadcast v1, $0x4;
	v30 =	vld [tilespmem:s23+$0x7A30];
	[tilespmem:s23+$0x79C0] =	vst v3;
	v3 =	vmul.f32 v24, v20  }
0x57: {  	v31 =	vld [tilespmem:s23+$0x7A40];
	[tilespmem:s23+$0x79D0] =	vst v2;
	v2 =	vmul.f32 v25, v20  }
0x58: {  	v32 =	vld [tilespmem:s23+$0x7A50];
	[tilespmem:s23+$0x79E0] =	vst v3;
	v3 =	vmul.f32 v26, v29  }
0x59: {  	v33 =	vld [tilespmem:s23+$0x7A60];
	[tilespmem:s23+$0x79F0] =	vst v2;
	v2 =	vmul.f32 v27, v29  }
0x5a: {  	v34 =	vld [tilespmem:s23+$0x7A70];
	[tilespmem:s23+$0x7A00] =	vst v3;
	v3 =	vmul.f32 v28, v29  }
0x5b: {  	v35 =	vld [tilespmem:s23+$0x7A80];
	[tilespmem:s23+$0x7A10] =	vst v2;
	v2 =	vmul.f32 v30, v29  }
0x5c: {  	v36 =	vld [tilespmem:s23+$0x7A90];
	[tilespmem:s23+$0x7A20] =	vst v3;
	v3 =	vmul.f32 v31, v29  }
0x5d: {  	v37 =	vld [tilespmem:s23+$0x7AA0];
	[tilespmem:s23+$0x7A30] =	vst v2;
	v2 =	vmul.f32 v32, v29  }
0x5e: {  	v38 =	vbroadcast v1, $0x5;
	v39 =	vld [tilespmem:s23+$0x7AB0];
	[tilespmem:s23+$0x7A40] =	vst v3;
	v3 =	vmul.f32 v33, v29  }
0x5f: {  	v40 =	vld [tilespmem:s23+$0x7AC0];
	[tilespmem:s23+$0x7A50] =	vst v2;
	v2 =	vmul.f32 v34, v29  }
0x60: {  	v41 =	vld [tilespmem:s23+$0x7AD0];
	[tilespmem:s23+$0x7A60] =	vst v3;
	v3 =	vmul.f32 v35, v38  }
0x61: {  	v42 =	vld [tilespmem:s23+$0x7AE0];
	[tilespmem:s23+$0x7A70] =	vst v2;
	v2 =	vmul.f32 v36, v38  }
0x62: {  	v43 =	vld [tilespmem:s23+$0x7AF0];
	[tilespmem:s23+$0x7A80] =	vst v3;
	v3 =	vmul.f32 v37, v38  }
0x63: {  	v44 =	vld [tilespmem:s23+$0x7B00];
	[tilespmem:s23+$0x7A90] =	vst v2;
	v2 =	vmul.f32 v39, v38  }
0x64: {  	v45 =	vld [tilespmem:s23+$0x7B10];
	[tilespmem:s23+$0x7AA0] =	vst v3;
	v3 =	vmul.f32 v40, v38  }
0x65: {  	v46 =	vld [tilespmem:s23+$0x7B20];
	[tilespmem:s23+$0x7AB0] =	vst v2;
	v2 =	vmul.f32 v41, v38  }
0x66: {  	v47 =	vbroadcast v1, $0x6;
	v48 =	vld [tilespmem:s23+$0x7B30];
	[tilespmem:s23+$0x7AC0] =	vst v3;
	v3 =	vmul.f32 v42, v38  }
0x67: {  	v49 =	vld [tilespmem:s23+$0x7B40];
	[tilespmem:s23+$0x7AD0] =	vst v2;
	v2 =	vmul.f32 v43, v38  }
0x68: {  	v50 =	vld [tilespmem:s23+$0x7B50];
	[tilespmem:s23+$0x7AE0] =	vst v3;
	v3 =	vmul.f32 v44, v47  }
0x69: {  	v51 =	vld [tilespmem:s23+$0x7B60];
	[tilespmem:s23+$0x7AF0] =	vst v2;
	v2 =	vmul.f32 v45, v47  }
0x6a: {  	v52 =	vld [tilespmem:s23+$0x7B70];
	[tilespmem:s23+$0x7B00] =	vst v3;
	v3 =	vmul.f32 v46, v47  }
0x6b: {  	v53 =	vld [tilespmem:s23+$0x7B80];
	[tilespmem:s23+$0x7B10] =	vst v2;
	v2 =	vmul.f32 v48, v47  }
0x6c: {  	v54 =	vld [tilespmem:s23+$0x7B90];
	[tilespmem:s23+$0x7B20] =	vst v3;
	v3 =	vmul.f32 v49, v47  }
0x6d: {  	v55 =	vld [tilespmem:s23+$0x7BA0];
	[tilespmem:s23+$0x7B30] =	vst v2;
	v2 =	vmul.f32 v50, v47  }
0x6e: {  	v56 =	vbroadcast v1, $0x7;
	v57 =	vld [tilespmem:s23+$0x7BB0];
	[tilespmem:s23+$0x7B40] =	vst v3;
	v3 =	vmul.f32 v51, v47  }
0x6f: {  	v58 =	vld [tilespmem:s23+$0x7BC0];
	[tilespmem:s23+$0x7B50] =	vst v2;
	v2 =	vmul.f32 v52, v47  }
0x70: {  	v59 =	vld [tilespmem:s23+$0x7BD0];
	[tilespmem:s23+$0x7B60] =	vst v3;
	v3 =	vmul.f32 v53, v56  }
0x71: {  	v60 =	vld [tilespmem:s23+$0x7BE0];
	[tilespmem:s23+$0x7B70] =	vst v2;
	v2 =	vmul.f32 v54, v56  }
0x72: {  	v61 =	vld [tilespmem:s23+$0x7BF0];
	[tilespmem:s23+$0x7B80] =	vst v3;
	v3 =	vmul.f32 v55, v56  }
0x73: {  	v62 =	vld [tilespmem:s23+$0x7C00];
	[tilespmem:s23+$0x7B90] =	vst v2;
	v2 =	vmul.f32 v57, v56  }
0x74: {  	v63 =	vld [tilespmem:s23+$0x7C10];
	[tilespmem:s23+$0x7BA0] =	vst v3;
	v3 =	vmul.f32 v58, v56  }
0x75: {  	v12 =	vld [tilespmem:s23+$0x7C20];
	[tilespmem:s23+$0x7BB0] =	vst v2;
	v2 =	vmul.f32 v59, v56  }
0x76: {  	v13 =	vbroadcast v1, $0x8;
	v14 =	vld [tilespmem:s23+$0x7C30];
	[tilespmem:s23+$0x7BC0] =	vst v3;
	v3 =	vmul.f32 v60, v56  }
0x77: {  	v15 =	vld [tilespmem:s23+$0x7C40];
	[tilespmem:s23+$0x7BD0] =	vst v2;
	v2 =	vmul.f32 v61, v56  }
0x78: {  	v16 =	vld [tilespmem:s23+$0x7C50];
	[tilespmem:s23+$0x7BE0] =	vst v3;
	v3 =	vmul.f32 v62, v13  }
0x79: {  	v17 =	vld [tilespmem:s23+$0x7C60];
	[tilespmem:s23+$0x7BF0] =	vst v2;
	v2 =	vmul.f32 v63, v13  }
0x7a: {  	v18 =	vld [tilespmem:s23+$0x7C70];
	[tilespmem:s23+$0x7C00] =	vst v3;
	v3 =	vmul.f32 v12, v13  }
0x7b: {  	v19 =	vld [tilespmem:s23+$0x7C80];
	[tilespmem:s23+$0x7C10] =	vst v2;
	v2 =	vmul.f32 v14, v13  }
0x7c: {  	v20 =	vld [tilespmem:s23+$0x7C90];
	[tilespmem:s23+$0x7C20] =	vst v3;
	v3 =	vmul.f32 v15, v13  }
0x7d: {  	v21 =	vld [tilespmem:s23+$0x7CA0];
	[tilespmem:s23+$0x7C30] =	vst v2;
	v2 =	vmul.f32 v16, v13  }
0x7e: {  	v22 =	vbroadcast v1, $0x9;
	v23 =	vld [tilespmem:s23+$0x7CB0];
	[tilespmem:s23+$0x7C40] =	vst v3;
	v3 =	vmul.f32 v17, v13  }
0x7f: {  	v24 =	vld [tilespmem:s23+$0x7CC0];
	[tilespmem:s23+$0x7C50] =	vst v2;
	v2 =	vmul.f32 v18, v13  }
0x80: {  	v25 =	vld [tilespmem:s23+$0x7CD0];
	[tilespmem:s23+$0x7C60] =	vst v3;
	v3 =	vmul.f32 v19, v22  }
0x81: {  	v26 =	vld [tilespmem:s23+$0x7CE0];
	[tilespmem:s23+$0x7C70] =	vst v2;
	v2 =	vmul.f32 v20, v22  }
0x82: {  	v27 =	vld [tilespmem:s23+$0x7CF0];
	[tilespmem:s23+$0x7C80] =	vst v3;
	v3 =	vmul.f32 v21, v22  }
0x83: {  	v28 =	vld [tilespmem:s23+$0x7D00];
	[tilespmem:s23+$0x7C90] =	vst v2;
	v2 =	vmul.f32 v23, v22  }
0x84: {  	v29 =	vld [tilespmem:s23+$0x7D10];
	[tilespmem:s23+$0x7CA0] =	vst v3;
	v3 =	vmul.f32 v24, v22  }
0x85: {  	v30 =	vld [tilespmem:s23+$0x7D20];
	[tilespmem:s23+$0x7CB0] =	vst v2;
	v2 =	vmul.f32 v25, v22  }
0x86: {  	v31 =	vbroadcast v1, $0xA;
	v32 =	vld [tilespmem:s23+$0x7D30];
	[tilespmem:s23+$0x7CC0] =	vst v3;
	v3 =	vmul.f32 v26, v22  }
0x87: {  	v33 =	vld [tilespmem:s23+$0x7D40];
	[tilespmem:s23+$0x7CD0] =	vst v2;
	v2 =	vmul.f32 v27, v22  }
0x88: {  	v34 =	vld [tilespmem:s23+$0x7D50];
	[tilespmem:s23+$0x7CE0] =	vst v3;
	v3 =	vmul.f32 v28, v31  }
0x89: {  	v35 =	vld [tilespmem:s23+$0x7D60];
	[tilespmem:s23+$0x7CF0] =	vst v2;
	v2 =	vmul.f32 v29, v31  }
0x8a: {  	v36 =	vld [tilespmem:s23+$0x7D70];
	[tilespmem:s23+$0x7D00] =	vst v3;
	v3 =	vmul.f32 v30, v31  }
0x8b: {  	v37 =	vld [tilespmem:s23+$0x7D80];
	[tilespmem:s23+$0x7D10] =	vst v2;
	v2 =	vmul.f32 v32, v31  }
0x8c: {  	v38 =	vld [tilespmem:s23+$0x7D90];
	[tilespmem:s23+$0x7D20] =	vst v3;
	v3 =	vmul.f32 v33, v31  }
0x8d: {  	v39 =	vld [tilespmem:s23+$0x7DA0];
	[tilespmem:s23+$0x7D30] =	vst v2;
	v2 =	vmul.f32 v34, v31  }
0x8e: {  	v40 =	vbroadcast v1, $0xB;
	v41 =	vld [tilespmem:s23+$0x7DB0];
	[tilespmem:s23+$0x7D40] =	vst v3;
	v3 =	vmul.f32 v35, v31  }
0x8f: {  	v42 =	vld [tilespmem:s23+$0x7DC0];
	[tilespmem:s23+$0x7D50] =	vst v2;
	v2 =	vmul.f32 v36, v31  }
0x90: {  	v43 =	vld [tilespmem:s23+$0x7DD0];
	[tilespmem:s23+$0x7D60] =	vst v3;
	v3 =	vmul.f32 v37, v40  }
0x91: {  	v44 =	vld [tilespmem:s23+$0x7DE0];
	[tilespmem:s23+$0x7D70] =	vst v2;
	v2 =	vmul.f32 v38, v40  }
0x92: {  	v45 =	vld [tilespmem:s23+$0x7DF0];
	[tilespmem:s23+$0x7D80] =	vst v3;
	v3 =	vmul.f32 v39, v40  }
0x93: {  	v46 =	vld [tilespmem:s23+$0x7E00];
	[tilespmem:s23+$0x7D90] =	vst v2;
	v2 =	vmul.f32 v41, v40  }
0x94: {  	v47 =	vld [tilespmem:s23+$0x7E10];
	[tilespmem:s23+$0x7DA0] =	vst v3;
	v3 =	vmul.f32 v42, v40  }
0x95: {  	v48 =	vld [tilespmem:s23+$0x7E20];
	[tilespmem:s23+$0x7DB0] =	vst v2;
	v2 =	vmul.f32 v43, v40  }
0x96: {  	v49 =	vbroadcast v1, $0xC;
	v50 =	vld [tilespmem:s23+$0x7E30];
	[tilespmem:s23+$0x7DC0] =	vst v3;
	v3 =	vmul.f32 v44, v40  }
0x97: {  	v51 =	vld [tilespmem:s23+$0x7E40];
	[tilespmem:s23+$0x7DD0] =	vst v2;
	v2 =	vmul.f32 v45, v40  }
0x98: {  	v52 =	vld [tilespmem:s23+$0x7E50];
	[tilespmem:s23+$0x7DE0] =	vst v3;
	v3 =	vmul.f32 v46, v49  }
0x99: {  	v53 =	vld [tilespmem:s23+$0x7E60];
	[tilespmem:s23+$0x7DF0] =	vst v2;
	v2 =	vmul.f32 v47, v49  }
0x9a: {  	v54 =	vld [tilespmem:s23+$0x7E70];
	[tilespmem:s23+$0x7E00] =	vst v3;
	v3 =	vmul.f32 v48, v49  }
0x9b: {  	v55 =	vld [tilespmem:s23+$0x7E80];
	[tilespmem:s23+$0x7E10] =	vst v2;
	v2 =	vmul.f32 v50, v49  }
0x9c: {  	v56 =	vld [tilespmem:s23+$0x7E90];
	[tilespmem:s23+$0x7E20] =	vst v3;
	v3 =	vmul.f32 v51, v49  }
0x9d: {  	v57 =	vld [tilespmem:s23+$0x7EA0];
	[tilespmem:s23+$0x7E30] =	vst v2;
	v2 =	vmul.f32 v52, v49  }
0x9e: {  	v58 =	vbroadcast v1, $0xD;
	v59 =	vld [tilespmem:s23+$0x7EB0];
	[tilespmem:s23+$0x7E40] =	vst v3;
	v3 =	vmul.f32 v53, v49  }
0x9f: {  	v60 =	vld [tilespmem:s23+$0x7EC0];
	[tilespmem:s23+$0x7E50] =	vst v2;
	v2 =	vmul.f32 v54, v49  }
0xa0: {  	v61 =	vld [tilespmem:s23+$0x7ED0];
	[tilespmem:s23+$0x7E60] =	vst v3;
	v3 =	vmul.f32 v55, v58  }
0xa1: {  	v62 =	vld [tilespmem:s23+$0x7EE0];
	[tilespmem:s23+$0x7E70] =	vst v2;
	v2 =	vmul.f32 v56, v58  }
0xa2: {  	v63 =	vld [tilespmem:s23+$0x7EF0];
	[tilespmem:s23+$0x7E80] =	vst v3;
	v3 =	vmul.f32 v57, v58  }
0xa3: {  	v12 =	vld [tilespmem:s23+$0x7F00];
	[tilespmem:s23+$0x7E90] =	vst v2;
	v2 =	vmul.f32 v59, v58  }
0xa4: {  	v13 =	vld [tilespmem:s23+$0x7F10];
	[tilespmem:s23+$0x7EA0] =	vst v3;
	v3 =	vmul.f32 v60, v58  }
0xa5: {  	v14 =	vld [tilespmem:s23+$0x7F20];
	[tilespmem:s23+$0x7EB0] =	vst v2;
	v2 =	vmul.f32 v61, v58  }
0xa6: {  	v15 =	vbroadcast v1, $0xE;
	v16 =	vld [tilespmem:s23+$0x7F30];
	[tilespmem:s23+$0x7EC0] =	vst v3;
	v3 =	vmul.f32 v62, v58  }
0xa7: {  	v17 =	vld [tilespmem:s23+$0x7F40];
	[tilespmem:s23+$0x7ED0] =	vst v2;
	v2 =	vmul.f32 v63, v58  }
0xa8: {  	v18 =	vld [tilespmem:s23+$0x7F50];
	[tilespmem:s23+$0x7EE0] =	vst v3;
	v3 =	vmul.f32 v12, v15  }
0xa9: {  	v19 =	vld [tilespmem:s23+$0x7F60];
	[tilespmem:s23+$0x7EF0] =	vst v2;
	v2 =	vmul.f32 v13, v15  }
0xaa: {  	v20 =	vld [tilespmem:s23+$0x7F70];
	[tilespmem:s23+$0x7F00] =	vst v3;
	v3 =	vmul.f32 v14, v15  }
0xab: {  	v21 =	vld [tilespmem:s23+$0x7F80];
	[tilespmem:s23+$0x7F10] =	vst v2;
	v2 =	vmul.f32 v16, v15  }
0xac: {  	v22 =	vld [tilespmem:s23+$0x7F90];
	[tilespmem:s23+$0x7F20] =	vst v3;
	v3 =	vmul.f32 v17, v15  }
0xad: {  	v23 =	vld [tilespmem:s23+$0x7FA0];
	[tilespmem:s23+$0x7F30] =	vst v2;
	v2 =	vmul.f32 v18, v15  }
0xae: {  	v1 =	vbroadcast v1, $0xF;
	v24 =	vld [tilespmem:s23+$0x7FB0];
	[tilespmem:s23+$0x7F40] =	vst v3;
	v3 =	vmul.f32 v19, v15  }
0xaf: {  	v25 =	vld [tilespmem:s23+$0x7FC0];
	[tilespmem:s23+$0x7F50] =	vst v2;
	v2 =	vmul.f32 v20, v15  }
0xb0: {  	v26 =	vld [tilespmem:s23+$0x7FD0];
	[tilespmem:s23+$0x7F60] =	vst v3;
	v3 =	vmul.f32 v21, v1  }
0xb1: {  	v27 =	vld [tilespmem:s23+$0x7FE0];
	[tilespmem:s23+$0x7F70] =	vst v2;
	v2 =	vmul.f32 v22, v1  }
0xb2: {  	v28 =	vld [tilespmem:s23+$0x7FF0];
	[tilespmem:s23+$0x7F80] =	vst v3;
	v3 =	vmul.f32 v23, v1  }
0xb3: {  	[tilespmem:s23+$0x7F90] =	vst v2;
	v2 =	vmul.f32 v24, v1  }
0xb4: {  	[tilespmem:s23+$0x7FA0] =	vst v3;
	v3 =	vmul.f32 v25, v1  }
0xb5: {  	[tilespmem:s23+$0x7FB0] =	vst v2;
	v2 =	vmul.f32 v26, v1  }
0xb6: {  	[tilespmem:s23+$0x7FC0] =	vst v3;
	v3 =	vmul.f32 v27, v1  }
0xb7: {  	v1 =	vmul.f32 v28, v1;
	[tilespmem:s23+$0x7FD0] =	vst v2  }
0xb8: {  	[tilespmem:s23+$0x7FE0] =	vst v3  }
0xb9: {  	s24 =	sadd.s32 $0x40, s24;
	[tilespmem:s23+$0x7FF0] =	vst v1  }
0xba: {  	v1 =	vld.idx.msk [tilespmem:v0+s24+$0x0 ss:$0x1], $0xffff;
	s24 =	sshll.u32 s24, $0x7  }
0xbb: {  	s24 =	sand.u32 $0x3FFFF800, s24  }
0xbc: {  	v2 =	vld [tilespmem:s24+$0x7800]  }
0xbd: {  	v3 =	vld [tilespmem:s24+$0x7810]  }
0xbe: {  	v29 =	vld [tilespmem:s24+$0x7820]  }
0xbf: {  	v31 =	vld [tilespmem:s24+$0x7830];
	v30 =	vbroadcast v1, $0x0  }
0xc0: {  	v32 =	vld [tilespmem:s24+$0x7840]  }
0xc1: {  	v33 =	vld [tilespmem:s24+$0x7850];
	v2 =	vmul.f32 v30, v2  }
0xc2: {  	v34 =	vld [tilespmem:s24+$0x7860];
	v3 =	vmul.f32 v3, v30  }
0xc3: {  	v35 =	vld [tilespmem:s24+$0x7870];
	[tilespmem:s24+$0x7800] =	vst v2;
	v2 =	vmul.f32 v29, v30  }
0xc4: {  	[tilespmem:s24+$0x7810] =	vst v3;
	v3 =	vmul.f32 v31, v30  }
0xc5: {  	[tilespmem:s24+$0x7820] =	vst v2;
	v2 =	vmul.f32 v32, v30  }
0xc6: {  	[tilespmem:s24+$0x7830] =	vst v3;
	v3 =	vmul.f32 v33, v30  }
0xc7: {  	[tilespmem:s24+$0x7840] =	vst v2;
	v2 =	vmul.f32 v34, v30  }
0xc8: {  	[tilespmem:s24+$0x7850] =	vst v3;
	v3 =	vmul.f32 v35, v30  }
0xc9: {  	[tilespmem:s24+$0x7860] =	vst v2  }
0xca: {  	[tilespmem:s24+$0x7870] =	vst v3  }
0xcb: {  	v2 =	vld [tilespmem:s23+$0x9880]  }
0xcc: {  	v3 =	vld [tilespmem:s23+$0x9890]  }
0xcd: {  	v36 =	vld [tilespmem:s23+$0x98A0]  }
0xce: {  	v37 =	vbroadcast v1, $0x1;
	v38 =	vld [tilespmem:s23+$0x98B0]  }
0xcf: {  	v39 =	vld [tilespmem:s23+$0x98C0]  }
0xd0: {  	v40 =	vld [tilespmem:s23+$0x98D0];
	v2 =	vmul.f32 v2, v37  }
0xd1: {  	v41 =	vld [tilespmem:s23+$0x98E0];
	v3 =	vmul.f32 v3, v37  }
0xd2: {  	v42 =	vld [tilespmem:s23+$0x98F0];
	[tilespmem:s23+$0x9880] =	vst v2;
	v2 =	vmul.f32 v36, v37  }
0xd3: {  	v43 =	vld [tilespmem:s23+$0x9900];
	[tilespmem:s23+$0x9890] =	vst v3;
	v3 =	vmul.f32 v38, v37  }
0xd4: {  	v44 =	vld [tilespmem:s23+$0x9910];
	[tilespmem:s23+$0x98A0] =	vst v2;
	v2 =	vmul.f32 v39, v37  }
0xd5: {  	v45 =	vld [tilespmem:s23+$0x9920];
	[tilespmem:s23+$0x98B0] =	vst v3;
	v3 =	vmul.f32 v40, v37  }
0xd6: {  	v46 =	vbroadcast v1, $0x2;
	v47 =	vld [tilespmem:s23+$0x9930];
	[tilespmem:s23+$0x98C0] =	vst v2;
	v2 =	vmul.f32 v41, v37  }
0xd7: {  	v48 =	vld [tilespmem:s23+$0x9940];
	[tilespmem:s23+$0x98D0] =	vst v3;
	v3 =	vmul.f32 v42, v37  }
0xd8: {  	v49 =	vld [tilespmem:s23+$0x9950];
	[tilespmem:s23+$0x98E0] =	vst v2;
	v2 =	vmul.f32 v43, v46  }
0xd9: {  	v50 =	vld [tilespmem:s23+$0x9960];
	[tilespmem:s23+$0x98F0] =	vst v3;
	v3 =	vmul.f32 v44, v46  }
0xda: {  	v51 =	vld [tilespmem:s23+$0x9970];
	[tilespmem:s23+$0x9900] =	vst v2;
	v2 =	vmul.f32 v45, v46  }
0xdb: {  	v52 =	vld [tilespmem:s23+$0x9980];
	[tilespmem:s23+$0x9910] =	vst v3;
	v3 =	vmul.f32 v47, v46  }
0xdc: {  	v53 =	vld [tilespmem:s23+$0x9990];
	[tilespmem:s23+$0x9920] =	vst v2;
	v2 =	vmul.f32 v48, v46  }
0xdd: {  	v54 =	vld [tilespmem:s23+$0x99A0];
	[tilespmem:s23+$0x9930] =	vst v3;
	v3 =	vmul.f32 v49, v46  }
0xde: {  	v55 =	vbroadcast v1, $0x3;
	v56 =	vld [tilespmem:s23+$0x99B0];
	[tilespmem:s23+$0x9940] =	vst v2;
	v2 =	vmul.f32 v50, v46  }
0xdf: {  	v57 =	vld [tilespmem:s23+$0x99C0];
	[tilespmem:s23+$0x9950] =	vst v3;
	v3 =	vmul.f32 v51, v46  }
0xe0: {  	v58 =	vld [tilespmem:s23+$0x99D0];
	[tilespmem:s23+$0x9960] =	vst v2;
	v2 =	vmul.f32 v52, v55  }
0xe1: {  	v59 =	vld [tilespmem:s23+$0x99E0];
	[tilespmem:s23+$0x9970] =	vst v3;
	v3 =	vmul.f32 v53, v55  }
0xe2: {  	v60 =	vld [tilespmem:s23+$0x99F0];
	[tilespmem:s23+$0x9980] =	vst v2;
	v2 =	vmul.f32 v54, v55  }
0xe3: {  	v61 =	vld [tilespmem:s23+$0x9A00];
	[tilespmem:s23+$0x9990] =	vst v3;
	v3 =	vmul.f32 v56, v55  }
0xe4: {  	v62 =	vld [tilespmem:s23+$0x9A10];
	[tilespmem:s23+$0x99A0] =	vst v2;
	v2 =	vmul.f32 v57, v55  }
0xe5: {  	v63 =	vld [tilespmem:s23+$0x9A20];
	[tilespmem:s23+$0x99B0] =	vst v3;
	v3 =	vmul.f32 v58, v55  }
0xe6: {  	v12 =	vbroadcast v1, $0x4;
	v13 =	vld [tilespmem:s23+$0x9A30];
	[tilespmem:s23+$0x99C0] =	vst v2;
	v2 =	vmul.f32 v59, v55  }
0xe7: {  	v14 =	vld [tilespmem:s23+$0x9A40];
	[tilespmem:s23+$0x99D0] =	vst v3;
	v3 =	vmul.f32 v60, v55  }
0xe8: {  	v15 =	vld [tilespmem:s23+$0x9A50];
	[tilespmem:s23+$0x99E0] =	vst v2;
	v2 =	vmul.f32 v61, v12  }
0xe9: {  	v16 =	vld [tilespmem:s23+$0x9A60];
	[tilespmem:s23+$0x99F0] =	vst v3;
	v3 =	vmul.f32 v62, v12  }
0xea: {  	v17 =	vld [tilespmem:s23+$0x9A70];
	[tilespmem:s23+$0x9A00] =	vst v2;
	v2 =	vmul.f32 v63, v12  }
0xeb: {  	v18 =	vld [tilespmem:s23+$0x9A80];
	[tilespmem:s23+$0x9A10] =	vst v3;
	v3 =	vmul.f32 v13, v12  }
0xec: {  	v19 =	vld [tilespmem:s23+$0x9A90];
	[tilespmem:s23+$0x9A20] =	vst v2;
	v2 =	vmul.f32 v14, v12  }
0xed: {  	v20 =	vld [tilespmem:s23+$0x9AA0];
	[tilespmem:s23+$0x9A30] =	vst v3;
	v3 =	vmul.f32 v15, v12  }
0xee: {  	v21 =	vbroadcast v1, $0x5;
	v22 =	vld [tilespmem:s23+$0x9AB0];
	[tilespmem:s23+$0x9A40] =	vst v2;
	v2 =	vmul.f32 v16, v12  }
0xef: {  	v23 =	vld [tilespmem:s23+$0x9AC0];
	[tilespmem:s23+$0x9A50] =	vst v3;
	v3 =	vmul.f32 v17, v12  }
0xf0: {  	v24 =	vld [tilespmem:s23+$0x9AD0];
	[tilespmem:s23+$0x9A60] =	vst v2;
	v2 =	vmul.f32 v18, v21  }
0xf1: {  	v25 =	vld [tilespmem:s23+$0x9AE0];
	[tilespmem:s23+$0x9A70] =	vst v3;
	v3 =	vmul.f32 v19, v21  }
0xf2: {  	v26 =	vld [tilespmem:s23+$0x9AF0];
	[tilespmem:s23+$0x9A80] =	vst v2;
	v2 =	vmul.f32 v20, v21  }
0xf3: {  	v27 =	vld [tilespmem:s23+$0x9B00];
	[tilespmem:s23+$0x9A90] =	vst v3;
	v3 =	vmul.f32 v22, v21  }
0xf4: {  	v28 =	vld [tilespmem:s23+$0x9B10];
	[tilespmem:s23+$0x9AA0] =	vst v2;
	v2 =	vmul.f32 v23, v21  }
0xf5: {  	v29 =	vld [tilespmem:s23+$0x9B20];
	[tilespmem:s23+$0x9AB0] =	vst v3;
	v3 =	vmul.f32 v24, v21  }
0xf6: {  	v30 =	vbroadcast v1, $0x6;
	v31 =	vld [tilespmem:s23+$0x9B30];
	[tilespmem:s23+$0x9AC0] =	vst v2;
	v2 =	vmul.f32 v25, v21  }
0xf7: {  	v32 =	vld [tilespmem:s23+$0x9B40];
	[tilespmem:s23+$0x9AD0] =	vst v3;
	v3 =	vmul.f32 v26, v21  }
0xf8: {  	v33 =	vld [tilespmem:s23+$0x9B50];
	[tilespmem:s23+$0x9AE0] =	vst v2;
	v2 =	vmul.f32 v27, v30  }
0xf9: {  	v34 =	vld [tilespmem:s23+$0x9B60];
	[tilespmem:s23+$0x9AF0] =	vst v3;
	v3 =	vmul.f32 v28, v30  }
0xfa: {  	v35 =	vld [tilespmem:s23+$0x9B70];
	[tilespmem:s23+$0x9B00] =	vst v2;
	v2 =	vmul.f32 v29, v30  }
0xfb: {  	v36 =	vld [tilespmem:s23+$0x9B80];
	[tilespmem:s23+$0x9B10] =	vst v3;
	v3 =	vmul.f32 v31, v30  }
0xfc: {  	v37 =	vld [tilespmem:s23+$0x9B90];
	[tilespmem:s23+$0x9B20] =	vst v2;
	v2 =	vmul.f32 v32, v30  }
0xfd: {  	v38 =	vld [tilespmem:s23+$0x9BA0];
	[tilespmem:s23+$0x9B30] =	vst v3;
	v3 =	vmul.f32 v33, v30  }
0xfe: {  	v39 =	vbroadcast v1, $0x7;
	v40 =	vld [tilespmem:s23+$0x9BB0];
	[tilespmem:s23+$0x9B40] =	vst v2;
	v2 =	vmul.f32 v34, v30  }
0xff: {  	v41 =	vld [tilespmem:s23+$0x9BC0];
	[tilespmem:s23+$0x9B50] =	vst v3;
	v3 =	vmul.f32 v35, v30  }
0x100: {  	v42 =	vld [tilespmem:s23+$0x9BD0];
	[tilespmem:s23+$0x9B60] =	vst v2;
	v2 =	vmul.f32 v36, v39  }
0x101: {  	v43 =	vld [tilespmem:s23+$0x9BE0];
	[tilespmem:s23+$0x9B70] =	vst v3;
	v3 =	vmul.f32 v37, v39  }
0x102: {  	v44 =	vld [tilespmem:s23+$0x9BF0];
	[tilespmem:s23+$0x9B80] =	vst v2;
	v2 =	vmul.f32 v38, v39  }
0x103: {  	v45 =	vld [tilespmem:s23+$0x9C00];
	[tilespmem:s23+$0x9B90] =	vst v3;
	v3 =	vmul.f32 v40, v39  }
0x104: {  	v46 =	vld [tilespmem:s23+$0x9C10];
	[tilespmem:s23+$0x9BA0] =	vst v2;
	v2 =	vmul.f32 v41, v39  }
0x105: {  	v47 =	vld [tilespmem:s23+$0x9C20];
	[tilespmem:s23+$0x9BB0] =	vst v3;
	v3 =	vmul.f32 v42, v39  }
0x106: {  	v48 =	vbroadcast v1, $0x8;
	v49 =	vld [tilespmem:s23+$0x9C30];
	[tilespmem:s23+$0x9BC0] =	vst v2;
	v2 =	vmul.f32 v43, v39  }
0x107: {  	v50 =	vld [tilespmem:s23+$0x9C40];
	[tilespmem:s23+$0x9BD0] =	vst v3;
	v3 =	vmul.f32 v44, v39  }
0x108: {  	v51 =	vld [tilespmem:s23+$0x9C50];
	[tilespmem:s23+$0x9BE0] =	vst v2;
	v2 =	vmul.f32 v45, v48  }
0x109: {  	v52 =	vld [tilespmem:s23+$0x9C60];
	[tilespmem:s23+$0x9BF0] =	vst v3;
	v3 =	vmul.f32 v46, v48  }
0x10a: {  	v53 =	vld [tilespmem:s23+$0x9C70];
	[tilespmem:s23+$0x9C00] =	vst v2;
	v2 =	vmul.f32 v47, v48  }
0x10b: {  	v54 =	vld [tilespmem:s23+$0x9C80];
	[tilespmem:s23+$0x9C10] =	vst v3;
	v3 =	vmul.f32 v49, v48  }
0x10c: {  	v55 =	vld [tilespmem:s23+$0x9C90];
	[tilespmem:s23+$0x9C20] =	vst v2;
	v2 =	vmul.f32 v50, v48  }
0x10d: {  	v56 =	vld [tilespmem:s23+$0x9CA0];
	[tilespmem:s23+$0x9C30] =	vst v3;
	v3 =	vmul.f32 v51, v48  }
0x10e: {  	v57 =	vbroadcast v1, $0x9;
	v58 =	vld [tilespmem:s23+$0x9CB0];
	[tilespmem:s23+$0x9C40] =	vst v2;
	v2 =	vmul.f32 v52, v48  }
0x10f: {  	v59 =	vld [tilespmem:s23+$0x9CC0];
	[tilespmem:s23+$0x9C50] =	vst v3;
	v3 =	vmul.f32 v53, v48  }
0x110: {  	v60 =	vld [tilespmem:s23+$0x9CD0];
	[tilespmem:s23+$0x9C60] =	vst v2;
	v2 =	vmul.f32 v54, v57  }
0x111: {  	v61 =	vld [tilespmem:s23+$0x9CE0];
	[tilespmem:s23+$0x9C70] =	vst v3;
	v3 =	vmul.f32 v55, v57  }
0x112: {  	v62 =	vld [tilespmem:s23+$0x9CF0];
	[tilespmem:s23+$0x9C80] =	vst v2;
	v2 =	vmul.f32 v56, v57  }
0x113: {  	v63 =	vld [tilespmem:s23+$0x9D00];
	[tilespmem:s23+$0x9C90] =	vst v3;
	v3 =	vmul.f32 v58, v57  }
0x114: {  	v12 =	vld [tilespmem:s23+$0x9D10];
	[tilespmem:s23+$0x9CA0] =	vst v2;
	v2 =	vmul.f32 v59, v57  }
0x115: {  	v13 =	vld [tilespmem:s23+$0x9D20];
	[tilespmem:s23+$0x9CB0] =	vst v3;
	v3 =	vmul.f32 v60, v57  }
0x116: {  	v14 =	vbroadcast v1, $0xA;
	v15 =	vld [tilespmem:s23+$0x9D30];
	[tilespmem:s23+$0x9CC0] =	vst v2;
	v2 =	vmul.f32 v61, v57  }
0x117: {  	v16 =	vld [tilespmem:s23+$0x9D40];
	[tilespmem:s23+$0x9CD0] =	vst v3;
	v3 =	vmul.f32 v62, v57  }
0x118: {  	v17 =	vld [tilespmem:s23+$0x9D50];
	[tilespmem:s23+$0x9CE0] =	vst v2;
	v2 =	vmul.f32 v63, v14  }
0x119: {  	v18 =	vld [tilespmem:s23+$0x9D60];
	[tilespmem:s23+$0x9CF0] =	vst v3;
	v3 =	vmul.f32 v12, v14  }
0x11a: {  	v19 =	vld [tilespmem:s23+$0x9D70];
	[tilespmem:s23+$0x9D00] =	vst v2;
	v2 =	vmul.f32 v13, v14  }
0x11b: {  	v20 =	vld [tilespmem:s23+$0x9D80];
	[tilespmem:s23+$0x9D10] =	vst v3;
	v3 =	vmul.f32 v15, v14  }
0x11c: {  	v21 =	vld [tilespmem:s23+$0x9D90];
	[tilespmem:s23+$0x9D20] =	vst v2;
	v2 =	vmul.f32 v16, v14  }
0x11d: {  	v22 =	vld [tilespmem:s23+$0x9DA0];
	[tilespmem:s23+$0x9D30] =	vst v3;
	v3 =	vmul.f32 v17, v14  }
0x11e: {  	v23 =	vbroadcast v1, $0xB;
	v24 =	vld [tilespmem:s23+$0x9DB0];
	[tilespmem:s23+$0x9D40] =	vst v2;
	v2 =	vmul.f32 v18, v14  }
0x11f: {  	v25 =	vld [tilespmem:s23+$0x9DC0];
	[tilespmem:s23+$0x9D50] =	vst v3;
	v3 =	vmul.f32 v19, v14  }
0x120: {  	v26 =	vld [tilespmem:s23+$0x9DD0];
	[tilespmem:s23+$0x9D60] =	vst v2;
	v2 =	vmul.f32 v20, v23  }
0x121: {  	v27 =	vld [tilespmem:s23+$0x9DE0];
	[tilespmem:s23+$0x9D70] =	vst v3;
	v3 =	vmul.f32 v21, v23  }
0x122: {  	v28 =	vld [tilespmem:s23+$0x9DF0];
	[tilespmem:s23+$0x9D80] =	vst v2;
	v2 =	vmul.f32 v22, v23  }
0x123: {  	v29 =	vld [tilespmem:s23+$0x9E00];
	[tilespmem:s23+$0x9D90] =	vst v3;
	v3 =	vmul.f32 v24, v23  }
0x124: {  	v30 =	vld [tilespmem:s23+$0x9E10];
	[tilespmem:s23+$0x9DA0] =	vst v2;
	v2 =	vmul.f32 v25, v23  }
0x125: {  	v31 =	vld [tilespmem:s23+$0x9E20];
	[tilespmem:s23+$0x9DB0] =	vst v3;
	v3 =	vmul.f32 v26, v23  }
0x126: {  	v32 =	vbroadcast v1, $0xC;
	v33 =	vld [tilespmem:s23+$0x9E30];
	[tilespmem:s23+$0x9DC0] =	vst v2;
	v2 =	vmul.f32 v27, v23  }
0x127: {  	v34 =	vld [tilespmem:s23+$0x9E40];
	[tilespmem:s23+$0x9DD0] =	vst v3;
	v3 =	vmul.f32 v28, v23  }
0x128: {  	v35 =	vld [tilespmem:s23+$0x9E50];
	[tilespmem:s23+$0x9DE0] =	vst v2;
	v2 =	vmul.f32 v29, v32  }
0x129: {  	v36 =	vld [tilespmem:s23+$0x9E60];
	[tilespmem:s23+$0x9DF0] =	vst v3;
	v3 =	vmul.f32 v30, v32  }
0x12a: {  	v37 =	vld [tilespmem:s23+$0x9E70];
	[tilespmem:s23+$0x9E00] =	vst v2;
	v2 =	vmul.f32 v31, v32  }
0x12b: {  	v38 =	vld [tilespmem:s23+$0x9E80];
	[tilespmem:s23+$0x9E10] =	vst v3;
	v3 =	vmul.f32 v33, v32  }
0x12c: {  	v39 =	vld [tilespmem:s23+$0x9E90];
	[tilespmem:s23+$0x9E20] =	vst v2;
	v2 =	vmul.f32 v34, v32  }
0x12d: {  	v40 =	vld [tilespmem:s23+$0x9EA0];
	[tilespmem:s23+$0x9E30] =	vst v3;
	v3 =	vmul.f32 v35, v32  }
0x12e: {  	v41 =	vbroadcast v1, $0xD;
	v42 =	vld [tilespmem:s23+$0x9EB0];
	[tilespmem:s23+$0x9E40] =	vst v2;
	v2 =	vmul.f32 v36, v32  }
0x12f: {  	v43 =	vld [tilespmem:s23+$0x9EC0];
	[tilespmem:s23+$0x9E50] =	vst v3;
	v3 =	vmul.f32 v37, v32  }
0x130: {  	v44 =	vld [tilespmem:s23+$0x9ED0];
	[tilespmem:s23+$0x9E60] =	vst v2;
	v2 =	vmul.f32 v38, v41  }
0x131: {  	v45 =	vld [tilespmem:s23+$0x9EE0];
	[tilespmem:s23+$0x9E70] =	vst v3;
	v3 =	vmul.f32 v39, v41  }
0x132: {  	v46 =	vld [tilespmem:s23+$0x9EF0];
	[tilespmem:s23+$0x9E80] =	vst v2;
	v2 =	vmul.f32 v40, v41  }
0x133: {  	v47 =	vld [tilespmem:s23+$0x9F00];
	[tilespmem:s23+$0x9E90] =	vst v3;
	v3 =	vmul.f32 v42, v41  }
0x134: {  	v48 =	vld [tilespmem:s23+$0x9F10];
	[tilespmem:s23+$0x9EA0] =	vst v2;
	v2 =	vmul.f32 v43, v41  }
0x135: {  	v49 =	vld [tilespmem:s23+$0x9F20];
	[tilespmem:s23+$0x9EB0] =	vst v3;
	v3 =	vmul.f32 v44, v41  }
0x136: {  	v50 =	vbroadcast v1, $0xE;
	v51 =	vld [tilespmem:s23+$0x9F30];
	[tilespmem:s23+$0x9EC0] =	vst v2;
	v2 =	vmul.f32 v45, v41  }
0x137: {  	v52 =	vld [tilespmem:s23+$0x9F40];
	[tilespmem:s23+$0x9ED0] =	vst v3;
	v3 =	vmul.f32 v46, v41  }
0x138: {  	v53 =	vld [tilespmem:s23+$0x9F50];
	[tilespmem:s23+$0x9EE0] =	vst v2;
	v2 =	vmul.f32 v47, v50  }
0x139: {  	v54 =	vld [tilespmem:s23+$0x9F60];
	[tilespmem:s23+$0x9EF0] =	vst v3;
	v3 =	vmul.f32 v48, v50  }
0x13a: {  	v55 =	vld [tilespmem:s23+$0x9F70];
	[tilespmem:s23+$0x9F00] =	vst v2;
	v2 =	vmul.f32 v49, v50  }
0x13b: {  	v56 =	vld [tilespmem:s23+$0x9F80];
	[tilespmem:s23+$0x9F10] =	vst v3;
	v3 =	vmul.f32 v51, v50  }
0x13c: {  	v57 =	vld [tilespmem:s23+$0x9F90];
	[tilespmem:s23+$0x9F20] =	vst v2;
	v2 =	vmul.f32 v52, v50  }
0x13d: {  	v58 =	vld [tilespmem:s23+$0x9FA0];
	[tilespmem:s23+$0x9F30] =	vst v3;
	v3 =	vmul.f32 v53, v50  }
0x13e: {  	v1 =	vbroadcast v1, $0xF;
	v59 =	vld [tilespmem:s23+$0x9FB0];
	[tilespmem:s23+$0x9F40] =	vst v2;
	v2 =	vmul.f32 v54, v50  }
0x13f: {  	v60 =	vld [tilespmem:s23+$0x9FC0];
	[tilespmem:s23+$0x9F50] =	vst v3;
	v3 =	vmul.f32 v55, v50  }
0x140: {  	v61 =	vld [tilespmem:s23+$0x9FD0];
	[tilespmem:s23+$0x9F60] =	vst v2;
	v2 =	vmul.f32 v56, v1  }
0x141: {  	v62 =	vld [tilespmem:s23+$0x9FE0];
	[tilespmem:s23+$0x9F70] =	vst v3;
	v3 =	vmul.f32 v57, v1  }
0x142: {  	v63 =	vld [tilespmem:s23+$0x9FF0];
	[tilespmem:s23+$0x9F80] =	vst v2;
	v2 =	vmul.f32 v58, v1  }
0x143: {  	[tilespmem:s23+$0x9F90] =	vst v3;
	v3 =	vmul.f32 v59, v1  }
0x144: {  	p0 =	sne.s32 s22, $0x3;
	[tilespmem:s23+$0x9FA0] =	vst v2;
	v2 =	vmul.f32 v60, v1  }
.Ltmp0:
0x145: {  	[tilespmem:s23+$0x9FB0] =	vst v3;
	v3 =	vmul.f32 v61, v1;
	(pc) =	sbr.rel @p0 .LBB2_3-.Ltmp0, $4  }
0x146: {  	[tilespmem:s23+$0x9FC0] =	vst v2;
	v2 =	vmul.f32 v62, v1  }
0x147: {  	[tilespmem:s23+$0x9FD0] =	vst v3;
	v1 =	vmul.f32 v63, v1  }
0x148: {  	[tilespmem:s23+$0x9FE0] =	vst v2  }
0x149: {  	s22 =	sadd.s32 $0x1, s22;
	[tilespmem:s23+$0x9FF0] =	vst v1  }
0x14a: {  	s20 =	sadd.s32 $0x1, s20  }
0x14b: {  	p0 =	sne.s32 s20, $0x4F  }
.Ltmp1:
0x14c: {  	s21 =	sadd.s32 $0x2800, s21;
	(pc) =	sbr.rel @p0 .LBB2_2-.Ltmp1, $4  }
0x14d: {  	[spmem:s3] =	stream.indirect.scatter.add.f32 [tilespmem:s17], [sflag:$0x2], $0x80, s21, s16, $0xb8;
	[tilespmem:$0x1F800] =	vst v63  }
0x14e: {  	_ =	swait.ge [sflag:s13], $0x4000  }
0x14f: {  	[sflag:s13] =	ssyncset.done $0x0  }
0x150: {  	[sflag:s13] =	ssyncadd.s32 $0xFFFFC000  }
0x151: {  	s19 =	sadd.s32 $0x1, s19  }
0x152: {  	p0 =	sne.s32 s19, s11  }
.Ltmp2:
0x153: {  	[bflag:$0x0] =	sbarrier.arrive $0xFFFF;
	(pc) =	sbr.rel @p0 .LBB2_1-.Ltmp2, $4  }
0x154: {  	[hbm:s10], [sflag:s6] =	dma.local [spmem:s12], $0x2800  }
0x155: {  	_ =	swait.ge [sflag:s13], $0x2800  }
0x156: {  	[sflag:s13] =	ssyncset.done $0x0  }
0x157: {  	[sflag:s13] =	ssyncadd.s32 $0xFFFFD800  }
0x158: {  	_ =	sfence.sel $0x180000  }
0x159: {  	[bflag:$0x0] =	sbarrier.arrive $0xFFFF  }
0x15a: {  	p0 =	sne.s32 s0, $0x0;
	_ =	strace $0x90000047  }
0x15b: {  	s0 =	sadd.s32 @!p0 $0x100000, s2;
	[bflag:$0x2] =	sbarrier.arrive $0xFFFF  }
0x15c: {  	[sflag:s0] =	ssyncadd.tile.s32 @!p0 $0x1;
	_ =	shalt  }
.Lfunc_end2:
_tile_overlayer_lowered:
.L_overlay_start_2:
0x15d: {  	(tag) =	ssettag $0x2  }
0x15e: {  	s0 =	rddreg [dreg:$0x0];
	s2 =	stileid.u32  }
0x15f: {  	s1 =	rddreg [dreg:$0x1];
	p0 =	sne.s32 s2, $0x0  }
0x160: {  	s3 =	rddreg [dreg:$0x2];
	[bflag:$0x3] =	sbarrier.arrive $0xFFFF;
	s2 =	simm.s32 @!p0 $0x1C02  }
0x161: {  	[timem:s3], [sflag:s2] =	dma.local @!p0 [hbm:s0], s1  }
0x162: {  	s0 =	simm.s32 @!p0 $0x2  }
0x163: {  	_ =	swait.ge @!p0 [sflag:s0], s1  }
0x164: {  	s1 =	ssub.s32 @!p0 $0x0, s1;
	[sflag:s0] =	ssyncset.done @!p0 $0x0  }
0x165: {  	[sflag:s0] =	ssyncadd.s32 @!p0 s1  }
0x166: {  	[bflag:$0x3] =	sbarrier.arrive $0xFFFF  }
0x167: {  	_ =	shalt  }

</sc_bundles>
